<compile_context>
chip_gen: v7x
topology: tpu7x:2x2x1
jax: 0.10.2.dev20260603
libtpu: 0.0.44.dev20260713+nightly
codegen_flags: <defaults>
</compile_context>

<pallas_src>
import functools

import jax
import jax.numpy as jnp
import numpy as np
from jax import lax
from jax.experimental import pallas as pl
from jax.experimental.pallas import tpu as pltpu
from jax.experimental.pallas import tpu_sc as plsc

N = 10000
E = 320000
D = 128
UNITS = 128
HEADS = 4
U = UNITS // HEADS
DEPTH = 3
T = 3

_NC = 2
_NS = 16
_L = 16
_NW = _NC * _NS
_EP = 327680
_EW = _EP // _NW
_NP = 10240
_BLK = 128
_DW = 16
_NBLK = _EW // _BLK


def _sc_mesh(nc=_NC):
    return plsc.VectorSubcoreMesh(core_axis_name="c", subcore_axis_name="s",
                                  num_cores=nc, num_subcores=_NS)

_NB = 1000


def _layer_tc_body(h_ref, agg0_ref, agg1_ref, wl_ref, bl_ref, a12_ref, c12_ref,
                   wm_ref, bm_ref, gb_ref, hk_ref, s12_ref, upd_ref, h_out_ref):
    h = h_ref[...]
    if agg0_ref is not None:
        att = jnp.concatenate([agg0_ref[...], agg1_ref[...]], axis=1)
        h = h + jnp.maximum(att, 0.0)
    h_out_ref[...] = h
    hk = jnp.dot(h, wl_ref[...], preferred_element_type=jnp.float32) + bl_ref[...]
    hk_ref[...] = hk
    s12_ref[...] = jnp.dot(hk, a12_ref[...], preferred_element_type=jnp.float32) + c12_ref[...]
    upd = jnp.maximum(jnp.dot(h, wm_ref[...], preferred_element_type=jnp.float32) + bm_ref[...], 0.0)
    upd_ref[...] = upd * gb_ref[0:1, :] + gb_ref[1:2, :]


def _layer_tc(h_or_upd, agg, wl, bl, a12, c12, wm, bm, gb):
    first = agg is None

    def body_first(h_ref, wl_ref, bl_ref, a12_ref, c12_ref, wm_ref, bm_ref, gb_ref,
                   hk_ref, s12_ref, upd_ref, h_out_ref):
        _layer_tc_body(h_ref, None, None, wl_ref, bl_ref, a12_ref, c12_ref,
                       wm_ref, bm_ref, gb_ref, hk_ref, s12_ref, upd_ref, h_out_ref)

    row = lambda i: (i, 0)
    full = lambda i: (0, 0)
    in_specs = [pl.BlockSpec((_NB, UNITS), row)]
    args = [h_or_upd]
    if not first:
        in_specs += [pl.BlockSpec((_NB, UNITS // 2), row), pl.BlockSpec((_NB, UNITS // 2), row)]
        args += [agg[0], agg[1]]
    in_specs += [
        pl.BlockSpec((UNITS, UNITS), full),
        pl.BlockSpec((1, UNITS), full),
        pl.BlockSpec((UNITS, 2 * HEADS), full),
        pl.BlockSpec((1, 2 * HEADS), full),
        pl.BlockSpec((UNITS, UNITS), full),
        pl.BlockSpec((1, UNITS), full),
        pl.BlockSpec((2, UNITS), full),
    ]
    args += [wl, bl, a12, c12, wm, bm, gb]
    out_specs = [
        pl.BlockSpec((_NB, UNITS), row),
        pl.BlockSpec((_NB, 2 * HEADS), row),
        pl.BlockSpec((_NB, UNITS), row),
        pl.BlockSpec((_NB, UNITS), row),
    ]
    out_shape = [
        jax.ShapeDtypeStruct((N, UNITS), jnp.float32),
        jax.ShapeDtypeStruct((N, 2 * HEADS), jnp.float32),
        jax.ShapeDtypeStruct((N, UNITS), jnp.float32),
        jax.ShapeDtypeStruct((N, UNITS), jnp.float32),
    ]
    fn = body_first if first else _layer_tc_body
    return pl.pallas_call(
        fn, grid=(N // _NB,), in_specs=in_specs, out_specs=out_specs,
        out_shape=out_shape)(*args)


def _set2set_body(upd_ref, agg0_ref, agg1_ref, wi_ref, wh_ref, bl_ref,
                  wp1_ref, bp1_ref, wp2_ref, bp2_ref, out_ref):
    att = jnp.concatenate([agg0_ref[...], agg1_ref[...]], axis=1)
    h = upd_ref[...] + jnp.maximum(att, 0.0)
    C = UNITS
    q_star = jnp.zeros((1, 2 * C), jnp.float32)
    cs = jnp.zeros((1, C), jnp.float32)
    hs = jnp.zeros((1, C), jnp.float32)
    for _ in range(T):
        z = (jnp.dot(q_star, wi_ref[...], preferred_element_type=jnp.float32)
             + jnp.dot(hs, wh_ref[...], preferred_element_type=jnp.float32)
             + bl_ref[...])
        i = z[:, 0:C]
        f = z[:, C:2 * C]
        g = z[:, 2 * C:3 * C]
        o = z[:, 3 * C:4 * C]
        cs = jax.nn.sigmoid(f) * cs + jax.nn.sigmoid(i) * jnp.tanh(g)
        hs = jax.nn.sigmoid(o) * jnp.tanh(cs)
        q = hs
        e = jnp.sum(h * q, axis=1, keepdims=True)
        m = jnp.max(e)
        ea = jnp.exp(e - m)
        alpha = ea / jnp.sum(ea)
        r = jnp.sum(alpha * h, axis=0, keepdims=True)
        q_star = jnp.concatenate([q, r], axis=1)
    p = jnp.maximum(jnp.dot(q_star, wp1_ref[...], preferred_element_type=jnp.float32) + bp1_ref[...], 0.0)
    p = jnp.maximum(jnp.dot(p, wp2_ref[...], preferred_element_type=jnp.float32) + bp2_ref[...], 0.0)
    out_ref[...] = p


def _set2set_tc(upd, agg, Wi, Wh, b_lstm, Wp1, bp1, Wp2, bp2):
    C = UNITS
    zero2 = lambda i: (0, 0)
    in_specs = [
        pl.BlockSpec((N, C), zero2),
        pl.BlockSpec((N, C // 2), zero2),
        pl.BlockSpec((N, C // 2), zero2),
        pl.BlockSpec((2 * C, 4 * C), zero2),
        pl.BlockSpec((C, 4 * C), zero2),
        pl.BlockSpec((1, 4 * C), zero2),
        pl.BlockSpec((2 * C, C), zero2),
        pl.BlockSpec((1, C), zero2),
        pl.BlockSpec((C, C // 2), zero2),
        pl.BlockSpec((1, C // 2), zero2),
    ]
    return pl.pallas_call(
        _set2set_body,
        grid=(1,),
        in_specs=in_specs,
        out_specs=pl.BlockSpec((1, C // 2), zero2),
        out_shape=jax.ShapeDtypeStruct((1, UNITS // 2), jnp.float32),
    )(upd, agg[0], agg[1], Wi, Wh, b_lstm.reshape(1, -1),
      Wp1, bp1.reshape(1, -1), Wp2, bp2.reshape(1, -1))


def _sc_den(src, dst, s12flat, mrep, zden):

    @functools.partial(
        pl.kernel,
        out_type=(jax.ShapeDtypeStruct((_NC, _NP, _DW), jnp.float32),
                  jax.ShapeDtypeStruct((_EP * HEADS,), jnp.float32)),
        mesh=_sc_mesh(),
        compiler_params=pltpu.CompilerParams(needs_layout_passes=False, use_tc_tiling_on_sc=False),
        scratch_types=[
            pltpu.VMEM((_NP * 2 * HEADS,), jnp.float32),
            pltpu.VMEM((_BLK,), jnp.int32),
            pltpu.VMEM((_BLK,), jnp.int32),
            pltpu.VMEM((_BLK, _DW), jnp.float32),
            pltpu.VMEM((_BLK * HEADS,), jnp.float32),
            pltpu.VMEM((HEADS * _L,), jnp.float32),
            pltpu.VMEM_SHARED((_NP, _DW), jnp.float32),
        ],
    )
    def k(src_h, dst_h, s12_h, m_h, zden_h, den_out, ex_out,
          s12_v, srcb, dstb, exb, exbf, m_v, den_sh):
        c = lax.axis_index("c")
        s = lax.axis_index("s")
        base = c * (_EP // _NC) + s * _EW
        rows = _NP // _NS
        pltpu.sync_copy(zden_h.at[pl.ds(s * rows, rows)],
                        den_sh.at[pl.ds(s * rows, rows)])
        pltpu.sync_copy(s12_h, s12_v)
        pltpu.sync_copy(m_h, m_v)
        zv = jnp.zeros((_L,), jnp.float32)

        def zexr(e, carry):
            exb[e, pl.ds(0, _L)] = zv
            return carry

        lax.fori_loop(0, _BLK, zexr, 0)
        plsc.subcore_barrier()
        iota = lax.iota(jnp.int32, _L)

        def blk(j, carry):
            off = base + j * _BLK
            pltpu.sync_copy(src_h.at[pl.ds(off, _BLK)], srcb)
            pltpu.sync_copy(dst_h.at[pl.ds(off, _BLK)], dstb)

            def grp(i, carry2):
                srcv = srcb[pl.ds(i * _L, _L)]
                dstv = dstb[pl.ds(i * _L, _L)]
                si = srcv * (2 * HEADS)
                di = dstv * (2 * HEADS) + HEADS
                row = i * _L + iota
                for hd in range(HEADS):
                    s1 = plsc.load_gather(s12_v, [si + hd])
                    s2 = plsc.load_gather(s12_v, [di + hd])
                    z = s1 + s2
                    lg = jnp.maximum(z, 0.2 * z)
                    exv = jnp.exp(lg - m_v[pl.ds(hd * _L, _L)])
                    plsc.store_scatter(exb, [row, jnp.full((_L,), hd, jnp.int32)], exv)
                    plsc.store_scatter(exbf, [row * HEADS + hd], exv)
                return carry2

            lax.fori_loop(0, _BLK // _L, grp, 0)
            pltpu.sync_copy(exbf, ex_out.at[pl.ds(off * HEADS, _BLK * HEADS)])
            pltpu.sync_copy(exb, den_sh.at[dstb], add=True)
            return carry

        lax.fori_loop(0, _NBLK, blk, 0)
        plsc.subcore_barrier()
        pltpu.sync_copy(den_sh.at[pl.ds(s * rows, rows)],
                        den_out.at[c, pl.ds(s * rows, rows)])

    return k(src, dst, s12flat, mrep, zden)


def _sc_alpha(dst, exbuf, den):

    @functools.partial(
        pl.kernel,
        out_type=jax.ShapeDtypeStruct((_EP * HEADS,), jnp.float32),
        mesh=_sc_mesh(),
        compiler_params=pltpu.CompilerParams(needs_layout_passes=False),
        scratch_types=[
            pltpu.VMEM((_BLK,), jnp.int32),
            pltpu.VMEM((_BLK * HEADS,), jnp.float32),
            pltpu.VMEM((_NP * HEADS,), jnp.float32),
            pltpu.VMEM((_BLK * HEADS,), jnp.float32),
            pltpu.SemaphoreType.DMA,
        ],
    )
    def k(dst_h, ex_h, den_h, al_out, dstb, exb, den_v, ab, sem):
        c = lax.axis_index("c")
        s = lax.axis_index("s")
        base = c * (_EP // _NC) + s * _EW
        iota = lax.iota(jnp.int32, _L)
        pltpu.sync_copy(den_h, den_v)

        def blk(j, carry):
            off = base + j * _BLK
            pltpu.sync_copy(dst_h.at[pl.ds(off, _BLK)], dstb)
            pltpu.sync_copy(ex_h.at[pl.ds(off * HEADS, _BLK * HEADS)], exb)

            def grp(i, carry2):
                dstv = dstb[pl.ds(i * _L, _L)]
                row = i * _L + iota
                for hd in range(HEADS):
                    exv = plsc.load_gather(exb, [row * HEADS + hd])
                    denv = plsc.load_gather(den_v, [dstv * HEADS + hd])
                    plsc.store_scatter(ab, [row * HEADS + hd], exv / (denv + 1e-9))
                return carry2

            lax.fori_loop(0, _BLK // _L, grp, 0)
            pltpu.sync_copy(ab, al_out.at[pl.ds(off * HEADS, _BLK * HEADS)])
            return carry

        lax.fori_loop(0, _NBLK, blk, 0)

    return k(dst, exbuf, den)


def _sc_agg(src, dst, alpha, hk2):
    HALF = UNITS // 2

    @functools.partial(
        pl.kernel,
        out_type=jax.ShapeDtypeStruct((_NC, _NP, HALF), jnp.float32),
        mesh=_sc_mesh(),
        compiler_params=pltpu.CompilerParams(needs_layout_passes=False, use_tc_tiling_on_sc=False),
        scratch_types=[
            pltpu.VMEM((_BLK,), jnp.int32),
            pltpu.VMEM((_BLK,), jnp.int32),
            pltpu.VMEM((_BLK * HEADS,), jnp.float32),
            pltpu.VMEM((_BLK, HALF), jnp.float32),
            pltpu.VMEM_SHARED((_NP, HALF), jnp.float32),
            pltpu.SemaphoreType.DMA,
        ],
    )
    def k(src_h, dst_h, al_h, hk_h, agg_out,
          srcb, dstb, ab, rows_v, agg_sh, sem):
        c = lax.axis_index("c")
        s = lax.axis_index("s")
        base = s * (_EP // _NS)
        rows = _NP // _NS
        nblk = (_EP // _NS) // _BLK
        zv = jnp.zeros((_L,), jnp.float32)
        roff = c * N

        def zrow(e, carry):
            for kk in range(HALF // _L):
                rows_v[e, pl.ds(kk * _L, _L)] = zv
            return carry

        lax.fori_loop(0, _BLK, zrow, 0)
        for i in range(rows // _BLK):
            pltpu.sync_copy(rows_v, agg_sh.at[pl.ds(s * rows + i * _BLK, _BLK)])
        plsc.subcore_barrier()

        def blk(j, carry):
            off = base + j * _BLK
            pltpu.sync_copy(src_h.at[pl.ds(off, _BLK)], srcb)
            pltpu.sync_copy(dst_h.at[pl.ds(off, _BLK)], dstb)
            pltpu.sync_copy(al_h.at[pl.ds(off * HEADS, _BLK * HEADS)], ab)

            def shft(i, carry0):
                sl = pl.ds(i * _L, _L)
                srcb[sl] = srcb[sl] + roff
                return carry0

            lax.fori_loop(0, _BLK // _L, shft, 0)
            pltpu.async_copy(hk_h.at[srcb], rows_v, sem).wait()

            def edge(e, carry3):
                for hd in range(HEADS // _NC):
                    av = plsc.load_gather(
                        ab, [jnp.full((_L,), e * HEADS + hd, jnp.int32) + 2 * c])
                    for kk in range(U // _L):
                        c0 = hd * U + kk * _L
                        rows_v[e, pl.ds(c0, _L)] = rows_v[e, pl.ds(c0, _L)] * av
                return carry3

            lax.fori_loop(0, _BLK, edge, 0)
            pltpu.sync_copy(rows_v, agg_sh.at[dstb], add=True)
            return carry

        lax.fori_loop(0, nblk, blk, 0)
        plsc.subcore_barrier()
        pltpu.sync_copy(agg_sh.at[pl.ds(s * rows, rows)],
                        agg_out.at[c, pl.ds(s * rows, rows)])

    return k(src, dst, alpha, hk2)


def _edge_pass(s12, M, hk, src, dst, zden):
    mrep = jnp.broadcast_to(M[:, None], (HEADS, _L)).reshape(-1)
    s12p = jnp.concatenate(
        [s12.reshape(-1), jnp.full(((_NP - N) * 2 * HEADS,), -1e30, jnp.float32)])
    den_parts, exbuf = _sc_den(src, dst, s12p, mrep, zden)
    den = den_parts[0] + den_parts[1]
    alpha = _sc_alpha(dst, exbuf, den[:, :HEADS].reshape(-1))
    hk2 = jnp.concatenate([hk[:, :UNITS // 2], hk[:, UNITS // 2:]], axis=0)
    return _sc_agg(src, dst, alpha, hk2)


def kernel(node_attributes, edge_indices, W_att, b_att, a_att, W_mlp, b_mlp,
           gamma, beta, Wi, Wh, b_lstm, Wp1, bp1, Wp2, bp2):
    x = node_attributes
    dst = jnp.concatenate([edge_indices[:, 0].astype(jnp.int32),
                           jnp.full((_EP - E,), N, jnp.int32)])
    src = jnp.concatenate([edge_indices[:, 1].astype(jnp.int32),
                           jnp.zeros((_EP - E,), jnp.int32)])

    a1 = np.zeros((HEADS * U, HEADS), np.float32)
    a2 = np.zeros((HEADS * U, HEADS), np.float32)
    mask1 = np.zeros((HEADS, U, HEADS), np.float32)
    mask2 = np.zeros((HEADS, U, HEADS), np.float32)
    for hd in range(HEADS):
        mask1[hd, :, hd] = 1.0
        mask2[hd, :, hd] = 1.0
    mask1 = jnp.asarray(mask1.reshape(HEADS * U, HEADS))
    mask2 = jnp.asarray(mask2.reshape(HEADS * U, HEADS))

    zden = jnp.zeros((_NP, _DW), jnp.float32)
    agg = None
    h = x
    upd = None
    for l in range(DEPTH):
        wl = jnp.transpose(W_att[l], (1, 0, 2)).reshape(D, HEADS * U)
        bl = b_att[l].reshape(1, HEADS * U)
        A1 = mask1 * a_att[l, :, :U].reshape(HEADS * U, 1)
        A2 = mask2 * a_att[l, :, U:2 * U].reshape(HEADS * U, 1)
        a12 = jnp.concatenate([A1, A2], axis=1)
        c12 = jnp.concatenate([jnp.zeros((HEADS,), jnp.float32), a_att[l, :, 2 * U]]).reshape(1, 2 * HEADS)
        gb = jnp.stack([gamma[l], beta[l]], axis=0)
        hk, s12, upd, h = _layer_tc(h if l == 0 else upd, agg, wl, bl, a12, c12,
                                    W_mlp[l], b_mlp[l].reshape(1, UNITS), gb)
        Mh = jnp.max(s12[:, :HEADS], axis=0) + jnp.max(s12[:, HEADS:], axis=0)
        M = jnp.maximum(Mh, 0.2 * Mh)
        agg = _edge_pass(s12, M, hk, src, dst, zden)

    p = _set2set_tc(upd, agg, Wi, Wh, b_lstm, Wp1, bp1, Wp2, bp2)
    return (p, jnp.stack([p, p], axis=1))

# --- scband reference (transcript-rebuilt; emitter-appended) ---
"""Pipeline reference for scband-contrastive-add-gnnconv-40381282517159 (READ-ONLY COPY).

The authoritative reference and input builder live on the scoring server;
editing this copy changes nothing except your own understanding.
"""

import jax, jax.numpy as jnp
import numpy as np

N = 10000
E = 320000
D = 128
UNITS = 128
HEADS = 4
U = UNITS // HEADS
DEPTH = 3
NUM_VIEWS = 2
T = 3


def setup_inputs(seed: int = 0) -> dict:
    key = jax.random.key(seed)
    k = jax.random.split(key, 12)
    s = 0.05
    x = jax.random.normal(k[0], (N, D), dtype=jnp.float32)
    edge_indices = jax.random.randint(k[1], (E, 2), 0, N)
    W_att = jax.random.normal(k[2], (DEPTH, HEADS, D, U), dtype=jnp.float32) * s
    b_att = jnp.zeros((DEPTH, HEADS, U), jnp.float32)
    a_att = jax.random.normal(k[3], (DEPTH, HEADS, 2 * U + 1), dtype=jnp.float32) * s
    W_mlp = jax.random.normal(k[4], (DEPTH, UNITS, UNITS), dtype=jnp.float32) * s
    b_mlp = jnp.zeros((DEPTH, UNITS), jnp.float32)
    gamma = jnp.ones((DEPTH, UNITS), jnp.float32)
    beta = jnp.zeros((DEPTH, UNITS), jnp.float32)
    Wi = jax.random.normal(k[5], (2 * UNITS, 4 * UNITS), dtype=jnp.float32) * s
    Wh = jax.random.normal(k[6], (UNITS, 4 * UNITS), dtype=jnp.float32) * s
    b_lstm = jnp.zeros((4 * UNITS,), jnp.float32)
    Wp1 = jax.random.normal(k[7], (2 * UNITS, UNITS), dtype=jnp.float32) * s
    bp1 = jnp.zeros((UNITS,), jnp.float32)
    Wp2 = jax.random.normal(k[8], (UNITS, UNITS // 2), dtype=jnp.float32) * s
    bp2 = jnp.zeros((UNITS // 2,), jnp.float32)
    return {"node_attributes": x, "edge_indices": edge_indices, "W_att": W_att, "b_att": b_att,
            "a_att": a_att, "W_mlp": W_mlp, "b_mlp": b_mlp, "gamma": gamma, "beta": beta,
            "Wi": Wi, "Wh": Wh, "b_lstm": b_lstm, "Wp1": Wp1, "bp1": bp1, "Wp2": Wp2, "bp2": bp2}


def _gnn_layer(h, edge_indices, l, W_att, b_att, a_att, W_mlp, b_mlp, gamma, beta):
    n = h.shape[0]
    e = edge_indices.shape[0]
    dst = edge_indices[:, 0]
    src = edge_indices[:, 1]
    edge_feat = jnp.ones((e, 1), dtype=h.dtype)  # dummy_edge_features
    outs = []
    for hd in range(HEADS):
        hk = h @ W_att[l, hd] + b_att[l, hd]
        f = jnp.concatenate([hk[src], hk[dst], edge_feat], axis=-1)
        logit = jax.nn.leaky_relu(f @ a_att[l, hd], 0.2)
        m = jax.ops.segment_max(logit, dst, num_segments=n)
        ex = jnp.exp(logit - m[dst])
        den = jax.ops.segment_sum(ex, dst, num_segments=n)
        alpha = ex / (den[dst] + 1e-9)
        agg = jax.ops.segment_sum(alpha[:, None] * hk[src], dst, num_segments=n)
        outs.append(jax.nn.relu(agg))
    att = jnp.concatenate(outs, axis=-1)
    upd = jax.nn.relu(h @ W_mlp[l] + b_mlp[l])
    # GraphBatchNormalization, inference mode (moving_mean=0, moving_var=1)
    upd = upd * gamma[l] + beta[l]
    return upd + att


def _set2set(h, Wi, Wh, b_lstm):
    C = UNITS
    q_star = jnp.zeros((2 * C,), h.dtype)
    cs = jnp.zeros((C,), h.dtype)
    hs = jnp.zeros((C,), h.dtype)
    for _ in range(T):
        z = q_star @ Wi + hs @ Wh + b_lstm
        i, f, g, o = jnp.split(z, 4)
        cs = jax.nn.sigmoid(f) * cs + jax.nn.sigmoid(i) * jnp.tanh(g)
        hs = jax.nn.sigmoid(o) * jnp.tanh(cs)
        q = hs
        e = h @ q
        alpha = jax.nn.softmax(e)
        r = alpha @ h
        q_star = jnp.concatenate([q, r])
    return q_star[None, :]


def _embed(x, edge_indices, W_att, b_att, a_att, W_mlp, b_mlp, gamma, beta, Wi, Wh, b_lstm, Wp1, bp1, Wp2, bp2):
    h = x
    for l in range(DEPTH):
        h = _gnn_layer(h, edge_indices, l, W_att, b_att, a_att, W_mlp, b_mlp, gamma, beta)
    qs = _set2set(h, Wi, Wh, b_lstm)
    p = jax.nn.relu(qs @ Wp1 + bp1)
    p = jax.nn.relu(p @ Wp2 + bp2)
    return p


def reference(node_attributes, edge_indices, W_att, b_att, a_att, W_mlp, b_mlp, gamma, beta, Wi, Wh, b_lstm, Wp1, bp1, Wp2, bp2):
    graph_emb = _embed(node_attributes, edge_indices, W_att, b_att, a_att, W_mlp, b_mlp,
                       gamma, beta, Wi, Wh, b_lstm, Wp1, bp1, Wp2, bp2)
    # inference: views are unaugmented copies of the graph (no noise/mask/edge-drop)
    view_embs = []
    for _ in range(NUM_VIEWS):
        ve = _embed(node_attributes, edge_indices, W_att, b_att, a_att, W_mlp, b_mlp,
                    gamma, beta, Wi, Wh, b_lstm, Wp1, bp1, Wp2, bp2)
        view_embs.append(ve)
    return (graph_emb, jnp.stack(view_embs, axis=1))

if __name__ == "__main__":
    import jax
    _d = setup_inputs()
    print(jax.jit(kernel)(*tuple(_d.values())))

</pallas_src>

<mosaic_0001>
#map = affine_map<(d0, d1) -> (0)>
module attributes {stable_mosaic.version = 14 : i64} {
  func.func @k(%arg0: i32, %arg1: i32, %arg2: memref<327680xi32, #tpu.memory_space<hbm>>, %arg3: memref<1310720xf32, #tpu.memory_space<hbm>>, %arg4: memref<40960xf32, #tpu.memory_space<hbm>>, %arg5: memref<1310720xf32, #tpu.memory_space<hbm>>, %arg6: memref<128xi32, #tpu.memory_space<vmem>>, %arg7: memref<512xf32, #tpu.memory_space<vmem>>, %arg8: memref<40960xf32, #tpu.memory_space<vmem>>, %arg9: memref<512xf32, #tpu.memory_space<vmem>>, %arg10: memref<!tpu.dma_semaphore, #tpu.memory_space<semaphore_mem>>) attributes {dimension_semantics = [#tpu.dimension_semantics<core_parallel>, #tpu.dimension_semantics<subcore_parallel>], iteration_bounds = array<i64: 2, 16>, scalar_prefetch = 0 : i64, scratch_operands = 5 : i64, tpu.core_type = #tpu.core_type<sc_vector_subcore>, window_params = [{transform_indices = #map}, {transform_indices = #map}, {transform_indices = #map}, {transform_indices = #map}]} {
    %mul3A = arith.constant 163840 : i32
    %mul3A_0 = arith.muli %arg0, %mul3A : i32
    %mul3A_1 = arith.constant 10240 : i32
    %mul3A_2 = arith.muli %arg1, %mul3A_1 : i32
    %add3A = arith.addi %mul3A_0, %mul3A_2 : i32
    %iota3A = tpu.iota {dimensions = array<i32: 0>} : vector<16xi32>
    "tpu.region"() ({
      %run_scoped3A = tpu.sem_alloc : memref<!tpu.dma_semaphore, #tpu.memory_space<semaphore_mem>>
      tpu.enqueue_dma source(%arg4 : memref<40960xf32, #tpu.memory_space<hbm>>) target(%arg8 : memref<40960xf32, #tpu.memory_space<vmem>>) target_semaphore(%run_scoped3A : memref<!tpu.dma_semaphore, #tpu.memory_space<semaphore_mem>>)
      tpu.wait_dma2 semaphore(%run_scoped3A : memref<!tpu.dma_semaphore, #tpu.memory_space<semaphore_mem>>) src(%arg4 : memref<40960xf32, #tpu.memory_space<hbm>>) dst(%arg8 : memref<40960xf32, #tpu.memory_space<vmem>>)
      tpu.yield
    }) : () -> ()
    %scan3A = arith.constant 0 : i32
    %scan3A_3 = arith.constant 0 : i32
    %scan3A_4 = arith.constant 80 : i32
    %scan3A_5 = arith.addi %scan3A_3, %scan3A_4 : i32
    %scan3A_6 = arith.constant 1 : i32
    scf.for %scan3A_8 = %scan3A_3 to %scan3A_5 step %scan3A_6  : i32 {
      %mul3A_9 = arith.constant 128 : i32
      %mul3A_10 = arith.muli %scan3A_8, %mul3A_9 : i32
      %add3A_11 = arith.addi %add3A, %mul3A_10 : i32
      "tpu.region"() ({
        %run_scoped3A = tpu.sem_alloc : memref<!tpu.dma_semaphore, #tpu.memory_space<semaphore_mem>>
        %dma_start3A = tpu.memref_slice %arg2[%add3A_11] : memref<327680xi32, #tpu.memory_space<hbm>> -> memref<128xi32, #tpu.memory_space<hbm>>
        %dma_start3A_22 = tpu.memref_slice %arg2[%add3A_11] : memref<327680xi32, #tpu.memory_space<hbm>> -> memref<128xi32, #tpu.memory_space<hbm>>
        tpu.enqueue_dma source(%dma_start3A_22 : memref<128xi32, #tpu.memory_space<hbm>>) target(%arg6 : memref<128xi32, #tpu.memory_space<vmem>>) target_semaphore(%run_scoped3A : memref<!tpu.dma_semaphore, #tpu.memory_space<semaphore_mem>>)
        %dma_wait3A = tpu.memref_slice %arg2[%add3A_11] : memref<327680xi32, #tpu.memory_space<hbm>> -> memref<128xi32, #tpu.memory_space<hbm>>
        %dma_wait3A_23 = tpu.memref_slice %arg2[%add3A_11] : memref<327680xi32, #tpu.memory_space<hbm>> -> memref<128xi32, #tpu.memory_space<hbm>>
        tpu.wait_dma2 semaphore(%run_scoped3A : memref<!tpu.dma_semaphore, #tpu.memory_space<semaphore_mem>>) src(%dma_wait3A_23 : memref<128xi32, #tpu.memory_space<hbm>>) dst(%arg6 : memref<128xi32, #tpu.memory_space<vmem>>)
        tpu.yield
      }) : () -> ()
      %mul3A_12 = arith.constant 4 : i32
      %mul3A_13 = arith.muli %add3A_11, %mul3A_12 : i32
      "tpu.region"() ({
        %run_scoped3A = tpu.sem_alloc : memref<!tpu.dma_semaphore, #tpu.memory_space<semaphore_mem>>
        %dma_start3A = tpu.memref_slice %arg3[%mul3A_13] : memref<1310720xf32, #tpu.memory_space<hbm>> -> memref<512xf32, #tpu.memory_space<hbm>>
        %dma_start3A_22 = tpu.memref_slice %arg3[%mul3A_13] : memref<1310720xf32, #tpu.memory_space<hbm>> -> memref<512xf32, #tpu.memory_space<hbm>>
        tpu.enqueue_dma source(%dma_start3A_22 : memref<512xf32, #tpu.memory_space<hbm>>) target(%arg7 : memref<512xf32, #tpu.memory_space<vmem>>) target_semaphore(%run_scoped3A : memref<!tpu.dma_semaphore, #tpu.memory_space<semaphore_mem>>)
        %dma_wait3A = tpu.memref_slice %arg3[%mul3A_13] : memref<1310720xf32, #tpu.memory_space<hbm>> -> memref<512xf32, #tpu.memory_space<hbm>>
        %dma_wait3A_23 = tpu.memref_slice %arg3[%mul3A_13] : memref<1310720xf32, #tpu.memory_space<hbm>> -> memref<512xf32, #tpu.memory_space<hbm>>
        tpu.wait_dma2 semaphore(%run_scoped3A : memref<!tpu.dma_semaphore, #tpu.memory_space<semaphore_mem>>) src(%dma_wait3A_23 : memref<512xf32, #tpu.memory_space<hbm>>) dst(%arg7 : memref<512xf32, #tpu.memory_space<vmem>>)
        tpu.yield
      }) : () -> ()
      %scan3A_14 = arith.constant 0 : i32
      %scan3A_15 = arith.constant 0 : i32
      %scan3A_16 = arith.constant 8 : i32
      %scan3A_17 = arith.addi %scan3A_15, %scan3A_16 : i32
      %scan3A_18 = arith.constant 1 : i32
      scf.for %scan3A_22 = %scan3A_15 to %scan3A_17 step %scan3A_18  : i32 {
        %mul3A_23 = arith.constant 16 : i32
        %mul3A_24 = arith.muli %scan3A_22, %mul3A_23 : i32
        %get3A = arith.index_cast %mul3A_24 : i32 to index
        %get3A_25 = tpu.vector_load %arg6[%get3A] {strides = array<i32>} : memref<128xi32, #tpu.memory_space<vmem>>, vector<16xi32>,
        %mul3A_26 = arith.constant 16 : i32
        %mul3A_27 = arith.muli %scan3A_22, %mul3A_26 : i32
        %add3A_28 = vector.broadcast %mul3A_27 : i32 to vector<16xi32>
        %add3A_29 = arith.addi %add3A_28, %iota3A : vector<16xi32>
        %mul3A_30 = arith.constant 4 : i32
        %mul3A_31 = vector.broadcast %mul3A_30 : i32 to vector<16xi32>
        %mul3A_32 = arith.muli %add3A_29, %mul3A_31 : vector<16xi32>
        %add3A_33 = arith.constant 0 : i32
        %add3A_34 = vector.broadcast %add3A_33 : i32 to vector<16xi32>
        %add3A_35 = arith.addi %mul3A_32, %add3A_34 : vector<16xi32>
        %gather3A = tpu.vector_load_idx %arg7[%add3A_35] : memref<512xf32, #tpu.memory_space<vmem>>[vector<16xi32>], vector<16xf32>,
        %mul3A_36 = arith.constant 4 : i32
        %mul3A_37 = vector.broadcast %mul3A_36 : i32 to vector<16xi32>
        %mul3A_38 = arith.muli %get3A_25, %mul3A_37 : vector<16xi32>
        %add3A_39 = arith.constant 0 : i32
        %add3A_40 = vector.broadcast %add3A_39 : i32 to vector<16xi32>
        %add3A_41 = arith.addi %mul3A_38, %add3A_40 : vector<16xi32>
        %gather3A_42 = tpu.vector_load_idx %arg8[%add3A_41] : memref<40960xf32, #tpu.memory_space<vmem>>[vector<16xi32>], vector<16xf32>,
        %mul3A_43 = arith.constant 4 : i32
        %mul3A_44 = vector.broadcast %mul3A_43 : i32 to vector<16xi32>
        %mul3A_45 = arith.muli %add3A_29, %mul3A_44 : vector<16xi32>
        %add3A_46 = arith.constant 0 : i32
        %add3A_47 = vector.broadcast %add3A_46 : i32 to vector<16xi32>
        %add3A_48 = arith.addi %mul3A_45, %add3A_47 : vector<16xi32>
        %add3A_49 = arith.constant 9.99999971E-10 : f32
        %add3A_50 = vector.broadcast %add3A_49 : f32 to vector<16xf32>
        %add3A_51 = arith.addf %gather3A_42, %add3A_50 : vector<16xf32>
        %div3A = arith.divf %gather3A, %add3A_51 : vector<16xf32>
        tpu.vector_store_idx %arg9[%add3A_48], %div3A : memref<512xf32, #tpu.memory_space<vmem>>[vector<16xi32>], vector<16xf32>,
        %mul3A_52 = arith.constant 4 : i32
        %mul3A_53 = vector.broadcast %mul3A_52 : i32 to vector<16xi32>
        %mul3A_54 = arith.muli %add3A_29, %mul3A_53 : vector<16xi32>
        %add3A_55 = arith.constant 1 : i32
        %add3A_56 = vector.broadcast %add3A_55 : i32 to vector<16xi32>
        %add3A_57 = arith.addi %mul3A_54, %add3A_56 : vector<16xi32>
        %gather3A_58 = tpu.vector_load_idx %arg7[%add3A_57] : memref<512xf32, #tpu.memory_space<vmem>>[vector<16xi32>], vector<16xf32>,
        %mul3A_59 = arith.constant 4 : i32
        %mul3A_60 = vector.broadcast %mul3A_59 : i32 to vector<16xi32>
        %mul3A_61 = arith.muli %get3A_25, %mul3A_60 : vector<16xi32>
        %add3A_62 = arith.constant 1 : i32
        %add3A_63 = vector.broadcast %add3A_62 : i32 to vector<16xi32>
        %add3A_64 = arith.addi %mul3A_61, %add3A_63 : vector<16xi32>
        %gather3A_65 = tpu.vector_load_idx %arg8[%add3A_64] : memref<40960xf32, #tpu.memory_space<vmem>>[vector<16xi32>], vector<16xf32>,
        %mul3A_66 = arith.constant 4 : i32
        %mul3A_67 = vector.broadcast %mul3A_66 : i32 to vector<16xi32>
        %mul3A_68 = arith.muli %add3A_29, %mul3A_67 : vector<16xi32>
        %add3A_69 = arith.constant 1 : i32
        %add3A_70 = vector.broadcast %add3A_69 : i32 to vector<16xi32>
        %add3A_71 = arith.addi %mul3A_68, %add3A_70 : vector<16xi32>
        %add3A_72 = arith.constant 9.99999971E-10 : f32
        %add3A_73 = vector.broadcast %add3A_72 : f32 to vector<16xf32>
        %add3A_74 = arith.addf %gather3A_65, %add3A_73 : vector<16xf32>
        %div3A_75 = arith.divf %gather3A_58, %add3A_74 : vector<16xf32>
        tpu.vector_store_idx %arg9[%add3A_71], %div3A_75 : memref<512xf32, #tpu.memory_space<vmem>>[vector<16xi32>], vector<16xf32>,
        %mul3A_76 = arith.constant 4 : i32
        %mul3A_77 = vector.broadcast %mul3A_76 : i32 to vector<16xi32>
        %mul3A_78 = arith.muli %add3A_29, %mul3A_77 : vector<16xi32>
        %add3A_79 = arith.constant 2 : i32
        %add3A_80 = vector.broadcast %add3A_79 : i32 to vector<16xi32>
        %add3A_81 = arith.addi %mul3A_78, %add3A_80 : vector<16xi32>
        %gather3A_82 = tpu.vector_load_idx %arg7[%add3A_81] : memref<512xf32, #tpu.memory_space<vmem>>[vector<16xi32>], vector<16xf32>,
        %mul3A_83 = arith.constant 4 : i32
        %mul3A_84 = vector.broadcast %mul3A_83 : i32 to vector<16xi32>
        %mul3A_85 = arith.muli %get3A_25, %mul3A_84 : vector<16xi32>
        %add3A_86 = arith.constant 2 : i32
        %add3A_87 = vector.broadcast %add3A_86 : i32 to vector<16xi32>
        %add3A_88 = arith.addi %mul3A_85, %add3A_87 : vector<16xi32>
        %gather3A_89 = tpu.vector_load_idx %arg8[%add3A_88] : memref<40960xf32, #tpu.memory_space<vmem>>[vector<16xi32>], vector<16xf32>,
        %mul3A_90 = arith.constant 4 : i32
        %mul3A_91 = vector.broadcast %mul3A_90 : i32 to vector<16xi32>
        %mul3A_92 = arith.muli %add3A_29, %mul3A_91 : vector<16xi32>
        %add3A_93 = arith.constant 2 : i32
        %add3A_94 = vector.broadcast %add3A_93 : i32 to vector<16xi32>
        %add3A_95 = arith.addi %mul3A_92, %add3A_94 : vector<16xi32>
        %add3A_96 = arith.constant 9.99999971E-10 : f32
        %add3A_97 = vector.broadcast %add3A_96 : f32 to vector<16xf32>
        %add3A_98 = arith.addf %gather3A_89, %add3A_97 : vector<16xf32>
        %div3A_99 = arith.divf %gather3A_82, %add3A_98 : vector<16xf32>
        tpu.vector_store_idx %arg9[%add3A_95], %div3A_99 : memref<512xf32, #tpu.memory_space<vmem>>[vector<16xi32>], vector<16xf32>,
        %mul3A_100 = arith.constant 4 : i32
        %mul3A_101 = vector.broadcast %mul3A_100 : i32 to vector<16xi32>
        %mul3A_102 = arith.muli %add3A_29, %mul3A_101 : vector<16xi32>
        %add3A_103 = arith.constant 3 : i32
        %add3A_104 = vector.broadcast %add3A_103 : i32 to vector<16xi32>
        %add3A_105 = arith.addi %mul3A_102, %add3A_104 : vector<16xi32>
        %gather3A_106 = tpu.vector_load_idx %arg7[%add3A_105] : memref<512xf32, #tpu.memory_space<vmem>>[vector<16xi32>], vector<16xf32>,
        %mul3A_107 = arith.constant 4 : i32
        %mul3A_108 = vector.broadcast %mul3A_107 : i32 to vector<16xi32>
        %mul3A_109 = arith.muli %get3A_25, %mul3A_108 : vector<16xi32>
        %add3A_110 = arith.constant 3 : i32
        %add3A_111 = vector.broadcast %add3A_110 : i32 to vector<16xi32>
        %add3A_112 = arith.addi %mul3A_109, %add3A_111 : vector<16xi32>
        %gather3A_113 = tpu.vector_load_idx %arg8[%add3A_112] : memref<40960xf32, #tpu.memory_space<vmem>>[vector<16xi32>], vector<16xf32>,
        %mul3A_114 = arith.constant 4 : i32
        %mul3A_115 = vector.broadcast %mul3A_114 : i32 to vector<16xi32>
        %mul3A_116 = arith.muli %add3A_29, %mul3A_115 : vector<16xi32>
        %add3A_117 = arith.constant 3 : i32
        %add3A_118 = vector.broadcast %add3A_117 : i32 to vector<16xi32>
        %add3A_119 = arith.addi %mul3A_116, %add3A_118 : vector<16xi32>
        %add3A_120 = arith.constant 9.99999971E-10 : f32
        %add3A_121 = vector.broadcast %add3A_120 : f32 to vector<16xf32>
        %add3A_122 = arith.addf %gather3A_113, %add3A_121 : vector<16xf32>
        %div3A_123 = arith.divf %gather3A_106, %add3A_122 : vector<16xf32>
        tpu.vector_store_idx %arg9[%add3A_119], %div3A_123 : memref<512xf32, #tpu.memory_space<vmem>>[vector<16xi32>], vector<16xf32>,
      }
      %scan3A_19 = arith.constant 8 : i32
      %mul3A_20 = arith.constant 4 : i32
      %mul3A_21 = arith.muli %add3A_11, %mul3A_20 : i32
      "tpu.region"() ({
        %run_scoped3A = tpu.sem_alloc : memref<!tpu.dma_semaphore, #tpu.memory_space<semaphore_mem>>
        %dma_start3A = tpu.memref_slice %arg5[%mul3A_21] : memref<1310720xf32, #tpu.memory_space<hbm>> -> memref<512xf32, #tpu.memory_space<hbm>>
        %dma_start3A_22 = tpu.memref_slice %arg5[%mul3A_21] : memref<1310720xf32, #tpu.memory_space<hbm>> -> memref<512xf32, #tpu.memory_space<hbm>>
        tpu.enqueue_dma source(%arg9 : memref<512xf32, #tpu.memory_space<vmem>>) target(%dma_start3A_22 : memref<512xf32, #tpu.memory_space<hbm>>) target_semaphore(%run_scoped3A : memref<!tpu.dma_semaphore, #tpu.memory_space<semaphore_mem>>)
        %dma_wait3A = tpu.memref_slice %arg5[%mul3A_21] : memref<1310720xf32, #tpu.memory_space<hbm>> -> memref<512xf32, #tpu.memory_space<hbm>>
        %dma_wait3A_23 = tpu.memref_slice %arg5[%mul3A_21] : memref<1310720xf32, #tpu.memory_space<hbm>> -> memref<512xf32, #tpu.memory_space<hbm>>
        tpu.wait_dma2 semaphore(%run_scoped3A : memref<!tpu.dma_semaphore, #tpu.memory_space<semaphore_mem>>) src(%arg9 : memref<512xf32, #tpu.memory_space<vmem>>) dst(%dma_wait3A_23 : memref<512xf32, #tpu.memory_space<hbm>>)
        tpu.yield
      }) : () -> ()
    }
    %scan3A_7 = arith.constant 80 : i32
    return
  }
}

#map = affine_map<(d0, d1) -> (0)>
#map1 = affine_map<(d0, d1) -> (0, 0)>
#map2 = affine_map<(d0, d1) -> (0, 0, 0)>
module attributes {stable_mosaic.version = 14 : i64} {
  func.func @k(%arg0: i32, %arg1: i32, %arg2: memref<327680xi32, #tpu.memory_space<hbm>>, %arg3: memref<327680xi32, #tpu.memory_space<hbm>>, %arg4: memref<81920xf32, #tpu.memory_space<hbm>>, %arg5: memref<64xf32, #tpu.memory_space<hbm>>, %arg6: memref<10240x16xf32, #tpu.memory_space<hbm>>, %arg7: memref<2x10240x16xf32, #tpu.memory_space<hbm>>, %arg8: memref<1310720xf32, #tpu.memory_space<hbm>>, %arg9: memref<81920xf32, #tpu.memory_space<vmem>>, %arg10: memref<128xi32, #tpu.memory_space<vmem>>, %arg11: memref<128xi32, #tpu.memory_space<vmem>>, %arg12: memref<128x16xf32, #tpu.memory_space<vmem>>, %arg13: memref<512xf32, #tpu.memory_space<vmem>>, %arg14: memref<64xf32, #tpu.memory_space<vmem>>, %arg15: memref<10240x16xf32, #tpu.memory_space<vmem_shared>>) attributes {dimension_semantics = [#tpu.dimension_semantics<core_parallel>, #tpu.dimension_semantics<subcore_parallel>], iteration_bounds = array<i64: 2, 16>, scalar_prefetch = 0 : i64, scratch_operands = 7 : i64, tpu.core_type = #tpu.core_type<sc_vector_subcore>, window_params = [{transform_indices = #map}, {transform_indices = #map}, {transform_indices = #map}, {transform_indices = #map}, {transform_indices = #map1}, {transform_indices = #map2}, {transform_indices = #map}]} {
    %mul3A = arith.constant 163840 : i32
    %mul3A_0 = arith.muli %arg0, %mul3A : i32
    %mul3A_1 = arith.constant 10240 : i32
    %mul3A_2 = arith.muli %arg1, %mul3A_1 : i32
    %add3A = arith.addi %mul3A_0, %mul3A_2 : i32
    %mul3A_3 = arith.constant 640 : i32
    %mul3A_4 = arith.muli %arg1, %mul3A_3 : i32
    %mul3A_5 = arith.constant 640 : i32
    %mul3A_6 = arith.muli %arg1, %mul3A_5 : i32
    "tpu.region"() ({
      %run_scoped3A = tpu.sem_alloc : memref<!tpu.dma_semaphore, #tpu.memory_space<semaphore_mem>>
      %dma_start3A = arith.constant 0 : i32
      %dma_start3A_24 = tpu.memref_slice %arg15[%mul3A_6, %dma_start3A] : memref<10240x16xf32, #tpu.memory_space<vmem_shared>> -> memref<640x16xf32, #tpu.memory_space<vmem_shared>>
      %dma_start3A_25 = arith.constant 0 : i32
      %dma_start3A_26 = tpu.memref_slice %arg6[%mul3A_4, %dma_start3A_25] : memref<10240x16xf32, #tpu.memory_space<hbm>> -> memref<640x16xf32, #tpu.memory_space<hbm>>
      tpu.enqueue_dma source(%dma_start3A_26 : memref<640x16xf32, #tpu.memory_space<hbm>>) target(%dma_start3A_24 : memref<640x16xf32, #tpu.memory_space<vmem_shared>>) target_semaphore(%run_scoped3A : memref<!tpu.dma_semaphore, #tpu.memory_space<semaphore_mem>>)
      %dma_wait3A = arith.constant 0 : i32
      %dma_wait3A_27 = tpu.memref_slice %arg15[%mul3A_6, %dma_wait3A] : memref<10240x16xf32, #tpu.memory_space<vmem_shared>> -> memref<640x16xf32, #tpu.memory_space<vmem_shared>>
      %dma_wait3A_28 = arith.constant 0 : i32
      %dma_wait3A_29 = tpu.memref_slice %arg6[%mul3A_4, %dma_wait3A_28] : memref<10240x16xf32, #tpu.memory_space<hbm>> -> memref<640x16xf32, #tpu.memory_space<hbm>>
      tpu.wait_dma2 semaphore(%run_scoped3A : memref<!tpu.dma_semaphore, #tpu.memory_space<semaphore_mem>>) src(%dma_wait3A_29 : memref<640x16xf32, #tpu.memory_space<hbm>>) dst(%dma_wait3A_27 : memref<640x16xf32, #tpu.memory_space<vmem_shared>>)
      tpu.yield
    }) : () -> ()
    "tpu.region"() ({
      %run_scoped3A = tpu.sem_alloc : memref<!tpu.dma_semaphore, #tpu.memory_space<semaphore_mem>>
      tpu.enqueue_dma source(%arg4 : memref<81920xf32, #tpu.memory_space<hbm>>) target(%arg9 : memref<81920xf32, #tpu.memory_space<vmem>>) target_semaphore(%run_scoped3A : memref<!tpu.dma_semaphore, #tpu.memory_space<semaphore_mem>>)
      tpu.wait_dma2 semaphore(%run_scoped3A : memref<!tpu.dma_semaphore, #tpu.memory_space<semaphore_mem>>) src(%arg4 : memref<81920xf32, #tpu.memory_space<hbm>>) dst(%arg9 : memref<81920xf32, #tpu.memory_space<vmem>>)
      tpu.yield
    }) : () -> ()
    "tpu.region"() ({
      %run_scoped3A = tpu.sem_alloc : memref<!tpu.dma_semaphore, #tpu.memory_space<semaphore_mem>>
      tpu.enqueue_dma source(%arg5 : memref<64xf32, #tpu.memory_space<hbm>>) target(%arg14 : memref<64xf32, #tpu.memory_space<vmem>>) target_semaphore(%run_scoped3A : memref<!tpu.dma_semaphore, #tpu.memory_space<semaphore_mem>>)
      tpu.wait_dma2 semaphore(%run_scoped3A : memref<!tpu.dma_semaphore, #tpu.memory_space<semaphore_mem>>) src(%arg5 : memref<64xf32, #tpu.memory_space<hbm>>) dst(%arg14 : memref<64xf32, #tpu.memory_space<vmem>>)
      tpu.yield
    }) : () -> ()
    %broadcast_in_dim3A = arith.constant 0.000000e+00 : f32
    %broadcast_in_dim3A_7 = vector.broadcast %broadcast_in_dim3A : f32 to vector<16xf32>
    %scan3A = arith.constant 0 : i32
    %scan3A_8 = arith.constant 0 : i32
    %scan3A_9 = arith.constant 128 : i32
    %scan3A_10 = arith.addi %scan3A_8, %scan3A_9 : i32
    %scan3A_11 = arith.constant 1 : i32
    scf.for %scan3A_24 = %scan3A_8 to %scan3A_10 step %scan3A_11  : i32 {
      %swap3A = arith.index_cast %scan3A_24 : i32 to index
      %swap3A_25 = arith.constant 0 : index
      %swap3A_26 = tpu.vector_load %arg12[%swap3A, %swap3A_25] {strides = array<i32>} : memref<128x16xf32, #tpu.memory_space<vmem>>, vector<16xf32>,
      tpu.vector_store %arg12[%swap3A, %swap3A_25], %broadcast_in_dim3A_7 {strides = array<i32>} : memref<128x16xf32, #tpu.memory_space<vmem>>, vector<16xf32>,
    }
    %scan3A_12 = arith.constant 128 : i32
    %barrier3A = arith.constant 0 : index
    tpu.barrier barrier_id(%barrier3A)
    %iota3A = tpu.iota {dimensions = array<i32: 0>} : vector<16xi32>
    %scan3A_13 = arith.constant 0 : i32
    %scan3A_14 = arith.constant 0 : i32
    %scan3A_15 = arith.constant 80 : i32
    %scan3A_16 = arith.addi %scan3A_14, %scan3A_15 : i32
    %scan3A_17 = arith.constant 1 : i32
    scf.for %scan3A_24 = %scan3A_14 to %scan3A_16 step %scan3A_17  : i32 {
      %mul3A_25 = arith.constant 128 : i32
      %mul3A_26 = arith.muli %scan3A_24, %mul3A_25 : i32
      %add3A_27 = arith.addi %add3A, %mul3A_26 : i32
      "tpu.region"() ({
        %run_scoped3A = tpu.sem_alloc : memref<!tpu.dma_semaphore, #tpu.memory_space<semaphore_mem>>
        %dma_start3A = tpu.memref_slice %arg2[%add3A_27] : memref<327680xi32, #tpu.memory_space<hbm>> -> memref<128xi32, #tpu.memory_space<hbm>>
        %dma_start3A_36 = tpu.memref_slice %arg2[%add3A_27] : memref<327680xi32, #tpu.memory_space<hbm>> -> memref<128xi32, #tpu.memory_space<hbm>>
        tpu.enqueue_dma source(%dma_start3A_36 : memref<128xi32, #tpu.memory_space<hbm>>) target(%arg10 : memref<128xi32, #tpu.memory_space<vmem>>) target_semaphore(%run_scoped3A : memref<!tpu.dma_semaphore, #tpu.memory_space<semaphore_mem>>)
        %dma_wait3A = tpu.memref_slice %arg2[%add3A_27] : memref<327680xi32, #tpu.memory_space<hbm>> -> memref<128xi32, #tpu.memory_space<hbm>>
        %dma_wait3A_37 = tpu.memref_slice %arg2[%add3A_27] : memref<327680xi32, #tpu.memory_space<hbm>> -> memref<128xi32, #tpu.memory_space<hbm>>
        tpu.wait_dma2 semaphore(%run_scoped3A : memref<!tpu.dma_semaphore, #tpu.memory_space<semaphore_mem>>) src(%dma_wait3A_37 : memref<128xi32, #tpu.memory_space<hbm>>) dst(%arg10 : memref<128xi32, #tpu.memory_space<vmem>>)
        tpu.yield
      }) : () -> ()
      "tpu.region"() ({
        %run_scoped3A = tpu.sem_alloc : memref<!tpu.dma_semaphore, #tpu.memory_space<semaphore_mem>>
        %dma_start3A = tpu.memref_slice %arg3[%add3A_27] : memref<327680xi32, #tpu.memory_space<hbm>> -> memref<128xi32, #tpu.memory_space<hbm>>
        %dma_start3A_36 = tpu.memref_slice %arg3[%add3A_27] : memref<327680xi32, #tpu.memory_space<hbm>> -> memref<128xi32, #tpu.memory_space<hbm>>
        tpu.enqueue_dma source(%dma_start3A_36 : memref<128xi32, #tpu.memory_space<hbm>>) target(%arg11 : memref<128xi32, #tpu.memory_space<vmem>>) target_semaphore(%run_scoped3A : memref<!tpu.dma_semaphore, #tpu.memory_space<semaphore_mem>>)
        %dma_wait3A = tpu.memref_slice %arg3[%add3A_27] : memref<327680xi32, #tpu.memory_space<hbm>> -> memref<128xi32, #tpu.memory_space<hbm>>
        %dma_wait3A_37 = tpu.memref_slice %arg3[%add3A_27] : memref<327680xi32, #tpu.memory_space<hbm>> -> memref<128xi32, #tpu.memory_space<hbm>>
        tpu.wait_dma2 semaphore(%run_scoped3A : memref<!tpu.dma_semaphore, #tpu.memory_space<semaphore_mem>>) src(%dma_wait3A_37 : memref<128xi32, #tpu.memory_space<hbm>>) dst(%arg11 : memref<128xi32, #tpu.memory_space<vmem>>)
        tpu.yield
      }) : () -> ()
      %scan3A_28 = arith.constant 0 : i32
      %scan3A_29 = arith.constant 0 : i32
      %scan3A_30 = arith.constant 8 : i32
      %scan3A_31 = arith.addi %scan3A_29, %scan3A_30 : i32
      %scan3A_32 = arith.constant 1 : i32
      scf.for %scan3A_36 = %scan3A_29 to %scan3A_31 step %scan3A_32  : i32 {
        %mul3A_37 = arith.constant 16 : i32
        %mul3A_38 = arith.muli %scan3A_36, %mul3A_37 : i32
        %get3A = arith.index_cast %mul3A_38 : i32 to index
        %get3A_39 = tpu.vector_load %arg10[%get3A] {strides = array<i32>} : memref<128xi32, #tpu.memory_space<vmem>>, vector<16xi32>,
        %mul3A_40 = arith.constant 16 : i32
        %mul3A_41 = arith.muli %scan3A_36, %mul3A_40 : i32
        %get3A_42 = arith.index_cast %mul3A_41 : i32 to index
        %get3A_43 = tpu.vector_load %arg11[%get3A_42] {strides = array<i32>} : memref<128xi32, #tpu.memory_space<vmem>>, vector<16xi32>,
        %mul3A_44 = arith.constant 8 : i32
        %mul3A_45 = vector.broadcast %mul3A_44 : i32 to vector<16xi32>
        %mul3A_46 = arith.muli %get3A_39, %mul3A_45 : vector<16xi32>
        %mul3A_47 = arith.constant 8 : i32
        %mul3A_48 = vector.broadcast %mul3A_47 : i32 to vector<16xi32>
        %mul3A_49 = arith.muli %get3A_43, %mul3A_48 : vector<16xi32>
        %add3A_50 = arith.constant 4 : i32
        %add3A_51 = vector.broadcast %add3A_50 : i32 to vector<16xi32>
        %add3A_52 = arith.addi %mul3A_49, %add3A_51 : vector<16xi32>
        %mul3A_53 = arith.constant 16 : i32
        %mul3A_54 = arith.muli %scan3A_36, %mul3A_53 : i32
        %add3A_55 = vector.broadcast %mul3A_54 : i32 to vector<16xi32>
        %add3A_56 = arith.addi %add3A_55, %iota3A : vector<16xi32>
        %add3A_57 = arith.constant 0 : i32
        %add3A_58 = vector.broadcast %add3A_57 : i32 to vector<16xi32>
        %add3A_59 = arith.addi %mul3A_46, %add3A_58 : vector<16xi32>
        %gather3A = tpu.vector_load_idx %arg9[%add3A_59] : memref<81920xf32, #tpu.memory_space<vmem>>[vector<16xi32>], vector<16xf32>,
        %add3A_60 = arith.constant 0 : i32
        %add3A_61 = vector.broadcast %add3A_60 : i32 to vector<16xi32>
        %add3A_62 = arith.addi %add3A_52, %add3A_61 : vector<16xi32>
        %gather3A_63 = tpu.vector_load_idx %arg9[%add3A_62] : memref<81920xf32, #tpu.memory_space<vmem>>[vector<16xi32>], vector<16xf32>,
        %add3A_64 = arith.addf %gather3A, %gather3A_63 : vector<16xf32>
        %mul3A_65 = arith.constant 2.000000e-01 : f32
        %mul3A_66 = vector.broadcast %mul3A_65 : f32 to vector<16xf32>
        %mul3A_67 = arith.mulf %mul3A_66, %add3A_64 : vector<16xf32>
        %max3A = arith.maximumf %add3A_64, %mul3A_67 : vector<16xf32>
        %get3A_68 = arith.constant 0 : index
        %get3A_69 = tpu.vector_load %arg14[%get3A_68] {strides = array<i32>} : memref<64xf32, #tpu.memory_space<vmem>>, vector<16xf32>,
        %sub3A = arith.subf %max3A, %get3A_69 : vector<16xf32>
        %exp3A = math.exp %sub3A : vector<16xf32>
        %broadcast_in_dim3A_70 = arith.constant 0 : i32
        %broadcast_in_dim3A_71 = vector.broadcast %broadcast_in_dim3A_70 : i32 to vector<16xi32>
        tpu.vector_store_idx %arg12[%add3A_56, %broadcast_in_dim3A_71], %exp3A : memref<128x16xf32, #tpu.memory_space<vmem>>[vector<16xi32>, vector<16xi32>], vector<16xf32>,
        %mul3A_72 = arith.constant 4 : i32
        %mul3A_73 = vector.broadcast %mul3A_72 : i32 to vector<16xi32>
        %mul3A_74 = arith.muli %add3A_56, %mul3A_73 : vector<16xi32>
        %add3A_75 = arith.constant 0 : i32
        %add3A_76 = vector.broadcast %add3A_75 : i32 to vector<16xi32>
        %add3A_77 = arith.addi %mul3A_74, %add3A_76 : vector<16xi32>
        tpu.vector_store_idx %arg13[%add3A_77], %exp3A : memref<512xf32, #tpu.memory_space<vmem>>[vector<16xi32>], vector<16xf32>,
        %add3A_78 = arith.constant 1 : i32
        %add3A_79 = vector.broadcast %add3A_78 : i32 to vector<16xi32>
        %add3A_80 = arith.addi %mul3A_46, %add3A_79 : vector<16xi32>
        %gather3A_81 = tpu.vector_load_idx %arg9[%add3A_80] : memref<81920xf32, #tpu.memory_space<vmem>>[vector<16xi32>], vector<16xf32>,
        %add3A_82 = arith.constant 1 : i32
        %add3A_83 = vector.broadcast %add3A_82 : i32 to vector<16xi32>
        %add3A_84 = arith.addi %add3A_52, %add3A_83 : vector<16xi32>
        %gather3A_85 = tpu.vector_load_idx %arg9[%add3A_84] : memref<81920xf32, #tpu.memory_space<vmem>>[vector<16xi32>], vector<16xf32>,
        %add3A_86 = arith.addf %gather3A_81, %gather3A_85 : vector<16xf32>
        %mul3A_87 = arith.constant 2.000000e-01 : f32
        %mul3A_88 = vector.broadcast %mul3A_87 : f32 to vector<16xf32>
        %mul3A_89 = arith.mulf %mul3A_88, %add3A_86 : vector<16xf32>
        %max3A_90 = arith.maximumf %add3A_86, %mul3A_89 : vector<16xf32>
        %get3A_91 = arith.constant 16 : index
        %get3A_92 = tpu.vector_load %arg14[%get3A_91] {strides = array<i32>} : memref<64xf32, #tpu.memory_space<vmem>>, vector<16xf32>,
        %sub3A_93 = arith.subf %max3A_90, %get3A_92 : vector<16xf32>
        %exp3A_94 = math.exp %sub3A_93 : vector<16xf32>
        %broadcast_in_dim3A_95 = arith.constant 1 : i32
        %broadcast_in_dim3A_96 = vector.broadcast %broadcast_in_dim3A_95 : i32 to vector<16xi32>
        tpu.vector_store_idx %arg12[%add3A_56, %broadcast_in_dim3A_96], %exp3A_94 : memref<128x16xf32, #tpu.memory_space<vmem>>[vector<16xi32>, vector<16xi32>], vector<16xf32>,
        %mul3A_97 = arith.constant 4 : i32
        %mul3A_98 = vector.broadcast %mul3A_97 : i32 to vector<16xi32>
        %mul3A_99 = arith.muli %add3A_56, %mul3A_98 : vector<16xi32>
        %add3A_100 = arith.constant 1 : i32
        %add3A_101 = vector.broadcast %add3A_100 : i32 to vector<16xi32>
        %add3A_102 = arith.addi %mul3A_99, %add3A_101 : vector<16xi32>
        tpu.vector_store_idx %arg13[%add3A_102], %exp3A_94 : memref<512xf32, #tpu.memory_space<vmem>>[vector<16xi32>], vector<16xf32>,
        %add3A_103 = arith.constant 2 : i32
        %add3A_104 = vector.broadcast %add3A_103 : i32 to vector<16xi32>
        %add3A_105 = arith.addi %mul3A_46, %add3A_104 : vector<16xi32>
        %gather3A_106 = tpu.vector_load_idx %arg9[%add3A_105] : memref<81920xf32, #tpu.memory_space<vmem>>[vector<16xi32>], vector<16xf32>,
        %add3A_107 = arith.constant 2 : i32
        %add3A_108 = vector.broadcast %add3A_107 : i32 to vector<16xi32>
        %add3A_109 = arith.addi %add3A_52, %add3A_108 : vector<16xi32>
        %gather3A_110 = tpu.vector_load_idx %arg9[%add3A_109] : memref<81920xf32, #tpu.memory_space<vmem>>[vector<16xi32>], vector<16xf32>,
        %add3A_111 = arith.addf %gather3A_106, %gather3A_110 : vector<16xf32>
        %mul3A_112 = arith.constant 2.000000e-01 : f32
        %mul3A_113 = vector.broadcast %mul3A_112 : f32 to vector<16xf32>
        %mul3A_114 = arith.mulf %mul3A_113, %add3A_111 : vector<16xf32>
        %max3A_115 = arith.maximumf %add3A_111, %mul3A_114 : vector<16xf32>
        %get3A_116 = arith.constant 32 : index
        %get3A_117 = tpu.vector_load %arg14[%get3A_116] {strides = array<i32>} : memref<64xf32, #tpu.memory_space<vmem>>, vector<16xf32>,
        %sub3A_118 = arith.subf %max3A_115, %get3A_117 : vector<16xf32>
        %exp3A_119 = math.exp %sub3A_118 : vector<16xf32>
        %broadcast_in_dim3A_120 = arith.constant 2 : i32
        %broadcast_in_dim3A_121 = vector.broadcast %broadcast_in_dim3A_120 : i32 to vector<16xi32>
        tpu.vector_store_idx %arg12[%add3A_56, %broadcast_in_dim3A_121], %exp3A_119 : memref<128x16xf32, #tpu.memory_space<vmem>>[vector<16xi32>, vector<16xi32>], vector<16xf32>,
        %mul3A_122 = arith.constant 4 : i32
        %mul3A_123 = vector.broadcast %mul3A_122 : i32 to vector<16xi32>
        %mul3A_124 = arith.muli %add3A_56, %mul3A_123 : vector<16xi32>
        %add3A_125 = arith.constant 2 : i32
        %add3A_126 = vector.broadcast %add3A_125 : i32 to vector<16xi32>
        %add3A_127 = arith.addi %mul3A_124, %add3A_126 : vector<16xi32>
        tpu.vector_store_idx %arg13[%add3A_127], %exp3A_119 : memref<512xf32, #tpu.memory_space<vmem>>[vector<16xi32>], vector<16xf32>,
        %add3A_128 = arith.constant 3 : i32
        %add3A_129 = vector.broadcast %add3A_128 : i32 to vector<16xi32>
        %add3A_130 = arith.addi %mul3A_46, %add3A_129 : vector<16xi32>
        %gather3A_131 = tpu.vector_load_idx %arg9[%add3A_130] : memref<81920xf32, #tpu.memory_space<vmem>>[vector<16xi32>], vector<16xf32>,
        %add3A_132 = arith.constant 3 : i32
        %add3A_133 = vector.broadcast %add3A_132 : i32 to vector<16xi32>
        %add3A_134 = arith.addi %add3A_52, %add3A_133 : vector<16xi32>
        %gather3A_135 = tpu.vector_load_idx %arg9[%add3A_134] : memref<81920xf32, #tpu.memory_space<vmem>>[vector<16xi32>], vector<16xf32>,
        %add3A_136 = arith.addf %gather3A_131, %gather3A_135 : vector<16xf32>
        %mul3A_137 = arith.constant 2.000000e-01 : f32
        %mul3A_138 = vector.broadcast %mul3A_137 : f32 to vector<16xf32>
        %mul3A_139 = arith.mulf %mul3A_138, %add3A_136 : vector<16xf32>
        %max3A_140 = arith.maximumf %add3A_136, %mul3A_139 : vector<16xf32>
        %get3A_141 = arith.constant 48 : index
        %get3A_142 = tpu.vector_load %arg14[%get3A_141] {strides = array<i32>} : memref<64xf32, #tpu.memory_space<vmem>>, vector<16xf32>,
        %sub3A_143 = arith.subf %max3A_140, %get3A_142 : vector<16xf32>
        %exp3A_144 = math.exp %sub3A_143 : vector<16xf32>
        %broadcast_in_dim3A_145 = arith.constant 3 : i32
        %broadcast_in_dim3A_146 = vector.broadcast %broadcast_in_dim3A_145 : i32 to vector<16xi32>
        tpu.vector_store_idx %arg12[%add3A_56, %broadcast_in_dim3A_146], %exp3A_144 : memref<128x16xf32, #tpu.memory_space<vmem>>[vector<16xi32>, vector<16xi32>], vector<16xf32>,
        %mul3A_147 = arith.constant 4 : i32
        %mul3A_148 = vector.broadcast %mul3A_147 : i32 to vector<16xi32>
        %mul3A_149 = arith.muli %add3A_56, %mul3A_148 : vector<16xi32>
        %add3A_150 = arith.constant 3 : i32
        %add3A_151 = vector.broadcast %add3A_150 : i32 to vector<16xi32>
        %add3A_152 = arith.addi %mul3A_149, %add3A_151 : vector<16xi32>
        tpu.vector_store_idx %arg13[%add3A_152], %exp3A_144 : memref<512xf32, #tpu.memory_space<vmem>>[vector<16xi32>], vector<16xf32>,
      }
      %scan3A_33 = arith.constant 8 : i32
      %mul3A_34 = arith.constant 4 : i32
      %mul3A_35 = arith.muli %add3A_27, %mul3A_34 : i32
      "tpu.region"() ({
        %run_scoped3A = tpu.sem_alloc : memref<!tpu.dma_semaphore, #tpu.memory_space<semaphore_mem>>
        %dma_start3A = tpu.memref_slice %arg8[%mul3A_35] : memref<1310720xf32, #tpu.memory_space<hbm>> -> memref<512xf32, #tpu.memory_space<hbm>>
        %dma_start3A_36 = tpu.memref_slice %arg8[%mul3A_35] : memref<1310720xf32, #tpu.memory_space<hbm>> -> memref<512xf32, #tpu.memory_space<hbm>>
        tpu.enqueue_dma source(%arg13 : memref<512xf32, #tpu.memory_space<vmem>>) target(%dma_start3A_36 : memref<512xf32, #tpu.memory_space<hbm>>) target_semaphore(%run_scoped3A : memref<!tpu.dma_semaphore, #tpu.memory_space<semaphore_mem>>)
        %dma_wait3A = tpu.memref_slice %arg8[%mul3A_35] : memref<1310720xf32, #tpu.memory_space<hbm>> -> memref<512xf32, #tpu.memory_space<hbm>>
        %dma_wait3A_37 = tpu.memref_slice %arg8[%mul3A_35] : memref<1310720xf32, #tpu.memory_space<hbm>> -> memref<512xf32, #tpu.memory_space<hbm>>
        tpu.wait_dma2 semaphore(%run_scoped3A : memref<!tpu.dma_semaphore, #tpu.memory_space<semaphore_mem>>) src(%arg13 : memref<512xf32, #tpu.memory_space<vmem>>) dst(%dma_wait3A_37 : memref<512xf32, #tpu.memory_space<hbm>>)
        tpu.yield
      }) : () -> ()
      "tpu.region"() ({
        %run_scoped3A = tpu.sem_alloc : memref<!tpu.dma_semaphore, #tpu.memory_space<semaphore_mem>>
        %dma_start3A = arith.constant 0 : i32
        %dma_start3A_36 = arith.constant 0 : i32
        %dma_start3A_37 = tpu.memref_slice %arg15[%dma_start3A, %dma_start3A_36] : memref<10240x16xf32, #tpu.memory_space<vmem_shared>> -> memref<10240x16xf32, #tpu.memory_space<vmem_shared>>
        tpu.enqueue_indirect_dma source(%arg12 : memref<128x16xf32, #tpu.memory_space<vmem>>) target(%dma_start3A_37 : memref<10240x16xf32, #tpu.memory_space<vmem_shared>>) offsets(%arg11 : memref<128xi32, #tpu.memory_space<vmem>>) semaphore(%run_scoped3A : memref<!tpu.dma_semaphore, #tpu.memory_space<semaphore_mem>>) {add = true}
        %dma_wait3A = arith.constant 0 : i32
        %dma_wait3A_38 = arith.constant 0 : i32
        %dma_wait3A_39 = tpu.memref_slice %arg15[%dma_wait3A, %dma_wait3A_38] : memref<10240x16xf32, #tpu.memory_space<vmem_shared>> -> memref<10240x16xf32, #tpu.memory_space<vmem_shared>>
        tpu.wait_indirect_dma semaphore(%run_scoped3A : memref<!tpu.dma_semaphore, #tpu.memory_space<semaphore_mem>>) src(%arg12 : memref<128x16xf32, #tpu.memory_space<vmem>>) dst(%dma_wait3A_39 : memref<10240x16xf32, #tpu.memory_space<vmem_shared>>)
        tpu.yield
      }) : () -> ()
    }
    %scan3A_18 = arith.constant 80 : i32
    %barrier3A_19 = arith.constant 0 : index
    tpu.barrier barrier_id(%barrier3A_19)
    %mul3A_20 = arith.constant 640 : i32
    %mul3A_21 = arith.muli %arg1, %mul3A_20 : i32
    %mul3A_22 = arith.constant 640 : i32
    %mul3A_23 = arith.muli %arg1, %mul3A_22 : i32
    "tpu.region"() ({
      %run_scoped3A = tpu.sem_alloc : memref<!tpu.dma_semaphore, #tpu.memory_space<semaphore_mem>>
      %dma_start3A = arith.constant 0 : i32
      %dma_start3A_24 = tpu.memref_slice %arg7[%arg0, %mul3A_23, %dma_start3A] : memref<2x10240x16xf32, #tpu.memory_space<hbm>> -> memref<1x640x16xf32, #tpu.memory_space<hbm>>
      %dma_start3A_25 = tpu.memref_squeeze %dma_start3A_24 : memref<1x640x16xf32, #tpu.memory_space<hbm>> -> memref<640x16xf32, #tpu.memory_space<hbm>>
      %dma_start3A_26 = arith.constant 0 : i32
      %dma_start3A_27 = tpu.memref_slice %arg15[%mul3A_21, %dma_start3A_26] : memref<10240x16xf32, #tpu.memory_space<vmem_shared>> -> memref<640x16xf32, #tpu.memory_space<vmem_shared>>
      tpu.enqueue_dma source(%dma_start3A_27 : memref<640x16xf32, #tpu.memory_space<vmem_shared>>) target(%dma_start3A_25 : memref<640x16xf32, #tpu.memory_space<hbm>>) target_semaphore(%run_scoped3A : memref<!tpu.dma_semaphore, #tpu.memory_space<semaphore_mem>>)
      %dma_wait3A = arith.constant 0 : i32
      %dma_wait3A_28 = tpu.memref_slice %arg7[%arg0, %mul3A_23, %dma_wait3A] : memref<2x10240x16xf32, #tpu.memory_space<hbm>> -> memref<1x640x16xf32, #tpu.memory_space<hbm>>
      %dma_wait3A_29 = tpu.memref_squeeze %dma_wait3A_28 : memref<1x640x16xf32, #tpu.memory_space<hbm>> -> memref<640x16xf32, #tpu.memory_space<hbm>>
      %dma_wait3A_30 = arith.constant 0 : i32
      %dma_wait3A_31 = tpu.memref_slice %arg15[%mul3A_21, %dma_wait3A_30] : memref<10240x16xf32, #tpu.memory_space<vmem_shared>> -> memref<640x16xf32, #tpu.memory_space<vmem_shared>>
      tpu.wait_dma2 semaphore(%run_scoped3A : memref<!tpu.dma_semaphore, #tpu.memory_space<semaphore_mem>>) src(%dma_wait3A_31 : memref<640x16xf32, #tpu.memory_space<vmem_shared>>) dst(%dma_wait3A_29 : memref<640x16xf32, #tpu.memory_space<hbm>>)
      tpu.yield
    }) : () -> ()
    return
  }
}

#map = affine_map<(d0, d1) -> (0)>
#map1 = affine_map<(d0, d1) -> (0, 0)>
#map2 = affine_map<(d0, d1) -> (0, 0, 0)>
module attributes {stable_mosaic.version = 14 : i64} {
  func.func @k(%arg0: i32, %arg1: i32, %arg2: memref<327680xi32, #tpu.memory_space<hbm>>, %arg3: memref<327680xi32, #tpu.memory_space<hbm>>, %arg4: memref<1310720xf32, #tpu.memory_space<hbm>>, %arg5: memref<20000x64xf32, #tpu.memory_space<hbm>>, %arg6: memref<2x10240x64xf32, #tpu.memory_space<hbm>>, %arg7: memref<128xi32, #tpu.memory_space<vmem>>, %arg8: memref<128xi32, #tpu.memory_space<vmem>>, %arg9: memref<512xf32, #tpu.memory_space<vmem>>, %arg10: memref<128x64xf32, #tpu.memory_space<vmem>>, %arg11: memref<10240x64xf32, #tpu.memory_space<vmem_shared>>, %arg12: memref<!tpu.dma_semaphore, #tpu.memory_space<semaphore_mem>>) attributes {dimension_semantics = [#tpu.dimension_semantics<core_parallel>, #tpu.dimension_semantics<subcore_parallel>], iteration_bounds = array<i64: 2, 16>, scalar_prefetch = 0 : i64, scratch_operands = 6 : i64, tpu.core_type = #tpu.core_type<sc_vector_subcore>, window_params = [{transform_indices = #map}, {transform_indices = #map}, {transform_indices = #map}, {transform_indices = #map1}, {transform_indices = #map2}]} {
    %mul3A = arith.constant 20480 : i32
    %mul3A_0 = arith.muli %arg1, %mul3A : i32
    %broadcast_in_dim3A = arith.constant 0.000000e+00 : f32
    %broadcast_in_dim3A_1 = vector.broadcast %broadcast_in_dim3A : f32 to vector<16xf32>
    %mul3A_2 = arith.constant 10000 : i32
    %mul3A_3 = arith.muli %arg0, %mul3A_2 : i32
    %scan3A = arith.constant 0 : i32
    %scan3A_4 = arith.constant 0 : i32
    %scan3A_5 = arith.constant 128 : i32
    %scan3A_6 = arith.addi %scan3A_4, %scan3A_5 : i32
    %scan3A_7 = arith.constant 1 : i32
    scf.for %scan3A_39 = %scan3A_4 to %scan3A_6 step %scan3A_7  : i32 {
      %swap3A = arith.index_cast %scan3A_39 : i32 to index
      %swap3A_40 = arith.constant 0 : index
      %swap3A_41 = tpu.vector_load %arg10[%swap3A, %swap3A_40] {strides = array<i32>} : memref<128x64xf32, #tpu.memory_space<vmem>>, vector<16xf32>,
      tpu.vector_store %arg10[%swap3A, %swap3A_40], %broadcast_in_dim3A_1 {strides = array<i32>} : memref<128x64xf32, #tpu.memory_space<vmem>>, vector<16xf32>,
      %swap3A_42 = arith.index_cast %scan3A_39 : i32 to index
      %swap3A_43 = arith.constant 16 : index
      %swap3A_44 = tpu.vector_load %arg10[%swap3A_42, %swap3A_43] {strides = array<i32>} : memref<128x64xf32, #tpu.memory_space<vmem>>, vector<16xf32>,
      tpu.vector_store %arg10[%swap3A_42, %swap3A_43], %broadcast_in_dim3A_1 {strides = array<i32>} : memref<128x64xf32, #tpu.memory_space<vmem>>, vector<16xf32>,
      %swap3A_45 = arith.index_cast %scan3A_39 : i32 to index
      %swap3A_46 = arith.constant 32 : index
      %swap3A_47 = tpu.vector_load %arg10[%swap3A_45, %swap3A_46] {strides = array<i32>} : memref<128x64xf32, #tpu.memory_space<vmem>>, vector<16xf32>,
      tpu.vector_store %arg10[%swap3A_45, %swap3A_46], %broadcast_in_dim3A_1 {strides = array<i32>} : memref<128x64xf32, #tpu.memory_space<vmem>>, vector<16xf32>,
      %swap3A_48 = arith.index_cast %scan3A_39 : i32 to index
      %swap3A_49 = arith.constant 48 : index
      %swap3A_50 = tpu.vector_load %arg10[%swap3A_48, %swap3A_49] {strides = array<i32>} : memref<128x64xf32, #tpu.memory_space<vmem>>, vector<16xf32>,
      tpu.vector_store %arg10[%swap3A_48, %swap3A_49], %broadcast_in_dim3A_1 {strides = array<i32>} : memref<128x64xf32, #tpu.memory_space<vmem>>, vector<16xf32>,
    }
    %scan3A_8 = arith.constant 128 : i32
    %mul3A_9 = arith.constant 640 : i32
    %mul3A_10 = arith.muli %arg1, %mul3A_9 : i32
    %add3A = arith.constant 0 : i32
    %add3A_11 = arith.addi %mul3A_10, %add3A : i32
    "tpu.region"() ({
      %run_scoped3A = tpu.sem_alloc : memref<!tpu.dma_semaphore, #tpu.memory_space<semaphore_mem>>
      %dma_start3A = arith.constant 0 : i32
      %dma_start3A_39 = tpu.memref_slice %arg11[%add3A_11, %dma_start3A] : memref<10240x64xf32, #tpu.memory_space<vmem_shared>> -> memref<128x64xf32, #tpu.memory_space<vmem_shared>>
      %dma_start3A_40 = arith.constant 0 : i32
      %dma_start3A_41 = tpu.memref_slice %arg11[%add3A_11, %dma_start3A_40] : memref<10240x64xf32, #tpu.memory_space<vmem_shared>> -> memref<128x64xf32, #tpu.memory_space<vmem_shared>>
      tpu.enqueue_dma source(%arg10 : memref<128x64xf32, #tpu.memory_space<vmem>>) target(%dma_start3A_41 : memref<128x64xf32, #tpu.memory_space<vmem_shared>>) target_semaphore(%run_scoped3A : memref<!tpu.dma_semaphore, #tpu.memory_space<semaphore_mem>>)
      %dma_wait3A = arith.constant 0 : i32
      %dma_wait3A_42 = tpu.memref_slice %arg11[%add3A_11, %dma_wait3A] : memref<10240x64xf32, #tpu.memory_space<vmem_shared>> -> memref<128x64xf32, #tpu.memory_space<vmem_shared>>
      %dma_wait3A_43 = arith.constant 0 : i32
      %dma_wait3A_44 = tpu.memref_slice %arg11[%add3A_11, %dma_wait3A_43] : memref<10240x64xf32, #tpu.memory_space<vmem_shared>> -> memref<128x64xf32, #tpu.memory_space<vmem_shared>>
      tpu.wait_dma2 semaphore(%run_scoped3A : memref<!tpu.dma_semaphore, #tpu.memory_space<semaphore_mem>>) src(%arg10 : memref<128x64xf32, #tpu.memory_space<vmem>>) dst(%dma_wait3A_44 : memref<128x64xf32, #tpu.memory_space<vmem_shared>>)
      tpu.yield
    }) : () -> ()
    %mul3A_12 = arith.constant 640 : i32
    %mul3A_13 = arith.muli %arg1, %mul3A_12 : i32
    %add3A_14 = arith.constant 128 : i32
    %add3A_15 = arith.addi %mul3A_13, %add3A_14 : i32
    "tpu.region"() ({
      %run_scoped3A = tpu.sem_alloc : memref<!tpu.dma_semaphore, #tpu.memory_space<semaphore_mem>>
      %dma_start3A = arith.constant 0 : i32
      %dma_start3A_39 = tpu.memref_slice %arg11[%add3A_15, %dma_start3A] : memref<10240x64xf32, #tpu.memory_space<vmem_shared>> -> memref<128x64xf32, #tpu.memory_space<vmem_shared>>
      %dma_start3A_40 = arith.constant 0 : i32
      %dma_start3A_41 = tpu.memref_slice %arg11[%add3A_15, %dma_start3A_40] : memref<10240x64xf32, #tpu.memory_space<vmem_shared>> -> memref<128x64xf32, #tpu.memory_space<vmem_shared>>
      tpu.enqueue_dma source(%arg10 : memref<128x64xf32, #tpu.memory_space<vmem>>) target(%dma_start3A_41 : memref<128x64xf32, #tpu.memory_space<vmem_shared>>) target_semaphore(%run_scoped3A : memref<!tpu.dma_semaphore, #tpu.memory_space<semaphore_mem>>)
      %dma_wait3A = arith.constant 0 : i32
      %dma_wait3A_42 = tpu.memref_slice %arg11[%add3A_15, %dma_wait3A] : memref<10240x64xf32, #tpu.memory_space<vmem_shared>> -> memref<128x64xf32, #tpu.memory_space<vmem_shared>>
      %dma_wait3A_43 = arith.constant 0 : i32
      %dma_wait3A_44 = tpu.memref_slice %arg11[%add3A_15, %dma_wait3A_43] : memref<10240x64xf32, #tpu.memory_space<vmem_shared>> -> memref<128x64xf32, #tpu.memory_space<vmem_shared>>
      tpu.wait_dma2 semaphore(%run_scoped3A : memref<!tpu.dma_semaphore, #tpu.memory_space<semaphore_mem>>) src(%arg10 : memref<128x64xf32, #tpu.memory_space<vmem>>) dst(%dma_wait3A_44 : memref<128x64xf32, #tpu.memory_space<vmem_shared>>)
      tpu.yield
    }) : () -> ()
    %mul3A_16 = arith.constant 640 : i32
    %mul3A_17 = arith.muli %arg1, %mul3A_16 : i32
    %add3A_18 = arith.constant 256 : i32
    %add3A_19 = arith.addi %mul3A_17, %add3A_18 : i32
    "tpu.region"() ({
      %run_scoped3A = tpu.sem_alloc : memref<!tpu.dma_semaphore, #tpu.memory_space<semaphore_mem>>
      %dma_start3A = arith.constant 0 : i32
      %dma_start3A_39 = tpu.memref_slice %arg11[%add3A_19, %dma_start3A] : memref<10240x64xf32, #tpu.memory_space<vmem_shared>> -> memref<128x64xf32, #tpu.memory_space<vmem_shared>>
      %dma_start3A_40 = arith.constant 0 : i32
      %dma_start3A_41 = tpu.memref_slice %arg11[%add3A_19, %dma_start3A_40] : memref<10240x64xf32, #tpu.memory_space<vmem_shared>> -> memref<128x64xf32, #tpu.memory_space<vmem_shared>>
      tpu.enqueue_dma source(%arg10 : memref<128x64xf32, #tpu.memory_space<vmem>>) target(%dma_start3A_41 : memref<128x64xf32, #tpu.memory_space<vmem_shared>>) target_semaphore(%run_scoped3A : memref<!tpu.dma_semaphore, #tpu.memory_space<semaphore_mem>>)
      %dma_wait3A = arith.constant 0 : i32
      %dma_wait3A_42 = tpu.memref_slice %arg11[%add3A_19, %dma_wait3A] : memref<10240x64xf32, #tpu.memory_space<vmem_shared>> -> memref<128x64xf32, #tpu.memory_space<vmem_shared>>
      %dma_wait3A_43 = arith.constant 0 : i32
      %dma_wait3A_44 = tpu.memref_slice %arg11[%add3A_19, %dma_wait3A_43] : memref<10240x64xf32, #tpu.memory_space<vmem_shared>> -> memref<128x64xf32, #tpu.memory_space<vmem_shared>>
      tpu.wait_dma2 semaphore(%run_scoped3A : memref<!tpu.dma_semaphore, #tpu.memory_space<semaphore_mem>>) src(%arg10 : memref<128x64xf32, #tpu.memory_space<vmem>>) dst(%dma_wait3A_44 : memref<128x64xf32, #tpu.memory_space<vmem_shared>>)
      tpu.yield
    }) : () -> ()
    %mul3A_20 = arith.constant 640 : i32
    %mul3A_21 = arith.muli %arg1, %mul3A_20 : i32
    %add3A_22 = arith.constant 384 : i32
    %add3A_23 = arith.addi %mul3A_21, %add3A_22 : i32
    "tpu.region"() ({
      %run_scoped3A = tpu.sem_alloc : memref<!tpu.dma_semaphore, #tpu.memory_space<semaphore_mem>>
      %dma_start3A = arith.constant 0 : i32
      %dma_start3A_39 = tpu.memref_slice %arg11[%add3A_23, %dma_start3A] : memref<10240x64xf32, #tpu.memory_space<vmem_shared>> -> memref<128x64xf32, #tpu.memory_space<vmem_shared>>
      %dma_start3A_40 = arith.constant 0 : i32
      %dma_start3A_41 = tpu.memref_slice %arg11[%add3A_23, %dma_start3A_40] : memref<10240x64xf32, #tpu.memory_space<vmem_shared>> -> memref<128x64xf32, #tpu.memory_space<vmem_shared>>
      tpu.enqueue_dma source(%arg10 : memref<128x64xf32, #tpu.memory_space<vmem>>) target(%dma_start3A_41 : memref<128x64xf32, #tpu.memory_space<vmem_shared>>) target_semaphore(%run_scoped3A : memref<!tpu.dma_semaphore, #tpu.memory_space<semaphore_mem>>)
      %dma_wait3A = arith.constant 0 : i32
      %dma_wait3A_42 = tpu.memref_slice %arg11[%add3A_23, %dma_wait3A] : memref<10240x64xf32, #tpu.memory_space<vmem_shared>> -> memref<128x64xf32, #tpu.memory_space<vmem_shared>>
      %dma_wait3A_43 = arith.constant 0 : i32
      %dma_wait3A_44 = tpu.memref_slice %arg11[%add3A_23, %dma_wait3A_43] : memref<10240x64xf32, #tpu.memory_space<vmem_shared>> -> memref<128x64xf32, #tpu.memory_space<vmem_shared>>
      tpu.wait_dma2 semaphore(%run_scoped3A : memref<!tpu.dma_semaphore, #tpu.memory_space<semaphore_mem>>) src(%arg10 : memref<128x64xf32, #tpu.memory_space<vmem>>) dst(%dma_wait3A_44 : memref<128x64xf32, #tpu.memory_space<vmem_shared>>)
      tpu.yield
    }) : () -> ()
    %mul3A_24 = arith.constant 640 : i32
    %mul3A_25 = arith.muli %arg1, %mul3A_24 : i32
    %add3A_26 = arith.constant 512 : i32
    %add3A_27 = arith.addi %mul3A_25, %add3A_26 : i32
    "tpu.region"() ({
      %run_scoped3A = tpu.sem_alloc : memref<!tpu.dma_semaphore, #tpu.memory_space<semaphore_mem>>
      %dma_start3A = arith.constant 0 : i32
      %dma_start3A_39 = tpu.memref_slice %arg11[%add3A_27, %dma_start3A] : memref<10240x64xf32, #tpu.memory_space<vmem_shared>> -> memref<128x64xf32, #tpu.memory_space<vmem_shared>>
      %dma_start3A_40 = arith.constant 0 : i32
      %dma_start3A_41 = tpu.memref_slice %arg11[%add3A_27, %dma_start3A_40] : memref<10240x64xf32, #tpu.memory_space<vmem_shared>> -> memref<128x64xf32, #tpu.memory_space<vmem_shared>>
      tpu.enqueue_dma source(%arg10 : memref<128x64xf32, #tpu.memory_space<vmem>>) target(%dma_start3A_41 : memref<128x64xf32, #tpu.memory_space<vmem_shared>>) target_semaphore(%run_scoped3A : memref<!tpu.dma_semaphore, #tpu.memory_space<semaphore_mem>>)
      %dma_wait3A = arith.constant 0 : i32
      %dma_wait3A_42 = tpu.memref_slice %arg11[%add3A_27, %dma_wait3A] : memref<10240x64xf32, #tpu.memory_space<vmem_shared>> -> memref<128x64xf32, #tpu.memory_space<vmem_shared>>
      %dma_wait3A_43 = arith.constant 0 : i32
      %dma_wait3A_44 = tpu.memref_slice %arg11[%add3A_27, %dma_wait3A_43] : memref<10240x64xf32, #tpu.memory_space<vmem_shared>> -> memref<128x64xf32, #tpu.memory_space<vmem_shared>>
      tpu.wait_dma2 semaphore(%run_scoped3A : memref<!tpu.dma_semaphore, #tpu.memory_space<semaphore_mem>>) src(%arg10 : memref<128x64xf32, #tpu.memory_space<vmem>>) dst(%dma_wait3A_44 : memref<128x64xf32, #tpu.memory_space<vmem_shared>>)
      tpu.yield
    }) : () -> ()
    %barrier3A = arith.constant 0 : index
    tpu.barrier barrier_id(%barrier3A)
    %scan3A_28 = arith.constant 0 : i32
    %scan3A_29 = arith.constant 0 : i32
    %scan3A_30 = arith.constant 160 : i32
    %scan3A_31 = arith.addi %scan3A_29, %scan3A_30 : i32
    %scan3A_32 = arith.constant 1 : i32
    scf.for %scan3A_39 = %scan3A_29 to %scan3A_31 step %scan3A_32  : i32 {
      %mul3A_40 = arith.constant 128 : i32
      %mul3A_41 = arith.muli %scan3A_39, %mul3A_40 : i32
      %add3A_42 = arith.addi %mul3A_0, %mul3A_41 : i32
      "tpu.region"() ({
        %run_scoped3A = tpu.sem_alloc : memref<!tpu.dma_semaphore, #tpu.memory_space<semaphore_mem>>
        %dma_start3A_61 = tpu.memref_slice %arg2[%add3A_42] : memref<327680xi32, #tpu.memory_space<hbm>> -> memref<128xi32, #tpu.memory_space<hbm>>
        %dma_start3A_62 = tpu.memref_slice %arg2[%add3A_42] : memref<327680xi32, #tpu.memory_space<hbm>> -> memref<128xi32, #tpu.memory_space<hbm>>
        tpu.enqueue_dma source(%dma_start3A_62 : memref<128xi32, #tpu.memory_space<hbm>>) target(%arg7 : memref<128xi32, #tpu.memory_space<vmem>>) target_semaphore(%run_scoped3A : memref<!tpu.dma_semaphore, #tpu.memory_space<semaphore_mem>>)
        %dma_wait3A_63 = tpu.memref_slice %arg2[%add3A_42] : memref<327680xi32, #tpu.memory_space<hbm>> -> memref<128xi32, #tpu.memory_space<hbm>>
        %dma_wait3A_64 = tpu.memref_slice %arg2[%add3A_42] : memref<327680xi32, #tpu.memory_space<hbm>> -> memref<128xi32, #tpu.memory_space<hbm>>
        tpu.wait_dma2 semaphore(%run_scoped3A : memref<!tpu.dma_semaphore, #tpu.memory_space<semaphore_mem>>) src(%dma_wait3A_64 : memref<128xi32, #tpu.memory_space<hbm>>) dst(%arg7 : memref<128xi32, #tpu.memory_space<vmem>>)
        tpu.yield
      }) : () -> ()
      "tpu.region"() ({
        %run_scoped3A = tpu.sem_alloc : memref<!tpu.dma_semaphore, #tpu.memory_space<semaphore_mem>>
        %dma_start3A_61 = tpu.memref_slice %arg3[%add3A_42] : memref<327680xi32, #tpu.memory_space<hbm>> -> memref<128xi32, #tpu.memory_space<hbm>>
        %dma_start3A_62 = tpu.memref_slice %arg3[%add3A_42] : memref<327680xi32, #tpu.memory_space<hbm>> -> memref<128xi32, #tpu.memory_space<hbm>>
        tpu.enqueue_dma source(%dma_start3A_62 : memref<128xi32, #tpu.memory_space<hbm>>) target(%arg8 : memref<128xi32, #tpu.memory_space<vmem>>) target_semaphore(%run_scoped3A : memref<!tpu.dma_semaphore, #tpu.memory_space<semaphore_mem>>)
        %dma_wait3A_63 = tpu.memref_slice %arg3[%add3A_42] : memref<327680xi32, #tpu.memory_space<hbm>> -> memref<128xi32, #tpu.memory_space<hbm>>
        %dma_wait3A_64 = tpu.memref_slice %arg3[%add3A_42] : memref<327680xi32, #tpu.memory_space<hbm>> -> memref<128xi32, #tpu.memory_space<hbm>>
        tpu.wait_dma2 semaphore(%run_scoped3A : memref<!tpu.dma_semaphore, #tpu.memory_space<semaphore_mem>>) src(%dma_wait3A_64 : memref<128xi32, #tpu.memory_space<hbm>>) dst(%arg8 : memref<128xi32, #tpu.memory_space<vmem>>)
        tpu.yield
      }) : () -> ()
      %mul3A_43 = arith.constant 4 : i32
      %mul3A_44 = arith.muli %add3A_42, %mul3A_43 : i32
      "tpu.region"() ({
        %run_scoped3A = tpu.sem_alloc : memref<!tpu.dma_semaphore, #tpu.memory_space<semaphore_mem>>
        %dma_start3A_61 = tpu.memref_slice %arg4[%mul3A_44] : memref<1310720xf32, #tpu.memory_space<hbm>> -> memref<512xf32, #tpu.memory_space<hbm>>
        %dma_start3A_62 = tpu.memref_slice %arg4[%mul3A_44] : memref<1310720xf32, #tpu.memory_space<hbm>> -> memref<512xf32, #tpu.memory_space<hbm>>
        tpu.enqueue_dma source(%dma_start3A_62 : memref<512xf32, #tpu.memory_space<hbm>>) target(%arg9 : memref<512xf32, #tpu.memory_space<vmem>>) target_semaphore(%run_scoped3A : memref<!tpu.dma_semaphore, #tpu.memory_space<semaphore_mem>>)
        %dma_wait3A_63 = tpu.memref_slice %arg4[%mul3A_44] : memref<1310720xf32, #tpu.memory_space<hbm>> -> memref<512xf32, #tpu.memory_space<hbm>>
        %dma_wait3A_64 = tpu.memref_slice %arg4[%mul3A_44] : memref<1310720xf32, #tpu.memory_space<hbm>> -> memref<512xf32, #tpu.memory_space<hbm>>
        tpu.wait_dma2 semaphore(%run_scoped3A : memref<!tpu.dma_semaphore, #tpu.memory_space<semaphore_mem>>) src(%dma_wait3A_64 : memref<512xf32, #tpu.memory_space<hbm>>) dst(%arg9 : memref<512xf32, #tpu.memory_space<vmem>>)
        tpu.yield
      }) : () -> ()
      %scan3A_45 = arith.constant 0 : i32
      %scan3A_46 = arith.constant 0 : i32
      %scan3A_47 = arith.constant 8 : i32
      %scan3A_48 = arith.addi %scan3A_46, %scan3A_47 : i32
      %scan3A_49 = arith.constant 1 : i32
      scf.for %scan3A_61 = %scan3A_46 to %scan3A_48 step %scan3A_49  : i32 {
        %mul3A_62 = arith.constant 16 : i32
        %mul3A_63 = arith.muli %scan3A_61, %mul3A_62 : i32
        %get3A = arith.index_cast %mul3A_63 : i32 to index
        %get3A_64 = tpu.vector_load %arg7[%get3A] {strides = array<i32>} : memref<128xi32, #tpu.memory_space<vmem>>, vector<16xi32>,
        %add3A_65 = vector.broadcast %mul3A_3 : i32 to vector<16xi32>
        %add3A_66 = arith.addi %get3A_64, %add3A_65 : vector<16xi32>
        %swap3A = arith.index_cast %mul3A_63 : i32 to index
        %swap3A_67 = tpu.vector_load %arg7[%swap3A] {strides = array<i32>} : memref<128xi32, #tpu.memory_space<vmem>>, vector<16xi32>,
        tpu.vector_store %arg7[%swap3A], %add3A_66 {strides = array<i32>} : memref<128xi32, #tpu.memory_space<vmem>>, vector<16xi32>,
      }
      %scan3A_50 = arith.constant 8 : i32
      %dma_start3A = arith.constant 0 : i32
      %dma_start3A_51 = arith.constant 0 : i32
      %dma_start3A_52 = tpu.memref_slice %arg5[%dma_start3A, %dma_start3A_51] : memref<20000x64xf32, #tpu.memory_space<hbm>> -> memref<20000x64xf32, #tpu.memory_space<hbm>>
      tpu.enqueue_indirect_dma source(%dma_start3A_52 : memref<20000x64xf32, #tpu.memory_space<hbm>>) target(%arg10 : memref<128x64xf32, #tpu.memory_space<vmem>>) offsets(%arg7 : memref<128xi32, #tpu.memory_space<vmem>>) semaphore(%arg12 : memref<!tpu.dma_semaphore, #tpu.memory_space<semaphore_mem>>)
      %dma_wait3A = arith.constant 0 : i32
      %dma_wait3A_53 = arith.constant 0 : i32
      %dma_wait3A_54 = tpu.memref_slice %arg5[%dma_wait3A, %dma_wait3A_53] : memref<20000x64xf32, #tpu.memory_space<hbm>> -> memref<20000x64xf32, #tpu.memory_space<hbm>>
      tpu.wait_indirect_dma semaphore(%arg12 : memref<!tpu.dma_semaphore, #tpu.memory_space<semaphore_mem>>) src(%dma_wait3A_54 : memref<20000x64xf32, #tpu.memory_space<hbm>>) dst(%arg10 : memref<128x64xf32, #tpu.memory_space<vmem>>)
      %scan3A_55 = arith.constant 0 : i32
      %scan3A_56 = arith.constant 0 : i32
      %scan3A_57 = arith.constant 128 : i32
      %scan3A_58 = arith.addi %scan3A_56, %scan3A_57 : i32
      %scan3A_59 = arith.constant 1 : i32
      scf.for %scan3A_61 = %scan3A_56 to %scan3A_58 step %scan3A_59  : i32 {
        %mul3A_62 = arith.constant 4 : i32
        %mul3A_63 = arith.muli %scan3A_61, %mul3A_62 : i32
        %add3A_64 = arith.constant 0 : i32
        %add3A_65 = arith.addi %mul3A_63, %add3A_64 : i32
        %broadcast_in_dim3A_66 = vector.broadcast %add3A_65 : i32 to vector<16xi32>
        %mul3A_67 = arith.constant 2 : i32
        %mul3A_68 = arith.muli %mul3A_67, %arg0 : i32
        %add3A_69 = vector.broadcast %mul3A_68 : i32 to vector<16xi32>
        %add3A_70 = arith.addi %broadcast_in_dim3A_66, %add3A_69 : vector<16xi32>
        %gather3A = tpu.vector_load_idx %arg9[%add3A_70] : memref<512xf32, #tpu.memory_space<vmem>>[vector<16xi32>], vector<16xf32>,
        %get3A = arith.index_cast %scan3A_61 : i32 to index
        %get3A_71 = arith.constant 0 : index
        %get3A_72 = tpu.vector_load %arg10[%get3A, %get3A_71] {strides = array<i32>} : memref<128x64xf32, #tpu.memory_space<vmem>>, vector<16xf32>,
        %mul3A_73 = arith.mulf %get3A_72, %gather3A : vector<16xf32>
        %swap3A = arith.index_cast %scan3A_61 : i32 to index
        %swap3A_74 = arith.constant 0 : index
        %swap3A_75 = tpu.vector_load %arg10[%swap3A, %swap3A_74] {strides = array<i32>} : memref<128x64xf32, #tpu.memory_space<vmem>>, vector<16xf32>,
        tpu.vector_store %arg10[%swap3A, %swap3A_74], %mul3A_73 {strides = array<i32>} : memref<128x64xf32, #tpu.memory_space<vmem>>, vector<16xf32>,
        %get3A_76 = arith.index_cast %scan3A_61 : i32 to index
        %get3A_77 = arith.constant 16 : index
        %get3A_78 = tpu.vector_load %arg10[%get3A_76, %get3A_77] {strides = array<i32>} : memref<128x64xf32, #tpu.memory_space<vmem>>, vector<16xf32>,
        %mul3A_79 = arith.mulf %get3A_78, %gather3A : vector<16xf32>
        %swap3A_80 = arith.index_cast %scan3A_61 : i32 to index
        %swap3A_81 = arith.constant 16 : index
        %swap3A_82 = tpu.vector_load %arg10[%swap3A_80, %swap3A_81] {strides = array<i32>} : memref<128x64xf32, #tpu.memory_space<vmem>>, vector<16xf32>,
        tpu.vector_store %arg10[%swap3A_80, %swap3A_81], %mul3A_79 {strides = array<i32>} : memref<128x64xf32, #tpu.memory_space<vmem>>, vector<16xf32>,
        %mul3A_83 = arith.constant 4 : i32
        %mul3A_84 = arith.muli %scan3A_61, %mul3A_83 : i32
        %add3A_85 = arith.constant 1 : i32
        %add3A_86 = arith.addi %mul3A_84, %add3A_85 : i32
        %broadcast_in_dim3A_87 = vector.broadcast %add3A_86 : i32 to vector<16xi32>
        %mul3A_88 = arith.constant 2 : i32
        %mul3A_89 = arith.muli %mul3A_88, %arg0 : i32
        %add3A_90 = vector.broadcast %mul3A_89 : i32 to vector<16xi32>
        %add3A_91 = arith.addi %broadcast_in_dim3A_87, %add3A_90 : vector<16xi32>
        %gather3A_92 = tpu.vector_load_idx %arg9[%add3A_91] : memref<512xf32, #tpu.memory_space<vmem>>[vector<16xi32>], vector<16xf32>,
        %get3A_93 = arith.index_cast %scan3A_61 : i32 to index
        %get3A_94 = arith.constant 32 : index
        %get3A_95 = tpu.vector_load %arg10[%get3A_93, %get3A_94] {strides = array<i32>} : memref<128x64xf32, #tpu.memory_space<vmem>>, vector<16xf32>,
        %mul3A_96 = arith.mulf %get3A_95, %gather3A_92 : vector<16xf32>
        %swap3A_97 = arith.index_cast %scan3A_61 : i32 to index
        %swap3A_98 = arith.constant 32 : index
        %swap3A_99 = tpu.vector_load %arg10[%swap3A_97, %swap3A_98] {strides = array<i32>} : memref<128x64xf32, #tpu.memory_space<vmem>>, vector<16xf32>,
        tpu.vector_store %arg10[%swap3A_97, %swap3A_98], %mul3A_96 {strides = array<i32>} : memref<128x64xf32, #tpu.memory_space<vmem>>, vector<16xf32>,
        %get3A_100 = arith.index_cast %scan3A_61 : i32 to index
        %get3A_101 = arith.constant 48 : index
        %get3A_102 = tpu.vector_load %arg10[%get3A_100, %get3A_101] {strides = array<i32>} : memref<128x64xf32, #tpu.memory_space<vmem>>, vector<16xf32>,
        %mul3A_103 = arith.mulf %get3A_102, %gather3A_92 : vector<16xf32>
        %swap3A_104 = arith.index_cast %scan3A_61 : i32 to index
        %swap3A_105 = arith.constant 48 : index
        %swap3A_106 = tpu.vector_load %arg10[%swap3A_104, %swap3A_105] {strides = array<i32>} : memref<128x64xf32, #tpu.memory_space<vmem>>, vector<16xf32>,
        tpu.vector_store %arg10[%swap3A_104, %swap3A_105], %mul3A_103 {strides = array<i32>} : memref<128x64xf32, #tpu.memory_space<vmem>>, vector<16xf32>,
      }
      %scan3A_60 = arith.constant 128 : i32
      "tpu.region"() ({
        %run_scoped3A = tpu.sem_alloc : memref<!tpu.dma_semaphore, #tpu.memory_space<semaphore_mem>>
        %dma_start3A_61 = arith.constant 0 : i32
        %dma_start3A_62 = arith.constant 0 : i32
        %dma_start3A_63 = tpu.memref_slice %arg11[%dma_start3A_61, %dma_start3A_62] : memref<10240x64xf32, #tpu.memory_space<vmem_shared>> -> memref<10240x64xf32, #tpu.memory_space<vmem_shared>>
        tpu.enqueue_indirect_dma source(%arg10 : memref<128x64xf32, #tpu.memory_space<vmem>>) target(%dma_start3A_63 : memref<10240x64xf32, #tpu.memory_space<vmem_shared>>) offsets(%arg8 : memref<128xi32, #tpu.memory_space<vmem>>) semaphore(%run_scoped3A : memref<!tpu.dma_semaphore, #tpu.memory_space<semaphore_mem>>) {add = true}
        %dma_wait3A_64 = arith.constant 0 : i32
        %dma_wait3A_65 = arith.constant 0 : i32
        %dma_wait3A_66 = tpu.memref_slice %arg11[%dma_wait3A_64, %dma_wait3A_65] : memref<10240x64xf32, #tpu.memory_space<vmem_shared>> -> memref<10240x64xf32, #tpu.memory_space<vmem_shared>>
        tpu.wait_indirect_dma semaphore(%run_scoped3A : memref<!tpu.dma_semaphore, #tpu.memory_space<semaphore_mem>>) src(%arg10 : memref<128x64xf32, #tpu.memory_space<vmem>>) dst(%dma_wait3A_66 : memref<10240x64xf32, #tpu.memory_space<vmem_shared>>)
        tpu.yield
      }) : () -> ()
    }
    %scan3A_33 = arith.constant 160 : i32
    %barrier3A_34 = arith.constant 0 : index
    tpu.barrier barrier_id(%barrier3A_34)
    %mul3A_35 = arith.constant 640 : i32
    %mul3A_36 = arith.muli %arg1, %mul3A_35 : i32
    %mul3A_37 = arith.constant 640 : i32
    %mul3A_38 = arith.muli %arg1, %mul3A_37 : i32
    "tpu.region"() ({
      %run_scoped3A = tpu.sem_alloc : memref<!tpu.dma_semaphore, #tpu.memory_space<semaphore_mem>>
      %dma_start3A = arith.constant 0 : i32
      %dma_start3A_39 = tpu.memref_slice %arg6[%arg0, %mul3A_38, %dma_start3A] : memref<2x10240x64xf32, #tpu.memory_space<hbm>> -> memref<1x640x64xf32, #tpu.memory_space<hbm>>
      %dma_start3A_40 = tpu.memref_squeeze %dma_start3A_39 : memref<1x640x64xf32, #tpu.memory_space<hbm>> -> memref<640x64xf32, #tpu.memory_space<hbm>>
      %dma_start3A_41 = arith.constant 0 : i32
      %dma_start3A_42 = tpu.memref_slice %arg11[%mul3A_36, %dma_start3A_41] : memref<10240x64xf32, #tpu.memory_space<vmem_shared>> -> memref<640x64xf32, #tpu.memory_space<vmem_shared>>
      tpu.enqueue_dma source(%dma_start3A_42 : memref<640x64xf32, #tpu.memory_space<vmem_shared>>) target(%dma_start3A_40 : memref<640x64xf32, #tpu.memory_space<hbm>>) target_semaphore(%run_scoped3A : memref<!tpu.dma_semaphore, #tpu.memory_space<semaphore_mem>>)
      %dma_wait3A = arith.constant 0 : i32
      %dma_wait3A_43 = tpu.memref_slice %arg6[%arg0, %mul3A_38, %dma_wait3A] : memref<2x10240x64xf32, #tpu.memory_space<hbm>> -> memref<1x640x64xf32, #tpu.memory_space<hbm>>
      %dma_wait3A_44 = tpu.memref_squeeze %dma_wait3A_43 : memref<1x640x64xf32, #tpu.memory_space<hbm>> -> memref<640x64xf32, #tpu.memory_space<hbm>>
      %dma_wait3A_45 = arith.constant 0 : i32
      %dma_wait3A_46 = tpu.memref_slice %arg11[%mul3A_36, %dma_wait3A_45] : memref<10240x64xf32, #tpu.memory_space<vmem_shared>> -> memref<640x64xf32, #tpu.memory_space<vmem_shared>>
      tpu.wait_dma2 semaphore(%run_scoped3A : memref<!tpu.dma_semaphore, #tpu.memory_space<semaphore_mem>>) src(%dma_wait3A_46 : memref<640x64xf32, #tpu.memory_space<vmem_shared>>) dst(%dma_wait3A_44 : memref<640x64xf32, #tpu.memory_space<hbm>>)
      tpu.yield
    }) : () -> ()
    return
  }
}

#map = affine_map<(d0, d1) -> (0)>
#map1 = affine_map<(d0, d1) -> (0, 0)>
#map2 = affine_map<(d0, d1) -> (0, 0, 0)>
module attributes {stable_mosaic.version = 14 : i64} {
  func.func @k(%arg0: i32, %arg1: i32, %arg2: memref<327680xi32, #tpu.memory_space<hbm>>, %arg3: memref<327680xi32, #tpu.memory_space<hbm>>, %arg4: memref<81920xf32, #tpu.memory_space<hbm>>, %arg5: memref<64xf32, #tpu.memory_space<hbm>>, %arg6: memref<10240x16xf32, #tpu.memory_space<hbm>>, %arg7: memref<2x10240x16xf32, #tpu.memory_space<hbm>>, %arg8: memref<1310720xf32, #tpu.memory_space<hbm>>, %arg9: memref<81920xf32, #tpu.memory_space<vmem>>, %arg10: memref<128xi32, #tpu.memory_space<vmem>>, %arg11: memref<128xi32, #tpu.memory_space<vmem>>, %arg12: memref<128x16xf32, #tpu.memory_space<vmem>>, %arg13: memref<512xf32, #tpu.memory_space<vmem>>, %arg14: memref<64xf32, #tpu.memory_space<vmem>>, %arg15: memref<10240x16xf32, #tpu.memory_space<vmem_shared>>) attributes {dimension_semantics = [#tpu.dimension_semantics<core_parallel>, #tpu.dimension_semantics<subcore_parallel>], iteration_bounds = array<i64: 2, 16>, scalar_prefetch = 0 : i64, scratch_operands = 7 : i64, tpu.core_type = #tpu.core_type<sc_vector_subcore>, window_params = [{transform_indices = #map}, {transform_indices = #map}, {transform_indices = #map}, {transform_indices = #map}, {transform_indices = #map1}, {transform_indices = #map2}, {transform_indices = #map}]} {
    %mul3A = arith.constant 163840 : i32
    %mul3A_0 = arith.muli %arg0, %mul3A : i32
    %mul3A_1 = arith.constant 10240 : i32
    %mul3A_2 = arith.muli %arg1, %mul3A_1 : i32
    %add3A = arith.addi %mul3A_0, %mul3A_2 : i32
    %mul3A_3 = arith.constant 640 : i32
    %mul3A_4 = arith.muli %arg1, %mul3A_3 : i32
    %mul3A_5 = arith.constant 640 : i32
    %mul3A_6 = arith.muli %arg1, %mul3A_5 : i32
    "tpu.region"() ({
      %run_scoped3A = tpu.sem_alloc : memref<!tpu.dma_semaphore, #tpu.memory_space<semaphore_mem>>
      %dma_start3A = arith.constant 0 : i32
      %dma_start3A_24 = tpu.memref_slice %arg15[%mul3A_6, %dma_start3A] : memref<10240x16xf32, #tpu.memory_space<vmem_shared>> -> memref<640x16xf32, #tpu.memory_space<vmem_shared>>
      %dma_start3A_25 = arith.constant 0 : i32
      %dma_start3A_26 = tpu.memref_slice %arg6[%mul3A_4, %dma_start3A_25] : memref<10240x16xf32, #tpu.memory_space<hbm>> -> memref<640x16xf32, #tpu.memory_space<hbm>>
      tpu.enqueue_dma source(%dma_start3A_26 : memref<640x16xf32, #tpu.memory_space<hbm>>) target(%dma_start3A_24 : memref<640x16xf32, #tpu.memory_space<vmem_shared>>) target_semaphore(%run_scoped3A : memref<!tpu.dma_semaphore, #tpu.memory_space<semaphore_mem>>)
      %dma_wait3A = arith.constant 0 : i32
      %dma_wait3A_27 = tpu.memref_slice %arg15[%mul3A_6, %dma_wait3A] : memref<10240x16xf32, #tpu.memory_space<vmem_shared>> -> memref<640x16xf32, #tpu.memory_space<vmem_shared>>
      %dma_wait3A_28 = arith.constant 0 : i32
      %dma_wait3A_29 = tpu.memref_slice %arg6[%mul3A_4, %dma_wait3A_28] : memref<10240x16xf32, #tpu.memory_space<hbm>> -> memref<640x16xf32, #tpu.memory_space<hbm>>
      tpu.wait_dma2 semaphore(%run_scoped3A : memref<!tpu.dma_semaphore, #tpu.memory_space<semaphore_mem>>) src(%dma_wait3A_29 : memref<640x16xf32, #tpu.memory_space<hbm>>) dst(%dma_wait3A_27 : memref<640x16xf32, #tpu.memory_space<vmem_shared>>)
      tpu.yield
    }) : () -> ()
    "tpu.region"() ({
      %run_scoped3A = tpu.sem_alloc : memref<!tpu.dma_semaphore, #tpu.memory_space<semaphore_mem>>
      tpu.enqueue_dma source(%arg4 : memref<81920xf32, #tpu.memory_space<hbm>>) target(%arg9 : memref<81920xf32, #tpu.memory_space<vmem>>) target_semaphore(%run_scoped3A : memref<!tpu.dma_semaphore, #tpu.memory_space<semaphore_mem>>)
      tpu.wait_dma2 semaphore(%run_scoped3A : memref<!tpu.dma_semaphore, #tpu.memory_space<semaphore_mem>>) src(%arg4 : memref<81920xf32, #tpu.memory_space<hbm>>) dst(%arg9 : memref<81920xf32, #tpu.memory_space<vmem>>)
      tpu.yield
    }) : () -> ()
    "tpu.region"() ({
      %run_scoped3A = tpu.sem_alloc : memref<!tpu.dma_semaphore, #tpu.memory_space<semaphore_mem>>
      tpu.enqueue_dma source(%arg5 : memref<64xf32, #tpu.memory_space<hbm>>) target(%arg14 : memref<64xf32, #tpu.memory_space<vmem>>) target_semaphore(%run_scoped3A : memref<!tpu.dma_semaphore, #tpu.memory_space<semaphore_mem>>)
      tpu.wait_dma2 semaphore(%run_scoped3A : memref<!tpu.dma_semaphore, #tpu.memory_space<semaphore_mem>>) src(%arg5 : memref<64xf32, #tpu.memory_space<hbm>>) dst(%arg14 : memref<64xf32, #tpu.memory_space<vmem>>)
      tpu.yield
    }) : () -> ()
    %broadcast_in_dim3A = arith.constant 0.000000e+00 : f32
    %broadcast_in_dim3A_7 = vector.broadcast %broadcast_in_dim3A : f32 to vector<16xf32>
    %scan3A = arith.constant 0 : i32
    %scan3A_8 = arith.constant 0 : i32
    %scan3A_9 = arith.constant 128 : i32
    %scan3A_10 = arith.addi %scan3A_8, %scan3A_9 : i32
    %scan3A_11 = arith.constant 1 : i32
    scf.for %scan3A_24 = %scan3A_8 to %scan3A_10 step %scan3A_11  : i32 {
      %swap3A = arith.index_cast %scan3A_24 : i32 to index
      %swap3A_25 = arith.constant 0 : index
      %swap3A_26 = tpu.vector_load %arg12[%swap3A, %swap3A_25] {strides = array<i32>} : memref<128x16xf32, #tpu.memory_space<vmem>>, vector<16xf32>,
      tpu.vector_store %arg12[%swap3A, %swap3A_25], %broadcast_in_dim3A_7 {strides = array<i32>} : memref<128x16xf32, #tpu.memory_space<vmem>>, vector<16xf32>,
    }
    %scan3A_12 = arith.constant 128 : i32
    %barrier3A = arith.constant 0 : index
    tpu.barrier barrier_id(%barrier3A)
    %iota3A = tpu.iota {dimensions = array<i32: 0>} : vector<16xi32>
    %scan3A_13 = arith.constant 0 : i32
    %scan3A_14 = arith.constant 0 : i32
    %scan3A_15 = arith.constant 80 : i32
    %scan3A_16 = arith.addi %scan3A_14, %scan3A_15 : i32
    %scan3A_17 = arith.constant 1 : i32
    scf.for %scan3A_24 = %scan3A_14 to %scan3A_16 step %scan3A_17  : i32 {
      %mul3A_25 = arith.constant 128 : i32
      %mul3A_26 = arith.muli %scan3A_24, %mul3A_25 : i32
      %add3A_27 = arith.addi %add3A, %mul3A_26 : i32
      "tpu.region"() ({
        %run_scoped3A = tpu.sem_alloc : memref<!tpu.dma_semaphore, #tpu.memory_space<semaphore_mem>>
        %dma_start3A = tpu.memref_slice %arg2[%add3A_27] : memref<327680xi32, #tpu.memory_space<hbm>> -> memref<128xi32, #tpu.memory_space<hbm>>
        %dma_start3A_36 = tpu.memref_slice %arg2[%add3A_27] : memref<327680xi32, #tpu.memory_space<hbm>> -> memref<128xi32, #tpu.memory_space<hbm>>
        tpu.enqueue_dma source(%dma_start3A_36 : memref<128xi32, #tpu.memory_space<hbm>>) target(%arg10 : memref<128xi32, #tpu.memory_space<vmem>>) target_semaphore(%run_scoped3A : memref<!tpu.dma_semaphore, #tpu.memory_space<semaphore_mem>>)
        %dma_wait3A = tpu.memref_slice %arg2[%add3A_27] : memref<327680xi32, #tpu.memory_space<hbm>> -> memref<128xi32, #tpu.memory_space<hbm>>
        %dma_wait3A_37 = tpu.memref_slice %arg2[%add3A_27] : memref<327680xi32, #tpu.memory_space<hbm>> -> memref<128xi32, #tpu.memory_space<hbm>>
        tpu.wait_dma2 semaphore(%run_scoped3A : memref<!tpu.dma_semaphore, #tpu.memory_space<semaphore_mem>>) src(%dma_wait3A_37 : memref<128xi32, #tpu.memory_space<hbm>>) dst(%arg10 : memref<128xi32, #tpu.memory_space<vmem>>)
        tpu.yield
      }) : () -> ()
      "tpu.region"() ({
        %run_scoped3A = tpu.sem_alloc : memref<!tpu.dma_semaphore, #tpu.memory_space<semaphore_mem>>
        %dma_start3A = tpu.memref_slice %arg3[%add3A_27] : memref<327680xi32, #tpu.memory_space<hbm>> -> memref<128xi32, #tpu.memory_space<hbm>>
        %dma_start3A_36 = tpu.memref_slice %arg3[%add3A_27] : memref<327680xi32, #tpu.memory_space<hbm>> -> memref<128xi32, #tpu.memory_space<hbm>>
        tpu.enqueue_dma source(%dma_start3A_36 : memref<128xi32, #tpu.memory_space<hbm>>) target(%arg11 : memref<128xi32, #tpu.memory_space<vmem>>) target_semaphore(%run_scoped3A : memref<!tpu.dma_semaphore, #tpu.memory_space<semaphore_mem>>)
        %dma_wait3A = tpu.memref_slice %arg3[%add3A_27] : memref<327680xi32, #tpu.memory_space<hbm>> -> memref<128xi32, #tpu.memory_space<hbm>>
        %dma_wait3A_37 = tpu.memref_slice %arg3[%add3A_27] : memref<327680xi32, #tpu.memory_space<hbm>> -> memref<128xi32, #tpu.memory_space<hbm>>
        tpu.wait_dma2 semaphore(%run_scoped3A : memref<!tpu.dma_semaphore, #tpu.memory_space<semaphore_mem>>) src(%dma_wait3A_37 : memref<128xi32, #tpu.memory_space<hbm>>) dst(%arg11 : memref<128xi32, #tpu.memory_space<vmem>>)
        tpu.yield
      }) : () -> ()
      %scan3A_28 = arith.constant 0 : i32
      %scan3A_29 = arith.constant 0 : i32
      %scan3A_30 = arith.constant 8 : i32
      %scan3A_31 = arith.addi %scan3A_29, %scan3A_30 : i32
      %scan3A_32 = arith.constant 1 : i32
      scf.for %scan3A_36 = %scan3A_29 to %scan3A_31 step %scan3A_32  : i32 {
        %mul3A_37 = arith.constant 16 : i32
        %mul3A_38 = arith.muli %scan3A_36, %mul3A_37 : i32
        %get3A = arith.index_cast %mul3A_38 : i32 to index
        %get3A_39 = tpu.vector_load %arg10[%get3A] {strides = array<i32>} : memref<128xi32, #tpu.memory_space<vmem>>, vector<16xi32>,
        %mul3A_40 = arith.constant 16 : i32
        %mul3A_41 = arith.muli %scan3A_36, %mul3A_40 : i32
        %get3A_42 = arith.index_cast %mul3A_41 : i32 to index
        %get3A_43 = tpu.vector_load %arg11[%get3A_42] {strides = array<i32>} : memref<128xi32, #tpu.memory_space<vmem>>, vector<16xi32>,
        %mul3A_44 = arith.constant 8 : i32
        %mul3A_45 = vector.broadcast %mul3A_44 : i32 to vector<16xi32>
        %mul3A_46 = arith.muli %get3A_39, %mul3A_45 : vector<16xi32>
        %mul3A_47 = arith.constant 8 : i32
        %mul3A_48 = vector.broadcast %mul3A_47 : i32 to vector<16xi32>
        %mul3A_49 = arith.muli %get3A_43, %mul3A_48 : vector<16xi32>
        %add3A_50 = arith.constant 4 : i32
        %add3A_51 = vector.broadcast %add3A_50 : i32 to vector<16xi32>
        %add3A_52 = arith.addi %mul3A_49, %add3A_51 : vector<16xi32>
        %mul3A_53 = arith.constant 16 : i32
        %mul3A_54 = arith.muli %scan3A_36, %mul3A_53 : i32
        %add3A_55 = vector.broadcast %mul3A_54 : i32 to vector<16xi32>
        %add3A_56 = arith.addi %add3A_55, %iota3A : vector<16xi32>
        %add3A_57 = arith.constant 0 : i32
        %add3A_58 = vector.broadcast %add3A_57 : i32 to vector<16xi32>
        %add3A_59 = arith.addi %mul3A_46, %add3A_58 : vector<16xi32>
        %gather3A = tpu.vector_load_idx %arg9[%add3A_59] : memref<81920xf32, #tpu.memory_space<vmem>>[vector<16xi32>], vector<16xf32>,
        %add3A_60 = arith.constant 0 : i32
        %add3A_61 = vector.broadcast %add3A_60 : i32 to vector<16xi32>
        %add3A_62 = arith.addi %add3A_52, %add3A_61 : vector<16xi32>
        %gather3A_63 = tpu.vector_load_idx %arg9[%add3A_62] : memref<81920xf32, #tpu.memory_space<vmem>>[vector<16xi32>], vector<16xf32>,
        %add3A_64 = arith.addf %gather3A, %gather3A_63 : vector<16xf32>
        %mul3A_65 = arith.constant 2.000000e-01 : f32
        %mul3A_66 = vector.broadcast %mul3A_65 : f32 to vector<16xf32>
        %mul3A_67 = arith.mulf %mul3A_66, %add3A_64 : vector<16xf32>
        %max3A = arith.maximumf %add3A_64, %mul3A_67 : vector<16xf32>
        %get3A_68 = arith.constant 0 : index
        %get3A_69 = tpu.vector_load %arg14[%get3A_68] {strides = array<i32>} : memref<64xf32, #tpu.memory_space<vmem>>, vector<16xf32>,
        %sub3A = arith.subf %max3A, %get3A_69 : vector<16xf32>
        %exp3A = math.exp %sub3A : vector<16xf32>
        %broadcast_in_dim3A_70 = arith.constant 0 : i32
        %broadcast_in_dim3A_71 = vector.broadcast %broadcast_in_dim3A_70 : i32 to vector<16xi32>
        tpu.vector_store_idx %arg12[%add3A_56, %broadcast_in_dim3A_71], %exp3A : memref<128x16xf32, #tpu.memory_space<vmem>>[vector<16xi32>, vector<16xi32>], vector<16xf32>,
        %mul3A_72 = arith.constant 4 : i32
        %mul3A_73 = vector.broadcast %mul3A_72 : i32 to vector<16xi32>
        %mul3A_74 = arith.muli %add3A_56, %mul3A_73 : vector<16xi32>
        %add3A_75 = arith.constant 0 : i32
        %add3A_76 = vector.broadcast %add3A_75 : i32 to vector<16xi32>
        %add3A_77 = arith.addi %mul3A_74, %add3A_76 : vector<16xi32>
        tpu.vector_store_idx %arg13[%add3A_77], %exp3A : memref<512xf32, #tpu.memory_space<vmem>>[vector<16xi32>], vector<16xf32>,
        %add3A_78 = arith.constant 1 : i32
        %add3A_79 = vector.broadcast %add3A_78 : i32 to vector<16xi32>
        %add3A_80 = arith.addi %mul3A_46, %add3A_79 : vector<16xi32>
        %gather3A_81 = tpu.vector_load_idx %arg9[%add3A_80] : memref<81920xf32, #tpu.memory_space<vmem>>[vector<16xi32>], vector<16xf32>,
        %add3A_82 = arith.constant 1 : i32
        %add3A_83 = vector.broadcast %add3A_82 : i32 to vector<16xi32>
        %add3A_84 = arith.addi %add3A_52, %add3A_83 : vector<16xi32>
        %gather3A_85 = tpu.vector_load_idx %arg9[%add3A_84] : memref<81920xf32, #tpu.memory_space<vmem>>[vector<16xi32>], vector<16xf32>,
        %add3A_86 = arith.addf %gather3A_81, %gather3A_85 : vector<16xf32>
        %mul3A_87 = arith.constant 2.000000e-01 : f32
        %mul3A_88 = vector.broadcast %mul3A_87 : f32 to vector<16xf32>
        %mul3A_89 = arith.mulf %mul3A_88, %add3A_86 : vector<16xf32>
        %max3A_90 = arith.maximumf %add3A_86, %mul3A_89 : vector<16xf32>
        %get3A_91 = arith.constant 16 : index
        %get3A_92 = tpu.vector_load %arg14[%get3A_91] {strides = array<i32>} : memref<64xf32, #tpu.memory_space<vmem>>, vector<16xf32>,
        %sub3A_93 = arith.subf %max3A_90, %get3A_92 : vector<16xf32>
        %exp3A_94 = math.exp %sub3A_93 : vector<16xf32>
        %broadcast_in_dim3A_95 = arith.constant 1 : i32
        %broadcast_in_dim3A_96 = vector.broadcast %broadcast_in_dim3A_95 : i32 to vector<16xi32>
        tpu.vector_store_idx %arg12[%add3A_56, %broadcast_in_dim3A_96], %exp3A_94 : memref<128x16xf32, #tpu.memory_space<vmem>>[vector<16xi32>, vector<16xi32>], vector<16xf32>,
        %mul3A_97 = arith.constant 4 : i32
        %mul3A_98 = vector.broadcast %mul3A_97 : i32 to vector<16xi32>
        %mul3A_99 = arith.muli %add3A_56, %mul3A_98 : vector<16xi32>
        %add3A_100 = arith.constant 1 : i32
        %add3A_101 = vector.broadcast %add3A_100 : i32 to vector<16xi32>
        %add3A_102 = arith.addi %mul3A_99, %add3A_101 : vector<16xi32>
        tpu.vector_store_idx %arg13[%add3A_102], %exp3A_94 : memref<512xf32, #tpu.memory_space<vmem>>[vector<16xi32>], vector<16xf32>,
        %add3A_103 = arith.constant 2 : i32
        %add3A_104 = vector.broadcast %add3A_103 : i32 to vector<16xi32>
        %add3A_105 = arith.addi %mul3A_46, %add3A_104 : vector<16xi32>
        %gather3A_106 = tpu.vector_load_idx %arg9[%add3A_105] : memref<81920xf32, #tpu.memory_space<vmem>>[vector<16xi32>], vector<16xf32>,
        %add3A_107 = arith.constant 2 : i32
        %add3A_108 = vector.broadcast %add3A_107 : i32 to vector<16xi32>
        %add3A_109 = arith.addi %add3A_52, %add3A_108 : vector<16xi32>
        %gather3A_110 = tpu.vector_load_idx %arg9[%add3A_109] : memref<81920xf32, #tpu.memory_space<vmem>>[vector<16xi32>], vector<16xf32>,
        %add3A_111 = arith.addf %gather3A_106, %gather3A_110 : vector<16xf32>
        %mul3A_112 = arith.constant 2.000000e-01 : f32
        %mul3A_113 = vector.broadcast %mul3A_112 : f32 to vector<16xf32>
        %mul3A_114 = arith.mulf %mul3A_113, %add3A_111 : vector<16xf32>
        %max3A_115 = arith.maximumf %add3A_111, %mul3A_114 : vector<16xf32>
        %get3A_116 = arith.constant 32 : index
        %get3A_117 = tpu.vector_load %arg14[%get3A_116] {strides = array<i32>} : memref<64xf32, #tpu.memory_space<vmem>>, vector<16xf32>,
        %sub3A_118 = arith.subf %max3A_115, %get3A_117 : vector<16xf32>
        %exp3A_119 = math.exp %sub3A_118 : vector<16xf32>
        %broadcast_in_dim3A_120 = arith.constant 2 : i32
        %broadcast_in_dim3A_121 = vector.broadcast %broadcast_in_dim3A_120 : i32 to vector<16xi32>
        tpu.vector_store_idx %arg12[%add3A_56, %broadcast_in_dim3A_121], %exp3A_119 : memref<128x16xf32, #tpu.memory_space<vmem>>[vector<16xi32>, vector<16xi32>], vector<16xf32>,
        %mul3A_122 = arith.constant 4 : i32
        %mul3A_123 = vector.broadcast %mul3A_122 : i32 to vector<16xi32>
        %mul3A_124 = arith.muli %add3A_56, %mul3A_123 : vector<16xi32>
        %add3A_125 = arith.constant 2 : i32
        %add3A_126 = vector.broadcast %add3A_125 : i32 to vector<16xi32>
        %add3A_127 = arith.addi %mul3A_124, %add3A_126 : vector<16xi32>
        tpu.vector_store_idx %arg13[%add3A_127], %exp3A_119 : memref<512xf32, #tpu.memory_space<vmem>>[vector<16xi32>], vector<16xf32>,
        %add3A_128 = arith.constant 3 : i32
        %add3A_129 = vector.broadcast %add3A_128 : i32 to vector<16xi32>
        %add3A_130 = arith.addi %mul3A_46, %add3A_129 : vector<16xi32>
        %gather3A_131 = tpu.vector_load_idx %arg9[%add3A_130] : memref<81920xf32, #tpu.memory_space<vmem>>[vector<16xi32>], vector<16xf32>,
        %add3A_132 = arith.constant 3 : i32
        %add3A_133 = vector.broadcast %add3A_132 : i32 to vector<16xi32>
        %add3A_134 = arith.addi %add3A_52, %add3A_133 : vector<16xi32>
        %gather3A_135 = tpu.vector_load_idx %arg9[%add3A_134] : memref<81920xf32, #tpu.memory_space<vmem>>[vector<16xi32>], vector<16xf32>,
        %add3A_136 = arith.addf %gather3A_131, %gather3A_135 : vector<16xf32>
        %mul3A_137 = arith.constant 2.000000e-01 : f32
        %mul3A_138 = vector.broadcast %mul3A_137 : f32 to vector<16xf32>
        %mul3A_139 = arith.mulf %mul3A_138, %add3A_136 : vector<16xf32>
        %max3A_140 = arith.maximumf %add3A_136, %mul3A_139 : vector<16xf32>
        %get3A_141 = arith.constant 48 : index
        %get3A_142 = tpu.vector_load %arg14[%get3A_141] {strides = array<i32>} : memref<64xf32, #tpu.memory_space<vmem>>, vector<16xf32>,
        %sub3A_143 = arith.subf %max3A_140, %get3A_142 : vector<16xf32>
        %exp3A_144 = math.exp %sub3A_143 : vector<16xf32>
        %broadcast_in_dim3A_145 = arith.constant 3 : i32
        %broadcast_in_dim3A_146 = vector.broadcast %broadcast_in_dim3A_145 : i32 to vector<16xi32>
        tpu.vector_store_idx %arg12[%add3A_56, %broadcast_in_dim3A_146], %exp3A_144 : memref<128x16xf32, #tpu.memory_space<vmem>>[vector<16xi32>, vector<16xi32>], vector<16xf32>,
        %mul3A_147 = arith.constant 4 : i32
        %mul3A_148 = vector.broadcast %mul3A_147 : i32 to vector<16xi32>
        %mul3A_149 = arith.muli %add3A_56, %mul3A_148 : vector<16xi32>
        %add3A_150 = arith.constant 3 : i32
        %add3A_151 = vector.broadcast %add3A_150 : i32 to vector<16xi32>
        %add3A_152 = arith.addi %mul3A_149, %add3A_151 : vector<16xi32>
        tpu.vector_store_idx %arg13[%add3A_152], %exp3A_144 : memref<512xf32, #tpu.memory_space<vmem>>[vector<16xi32>], vector<16xf32>,
      }
      %scan3A_33 = arith.constant 8 : i32
      %mul3A_34 = arith.constant 4 : i32
      %mul3A_35 = arith.muli %add3A_27, %mul3A_34 : i32
      "tpu.region"() ({
        %run_scoped3A = tpu.sem_alloc : memref<!tpu.dma_semaphore, #tpu.memory_space<semaphore_mem>>
        %dma_start3A = tpu.memref_slice %arg8[%mul3A_35] : memref<1310720xf32, #tpu.memory_space<hbm>> -> memref<512xf32, #tpu.memory_space<hbm>>
        %dma_start3A_36 = tpu.memref_slice %arg8[%mul3A_35] : memref<1310720xf32, #tpu.memory_space<hbm>> -> memref<512xf32, #tpu.memory_space<hbm>>
        tpu.enqueue_dma source(%arg13 : memref<512xf32, #tpu.memory_space<vmem>>) target(%dma_start3A_36 : memref<512xf32, #tpu.memory_space<hbm>>) target_semaphore(%run_scoped3A : memref<!tpu.dma_semaphore, #tpu.memory_space<semaphore_mem>>)
        %dma_wait3A = tpu.memref_slice %arg8[%mul3A_35] : memref<1310720xf32, #tpu.memory_space<hbm>> -> memref<512xf32, #tpu.memory_space<hbm>>
        %dma_wait3A_37 = tpu.memref_slice %arg8[%mul3A_35] : memref<1310720xf32, #tpu.memory_space<hbm>> -> memref<512xf32, #tpu.memory_space<hbm>>
        tpu.wait_dma2 semaphore(%run_scoped3A : memref<!tpu.dma_semaphore, #tpu.memory_space<semaphore_mem>>) src(%arg13 : memref<512xf32, #tpu.memory_space<vmem>>) dst(%dma_wait3A_37 : memref<512xf32, #tpu.memory_space<hbm>>)
        tpu.yield
      }) : () -> ()
      "tpu.region"() ({
        %run_scoped3A = tpu.sem_alloc : memref<!tpu.dma_semaphore, #tpu.memory_space<semaphore_mem>>
        %dma_start3A = arith.constant 0 : i32
        %dma_start3A_36 = arith.constant 0 : i32
        %dma_start3A_37 = tpu.memref_slice %arg15[%dma_start3A, %dma_start3A_36] : memref<10240x16xf32, #tpu.memory_space<vmem_shared>> -> memref<10240x16xf32, #tpu.memory_space<vmem_shared>>
        tpu.enqueue_indirect_dma source(%arg12 : memref<128x16xf32, #tpu.memory_space<vmem>>) target(%dma_start3A_37 : memref<10240x16xf32, #tpu.memory_space<vmem_shared>>) offsets(%arg11 : memref<128xi32, #tpu.memory_space<vmem>>) semaphore(%run_scoped3A : memref<!tpu.dma_semaphore, #tpu.memory_space<semaphore_mem>>) {add = true}
        %dma_wait3A = arith.constant 0 : i32
        %dma_wait3A_38 = arith.constant 0 : i32
        %dma_wait3A_39 = tpu.memref_slice %arg15[%dma_wait3A, %dma_wait3A_38] : memref<10240x16xf32, #tpu.memory_space<vmem_shared>> -> memref<10240x16xf32, #tpu.memory_space<vmem_shared>>
        tpu.wait_indirect_dma semaphore(%run_scoped3A : memref<!tpu.dma_semaphore, #tpu.memory_space<semaphore_mem>>) src(%arg12 : memref<128x16xf32, #tpu.memory_space<vmem>>) dst(%dma_wait3A_39 : memref<10240x16xf32, #tpu.memory_space<vmem_shared>>)
        tpu.yield
      }) : () -> ()
    }
    %scan3A_18 = arith.constant 80 : i32
    %barrier3A_19 = arith.constant 0 : index
    tpu.barrier barrier_id(%barrier3A_19)
    %mul3A_20 = arith.constant 640 : i32
    %mul3A_21 = arith.muli %arg1, %mul3A_20 : i32
    %mul3A_22 = arith.constant 640 : i32
    %mul3A_23 = arith.muli %arg1, %mul3A_22 : i32
    "tpu.region"() ({
      %run_scoped3A = tpu.sem_alloc : memref<!tpu.dma_semaphore, #tpu.memory_space<semaphore_mem>>
      %dma_start3A = arith.constant 0 : i32
      %dma_start3A_24 = tpu.memref_slice %arg7[%arg0, %mul3A_23, %dma_start3A] : memref<2x10240x16xf32, #tpu.memory_space<hbm>> -> memref<1x640x16xf32, #tpu.memory_space<hbm>>
      %dma_start3A_25 = tpu.memref_squeeze %dma_start3A_24 : memref<1x640x16xf32, #tpu.memory_space<hbm>> -> memref<640x16xf32, #tpu.memory_space<hbm>>
      %dma_start3A_26 = arith.constant 0 : i32
      %dma_start3A_27 = tpu.memref_slice %arg15[%mul3A_21, %dma_start3A_26] : memref<10240x16xf32, #tpu.memory_space<vmem_shared>> -> memref<640x16xf32, #tpu.memory_space<vmem_shared>>
      tpu.enqueue_dma source(%dma_start3A_27 : memref<640x16xf32, #tpu.memory_space<vmem_shared>>) target(%dma_start3A_25 : memref<640x16xf32, #tpu.memory_space<hbm>>) target_semaphore(%run_scoped3A : memref<!tpu.dma_semaphore, #tpu.memory_space<semaphore_mem>>)
      %dma_wait3A = arith.constant 0 : i32
      %dma_wait3A_28 = tpu.memref_slice %arg7[%arg0, %mul3A_23, %dma_wait3A] : memref<2x10240x16xf32, #tpu.memory_space<hbm>> -> memref<1x640x16xf32, #tpu.memory_space<hbm>>
      %dma_wait3A_29 = tpu.memref_squeeze %dma_wait3A_28 : memref<1x640x16xf32, #tpu.memory_space<hbm>> -> memref<640x16xf32, #tpu.memory_space<hbm>>
      %dma_wait3A_30 = arith.constant 0 : i32
      %dma_wait3A_31 = tpu.memref_slice %arg15[%mul3A_21, %dma_wait3A_30] : memref<10240x16xf32, #tpu.memory_space<vmem_shared>> -> memref<640x16xf32, #tpu.memory_space<vmem_shared>>
      tpu.wait_dma2 semaphore(%run_scoped3A : memref<!tpu.dma_semaphore, #tpu.memory_space<semaphore_mem>>) src(%dma_wait3A_31 : memref<640x16xf32, #tpu.memory_space<vmem_shared>>) dst(%dma_wait3A_29 : memref<640x16xf32, #tpu.memory_space<hbm>>)
      tpu.yield
    }) : () -> ()
    return
  }
}

#map = affine_map<(d0, d1) -> (0)>
module attributes {stable_mosaic.version = 14 : i64} {
  func.func @k(%arg0: i32, %arg1: i32, %arg2: memref<327680xi32, #tpu.memory_space<hbm>>, %arg3: memref<1310720xf32, #tpu.memory_space<hbm>>, %arg4: memref<40960xf32, #tpu.memory_space<hbm>>, %arg5: memref<1310720xf32, #tpu.memory_space<hbm>>, %arg6: memref<128xi32, #tpu.memory_space<vmem>>, %arg7: memref<512xf32, #tpu.memory_space<vmem>>, %arg8: memref<40960xf32, #tpu.memory_space<vmem>>, %arg9: memref<512xf32, #tpu.memory_space<vmem>>, %arg10: memref<!tpu.dma_semaphore, #tpu.memory_space<semaphore_mem>>) attributes {dimension_semantics = [#tpu.dimension_semantics<core_parallel>, #tpu.dimension_semantics<subcore_parallel>], iteration_bounds = array<i64: 2, 16>, scalar_prefetch = 0 : i64, scratch_operands = 5 : i64, tpu.core_type = #tpu.core_type<sc_vector_subcore>, window_params = [{transform_indices = #map}, {transform_indices = #map}, {transform_indices = #map}, {transform_indices = #map}]} {
    %mul3A = arith.constant 163840 : i32
    %mul3A_0 = arith.muli %arg0, %mul3A : i32
    %mul3A_1 = arith.constant 10240 : i32
    %mul3A_2 = arith.muli %arg1, %mul3A_1 : i32
    %add3A = arith.addi %mul3A_0, %mul3A_2 : i32
    %iota3A = tpu.iota {dimensions = array<i32: 0>} : vector<16xi32>
    "tpu.region"() ({
      %run_scoped3A = tpu.sem_alloc : memref<!tpu.dma_semaphore, #tpu.memory_space<semaphore_mem>>
      tpu.enqueue_dma source(%arg4 : memref<40960xf32, #tpu.memory_space<hbm>>) target(%arg8 : memref<40960xf32, #tpu.memory_space<vmem>>) target_semaphore(%run_scoped3A : memref<!tpu.dma_semaphore, #tpu.memory_space<semaphore_mem>>)
      tpu.wait_dma2 semaphore(%run_scoped3A : memref<!tpu.dma_semaphore, #tpu.memory_space<semaphore_mem>>) src(%arg4 : memref<40960xf32, #tpu.memory_space<hbm>>) dst(%arg8 : memref<40960xf32, #tpu.memory_space<vmem>>)
      tpu.yield
    }) : () -> ()
    %scan3A = arith.constant 0 : i32
    %scan3A_3 = arith.constant 0 : i32
    %scan3A_4 = arith.constant 80 : i32
    %scan3A_5 = arith.addi %scan3A_3, %scan3A_4 : i32
    %scan3A_6 = arith.constant 1 : i32
    scf.for %scan3A_8 = %scan3A_3 to %scan3A_5 step %scan3A_6  : i32 {
      %mul3A_9 = arith.constant 128 : i32
      %mul3A_10 = arith.muli %scan3A_8, %mul3A_9 : i32
      %add3A_11 = arith.addi %add3A, %mul3A_10 : i32
      "tpu.region"() ({
        %run_scoped3A = tpu.sem_alloc : memref<!tpu.dma_semaphore, #tpu.memory_space<semaphore_mem>>
        %dma_start3A = tpu.memref_slice %arg2[%add3A_11] : memref<327680xi32, #tpu.memory_space<hbm>> -> memref<128xi32, #tpu.memory_space<hbm>>
        %dma_start3A_22 = tpu.memref_slice %arg2[%add3A_11] : memref<327680xi32, #tpu.memory_space<hbm>> -> memref<128xi32, #tpu.memory_space<hbm>>
        tpu.enqueue_dma source(%dma_start3A_22 : memref<128xi32, #tpu.memory_space<hbm>>) target(%arg6 : memref<128xi32, #tpu.memory_space<vmem>>) target_semaphore(%run_scoped3A : memref<!tpu.dma_semaphore, #tpu.memory_space<semaphore_mem>>)
        %dma_wait3A = tpu.memref_slice %arg2[%add3A_11] : memref<327680xi32, #tpu.memory_space<hbm>> -> memref<128xi32, #tpu.memory_space<hbm>>
        %dma_wait3A_23 = tpu.memref_slice %arg2[%add3A_11] : memref<327680xi32, #tpu.memory_space<hbm>> -> memref<128xi32, #tpu.memory_space<hbm>>
        tpu.wait_dma2 semaphore(%run_scoped3A : memref<!tpu.dma_semaphore, #tpu.memory_space<semaphore_mem>>) src(%dma_wait3A_23 : memref<128xi32, #tpu.memory_space<hbm>>) dst(%arg6 : memref<128xi32, #tpu.memory_space<vmem>>)
        tpu.yield
      }) : () -> ()
      %mul3A_12 = arith.constant 4 : i32
      %mul3A_13 = arith.muli %add3A_11, %mul3A_12 : i32
      "tpu.region"() ({
        %run_scoped3A = tpu.sem_alloc : memref<!tpu.dma_semaphore, #tpu.memory_space<semaphore_mem>>
        %dma_start3A = tpu.memref_slice %arg3[%mul3A_13] : memref<1310720xf32, #tpu.memory_space<hbm>> -> memref<512xf32, #tpu.memory_space<hbm>>
        %dma_start3A_22 = tpu.memref_slice %arg3[%mul3A_13] : memref<1310720xf32, #tpu.memory_space<hbm>> -> memref<512xf32, #tpu.memory_space<hbm>>
        tpu.enqueue_dma source(%dma_start3A_22 : memref<512xf32, #tpu.memory_space<hbm>>) target(%arg7 : memref<512xf32, #tpu.memory_space<vmem>>) target_semaphore(%run_scoped3A : memref<!tpu.dma_semaphore, #tpu.memory_space<semaphore_mem>>)
        %dma_wait3A = tpu.memref_slice %arg3[%mul3A_13] : memref<1310720xf32, #tpu.memory_space<hbm>> -> memref<512xf32, #tpu.memory_space<hbm>>
        %dma_wait3A_23 = tpu.memref_slice %arg3[%mul3A_13] : memref<1310720xf32, #tpu.memory_space<hbm>> -> memref<512xf32, #tpu.memory_space<hbm>>
        tpu.wait_dma2 semaphore(%run_scoped3A : memref<!tpu.dma_semaphore, #tpu.memory_space<semaphore_mem>>) src(%dma_wait3A_23 : memref<512xf32, #tpu.memory_space<hbm>>) dst(%arg7 : memref<512xf32, #tpu.memory_space<vmem>>)
        tpu.yield
      }) : () -> ()
      %scan3A_14 = arith.constant 0 : i32
      %scan3A_15 = arith.constant 0 : i32
      %scan3A_16 = arith.constant 8 : i32
      %scan3A_17 = arith.addi %scan3A_15, %scan3A_16 : i32
      %scan3A_18 = arith.constant 1 : i32
      scf.for %scan3A_22 = %scan3A_15 to %scan3A_17 step %scan3A_18  : i32 {
        %mul3A_23 = arith.constant 16 : i32
        %mul3A_24 = arith.muli %scan3A_22, %mul3A_23 : i32
        %get3A = arith.index_cast %mul3A_24 : i32 to index
        %get3A_25 = tpu.vector_load %arg6[%get3A] {strides = array<i32>} : memref<128xi32, #tpu.memory_space<vmem>>, vector<16xi32>,
        %mul3A_26 = arith.constant 16 : i32
        %mul3A_27 = arith.muli %scan3A_22, %mul3A_26 : i32
        %add3A_28 = vector.broadcast %mul3A_27 : i32 to vector<16xi32>
        %add3A_29 = arith.addi %add3A_28, %iota3A : vector<16xi32>
        %mul3A_30 = arith.constant 4 : i32
        %mul3A_31 = vector.broadcast %mul3A_30 : i32 to vector<16xi32>
        %mul3A_32 = arith.muli %add3A_29, %mul3A_31 : vector<16xi32>
        %add3A_33 = arith.constant 0 : i32
        %add3A_34 = vector.broadcast %add3A_33 : i32 to vector<16xi32>
        %add3A_35 = arith.addi %mul3A_32, %add3A_34 : vector<16xi32>
        %gather3A = tpu.vector_load_idx %arg7[%add3A_35] : memref<512xf32, #tpu.memory_space<vmem>>[vector<16xi32>], vector<16xf32>,
        %mul3A_36 = arith.constant 4 : i32
        %mul3A_37 = vector.broadcast %mul3A_36 : i32 to vector<16xi32>
        %mul3A_38 = arith.muli %get3A_25, %mul3A_37 : vector<16xi32>
        %add3A_39 = arith.constant 0 : i32
        %add3A_40 = vector.broadcast %add3A_39 : i32 to vector<16xi32>
        %add3A_41 = arith.addi %mul3A_38, %add3A_40 : vector<16xi32>
        %gather3A_42 = tpu.vector_load_idx %arg8[%add3A_41] : memref<40960xf32, #tpu.memory_space<vmem>>[vector<16xi32>], vector<16xf32>,
        %mul3A_43 = arith.constant 4 : i32
        %mul3A_44 = vector.broadcast %mul3A_43 : i32 to vector<16xi32>
        %mul3A_45 = arith.muli %add3A_29, %mul3A_44 : vector<16xi32>
        %add3A_46 = arith.constant 0 : i32
        %add3A_47 = vector.broadcast %add3A_46 : i32 to vector<16xi32>
        %add3A_48 = arith.addi %mul3A_45, %add3A_47 : vector<16xi32>
        %add3A_49 = arith.constant 9.99999971E-10 : f32
        %add3A_50 = vector.broadcast %add3A_49 : f32 to vector<16xf32>
        %add3A_51 = arith.addf %gather3A_42, %add3A_50 : vector<16xf32>
        %div3A = arith.divf %gather3A, %add3A_51 : vector<16xf32>
        tpu.vector_store_idx %arg9[%add3A_48], %div3A : memref<512xf32, #tpu.memory_space<vmem>>[vector<16xi32>], vector<16xf32>,
        %mul3A_52 = arith.constant 4 : i32
        %mul3A_53 = vector.broadcast %mul3A_52 : i32 to vector<16xi32>
        %mul3A_54 = arith.muli %add3A_29, %mul3A_53 : vector<16xi32>
        %add3A_55 = arith.constant 1 : i32
        %add3A_56 = vector.broadcast %add3A_55 : i32 to vector<16xi32>
        %add3A_57 = arith.addi %mul3A_54, %add3A_56 : vector<16xi32>
        %gather3A_58 = tpu.vector_load_idx %arg7[%add3A_57] : memref<512xf32, #tpu.memory_space<vmem>>[vector<16xi32>], vector<16xf32>,
        %mul3A_59 = arith.constant 4 : i32
        %mul3A_60 = vector.broadcast %mul3A_59 : i32 to vector<16xi32>
        %mul3A_61 = arith.muli %get3A_25, %mul3A_60 : vector<16xi32>
        %add3A_62 = arith.constant 1 : i32
        %add3A_63 = vector.broadcast %add3A_62 : i32 to vector<16xi32>
        %add3A_64 = arith.addi %mul3A_61, %add3A_63 : vector<16xi32>
        %gather3A_65 = tpu.vector_load_idx %arg8[%add3A_64] : memref<40960xf32, #tpu.memory_space<vmem>>[vector<16xi32>], vector<16xf32>,
        %mul3A_66 = arith.constant 4 : i32
        %mul3A_67 = vector.broadcast %mul3A_66 : i32 to vector<16xi32>
        %mul3A_68 = arith.muli %add3A_29, %mul3A_67 : vector<16xi32>
        %add3A_69 = arith.constant 1 : i32
        %add3A_70 = vector.broadcast %add3A_69 : i32 to vector<16xi32>
        %add3A_71 = arith.addi %mul3A_68, %add3A_70 : vector<16xi32>
        %add3A_72 = arith.constant 9.99999971E-10 : f32
        %add3A_73 = vector.broadcast %add3A_72 : f32 to vector<16xf32>
        %add3A_74 = arith.addf %gather3A_65, %add3A_73 : vector<16xf32>
        %div3A_75 = arith.divf %gather3A_58, %add3A_74 : vector<16xf32>
        tpu.vector_store_idx %arg9[%add3A_71], %div3A_75 : memref<512xf32, #tpu.memory_space<vmem>>[vector<16xi32>], vector<16xf32>,
        %mul3A_76 = arith.constant 4 : i32
        %mul3A_77 = vector.broadcast %mul3A_76 : i32 to vector<16xi32>
        %mul3A_78 = arith.muli %add3A_29, %mul3A_77 : vector<16xi32>
        %add3A_79 = arith.constant 2 : i32
        %add3A_80 = vector.broadcast %add3A_79 : i32 to vector<16xi32>
        %add3A_81 = arith.addi %mul3A_78, %add3A_80 : vector<16xi32>
        %gather3A_82 = tpu.vector_load_idx %arg7[%add3A_81] : memref<512xf32, #tpu.memory_space<vmem>>[vector<16xi32>], vector<16xf32>,
        %mul3A_83 = arith.constant 4 : i32
        %mul3A_84 = vector.broadcast %mul3A_83 : i32 to vector<16xi32>
        %mul3A_85 = arith.muli %get3A_25, %mul3A_84 : vector<16xi32>
        %add3A_86 = arith.constant 2 : i32
        %add3A_87 = vector.broadcast %add3A_86 : i32 to vector<16xi32>
        %add3A_88 = arith.addi %mul3A_85, %add3A_87 : vector<16xi32>
        %gather3A_89 = tpu.vector_load_idx %arg8[%add3A_88] : memref<40960xf32, #tpu.memory_space<vmem>>[vector<16xi32>], vector<16xf32>,
        %mul3A_90 = arith.constant 4 : i32
        %mul3A_91 = vector.broadcast %mul3A_90 : i32 to vector<16xi32>
        %mul3A_92 = arith.muli %add3A_29, %mul3A_91 : vector<16xi32>
        %add3A_93 = arith.constant 2 : i32
        %add3A_94 = vector.broadcast %add3A_93 : i32 to vector<16xi32>
        %add3A_95 = arith.addi %mul3A_92, %add3A_94 : vector<16xi32>
        %add3A_96 = arith.constant 9.99999971E-10 : f32
        %add3A_97 = vector.broadcast %add3A_96 : f32 to vector<16xf32>
        %add3A_98 = arith.addf %gather3A_89, %add3A_97 : vector<16xf32>
        %div3A_99 = arith.divf %gather3A_82, %add3A_98 : vector<16xf32>
        tpu.vector_store_idx %arg9[%add3A_95], %div3A_99 : memref<512xf32, #tpu.memory_space<vmem>>[vector<16xi32>], vector<16xf32>,
        %mul3A_100 = arith.constant 4 : i32
        %mul3A_101 = vector.broadcast %mul3A_100 : i32 to vector<16xi32>
        %mul3A_102 = arith.muli %add3A_29, %mul3A_101 : vector<16xi32>
        %add3A_103 = arith.constant 3 : i32
        %add3A_104 = vector.broadcast %add3A_103 : i32 to vector<16xi32>
        %add3A_105 = arith.addi %mul3A_102, %add3A_104 : vector<16xi32>
        %gather3A_106 = tpu.vector_load_idx %arg7[%add3A_105] : memref<512xf32, #tpu.memory_space<vmem>>[vector<16xi32>], vector<16xf32>,
        %mul3A_107 = arith.constant 4 : i32
        %mul3A_108 = vector.broadcast %mul3A_107 : i32 to vector<16xi32>
        %mul3A_109 = arith.muli %get3A_25, %mul3A_108 : vector<16xi32>
        %add3A_110 = arith.constant 3 : i32
        %add3A_111 = vector.broadcast %add3A_110 : i32 to vector<16xi32>
        %add3A_112 = arith.addi %mul3A_109, %add3A_111 : vector<16xi32>
        %gather3A_113 = tpu.vector_load_idx %arg8[%add3A_112] : memref<40960xf32, #tpu.memory_space<vmem>>[vector<16xi32>], vector<16xf32>,
        %mul3A_114 = arith.constant 4 : i32
        %mul3A_115 = vector.broadcast %mul3A_114 : i32 to vector<16xi32>
        %mul3A_116 = arith.muli %add3A_29, %mul3A_115 : vector<16xi32>
        %add3A_117 = arith.constant 3 : i32
        %add3A_118 = vector.broadcast %add3A_117 : i32 to vector<16xi32>
        %add3A_119 = arith.addi %mul3A_116, %add3A_118 : vector<16xi32>
        %add3A_120 = arith.constant 9.99999971E-10 : f32
        %add3A_121 = vector.broadcast %add3A_120 : f32 to vector<16xf32>
        %add3A_122 = arith.addf %gather3A_113, %add3A_121 : vector<16xf32>
        %div3A_123 = arith.divf %gather3A_106, %add3A_122 : vector<16xf32>
        tpu.vector_store_idx %arg9[%add3A_119], %div3A_123 : memref<512xf32, #tpu.memory_space<vmem>>[vector<16xi32>], vector<16xf32>,
      }
      %scan3A_19 = arith.constant 8 : i32
      %mul3A_20 = arith.constant 4 : i32
      %mul3A_21 = arith.muli %add3A_11, %mul3A_20 : i32
      "tpu.region"() ({
        %run_scoped3A = tpu.sem_alloc : memref<!tpu.dma_semaphore, #tpu.memory_space<semaphore_mem>>
        %dma_start3A = tpu.memref_slice %arg5[%mul3A_21] : memref<1310720xf32, #tpu.memory_space<hbm>> -> memref<512xf32, #tpu.memory_space<hbm>>
        %dma_start3A_22 = tpu.memref_slice %arg5[%mul3A_21] : memref<1310720xf32, #tpu.memory_space<hbm>> -> memref<512xf32, #tpu.memory_space<hbm>>
        tpu.enqueue_dma source(%arg9 : memref<512xf32, #tpu.memory_space<vmem>>) target(%dma_start3A_22 : memref<512xf32, #tpu.memory_space<hbm>>) target_semaphore(%run_scoped3A : memref<!tpu.dma_semaphore, #tpu.memory_space<semaphore_mem>>)
        %dma_wait3A = tpu.memref_slice %arg5[%mul3A_21] : memref<1310720xf32, #tpu.memory_space<hbm>> -> memref<512xf32, #tpu.memory_space<hbm>>
        %dma_wait3A_23 = tpu.memref_slice %arg5[%mul3A_21] : memref<1310720xf32, #tpu.memory_space<hbm>> -> memref<512xf32, #tpu.memory_space<hbm>>
        tpu.wait_dma2 semaphore(%run_scoped3A : memref<!tpu.dma_semaphore, #tpu.memory_space<semaphore_mem>>) src(%arg9 : memref<512xf32, #tpu.memory_space<vmem>>) dst(%dma_wait3A_23 : memref<512xf32, #tpu.memory_space<hbm>>)
        tpu.yield
      }) : () -> ()
    }
    %scan3A_7 = arith.constant 80 : i32
    return
  }
}

#map = affine_map<(d0, d1) -> (0)>
#map1 = affine_map<(d0, d1) -> (0, 0)>
#map2 = affine_map<(d0, d1) -> (0, 0, 0)>
module attributes {stable_mosaic.version = 14 : i64} {
  func.func @k(%arg0: i32, %arg1: i32, %arg2: memref<327680xi32, #tpu.memory_space<hbm>>, %arg3: memref<327680xi32, #tpu.memory_space<hbm>>, %arg4: memref<1310720xf32, #tpu.memory_space<hbm>>, %arg5: memref<20000x64xf32, #tpu.memory_space<hbm>>, %arg6: memref<2x10240x64xf32, #tpu.memory_space<hbm>>, %arg7: memref<128xi32, #tpu.memory_space<vmem>>, %arg8: memref<128xi32, #tpu.memory_space<vmem>>, %arg9: memref<512xf32, #tpu.memory_space<vmem>>, %arg10: memref<128x64xf32, #tpu.memory_space<vmem>>, %arg11: memref<10240x64xf32, #tpu.memory_space<vmem_shared>>, %arg12: memref<!tpu.dma_semaphore, #tpu.memory_space<semaphore_mem>>) attributes {dimension_semantics = [#tpu.dimension_semantics<core_parallel>, #tpu.dimension_semantics<subcore_parallel>], iteration_bounds = array<i64: 2, 16>, scalar_prefetch = 0 : i64, scratch_operands = 6 : i64, tpu.core_type = #tpu.core_type<sc_vector_subcore>, window_params = [{transform_indices = #map}, {transform_indices = #map}, {transform_indices = #map}, {transform_indices = #map1}, {transform_indices = #map2}]} {
    %mul3A = arith.constant 20480 : i32
    %mul3A_0 = arith.muli %arg1, %mul3A : i32
    %broadcast_in_dim3A = arith.constant 0.000000e+00 : f32
    %broadcast_in_dim3A_1 = vector.broadcast %broadcast_in_dim3A : f32 to vector<16xf32>
    %mul3A_2 = arith.constant 10000 : i32
    %mul3A_3 = arith.muli %arg0, %mul3A_2 : i32
    %scan3A = arith.constant 0 : i32
    %scan3A_4 = arith.constant 0 : i32
    %scan3A_5 = arith.constant 128 : i32
    %scan3A_6 = arith.addi %scan3A_4, %scan3A_5 : i32
    %scan3A_7 = arith.constant 1 : i32
    scf.for %scan3A_39 = %scan3A_4 to %scan3A_6 step %scan3A_7  : i32 {
      %swap3A = arith.index_cast %scan3A_39 : i32 to index
      %swap3A_40 = arith.constant 0 : index
      %swap3A_41 = tpu.vector_load %arg10[%swap3A, %swap3A_40] {strides = array<i32>} : memref<128x64xf32, #tpu.memory_space<vmem>>, vector<16xf32>,
      tpu.vector_store %arg10[%swap3A, %swap3A_40], %broadcast_in_dim3A_1 {strides = array<i32>} : memref<128x64xf32, #tpu.memory_space<vmem>>, vector<16xf32>,
      %swap3A_42 = arith.index_cast %scan3A_39 : i32 to index
      %swap3A_43 = arith.constant 16 : index
      %swap3A_44 = tpu.vector_load %arg10[%swap3A_42, %swap3A_43] {strides = array<i32>} : memref<128x64xf32, #tpu.memory_space<vmem>>, vector<16xf32>,
      tpu.vector_store %arg10[%swap3A_42, %swap3A_43], %broadcast_in_dim3A_1 {strides = array<i32>} : memref<128x64xf32, #tpu.memory_space<vmem>>, vector<16xf32>,
      %swap3A_45 = arith.index_cast %scan3A_39 : i32 to index
      %swap3A_46 = arith.constant 32 : index
      %swap3A_47 = tpu.vector_load %arg10[%swap3A_45, %swap3A_46] {strides = array<i32>} : memref<128x64xf32, #tpu.memory_space<vmem>>, vector<16xf32>,
      tpu.vector_store %arg10[%swap3A_45, %swap3A_46], %broadcast_in_dim3A_1 {strides = array<i32>} : memref<128x64xf32, #tpu.memory_space<vmem>>, vector<16xf32>,
      %swap3A_48 = arith.index_cast %scan3A_39 : i32 to index
      %swap3A_49 = arith.constant 48 : index
      %swap3A_50 = tpu.vector_load %arg10[%swap3A_48, %swap3A_49] {strides = array<i32>} : memref<128x64xf32, #tpu.memory_space<vmem>>, vector<16xf32>,
      tpu.vector_store %arg10[%swap3A_48, %swap3A_49], %broadcast_in_dim3A_1 {strides = array<i32>} : memref<128x64xf32, #tpu.memory_space<vmem>>, vector<16xf32>,
    }
    %scan3A_8 = arith.constant 128 : i32
    %mul3A_9 = arith.constant 640 : i32
    %mul3A_10 = arith.muli %arg1, %mul3A_9 : i32
    %add3A = arith.constant 0 : i32
    %add3A_11 = arith.addi %mul3A_10, %add3A : i32
    "tpu.region"() ({
      %run_scoped3A = tpu.sem_alloc : memref<!tpu.dma_semaphore, #tpu.memory_space<semaphore_mem>>
      %dma_start3A = arith.constant 0 : i32
      %dma_start3A_39 = tpu.memref_slice %arg11[%add3A_11, %dma_start3A] : memref<10240x64xf32, #tpu.memory_space<vmem_shared>> -> memref<128x64xf32, #tpu.memory_space<vmem_shared>>
      %dma_start3A_40 = arith.constant 0 : i32
      %dma_start3A_41 = tpu.memref_slice %arg11[%add3A_11, %dma_start3A_40] : memref<10240x64xf32, #tpu.memory_space<vmem_shared>> -> memref<128x64xf32, #tpu.memory_space<vmem_shared>>
      tpu.enqueue_dma source(%arg10 : memref<128x64xf32, #tpu.memory_space<vmem>>) target(%dma_start3A_41 : memref<128x64xf32, #tpu.memory_space<vmem_shared>>) target_semaphore(%run_scoped3A : memref<!tpu.dma_semaphore, #tpu.memory_space<semaphore_mem>>)
      %dma_wait3A = arith.constant 0 : i32
      %dma_wait3A_42 = tpu.memref_slice %arg11[%add3A_11, %dma_wait3A] : memref<10240x64xf32, #tpu.memory_space<vmem_shared>> -> memref<128x64xf32, #tpu.memory_space<vmem_shared>>
      %dma_wait3A_43 = arith.constant 0 : i32
      %dma_wait3A_44 = tpu.memref_slice %arg11[%add3A_11, %dma_wait3A_43] : memref<10240x64xf32, #tpu.memory_space<vmem_shared>> -> memref<128x64xf32, #tpu.memory_space<vmem_shared>>
      tpu.wait_dma2 semaphore(%run_scoped3A : memref<!tpu.dma_semaphore, #tpu.memory_space<semaphore_mem>>) src(%arg10 : memref<128x64xf32, #tpu.memory_space<vmem>>) dst(%dma_wait3A_44 : memref<128x64xf32, #tpu.memory_space<vmem_shared>>)
      tpu.yield
    }) : () -> ()
    %mul3A_12 = arith.constant 640 : i32
    %mul3A_13 = arith.muli %arg1, %mul3A_12 : i32
    %add3A_14 = arith.constant 128 : i32
    %add3A_15 = arith.addi %mul3A_13, %add3A_14 : i32
    "tpu.region"() ({
      %run_scoped3A = tpu.sem_alloc : memref<!tpu.dma_semaphore, #tpu.memory_space<semaphore_mem>>
      %dma_start3A = arith.constant 0 : i32
      %dma_start3A_39 = tpu.memref_slice %arg11[%add3A_15, %dma_start3A] : memref<10240x64xf32, #tpu.memory_space<vmem_shared>> -> memref<128x64xf32, #tpu.memory_space<vmem_shared>>
      %dma_start3A_40 = arith.constant 0 : i32
      %dma_start3A_41 = tpu.memref_slice %arg11[%add3A_15, %dma_start3A_40] : memref<10240x64xf32, #tpu.memory_space<vmem_shared>> -> memref<128x64xf32, #tpu.memory_space<vmem_shared>>
      tpu.enqueue_dma source(%arg10 : memref<128x64xf32, #tpu.memory_space<vmem>>) target(%dma_start3A_41 : memref<128x64xf32, #tpu.memory_space<vmem_shared>>) target_semaphore(%run_scoped3A : memref<!tpu.dma_semaphore, #tpu.memory_space<semaphore_mem>>)
      %dma_wait3A = arith.constant 0 : i32
      %dma_wait3A_42 = tpu.memref_slice %arg11[%add3A_15, %dma_wait3A] : memref<10240x64xf32, #tpu.memory_space<vmem_shared>> -> memref<128x64xf32, #tpu.memory_space<vmem_shared>>
      %dma_wait3A_43 = arith.constant 0 : i32
      %dma_wait3A_44 = tpu.memref_slice %arg11[%add3A_15, %dma_wait3A_43] : memref<10240x64xf32, #tpu.memory_space<vmem_shared>> -> memref<128x64xf32, #tpu.memory_space<vmem_shared>>
      tpu.wait_dma2 semaphore(%run_scoped3A : memref<!tpu.dma_semaphore, #tpu.memory_space<semaphore_mem>>) src(%arg10 : memref<128x64xf32, #tpu.memory_space<vmem>>) dst(%dma_wait3A_44 : memref<128x64xf32, #tpu.memory_space<vmem_shared>>)
      tpu.yield
    }) : () -> ()
    %mul3A_16 = arith.constant 640 : i32
    %mul3A_17 = arith.muli %arg1, %mul3A_16 : i32
    %add3A_18 = arith.constant 256 : i32
    %add3A_19 = arith.addi %mul3A_17, %add3A_18 : i32
    "tpu.region"() ({
      %run_scoped3A = tpu.sem_alloc : memref<!tpu.dma_semaphore, #tpu.memory_space<semaphore_mem>>
      %dma_start3A = arith.constant 0 : i32
      %dma_start3A_39 = tpu.memref_slice %arg11[%add3A_19, %dma_start3A] : memref<10240x64xf32, #tpu.memory_space<vmem_shared>> -> memref<128x64xf32, #tpu.memory_space<vmem_shared>>
      %dma_start3A_40 = arith.constant 0 : i32
      %dma_start3A_41 = tpu.memref_slice %arg11[%add3A_19, %dma_start3A_40] : memref<10240x64xf32, #tpu.memory_space<vmem_shared>> -> memref<128x64xf32, #tpu.memory_space<vmem_shared>>
      tpu.enqueue_dma source(%arg10 : memref<128x64xf32, #tpu.memory_space<vmem>>) target(%dma_start3A_41 : memref<128x64xf32, #tpu.memory_space<vmem_shared>>) target_semaphore(%run_scoped3A : memref<!tpu.dma_semaphore, #tpu.memory_space<semaphore_mem>>)
      %dma_wait3A = arith.constant 0 : i32
      %dma_wait3A_42 = tpu.memref_slice %arg11[%add3A_19, %dma_wait3A] : memref<10240x64xf32, #tpu.memory_space<vmem_shared>> -> memref<128x64xf32, #tpu.memory_space<vmem_shared>>
      %dma_wait3A_43 = arith.constant 0 : i32
      %dma_wait3A_44 = tpu.memref_slice %arg11[%add3A_19, %dma_wait3A_43] : memref<10240x64xf32, #tpu.memory_space<vmem_shared>> -> memref<128x64xf32, #tpu.memory_space<vmem_shared>>
      tpu.wait_dma2 semaphore(%run_scoped3A : memref<!tpu.dma_semaphore, #tpu.memory_space<semaphore_mem>>) src(%arg10 : memref<128x64xf32, #tpu.memory_space<vmem>>) dst(%dma_wait3A_44 : memref<128x64xf32, #tpu.memory_space<vmem_shared>>)
      tpu.yield
    }) : () -> ()
    %mul3A_20 = arith.constant 640 : i32
    %mul3A_21 = arith.muli %arg1, %mul3A_20 : i32
    %add3A_22 = arith.constant 384 : i32
    %add3A_23 = arith.addi %mul3A_21, %add3A_22 : i32
    "tpu.region"() ({
      %run_scoped3A = tpu.sem_alloc : memref<!tpu.dma_semaphore, #tpu.memory_space<semaphore_mem>>
      %dma_start3A = arith.constant 0 : i32
      %dma_start3A_39 = tpu.memref_slice %arg11[%add3A_23, %dma_start3A] : memref<10240x64xf32, #tpu.memory_space<vmem_shared>> -> memref<128x64xf32, #tpu.memory_space<vmem_shared>>
      %dma_start3A_40 = arith.constant 0 : i32
      %dma_start3A_41 = tpu.memref_slice %arg11[%add3A_23, %dma_start3A_40] : memref<10240x64xf32, #tpu.memory_space<vmem_shared>> -> memref<128x64xf32, #tpu.memory_space<vmem_shared>>
      tpu.enqueue_dma source(%arg10 : memref<128x64xf32, #tpu.memory_space<vmem>>) target(%dma_start3A_41 : memref<128x64xf32, #tpu.memory_space<vmem_shared>>) target_semaphore(%run_scoped3A : memref<!tpu.dma_semaphore, #tpu.memory_space<semaphore_mem>>)
      %dma_wait3A = arith.constant 0 : i32
      %dma_wait3A_42 = tpu.memref_slice %arg11[%add3A_23, %dma_wait3A] : memref<10240x64xf32, #tpu.memory_space<vmem_shared>> -> memref<128x64xf32, #tpu.memory_space<vmem_shared>>
      %dma_wait3A_43 = arith.constant 0 : i32
      %dma_wait3A_44 = tpu.memref_slice %arg11[%add3A_23, %dma_wait3A_43] : memref<10240x64xf32, #tpu.memory_space<vmem_shared>> -> memref<128x64xf32, #tpu.memory_space<vmem_shared>>
      tpu.wait_dma2 semaphore(%run_scoped3A : memref<!tpu.dma_semaphore, #tpu.memory_space<semaphore_mem>>) src(%arg10 : memref<128x64xf32, #tpu.memory_space<vmem>>) dst(%dma_wait3A_44 : memref<128x64xf32, #tpu.memory_space<vmem_shared>>)
      tpu.yield
    }) : () -> ()
    %mul3A_24 = arith.constant 640 : i32
    %mul3A_25 = arith.muli %arg1, %mul3A_24 : i32
    %add3A_26 = arith.constant 512 : i32
    %add3A_27 = arith.addi %mul3A_25, %add3A_26 : i32
    "tpu.region"() ({
      %run_scoped3A = tpu.sem_alloc : memref<!tpu.dma_semaphore, #tpu.memory_space<semaphore_mem>>
      %dma_start3A = arith.constant 0 : i32
      %dma_start3A_39 = tpu.memref_slice %arg11[%add3A_27, %dma_start3A] : memref<10240x64xf32, #tpu.memory_space<vmem_shared>> -> memref<128x64xf32, #tpu.memory_space<vmem_shared>>
      %dma_start3A_40 = arith.constant 0 : i32
      %dma_start3A_41 = tpu.memref_slice %arg11[%add3A_27, %dma_start3A_40] : memref<10240x64xf32, #tpu.memory_space<vmem_shared>> -> memref<128x64xf32, #tpu.memory_space<vmem_shared>>
      tpu.enqueue_dma source(%arg10 : memref<128x64xf32, #tpu.memory_space<vmem>>) target(%dma_start3A_41 : memref<128x64xf32, #tpu.memory_space<vmem_shared>>) target_semaphore(%run_scoped3A : memref<!tpu.dma_semaphore, #tpu.memory_space<semaphore_mem>>)
      %dma_wait3A = arith.constant 0 : i32
      %dma_wait3A_42 = tpu.memref_slice %arg11[%add3A_27, %dma_wait3A] : memref<10240x64xf32, #tpu.memory_space<vmem_shared>> -> memref<128x64xf32, #tpu.memory_space<vmem_shared>>
      %dma_wait3A_43 = arith.constant 0 : i32
      %dma_wait3A_44 = tpu.memref_slice %arg11[%add3A_27, %dma_wait3A_43] : memref<10240x64xf32, #tpu.memory_space<vmem_shared>> -> memref<128x64xf32, #tpu.memory_space<vmem_shared>>
      tpu.wait_dma2 semaphore(%run_scoped3A : memref<!tpu.dma_semaphore, #tpu.memory_space<semaphore_mem>>) src(%arg10 : memref<128x64xf32, #tpu.memory_space<vmem>>) dst(%dma_wait3A_44 : memref<128x64xf32, #tpu.memory_space<vmem_shared>>)
      tpu.yield
    }) : () -> ()
    %barrier3A = arith.constant 0 : index
    tpu.barrier barrier_id(%barrier3A)
    %scan3A_28 = arith.constant 0 : i32
    %scan3A_29 = arith.constant 0 : i32
    %scan3A_30 = arith.constant 160 : i32
    %scan3A_31 = arith.addi %scan3A_29, %scan3A_30 : i32
    %scan3A_32 = arith.constant 1 : i32
    scf.for %scan3A_39 = %scan3A_29 to %scan3A_31 step %scan3A_32  : i32 {
      %mul3A_40 = arith.constant 128 : i32
      %mul3A_41 = arith.muli %scan3A_39, %mul3A_40 : i32
      %add3A_42 = arith.addi %mul3A_0, %mul3A_41 : i32
      "tpu.region"() ({
        %run_scoped3A = tpu.sem_alloc : memref<!tpu.dma_semaphore, #tpu.memory_space<semaphore_mem>>
        %dma_start3A_61 = tpu.memref_slice %arg2[%add3A_42] : memref<327680xi32, #tpu.memory_space<hbm>> -> memref<128xi32, #tpu.memory_space<hbm>>
        %dma_start3A_62 = tpu.memref_slice %arg2[%add3A_42] : memref<327680xi32, #tpu.memory_space<hbm>> -> memref<128xi32, #tpu.memory_space<hbm>>
        tpu.enqueue_dma source(%dma_start3A_62 : memref<128xi32, #tpu.memory_space<hbm>>) target(%arg7 : memref<128xi32, #tpu.memory_space<vmem>>) target_semaphore(%run_scoped3A : memref<!tpu.dma_semaphore, #tpu.memory_space<semaphore_mem>>)
        %dma_wait3A_63 = tpu.memref_slice %arg2[%add3A_42] : memref<327680xi32, #tpu.memory_space<hbm>> -> memref<128xi32, #tpu.memory_space<hbm>>
        %dma_wait3A_64 = tpu.memref_slice %arg2[%add3A_42] : memref<327680xi32, #tpu.memory_space<hbm>> -> memref<128xi32, #tpu.memory_space<hbm>>
        tpu.wait_dma2 semaphore(%run_scoped3A : memref<!tpu.dma_semaphore, #tpu.memory_space<semaphore_mem>>) src(%dma_wait3A_64 : memref<128xi32, #tpu.memory_space<hbm>>) dst(%arg7 : memref<128xi32, #tpu.memory_space<vmem>>)
        tpu.yield
      }) : () -> ()
      "tpu.region"() ({
        %run_scoped3A = tpu.sem_alloc : memref<!tpu.dma_semaphore, #tpu.memory_space<semaphore_mem>>
        %dma_start3A_61 = tpu.memref_slice %arg3[%add3A_42] : memref<327680xi32, #tpu.memory_space<hbm>> -> memref<128xi32, #tpu.memory_space<hbm>>
        %dma_start3A_62 = tpu.memref_slice %arg3[%add3A_42] : memref<327680xi32, #tpu.memory_space<hbm>> -> memref<128xi32, #tpu.memory_space<hbm>>
        tpu.enqueue_dma source(%dma_start3A_62 : memref<128xi32, #tpu.memory_space<hbm>>) target(%arg8 : memref<128xi32, #tpu.memory_space<vmem>>) target_semaphore(%run_scoped3A : memref<!tpu.dma_semaphore, #tpu.memory_space<semaphore_mem>>)
        %dma_wait3A_63 = tpu.memref_slice %arg3[%add3A_42] : memref<327680xi32, #tpu.memory_space<hbm>> -> memref<128xi32, #tpu.memory_space<hbm>>
        %dma_wait3A_64 = tpu.memref_slice %arg3[%add3A_42] : memref<327680xi32, #tpu.memory_space<hbm>> -> memref<128xi32, #tpu.memory_space<hbm>>
        tpu.wait_dma2 semaphore(%run_scoped3A : memref<!tpu.dma_semaphore, #tpu.memory_space<semaphore_mem>>) src(%dma_wait3A_64 : memref<128xi32, #tpu.memory_space<hbm>>) dst(%arg8 : memref<128xi32, #tpu.memory_space<vmem>>)
        tpu.yield
      }) : () -> ()
      %mul3A_43 = arith.constant 4 : i32
      %mul3A_44 = arith.muli %add3A_42, %mul3A_43 : i32
      "tpu.region"() ({
        %run_scoped3A = tpu.sem_alloc : memref<!tpu.dma_semaphore, #tpu.memory_space<semaphore_mem>>
        %dma_start3A_61 = tpu.memref_slice %arg4[%mul3A_44] : memref<1310720xf32, #tpu.memory_space<hbm>> -> memref<512xf32, #tpu.memory_space<hbm>>
        %dma_start3A_62 = tpu.memref_slice %arg4[%mul3A_44] : memref<1310720xf32, #tpu.memory_space<hbm>> -> memref<512xf32, #tpu.memory_space<hbm>>
        tpu.enqueue_dma source(%dma_start3A_62 : memref<512xf32, #tpu.memory_space<hbm>>) target(%arg9 : memref<512xf32, #tpu.memory_space<vmem>>) target_semaphore(%run_scoped3A : memref<!tpu.dma_semaphore, #tpu.memory_space<semaphore_mem>>)
        %dma_wait3A_63 = tpu.memref_slice %arg4[%mul3A_44] : memref<1310720xf32, #tpu.memory_space<hbm>> -> memref<512xf32, #tpu.memory_space<hbm>>
        %dma_wait3A_64 = tpu.memref_slice %arg4[%mul3A_44] : memref<1310720xf32, #tpu.memory_space<hbm>> -> memref<512xf32, #tpu.memory_space<hbm>>
        tpu.wait_dma2 semaphore(%run_scoped3A : memref<!tpu.dma_semaphore, #tpu.memory_space<semaphore_mem>>) src(%dma_wait3A_64 : memref<512xf32, #tpu.memory_space<hbm>>) dst(%arg9 : memref<512xf32, #tpu.memory_space<vmem>>)
        tpu.yield
      }) : () -> ()
      %scan3A_45 = arith.constant 0 : i32
      %scan3A_46 = arith.constant 0 : i32
      %scan3A_47 = arith.constant 8 : i32
      %scan3A_48 = arith.addi %scan3A_46, %scan3A_47 : i32
      %scan3A_49 = arith.constant 1 : i32
      scf.for %scan3A_61 = %scan3A_46 to %scan3A_48 step %scan3A_49  : i32 {
        %mul3A_62 = arith.constant 16 : i32
        %mul3A_63 = arith.muli %scan3A_61, %mul3A_62 : i32
        %get3A = arith.index_cast %mul3A_63 : i32 to index
        %get3A_64 = tpu.vector_load %arg7[%get3A] {strides = array<i32>} : memref<128xi32, #tpu.memory_space<vmem>>, vector<16xi32>,
        %add3A_65 = vector.broadcast %mul3A_3 : i32 to vector<16xi32>
        %add3A_66 = arith.addi %get3A_64, %add3A_65 : vector<16xi32>
        %swap3A = arith.index_cast %mul3A_63 : i32 to index
        %swap3A_67 = tpu.vector_load %arg7[%swap3A] {strides = array<i32>} : memref<128xi32, #tpu.memory_space<vmem>>, vector<16xi32>,
        tpu.vector_store %arg7[%swap3A], %add3A_66 {strides = array<i32>} : memref<128xi32, #tpu.memory_space<vmem>>, vector<16xi32>,
      }
      %scan3A_50 = arith.constant 8 : i32
      %dma_start3A = arith.constant 0 : i32
      %dma_start3A_51 = arith.constant 0 : i32
      %dma_start3A_52 = tpu.memref_slice %arg5[%dma_start3A, %dma_start3A_51] : memref<20000x64xf32, #tpu.memory_space<hbm>> -> memref<20000x64xf32, #tpu.memory_space<hbm>>
      tpu.enqueue_indirect_dma source(%dma_start3A_52 : memref<20000x64xf32, #tpu.memory_space<hbm>>) target(%arg10 : memref<128x64xf32, #tpu.memory_space<vmem>>) offsets(%arg7 : memref<128xi32, #tpu.memory_space<vmem>>) semaphore(%arg12 : memref<!tpu.dma_semaphore, #tpu.memory_space<semaphore_mem>>)
      %dma_wait3A = arith.constant 0 : i32
      %dma_wait3A_53 = arith.constant 0 : i32
      %dma_wait3A_54 = tpu.memref_slice %arg5[%dma_wait3A, %dma_wait3A_53] : memref<20000x64xf32, #tpu.memory_space<hbm>> -> memref<20000x64xf32, #tpu.memory_space<hbm>>
      tpu.wait_indirect_dma semaphore(%arg12 : memref<!tpu.dma_semaphore, #tpu.memory_space<semaphore_mem>>) src(%dma_wait3A_54 : memref<20000x64xf32, #tpu.memory_space<hbm>>) dst(%arg10 : memref<128x64xf32, #tpu.memory_space<vmem>>)
      %scan3A_55 = arith.constant 0 : i32
      %scan3A_56 = arith.constant 0 : i32
      %scan3A_57 = arith.constant 128 : i32
      %scan3A_58 = arith.addi %scan3A_56, %scan3A_57 : i32
      %scan3A_59 = arith.constant 1 : i32
      scf.for %scan3A_61 = %scan3A_56 to %scan3A_58 step %scan3A_59  : i32 {
        %mul3A_62 = arith.constant 4 : i32
        %mul3A_63 = arith.muli %scan3A_61, %mul3A_62 : i32
        %add3A_64 = arith.constant 0 : i32
        %add3A_65 = arith.addi %mul3A_63, %add3A_64 : i32
        %broadcast_in_dim3A_66 = vector.broadcast %add3A_65 : i32 to vector<16xi32>
        %mul3A_67 = arith.constant 2 : i32
        %mul3A_68 = arith.muli %mul3A_67, %arg0 : i32
        %add3A_69 = vector.broadcast %mul3A_68 : i32 to vector<16xi32>
        %add3A_70 = arith.addi %broadcast_in_dim3A_66, %add3A_69 : vector<16xi32>
        %gather3A = tpu.vector_load_idx %arg9[%add3A_70] : memref<512xf32, #tpu.memory_space<vmem>>[vector<16xi32>], vector<16xf32>,
        %get3A = arith.index_cast %scan3A_61 : i32 to index
        %get3A_71 = arith.constant 0 : index
        %get3A_72 = tpu.vector_load %arg10[%get3A, %get3A_71] {strides = array<i32>} : memref<128x64xf32, #tpu.memory_space<vmem>>, vector<16xf32>,
        %mul3A_73 = arith.mulf %get3A_72, %gather3A : vector<16xf32>
        %swap3A = arith.index_cast %scan3A_61 : i32 to index
        %swap3A_74 = arith.constant 0 : index
        %swap3A_75 = tpu.vector_load %arg10[%swap3A, %swap3A_74] {strides = array<i32>} : memref<128x64xf32, #tpu.memory_space<vmem>>, vector<16xf32>,
        tpu.vector_store %arg10[%swap3A, %swap3A_74], %mul3A_73 {strides = array<i32>} : memref<128x64xf32, #tpu.memory_space<vmem>>, vector<16xf32>,
        %get3A_76 = arith.index_cast %scan3A_61 : i32 to index
        %get3A_77 = arith.constant 16 : index
        %get3A_78 = tpu.vector_load %arg10[%get3A_76, %get3A_77] {strides = array<i32>} : memref<128x64xf32, #tpu.memory_space<vmem>>, vector<16xf32>,
        %mul3A_79 = arith.mulf %get3A_78, %gather3A : vector<16xf32>
        %swap3A_80 = arith.index_cast %scan3A_61 : i32 to index
        %swap3A_81 = arith.constant 16 : index
        %swap3A_82 = tpu.vector_load %arg10[%swap3A_80, %swap3A_81] {strides = array<i32>} : memref<128x64xf32, #tpu.memory_space<vmem>>, vector<16xf32>,
        tpu.vector_store %arg10[%swap3A_80, %swap3A_81], %mul3A_79 {strides = array<i32>} : memref<128x64xf32, #tpu.memory_space<vmem>>, vector<16xf32>,
        %mul3A_83 = arith.constant 4 : i32
        %mul3A_84 = arith.muli %scan3A_61, %mul3A_83 : i32
        %add3A_85 = arith.constant 1 : i32
        %add3A_86 = arith.addi %mul3A_84, %add3A_85 : i32
        %broadcast_in_dim3A_87 = vector.broadcast %add3A_86 : i32 to vector<16xi32>
        %mul3A_88 = arith.constant 2 : i32
        %mul3A_89 = arith.muli %mul3A_88, %arg0 : i32
        %add3A_90 = vector.broadcast %mul3A_89 : i32 to vector<16xi32>
        %add3A_91 = arith.addi %broadcast_in_dim3A_87, %add3A_90 : vector<16xi32>
        %gather3A_92 = tpu.vector_load_idx %arg9[%add3A_91] : memref<512xf32, #tpu.memory_space<vmem>>[vector<16xi32>], vector<16xf32>,
        %get3A_93 = arith.index_cast %scan3A_61 : i32 to index
        %get3A_94 = arith.constant 32 : index
        %get3A_95 = tpu.vector_load %arg10[%get3A_93, %get3A_94] {strides = array<i32>} : memref<128x64xf32, #tpu.memory_space<vmem>>, vector<16xf32>,
        %mul3A_96 = arith.mulf %get3A_95, %gather3A_92 : vector<16xf32>
        %swap3A_97 = arith.index_cast %scan3A_61 : i32 to index
        %swap3A_98 = arith.constant 32 : index
        %swap3A_99 = tpu.vector_load %arg10[%swap3A_97, %swap3A_98] {strides = array<i32>} : memref<128x64xf32, #tpu.memory_space<vmem>>, vector<16xf32>,
        tpu.vector_store %arg10[%swap3A_97, %swap3A_98], %mul3A_96 {strides = array<i32>} : memref<128x64xf32, #tpu.memory_space<vmem>>, vector<16xf32>,
        %get3A_100 = arith.index_cast %scan3A_61 : i32 to index
        %get3A_101 = arith.constant 48 : index
        %get3A_102 = tpu.vector_load %arg10[%get3A_100, %get3A_101] {strides = array<i32>} : memref<128x64xf32, #tpu.memory_space<vmem>>, vector<16xf32>,
        %mul3A_103 = arith.mulf %get3A_102, %gather3A_92 : vector<16xf32>
        %swap3A_104 = arith.index_cast %scan3A_61 : i32 to index
        %swap3A_105 = arith.constant 48 : index
        %swap3A_106 = tpu.vector_load %arg10[%swap3A_104, %swap3A_105] {strides = array<i32>} : memref<128x64xf32, #tpu.memory_space<vmem>>, vector<16xf32>,
        tpu.vector_store %arg10[%swap3A_104, %swap3A_105], %mul3A_103 {strides = array<i32>} : memref<128x64xf32, #tpu.memory_space<vmem>>, vector<16xf32>,
      }
      %scan3A_60 = arith.constant 128 : i32
      "tpu.region"() ({
        %run_scoped3A = tpu.sem_alloc : memref<!tpu.dma_semaphore, #tpu.memory_space<semaphore_mem>>
        %dma_start3A_61 = arith.constant 0 : i32
        %dma_start3A_62 = arith.constant 0 : i32
        %dma_start3A_63 = tpu.memref_slice %arg11[%dma_start3A_61, %dma_start3A_62] : memref<10240x64xf32, #tpu.memory_space<vmem_shared>> -> memref<10240x64xf32, #tpu.memory_space<vmem_shared>>
        tpu.enqueue_indirect_dma source(%arg10 : memref<128x64xf32, #tpu.memory_space<vmem>>) target(%dma_start3A_63 : memref<10240x64xf32, #tpu.memory_space<vmem_shared>>) offsets(%arg8 : memref<128xi32, #tpu.memory_space<vmem>>) semaphore(%run_scoped3A : memref<!tpu.dma_semaphore, #tpu.memory_space<semaphore_mem>>) {add = true}
        %dma_wait3A_64 = arith.constant 0 : i32
        %dma_wait3A_65 = arith.constant 0 : i32
        %dma_wait3A_66 = tpu.memref_slice %arg11[%dma_wait3A_64, %dma_wait3A_65] : memref<10240x64xf32, #tpu.memory_space<vmem_shared>> -> memref<10240x64xf32, #tpu.memory_space<vmem_shared>>
        tpu.wait_indirect_dma semaphore(%run_scoped3A : memref<!tpu.dma_semaphore, #tpu.memory_space<semaphore_mem>>) src(%arg10 : memref<128x64xf32, #tpu.memory_space<vmem>>) dst(%dma_wait3A_66 : memref<10240x64xf32, #tpu.memory_space<vmem_shared>>)
        tpu.yield
      }) : () -> ()
    }
    %scan3A_33 = arith.constant 160 : i32
    %barrier3A_34 = arith.constant 0 : index
    tpu.barrier barrier_id(%barrier3A_34)
    %mul3A_35 = arith.constant 640 : i32
    %mul3A_36 = arith.muli %arg1, %mul3A_35 : i32
    %mul3A_37 = arith.constant 640 : i32
    %mul3A_38 = arith.muli %arg1, %mul3A_37 : i32
    "tpu.region"() ({
      %run_scoped3A = tpu.sem_alloc : memref<!tpu.dma_semaphore, #tpu.memory_space<semaphore_mem>>
      %dma_start3A = arith.constant 0 : i32
      %dma_start3A_39 = tpu.memref_slice %arg6[%arg0, %mul3A_38, %dma_start3A] : memref<2x10240x64xf32, #tpu.memory_space<hbm>> -> memref<1x640x64xf32, #tpu.memory_space<hbm>>
      %dma_start3A_40 = tpu.memref_squeeze %dma_start3A_39 : memref<1x640x64xf32, #tpu.memory_space<hbm>> -> memref<640x64xf32, #tpu.memory_space<hbm>>
      %dma_start3A_41 = arith.constant 0 : i32
      %dma_start3A_42 = tpu.memref_slice %arg11[%mul3A_36, %dma_start3A_41] : memref<10240x64xf32, #tpu.memory_space<vmem_shared>> -> memref<640x64xf32, #tpu.memory_space<vmem_shared>>
      tpu.enqueue_dma source(%dma_start3A_42 : memref<640x64xf32, #tpu.memory_space<vmem_shared>>) target(%dma_start3A_40 : memref<640x64xf32, #tpu.memory_space<hbm>>) target_semaphore(%run_scoped3A : memref<!tpu.dma_semaphore, #tpu.memory_space<semaphore_mem>>)
      %dma_wait3A = arith.constant 0 : i32
      %dma_wait3A_43 = tpu.memref_slice %arg6[%arg0, %mul3A_38, %dma_wait3A] : memref<2x10240x64xf32, #tpu.memory_space<hbm>> -> memref<1x640x64xf32, #tpu.memory_space<hbm>>
      %dma_wait3A_44 = tpu.memref_squeeze %dma_wait3A_43 : memref<1x640x64xf32, #tpu.memory_space<hbm>> -> memref<640x64xf32, #tpu.memory_space<hbm>>
      %dma_wait3A_45 = arith.constant 0 : i32
      %dma_wait3A_46 = tpu.memref_slice %arg11[%mul3A_36, %dma_wait3A_45] : memref<10240x64xf32, #tpu.memory_space<vmem_shared>> -> memref<640x64xf32, #tpu.memory_space<vmem_shared>>
      tpu.wait_dma2 semaphore(%run_scoped3A : memref<!tpu.dma_semaphore, #tpu.memory_space<semaphore_mem>>) src(%dma_wait3A_46 : memref<640x64xf32, #tpu.memory_space<vmem_shared>>) dst(%dma_wait3A_44 : memref<640x64xf32, #tpu.memory_space<hbm>>)
      tpu.yield
    }) : () -> ()
    return
  }
}

#map = affine_map<(d0, d1) -> (0)>
#map1 = affine_map<(d0, d1) -> (0, 0)>
#map2 = affine_map<(d0, d1) -> (0, 0, 0)>
module attributes {stable_mosaic.version = 14 : i64} {
  func.func @k(%arg0: i32, %arg1: i32, %arg2: memref<327680xi32, #tpu.memory_space<hbm>>, %arg3: memref<327680xi32, #tpu.memory_space<hbm>>, %arg4: memref<81920xf32, #tpu.memory_space<hbm>>, %arg5: memref<64xf32, #tpu.memory_space<hbm>>, %arg6: memref<10240x16xf32, #tpu.memory_space<hbm>>, %arg7: memref<2x10240x16xf32, #tpu.memory_space<hbm>>, %arg8: memref<1310720xf32, #tpu.memory_space<hbm>>, %arg9: memref<81920xf32, #tpu.memory_space<vmem>>, %arg10: memref<128xi32, #tpu.memory_space<vmem>>, %arg11: memref<128xi32, #tpu.memory_space<vmem>>, %arg12: memref<128x16xf32, #tpu.memory_space<vmem>>, %arg13: memref<512xf32, #tpu.memory_space<vmem>>, %arg14: memref<64xf32, #tpu.memory_space<vmem>>, %arg15: memref<10240x16xf32, #tpu.memory_space<vmem_shared>>) attributes {dimension_semantics = [#tpu.dimension_semantics<core_parallel>, #tpu.dimension_semantics<subcore_parallel>], iteration_bounds = array<i64: 2, 16>, scalar_prefetch = 0 : i64, scratch_operands = 7 : i64, tpu.core_type = #tpu.core_type<sc_vector_subcore>, window_params = [{transform_indices = #map}, {transform_indices = #map}, {transform_indices = #map}, {transform_indices = #map}, {transform_indices = #map1}, {transform_indices = #map2}, {transform_indices = #map}]} {
    %mul3A = arith.constant 163840 : i32
    %mul3A_0 = arith.muli %arg0, %mul3A : i32
    %mul3A_1 = arith.constant 10240 : i32
    %mul3A_2 = arith.muli %arg1, %mul3A_1 : i32
    %add3A = arith.addi %mul3A_0, %mul3A_2 : i32
    %mul3A_3 = arith.constant 640 : i32
    %mul3A_4 = arith.muli %arg1, %mul3A_3 : i32
    %mul3A_5 = arith.constant 640 : i32
    %mul3A_6 = arith.muli %arg1, %mul3A_5 : i32
    "tpu.region"() ({
      %run_scoped3A = tpu.sem_alloc : memref<!tpu.dma_semaphore, #tpu.memory_space<semaphore_mem>>
      %dma_start3A = arith.constant 0 : i32
      %dma_start3A_24 = tpu.memref_slice %arg15[%mul3A_6, %dma_start3A] : memref<10240x16xf32, #tpu.memory_space<vmem_shared>> -> memref<640x16xf32, #tpu.memory_space<vmem_shared>>
      %dma_start3A_25 = arith.constant 0 : i32
      %dma_start3A_26 = tpu.memref_slice %arg6[%mul3A_4, %dma_start3A_25] : memref<10240x16xf32, #tpu.memory_space<hbm>> -> memref<640x16xf32, #tpu.memory_space<hbm>>
      tpu.enqueue_dma source(%dma_start3A_26 : memref<640x16xf32, #tpu.memory_space<hbm>>) target(%dma_start3A_24 : memref<640x16xf32, #tpu.memory_space<vmem_shared>>) target_semaphore(%run_scoped3A : memref<!tpu.dma_semaphore, #tpu.memory_space<semaphore_mem>>)
      %dma_wait3A = arith.constant 0 : i32
      %dma_wait3A_27 = tpu.memref_slice %arg15[%mul3A_6, %dma_wait3A] : memref<10240x16xf32, #tpu.memory_space<vmem_shared>> -> memref<640x16xf32, #tpu.memory_space<vmem_shared>>
      %dma_wait3A_28 = arith.constant 0 : i32
      %dma_wait3A_29 = tpu.memref_slice %arg6[%mul3A_4, %dma_wait3A_28] : memref<10240x16xf32, #tpu.memory_space<hbm>> -> memref<640x16xf32, #tpu.memory_space<hbm>>
      tpu.wait_dma2 semaphore(%run_scoped3A : memref<!tpu.dma_semaphore, #tpu.memory_space<semaphore_mem>>) src(%dma_wait3A_29 : memref<640x16xf32, #tpu.memory_space<hbm>>) dst(%dma_wait3A_27 : memref<640x16xf32, #tpu.memory_space<vmem_shared>>)
      tpu.yield
    }) : () -> ()
    "tpu.region"() ({
      %run_scoped3A = tpu.sem_alloc : memref<!tpu.dma_semaphore, #tpu.memory_space<semaphore_mem>>
      tpu.enqueue_dma source(%arg4 : memref<81920xf32, #tpu.memory_space<hbm>>) target(%arg9 : memref<81920xf32, #tpu.memory_space<vmem>>) target_semaphore(%run_scoped3A : memref<!tpu.dma_semaphore, #tpu.memory_space<semaphore_mem>>)
      tpu.wait_dma2 semaphore(%run_scoped3A : memref<!tpu.dma_semaphore, #tpu.memory_space<semaphore_mem>>) src(%arg4 : memref<81920xf32, #tpu.memory_space<hbm>>) dst(%arg9 : memref<81920xf32, #tpu.memory_space<vmem>>)
      tpu.yield
    }) : () -> ()
    "tpu.region"() ({
      %run_scoped3A = tpu.sem_alloc : memref<!tpu.dma_semaphore, #tpu.memory_space<semaphore_mem>>
      tpu.enqueue_dma source(%arg5 : memref<64xf32, #tpu.memory_space<hbm>>) target(%arg14 : memref<64xf32, #tpu.memory_space<vmem>>) target_semaphore(%run_scoped3A : memref<!tpu.dma_semaphore, #tpu.memory_space<semaphore_mem>>)
      tpu.wait_dma2 semaphore(%run_scoped3A : memref<!tpu.dma_semaphore, #tpu.memory_space<semaphore_mem>>) src(%arg5 : memref<64xf32, #tpu.memory_space<hbm>>) dst(%arg14 : memref<64xf32, #tpu.memory_space<vmem>>)
      tpu.yield
    }) : () -> ()
    %broadcast_in_dim3A = arith.constant 0.000000e+00 : f32
    %broadcast_in_dim3A_7 = vector.broadcast %broadcast_in_dim3A : f32 to vector<16xf32>
    %scan3A = arith.constant 0 : i32
    %scan3A_8 = arith.constant 0 : i32
    %scan3A_9 = arith.constant 128 : i32
    %scan3A_10 = arith.addi %scan3A_8, %scan3A_9 : i32
    %scan3A_11 = arith.constant 1 : i32
    scf.for %scan3A_24 = %scan3A_8 to %scan3A_10 step %scan3A_11  : i32 {
      %swap3A = arith.index_cast %scan3A_24 : i32 to index
      %swap3A_25 = arith.constant 0 : index
      %swap3A_26 = tpu.vector_load %arg12[%swap3A, %swap3A_25] {strides = array<i32>} : memref<128x16xf32, #tpu.memory_space<vmem>>, vector<16xf32>,
      tpu.vector_store %arg12[%swap3A, %swap3A_25], %broadcast_in_dim3A_7 {strides = array<i32>} : memref<128x16xf32, #tpu.memory_space<vmem>>, vector<16xf32>,
    }
    %scan3A_12 = arith.constant 128 : i32
    %barrier3A = arith.constant 0 : index
    tpu.barrier barrier_id(%barrier3A)
    %iota3A = tpu.iota {dimensions = array<i32: 0>} : vector<16xi32>
    %scan3A_13 = arith.constant 0 : i32
    %scan3A_14 = arith.constant 0 : i32
    %scan3A_15 = arith.constant 80 : i32
    %scan3A_16 = arith.addi %scan3A_14, %scan3A_15 : i32
    %scan3A_17 = arith.constant 1 : i32
    scf.for %scan3A_24 = %scan3A_14 to %scan3A_16 step %scan3A_17  : i32 {
      %mul3A_25 = arith.constant 128 : i32
      %mul3A_26 = arith.muli %scan3A_24, %mul3A_25 : i32
      %add3A_27 = arith.addi %add3A, %mul3A_26 : i32
      "tpu.region"() ({
        %run_scoped3A = tpu.sem_alloc : memref<!tpu.dma_semaphore, #tpu.memory_space<semaphore_mem>>
        %dma_start3A = tpu.memref_slice %arg2[%add3A_27] : memref<327680xi32, #tpu.memory_space<hbm>> -> memref<128xi32, #tpu.memory_space<hbm>>
        %dma_start3A_36 = tpu.memref_slice %arg2[%add3A_27] : memref<327680xi32, #tpu.memory_space<hbm>> -> memref<128xi32, #tpu.memory_space<hbm>>
        tpu.enqueue_dma source(%dma_start3A_36 : memref<128xi32, #tpu.memory_space<hbm>>) target(%arg10 : memref<128xi32, #tpu.memory_space<vmem>>) target_semaphore(%run_scoped3A : memref<!tpu.dma_semaphore, #tpu.memory_space<semaphore_mem>>)
        %dma_wait3A = tpu.memref_slice %arg2[%add3A_27] : memref<327680xi32, #tpu.memory_space<hbm>> -> memref<128xi32, #tpu.memory_space<hbm>>
        %dma_wait3A_37 = tpu.memref_slice %arg2[%add3A_27] : memref<327680xi32, #tpu.memory_space<hbm>> -> memref<128xi32, #tpu.memory_space<hbm>>
        tpu.wait_dma2 semaphore(%run_scoped3A : memref<!tpu.dma_semaphore, #tpu.memory_space<semaphore_mem>>) src(%dma_wait3A_37 : memref<128xi32, #tpu.memory_space<hbm>>) dst(%arg10 : memref<128xi32, #tpu.memory_space<vmem>>)
        tpu.yield
      }) : () -> ()
      "tpu.region"() ({
        %run_scoped3A = tpu.sem_alloc : memref<!tpu.dma_semaphore, #tpu.memory_space<semaphore_mem>>
        %dma_start3A = tpu.memref_slice %arg3[%add3A_27] : memref<327680xi32, #tpu.memory_space<hbm>> -> memref<128xi32, #tpu.memory_space<hbm>>
        %dma_start3A_36 = tpu.memref_slice %arg3[%add3A_27] : memref<327680xi32, #tpu.memory_space<hbm>> -> memref<128xi32, #tpu.memory_space<hbm>>
        tpu.enqueue_dma source(%dma_start3A_36 : memref<128xi32, #tpu.memory_space<hbm>>) target(%arg11 : memref<128xi32, #tpu.memory_space<vmem>>) target_semaphore(%run_scoped3A : memref<!tpu.dma_semaphore, #tpu.memory_space<semaphore_mem>>)
        %dma_wait3A = tpu.memref_slice %arg3[%add3A_27] : memref<327680xi32, #tpu.memory_space<hbm>> -> memref<128xi32, #tpu.memory_space<hbm>>
        %dma_wait3A_37 = tpu.memref_slice %arg3[%add3A_27] : memref<327680xi32, #tpu.memory_space<hbm>> -> memref<128xi32, #tpu.memory_space<hbm>>
        tpu.wait_dma2 semaphore(%run_scoped3A : memref<!tpu.dma_semaphore, #tpu.memory_space<semaphore_mem>>) src(%dma_wait3A_37 : memref<128xi32, #tpu.memory_space<hbm>>) dst(%arg11 : memref<128xi32, #tpu.memory_space<vmem>>)
        tpu.yield
      }) : () -> ()
      %scan3A_28 = arith.constant 0 : i32
      %scan3A_29 = arith.constant 0 : i32
      %scan3A_30 = arith.constant 8 : i32
      %scan3A_31 = arith.addi %scan3A_29, %scan3A_30 : i32
      %scan3A_32 = arith.constant 1 : i32
      scf.for %scan3A_36 = %scan3A_29 to %scan3A_31 step %scan3A_32  : i32 {
        %mul3A_37 = arith.constant 16 : i32
        %mul3A_38 = arith.muli %scan3A_36, %mul3A_37 : i32
        %get3A = arith.index_cast %mul3A_38 : i32 to index
        %get3A_39 = tpu.vector_load %arg10[%get3A] {strides = array<i32>} : memref<128xi32, #tpu.memory_space<vmem>>, vector<16xi32>,
        %mul3A_40 = arith.constant 16 : i32
        %mul3A_41 = arith.muli %scan3A_36, %mul3A_40 : i32
        %get3A_42 = arith.index_cast %mul3A_41 : i32 to index
        %get3A_43 = tpu.vector_load %arg11[%get3A_42] {strides = array<i32>} : memref<128xi32, #tpu.memory_space<vmem>>, vector<16xi32>,
        %mul3A_44 = arith.constant 8 : i32
        %mul3A_45 = vector.broadcast %mul3A_44 : i32 to vector<16xi32>
        %mul3A_46 = arith.muli %get3A_39, %mul3A_45 : vector<16xi32>
        %mul3A_47 = arith.constant 8 : i32
        %mul3A_48 = vector.broadcast %mul3A_47 : i32 to vector<16xi32>
        %mul3A_49 = arith.muli %get3A_43, %mul3A_48 : vector<16xi32>
        %add3A_50 = arith.constant 4 : i32
        %add3A_51 = vector.broadcast %add3A_50 : i32 to vector<16xi32>
        %add3A_52 = arith.addi %mul3A_49, %add3A_51 : vector<16xi32>
        %mul3A_53 = arith.constant 16 : i32
        %mul3A_54 = arith.muli %scan3A_36, %mul3A_53 : i32
        %add3A_55 = vector.broadcast %mul3A_54 : i32 to vector<16xi32>
        %add3A_56 = arith.addi %add3A_55, %iota3A : vector<16xi32>
        %add3A_57 = arith.constant 0 : i32
        %add3A_58 = vector.broadcast %add3A_57 : i32 to vector<16xi32>
        %add3A_59 = arith.addi %mul3A_46, %add3A_58 : vector<16xi32>
        %gather3A = tpu.vector_load_idx %arg9[%add3A_59] : memref<81920xf32, #tpu.memory_space<vmem>>[vector<16xi32>], vector<16xf32>,
        %add3A_60 = arith.constant 0 : i32
        %add3A_61 = vector.broadcast %add3A_60 : i32 to vector<16xi32>
        %add3A_62 = arith.addi %add3A_52, %add3A_61 : vector<16xi32>
        %gather3A_63 = tpu.vector_load_idx %arg9[%add3A_62] : memref<81920xf32, #tpu.memory_space<vmem>>[vector<16xi32>], vector<16xf32>,
        %add3A_64 = arith.addf %gather3A, %gather3A_63 : vector<16xf32>
        %mul3A_65 = arith.constant 2.000000e-01 : f32
        %mul3A_66 = vector.broadcast %mul3A_65 : f32 to vector<16xf32>
        %mul3A_67 = arith.mulf %mul3A_66, %add3A_64 : vector<16xf32>
        %max3A = arith.maximumf %add3A_64, %mul3A_67 : vector<16xf32>
        %get3A_68 = arith.constant 0 : index
        %get3A_69 = tpu.vector_load %arg14[%get3A_68] {strides = array<i32>} : memref<64xf32, #tpu.memory_space<vmem>>, vector<16xf32>,
        %sub3A = arith.subf %max3A, %get3A_69 : vector<16xf32>
        %exp3A = math.exp %sub3A : vector<16xf32>
        %broadcast_in_dim3A_70 = arith.constant 0 : i32
        %broadcast_in_dim3A_71 = vector.broadcast %broadcast_in_dim3A_70 : i32 to vector<16xi32>
        tpu.vector_store_idx %arg12[%add3A_56, %broadcast_in_dim3A_71], %exp3A : memref<128x16xf32, #tpu.memory_space<vmem>>[vector<16xi32>, vector<16xi32>], vector<16xf32>,
        %mul3A_72 = arith.constant 4 : i32
        %mul3A_73 = vector.broadcast %mul3A_72 : i32 to vector<16xi32>
        %mul3A_74 = arith.muli %add3A_56, %mul3A_73 : vector<16xi32>
        %add3A_75 = arith.constant 0 : i32
        %add3A_76 = vector.broadcast %add3A_75 : i32 to vector<16xi32>
        %add3A_77 = arith.addi %mul3A_74, %add3A_76 : vector<16xi32>
        tpu.vector_store_idx %arg13[%add3A_77], %exp3A : memref<512xf32, #tpu.memory_space<vmem>>[vector<16xi32>], vector<16xf32>,
        %add3A_78 = arith.constant 1 : i32
        %add3A_79 = vector.broadcast %add3A_78 : i32 to vector<16xi32>
        %add3A_80 = arith.addi %mul3A_46, %add3A_79 : vector<16xi32>
        %gather3A_81 = tpu.vector_load_idx %arg9[%add3A_80] : memref<81920xf32, #tpu.memory_space<vmem>>[vector<16xi32>], vector<16xf32>,
        %add3A_82 = arith.constant 1 : i32
        %add3A_83 = vector.broadcast %add3A_82 : i32 to vector<16xi32>
        %add3A_84 = arith.addi %add3A_52, %add3A_83 : vector<16xi32>
        %gather3A_85 = tpu.vector_load_idx %arg9[%add3A_84] : memref<81920xf32, #tpu.memory_space<vmem>>[vector<16xi32>], vector<16xf32>,
        %add3A_86 = arith.addf %gather3A_81, %gather3A_85 : vector<16xf32>
        %mul3A_87 = arith.constant 2.000000e-01 : f32
        %mul3A_88 = vector.broadcast %mul3A_87 : f32 to vector<16xf32>
        %mul3A_89 = arith.mulf %mul3A_88, %add3A_86 : vector<16xf32>
        %max3A_90 = arith.maximumf %add3A_86, %mul3A_89 : vector<16xf32>
        %get3A_91 = arith.constant 16 : index
        %get3A_92 = tpu.vector_load %arg14[%get3A_91] {strides = array<i32>} : memref<64xf32, #tpu.memory_space<vmem>>, vector<16xf32>,
        %sub3A_93 = arith.subf %max3A_90, %get3A_92 : vector<16xf32>
        %exp3A_94 = math.exp %sub3A_93 : vector<16xf32>
        %broadcast_in_dim3A_95 = arith.constant 1 : i32
        %broadcast_in_dim3A_96 = vector.broadcast %broadcast_in_dim3A_95 : i32 to vector<16xi32>
        tpu.vector_store_idx %arg12[%add3A_56, %broadcast_in_dim3A_96], %exp3A_94 : memref<128x16xf32, #tpu.memory_space<vmem>>[vector<16xi32>, vector<16xi32>], vector<16xf32>,
        %mul3A_97 = arith.constant 4 : i32
        %mul3A_98 = vector.broadcast %mul3A_97 : i32 to vector<16xi32>
        %mul3A_99 = arith.muli %add3A_56, %mul3A_98 : vector<16xi32>
        %add3A_100 = arith.constant 1 : i32
        %add3A_101 = vector.broadcast %add3A_100 : i32 to vector<16xi32>
        %add3A_102 = arith.addi %mul3A_99, %add3A_101 : vector<16xi32>
        tpu.vector_store_idx %arg13[%add3A_102], %exp3A_94 : memref<512xf32, #tpu.memory_space<vmem>>[vector<16xi32>], vector<16xf32>,
        %add3A_103 = arith.constant 2 : i32
        %add3A_104 = vector.broadcast %add3A_103 : i32 to vector<16xi32>
        %add3A_105 = arith.addi %mul3A_46, %add3A_104 : vector<16xi32>
        %gather3A_106 = tpu.vector_load_idx %arg9[%add3A_105] : memref<81920xf32, #tpu.memory_space<vmem>>[vector<16xi32>], vector<16xf32>,
        %add3A_107 = arith.constant 2 : i32
        %add3A_108 = vector.broadcast %add3A_107 : i32 to vector<16xi32>
        %add3A_109 = arith.addi %add3A_52, %add3A_108 : vector<16xi32>
        %gather3A_110 = tpu.vector_load_idx %arg9[%add3A_109] : memref<81920xf32, #tpu.memory_space<vmem>>[vector<16xi32>], vector<16xf32>,
        %add3A_111 = arith.addf %gather3A_106, %gather3A_110 : vector<16xf32>
        %mul3A_112 = arith.constant 2.000000e-01 : f32
        %mul3A_113 = vector.broadcast %mul3A_112 : f32 to vector<16xf32>
        %mul3A_114 = arith.mulf %mul3A_113, %add3A_111 : vector<16xf32>
        %max3A_115 = arith.maximumf %add3A_111, %mul3A_114 : vector<16xf32>
        %get3A_116 = arith.constant 32 : index
        %get3A_117 = tpu.vector_load %arg14[%get3A_116] {strides = array<i32>} : memref<64xf32, #tpu.memory_space<vmem>>, vector<16xf32>,
        %sub3A_118 = arith.subf %max3A_115, %get3A_117 : vector<16xf32>
        %exp3A_119 = math.exp %sub3A_118 : vector<16xf32>
        %broadcast_in_dim3A_120 = arith.constant 2 : i32
        %broadcast_in_dim3A_121 = vector.broadcast %broadcast_in_dim3A_120 : i32 to vector<16xi32>
        tpu.vector_store_idx %arg12[%add3A_56, %broadcast_in_dim3A_121], %exp3A_119 : memref<128x16xf32, #tpu.memory_space<vmem>>[vector<16xi32>, vector<16xi32>], vector<16xf32>,
        %mul3A_122 = arith.constant 4 : i32
        %mul3A_123 = vector.broadcast %mul3A_122 : i32 to vector<16xi32>
        %mul3A_124 = arith.muli %add3A_56, %mul3A_123 : vector<16xi32>
        %add3A_125 = arith.constant 2 : i32
        %add3A_126 = vector.broadcast %add3A_125 : i32 to vector<16xi32>
        %add3A_127 = arith.addi %mul3A_124, %add3A_126 : vector<16xi32>
        tpu.vector_store_idx %arg13[%add3A_127], %exp3A_119 : memref<512xf32, #tpu.memory_space<vmem>>[vector<16xi32>], vector<16xf32>,
        %add3A_128 = arith.constant 3 : i32
        %add3A_129 = vector.broadcast %add3A_128 : i32 to vector<16xi32>
        %add3A_130 = arith.addi %mul3A_46, %add3A_129 : vector<16xi32>
        %gather3A_131 = tpu.vector_load_idx %arg9[%add3A_130] : memref<81920xf32, #tpu.memory_space<vmem>>[vector<16xi32>], vector<16xf32>,
        %add3A_132 = arith.constant 3 : i32
        %add3A_133 = vector.broadcast %add3A_132 : i32 to vector<16xi32>
        %add3A_134 = arith.addi %add3A_52, %add3A_133 : vector<16xi32>
        %gather3A_135 = tpu.vector_load_idx %arg9[%add3A_134] : memref<81920xf32, #tpu.memory_space<vmem>>[vector<16xi32>], vector<16xf32>,
        %add3A_136 = arith.addf %gather3A_131, %gather3A_135 : vector<16xf32>
        %mul3A_137 = arith.constant 2.000000e-01 : f32
        %mul3A_138 = vector.broadcast %mul3A_137 : f32 to vector<16xf32>
        %mul3A_139 = arith.mulf %mul3A_138, %add3A_136 : vector<16xf32>
        %max3A_140 = arith.maximumf %add3A_136, %mul3A_139 : vector<16xf32>
        %get3A_141 = arith.constant 48 : index
        %get3A_142 = tpu.vector_load %arg14[%get3A_141] {strides = array<i32>} : memref<64xf32, #tpu.memory_space<vmem>>, vector<16xf32>,
        %sub3A_143 = arith.subf %max3A_140, %get3A_142 : vector<16xf32>
        %exp3A_144 = math.exp %sub3A_143 : vector<16xf32>
        %broadcast_in_dim3A_145 = arith.constant 3 : i32
        %broadcast_in_dim3A_146 = vector.broadcast %broadcast_in_dim3A_145 : i32 to vector<16xi32>
        tpu.vector_store_idx %arg12[%add3A_56, %broadcast_in_dim3A_146], %exp3A_144 : memref<128x16xf32, #tpu.memory_space<vmem>>[vector<16xi32>, vector<16xi32>], vector<16xf32>,
        %mul3A_147 = arith.constant 4 : i32
        %mul3A_148 = vector.broadcast %mul3A_147 : i32 to vector<16xi32>
        %mul3A_149 = arith.muli %add3A_56, %mul3A_148 : vector<16xi32>
        %add3A_150 = arith.constant 3 : i32
        %add3A_151 = vector.broadcast %add3A_150 : i32 to vector<16xi32>
        %add3A_152 = arith.addi %mul3A_149, %add3A_151 : vector<16xi32>
        tpu.vector_store_idx %arg13[%add3A_152], %exp3A_144 : memref<512xf32, #tpu.memory_space<vmem>>[vector<16xi32>], vector<16xf32>,
      }
      %scan3A_33 = arith.constant 8 : i32
      %mul3A_34 = arith.constant 4 : i32
      %mul3A_35 = arith.muli %add3A_27, %mul3A_34 : i32
      "tpu.region"() ({
        %run_scoped3A = tpu.sem_alloc : memref<!tpu.dma_semaphore, #tpu.memory_space<semaphore_mem>>
        %dma_start3A = tpu.memref_slice %arg8[%mul3A_35] : memref<1310720xf32, #tpu.memory_space<hbm>> -> memref<512xf32, #tpu.memory_space<hbm>>
        %dma_start3A_36 = tpu.memref_slice %arg8[%mul3A_35] : memref<1310720xf32, #tpu.memory_space<hbm>> -> memref<512xf32, #tpu.memory_space<hbm>>
        tpu.enqueue_dma source(%arg13 : memref<512xf32, #tpu.memory_space<vmem>>) target(%dma_start3A_36 : memref<512xf32, #tpu.memory_space<hbm>>) target_semaphore(%run_scoped3A : memref<!tpu.dma_semaphore, #tpu.memory_space<semaphore_mem>>)
        %dma_wait3A = tpu.memref_slice %arg8[%mul3A_35] : memref<1310720xf32, #tpu.memory_space<hbm>> -> memref<512xf32, #tpu.memory_space<hbm>>
        %dma_wait3A_37 = tpu.memref_slice %arg8[%mul3A_35] : memref<1310720xf32, #tpu.memory_space<hbm>> -> memref<512xf32, #tpu.memory_space<hbm>>
        tpu.wait_dma2 semaphore(%run_scoped3A : memref<!tpu.dma_semaphore, #tpu.memory_space<semaphore_mem>>) src(%arg13 : memref<512xf32, #tpu.memory_space<vmem>>) dst(%dma_wait3A_37 : memref<512xf32, #tpu.memory_space<hbm>>)
        tpu.yield
      }) : () -> ()
      "tpu.region"() ({
        %run_scoped3A = tpu.sem_alloc : memref<!tpu.dma_semaphore, #tpu.memory_space<semaphore_mem>>
        %dma_start3A = arith.constant 0 : i32
        %dma_start3A_36 = arith.constant 0 : i32
        %dma_start3A_37 = tpu.memref_slice %arg15[%dma_start3A, %dma_start3A_36] : memref<10240x16xf32, #tpu.memory_space<vmem_shared>> -> memref<10240x16xf32, #tpu.memory_space<vmem_shared>>
        tpu.enqueue_indirect_dma source(%arg12 : memref<128x16xf32, #tpu.memory_space<vmem>>) target(%dma_start3A_37 : memref<10240x16xf32, #tpu.memory_space<vmem_shared>>) offsets(%arg11 : memref<128xi32, #tpu.memory_space<vmem>>) semaphore(%run_scoped3A : memref<!tpu.dma_semaphore, #tpu.memory_space<semaphore_mem>>) {add = true}
        %dma_wait3A = arith.constant 0 : i32
        %dma_wait3A_38 = arith.constant 0 : i32
        %dma_wait3A_39 = tpu.memref_slice %arg15[%dma_wait3A, %dma_wait3A_38] : memref<10240x16xf32, #tpu.memory_space<vmem_shared>> -> memref<10240x16xf32, #tpu.memory_space<vmem_shared>>
        tpu.wait_indirect_dma semaphore(%run_scoped3A : memref<!tpu.dma_semaphore, #tpu.memory_space<semaphore_mem>>) src(%arg12 : memref<128x16xf32, #tpu.memory_space<vmem>>) dst(%dma_wait3A_39 : memref<10240x16xf32, #tpu.memory_space<vmem_shared>>)
        tpu.yield
      }) : () -> ()
    }
    %scan3A_18 = arith.constant 80 : i32
    %barrier3A_19 = arith.constant 0 : index
    tpu.barrier barrier_id(%barrier3A_19)
    %mul3A_20 = arith.constant 640 : i32
    %mul3A_21 = arith.muli %arg1, %mul3A_20 : i32
    %mul3A_22 = arith.constant 640 : i32
    %mul3A_23 = arith.muli %arg1, %mul3A_22 : i32
    "tpu.region"() ({
      %run_scoped3A = tpu.sem_alloc : memref<!tpu.dma_semaphore, #tpu.memory_space<semaphore_mem>>
      %dma_start3A = arith.constant 0 : i32
      %dma_start3A_24 = tpu.memref_slice %arg7[%arg0, %mul3A_23, %dma_start3A] : memref<2x10240x16xf32, #tpu.memory_space<hbm>> -> memref<1x640x16xf32, #tpu.memory_space<hbm>>
      %dma_start3A_25 = tpu.memref_squeeze %dma_start3A_24 : memref<1x640x16xf32, #tpu.memory_space<hbm>> -> memref<640x16xf32, #tpu.memory_space<hbm>>
      %dma_start3A_26 = arith.constant 0 : i32
      %dma_start3A_27 = tpu.memref_slice %arg15[%mul3A_21, %dma_start3A_26] : memref<10240x16xf32, #tpu.memory_space<vmem_shared>> -> memref<640x16xf32, #tpu.memory_space<vmem_shared>>
      tpu.enqueue_dma source(%dma_start3A_27 : memref<640x16xf32, #tpu.memory_space<vmem_shared>>) target(%dma_start3A_25 : memref<640x16xf32, #tpu.memory_space<hbm>>) target_semaphore(%run_scoped3A : memref<!tpu.dma_semaphore, #tpu.memory_space<semaphore_mem>>)
      %dma_wait3A = arith.constant 0 : i32
      %dma_wait3A_28 = tpu.memref_slice %arg7[%arg0, %mul3A_23, %dma_wait3A] : memref<2x10240x16xf32, #tpu.memory_space<hbm>> -> memref<1x640x16xf32, #tpu.memory_space<hbm>>
      %dma_wait3A_29 = tpu.memref_squeeze %dma_wait3A_28 : memref<1x640x16xf32, #tpu.memory_space<hbm>> -> memref<640x16xf32, #tpu.memory_space<hbm>>
      %dma_wait3A_30 = arith.constant 0 : i32
      %dma_wait3A_31 = tpu.memref_slice %arg15[%mul3A_21, %dma_wait3A_30] : memref<10240x16xf32, #tpu.memory_space<vmem_shared>> -> memref<640x16xf32, #tpu.memory_space<vmem_shared>>
      tpu.wait_dma2 semaphore(%run_scoped3A : memref<!tpu.dma_semaphore, #tpu.memory_space<semaphore_mem>>) src(%dma_wait3A_31 : memref<640x16xf32, #tpu.memory_space<vmem_shared>>) dst(%dma_wait3A_29 : memref<640x16xf32, #tpu.memory_space<hbm>>)
      tpu.yield
    }) : () -> ()
    return
  }
}

#map = affine_map<(d0, d1) -> (0)>
module attributes {stable_mosaic.version = 14 : i64} {
  func.func @k(%arg0: i32, %arg1: i32, %arg2: memref<327680xi32, #tpu.memory_space<hbm>>, %arg3: memref<1310720xf32, #tpu.memory_space<hbm>>, %arg4: memref<40960xf32, #tpu.memory_space<hbm>>, %arg5: memref<1310720xf32, #tpu.memory_space<hbm>>, %arg6: memref<128xi32, #tpu.memory_space<vmem>>, %arg7: memref<512xf32, #tpu.memory_space<vmem>>, %arg8: memref<40960xf32, #tpu.memory_space<vmem>>, %arg9: memref<512xf32, #tpu.memory_space<vmem>>, %arg10: memref<!tpu.dma_semaphore, #tpu.memory_space<semaphore_mem>>) attributes {dimension_semantics = [#tpu.dimension_semantics<core_parallel>, #tpu.dimension_semantics<subcore_parallel>], iteration_bounds = array<i64: 2, 16>, scalar_prefetch = 0 : i64, scratch_operands = 5 : i64, tpu.core_type = #tpu.core_type<sc_vector_subcore>, window_params = [{transform_indices = #map}, {transform_indices = #map}, {transform_indices = #map}, {transform_indices = #map}]} {
    %mul3A = arith.constant 163840 : i32
    %mul3A_0 = arith.muli %arg0, %mul3A : i32
    %mul3A_1 = arith.constant 10240 : i32
    %mul3A_2 = arith.muli %arg1, %mul3A_1 : i32
    %add3A = arith.addi %mul3A_0, %mul3A_2 : i32
    %iota3A = tpu.iota {dimensions = array<i32: 0>} : vector<16xi32>
    "tpu.region"() ({
      %run_scoped3A = tpu.sem_alloc : memref<!tpu.dma_semaphore, #tpu.memory_space<semaphore_mem>>
      tpu.enqueue_dma source(%arg4 : memref<40960xf32, #tpu.memory_space<hbm>>) target(%arg8 : memref<40960xf32, #tpu.memory_space<vmem>>) target_semaphore(%run_scoped3A : memref<!tpu.dma_semaphore, #tpu.memory_space<semaphore_mem>>)
      tpu.wait_dma2 semaphore(%run_scoped3A : memref<!tpu.dma_semaphore, #tpu.memory_space<semaphore_mem>>) src(%arg4 : memref<40960xf32, #tpu.memory_space<hbm>>) dst(%arg8 : memref<40960xf32, #tpu.memory_space<vmem>>)
      tpu.yield
    }) : () -> ()
    %scan3A = arith.constant 0 : i32
    %scan3A_3 = arith.constant 0 : i32
    %scan3A_4 = arith.constant 80 : i32
    %scan3A_5 = arith.addi %scan3A_3, %scan3A_4 : i32
    %scan3A_6 = arith.constant 1 : i32
    scf.for %scan3A_8 = %scan3A_3 to %scan3A_5 step %scan3A_6  : i32 {
      %mul3A_9 = arith.constant 128 : i32
      %mul3A_10 = arith.muli %scan3A_8, %mul3A_9 : i32
      %add3A_11 = arith.addi %add3A, %mul3A_10 : i32
      "tpu.region"() ({
        %run_scoped3A = tpu.sem_alloc : memref<!tpu.dma_semaphore, #tpu.memory_space<semaphore_mem>>
        %dma_start3A = tpu.memref_slice %arg2[%add3A_11] : memref<327680xi32, #tpu.memory_space<hbm>> -> memref<128xi32, #tpu.memory_space<hbm>>
        %dma_start3A_22 = tpu.memref_slice %arg2[%add3A_11] : memref<327680xi32, #tpu.memory_space<hbm>> -> memref<128xi32, #tpu.memory_space<hbm>>
        tpu.enqueue_dma source(%dma_start3A_22 : memref<128xi32, #tpu.memory_space<hbm>>) target(%arg6 : memref<128xi32, #tpu.memory_space<vmem>>) target_semaphore(%run_scoped3A : memref<!tpu.dma_semaphore, #tpu.memory_space<semaphore_mem>>)
        %dma_wait3A = tpu.memref_slice %arg2[%add3A_11] : memref<327680xi32, #tpu.memory_space<hbm>> -> memref<128xi32, #tpu.memory_space<hbm>>
        %dma_wait3A_23 = tpu.memref_slice %arg2[%add3A_11] : memref<327680xi32, #tpu.memory_space<hbm>> -> memref<128xi32, #tpu.memory_space<hbm>>
        tpu.wait_dma2 semaphore(%run_scoped3A : memref<!tpu.dma_semaphore, #tpu.memory_space<semaphore_mem>>) src(%dma_wait3A_23 : memref<128xi32, #tpu.memory_space<hbm>>) dst(%arg6 : memref<128xi32, #tpu.memory_space<vmem>>)
        tpu.yield
      }) : () -> ()
      %mul3A_12 = arith.constant 4 : i32
      %mul3A_13 = arith.muli %add3A_11, %mul3A_12 : i32
      "tpu.region"() ({
        %run_scoped3A = tpu.sem_alloc : memref<!tpu.dma_semaphore, #tpu.memory_space<semaphore_mem>>
        %dma_start3A = tpu.memref_slice %arg3[%mul3A_13] : memref<1310720xf32, #tpu.memory_space<hbm>> -> memref<512xf32, #tpu.memory_space<hbm>>
        %dma_start3A_22 = tpu.memref_slice %arg3[%mul3A_13] : memref<1310720xf32, #tpu.memory_space<hbm>> -> memref<512xf32, #tpu.memory_space<hbm>>
        tpu.enqueue_dma source(%dma_start3A_22 : memref<512xf32, #tpu.memory_space<hbm>>) target(%arg7 : memref<512xf32, #tpu.memory_space<vmem>>) target_semaphore(%run_scoped3A : memref<!tpu.dma_semaphore, #tpu.memory_space<semaphore_mem>>)
        %dma_wait3A = tpu.memref_slice %arg3[%mul3A_13] : memref<1310720xf32, #tpu.memory_space<hbm>> -> memref<512xf32, #tpu.memory_space<hbm>>
        %dma_wait3A_23 = tpu.memref_slice %arg3[%mul3A_13] : memref<1310720xf32, #tpu.memory_space<hbm>> -> memref<512xf32, #tpu.memory_space<hbm>>
        tpu.wait_dma2 semaphore(%run_scoped3A : memref<!tpu.dma_semaphore, #tpu.memory_space<semaphore_mem>>) src(%dma_wait3A_23 : memref<512xf32, #tpu.memory_space<hbm>>) dst(%arg7 : memref<512xf32, #tpu.memory_space<vmem>>)
        tpu.yield
      }) : () -> ()
      %scan3A_14 = arith.constant 0 : i32
      %scan3A_15 = arith.constant 0 : i32
      %scan3A_16 = arith.constant 8 : i32
      %scan3A_17 = arith.addi %scan3A_15, %scan3A_16 : i32
      %scan3A_18 = arith.constant 1 : i32
      scf.for %scan3A_22 = %scan3A_15 to %scan3A_17 step %scan3A_18  : i32 {
        %mul3A_23 = arith.constant 16 : i32
        %mul3A_24 = arith.muli %scan3A_22, %mul3A_23 : i32
        %get3A = arith.index_cast %mul3A_24 : i32 to index
        %get3A_25 = tpu.vector_load %arg6[%get3A] {strides = array<i32>} : memref<128xi32, #tpu.memory_space<vmem>>, vector<16xi32>,
        %mul3A_26 = arith.constant 16 : i32
        %mul3A_27 = arith.muli %scan3A_22, %mul3A_26 : i32
        %add3A_28 = vector.broadcast %mul3A_27 : i32 to vector<16xi32>
        %add3A_29 = arith.addi %add3A_28, %iota3A : vector<16xi32>
        %mul3A_30 = arith.constant 4 : i32
        %mul3A_31 = vector.broadcast %mul3A_30 : i32 to vector<16xi32>
        %mul3A_32 = arith.muli %add3A_29, %mul3A_31 : vector<16xi32>
        %add3A_33 = arith.constant 0 : i32
        %add3A_34 = vector.broadcast %add3A_33 : i32 to vector<16xi32>
        %add3A_35 = arith.addi %mul3A_32, %add3A_34 : vector<16xi32>
        %gather3A = tpu.vector_load_idx %arg7[%add3A_35] : memref<512xf32, #tpu.memory_space<vmem>>[vector<16xi32>], vector<16xf32>,
        %mul3A_36 = arith.constant 4 : i32
        %mul3A_37 = vector.broadcast %mul3A_36 : i32 to vector<16xi32>
        %mul3A_38 = arith.muli %get3A_25, %mul3A_37 : vector<16xi32>
        %add3A_39 = arith.constant 0 : i32
        %add3A_40 = vector.broadcast %add3A_39 : i32 to vector<16xi32>
        %add3A_41 = arith.addi %mul3A_38, %add3A_40 : vector<16xi32>
        %gather3A_42 = tpu.vector_load_idx %arg8[%add3A_41] : memref<40960xf32, #tpu.memory_space<vmem>>[vector<16xi32>], vector<16xf32>,
        %mul3A_43 = arith.constant 4 : i32
        %mul3A_44 = vector.broadcast %mul3A_43 : i32 to vector<16xi32>
        %mul3A_45 = arith.muli %add3A_29, %mul3A_44 : vector<16xi32>
        %add3A_46 = arith.constant 0 : i32
        %add3A_47 = vector.broadcast %add3A_46 : i32 to vector<16xi32>
        %add3A_48 = arith.addi %mul3A_45, %add3A_47 : vector<16xi32>
        %add3A_49 = arith.constant 9.99999971E-10 : f32
        %add3A_50 = vector.broadcast %add3A_49 : f32 to vector<16xf32>
        %add3A_51 = arith.addf %gather3A_42, %add3A_50 : vector<16xf32>
        %div3A = arith.divf %gather3A, %add3A_51 : vector<16xf32>
        tpu.vector_store_idx %arg9[%add3A_48], %div3A : memref<512xf32, #tpu.memory_space<vmem>>[vector<16xi32>], vector<16xf32>,
        %mul3A_52 = arith.constant 4 : i32
        %mul3A_53 = vector.broadcast %mul3A_52 : i32 to vector<16xi32>
        %mul3A_54 = arith.muli %add3A_29, %mul3A_53 : vector<16xi32>
        %add3A_55 = arith.constant 1 : i32
        %add3A_56 = vector.broadcast %add3A_55 : i32 to vector<16xi32>
        %add3A_57 = arith.addi %mul3A_54, %add3A_56 : vector<16xi32>
        %gather3A_58 = tpu.vector_load_idx %arg7[%add3A_57] : memref<512xf32, #tpu.memory_space<vmem>>[vector<16xi32>], vector<16xf32>,
        %mul3A_59 = arith.constant 4 : i32
        %mul3A_60 = vector.broadcast %mul3A_59 : i32 to vector<16xi32>
        %mul3A_61 = arith.muli %get3A_25, %mul3A_60 : vector<16xi32>
        %add3A_62 = arith.constant 1 : i32
        %add3A_63 = vector.broadcast %add3A_62 : i32 to vector<16xi32>
        %add3A_64 = arith.addi %mul3A_61, %add3A_63 : vector<16xi32>
        %gather3A_65 = tpu.vector_load_idx %arg8[%add3A_64] : memref<40960xf32, #tpu.memory_space<vmem>>[vector<16xi32>], vector<16xf32>,
        %mul3A_66 = arith.constant 4 : i32
        %mul3A_67 = vector.broadcast %mul3A_66 : i32 to vector<16xi32>
        %mul3A_68 = arith.muli %add3A_29, %mul3A_67 : vector<16xi32>
        %add3A_69 = arith.constant 1 : i32
        %add3A_70 = vector.broadcast %add3A_69 : i32 to vector<16xi32>
        %add3A_71 = arith.addi %mul3A_68, %add3A_70 : vector<16xi32>
        %add3A_72 = arith.constant 9.99999971E-10 : f32
        %add3A_73 = vector.broadcast %add3A_72 : f32 to vector<16xf32>
        %add3A_74 = arith.addf %gather3A_65, %add3A_73 : vector<16xf32>
        %div3A_75 = arith.divf %gather3A_58, %add3A_74 : vector<16xf32>
        tpu.vector_store_idx %arg9[%add3A_71], %div3A_75 : memref<512xf32, #tpu.memory_space<vmem>>[vector<16xi32>], vector<16xf32>,
        %mul3A_76 = arith.constant 4 : i32
        %mul3A_77 = vector.broadcast %mul3A_76 : i32 to vector<16xi32>
        %mul3A_78 = arith.muli %add3A_29, %mul3A_77 : vector<16xi32>
        %add3A_79 = arith.constant 2 : i32
        %add3A_80 = vector.broadcast %add3A_79 : i32 to vector<16xi32>
        %add3A_81 = arith.addi %mul3A_78, %add3A_80 : vector<16xi32>
        %gather3A_82 = tpu.vector_load_idx %arg7[%add3A_81] : memref<512xf32, #tpu.memory_space<vmem>>[vector<16xi32>], vector<16xf32>,
        %mul3A_83 = arith.constant 4 : i32
        %mul3A_84 = vector.broadcast %mul3A_83 : i32 to vector<16xi32>
        %mul3A_85 = arith.muli %get3A_25, %mul3A_84 : vector<16xi32>
        %add3A_86 = arith.constant 2 : i32
        %add3A_87 = vector.broadcast %add3A_86 : i32 to vector<16xi32>
        %add3A_88 = arith.addi %mul3A_85, %add3A_87 : vector<16xi32>
        %gather3A_89 = tpu.vector_load_idx %arg8[%add3A_88] : memref<40960xf32, #tpu.memory_space<vmem>>[vector<16xi32>], vector<16xf32>,
        %mul3A_90 = arith.constant 4 : i32
        %mul3A_91 = vector.broadcast %mul3A_90 : i32 to vector<16xi32>
        %mul3A_92 = arith.muli %add3A_29, %mul3A_91 : vector<16xi32>
        %add3A_93 = arith.constant 2 : i32
        %add3A_94 = vector.broadcast %add3A_93 : i32 to vector<16xi32>
        %add3A_95 = arith.addi %mul3A_92, %add3A_94 : vector<16xi32>
        %add3A_96 = arith.constant 9.99999971E-10 : f32
        %add3A_97 = vector.broadcast %add3A_96 : f32 to vector<16xf32>
        %add3A_98 = arith.addf %gather3A_89, %add3A_97 : vector<16xf32>
        %div3A_99 = arith.divf %gather3A_82, %add3A_98 : vector<16xf32>
        tpu.vector_store_idx %arg9[%add3A_95], %div3A_99 : memref<512xf32, #tpu.memory_space<vmem>>[vector<16xi32>], vector<16xf32>,
        %mul3A_100 = arith.constant 4 : i32
        %mul3A_101 = vector.broadcast %mul3A_100 : i32 to vector<16xi32>
        %mul3A_102 = arith.muli %add3A_29, %mul3A_101 : vector<16xi32>
        %add3A_103 = arith.constant 3 : i32
        %add3A_104 = vector.broadcast %add3A_103 : i32 to vector<16xi32>
        %add3A_105 = arith.addi %mul3A_102, %add3A_104 : vector<16xi32>
        %gather3A_106 = tpu.vector_load_idx %arg7[%add3A_105] : memref<512xf32, #tpu.memory_space<vmem>>[vector<16xi32>], vector<16xf32>,
        %mul3A_107 = arith.constant 4 : i32
        %mul3A_108 = vector.broadcast %mul3A_107 : i32 to vector<16xi32>
        %mul3A_109 = arith.muli %get3A_25, %mul3A_108 : vector<16xi32>
        %add3A_110 = arith.constant 3 : i32
        %add3A_111 = vector.broadcast %add3A_110 : i32 to vector<16xi32>
        %add3A_112 = arith.addi %mul3A_109, %add3A_111 : vector<16xi32>
        %gather3A_113 = tpu.vector_load_idx %arg8[%add3A_112] : memref<40960xf32, #tpu.memory_space<vmem>>[vector<16xi32>], vector<16xf32>,
        %mul3A_114 = arith.constant 4 : i32
        %mul3A_115 = vector.broadcast %mul3A_114 : i32 to vector<16xi32>
        %mul3A_116 = arith.muli %add3A_29, %mul3A_115 : vector<16xi32>
        %add3A_117 = arith.constant 3 : i32
        %add3A_118 = vector.broadcast %add3A_117 : i32 to vector<16xi32>
        %add3A_119 = arith.addi %mul3A_116, %add3A_118 : vector<16xi32>
        %add3A_120 = arith.constant 9.99999971E-10 : f32
        %add3A_121 = vector.broadcast %add3A_120 : f32 to vector<16xf32>
        %add3A_122 = arith.addf %gather3A_113, %add3A_121 : vector<16xf32>
        %div3A_123 = arith.divf %gather3A_106, %add3A_122 : vector<16xf32>
        tpu.vector_store_idx %arg9[%add3A_119], %div3A_123 : memref<512xf32, #tpu.memory_space<vmem>>[vector<16xi32>], vector<16xf32>,
      }
      %scan3A_19 = arith.constant 8 : i32
      %mul3A_20 = arith.constant 4 : i32
      %mul3A_21 = arith.muli %add3A_11, %mul3A_20 : i32
      "tpu.region"() ({
        %run_scoped3A = tpu.sem_alloc : memref<!tpu.dma_semaphore, #tpu.memory_space<semaphore_mem>>
        %dma_start3A = tpu.memref_slice %arg5[%mul3A_21] : memref<1310720xf32, #tpu.memory_space<hbm>> -> memref<512xf32, #tpu.memory_space<hbm>>
        %dma_start3A_22 = tpu.memref_slice %arg5[%mul3A_21] : memref<1310720xf32, #tpu.memory_space<hbm>> -> memref<512xf32, #tpu.memory_space<hbm>>
        tpu.enqueue_dma source(%arg9 : memref<512xf32, #tpu.memory_space<vmem>>) target(%dma_start3A_22 : memref<512xf32, #tpu.memory_space<hbm>>) target_semaphore(%run_scoped3A : memref<!tpu.dma_semaphore, #tpu.memory_space<semaphore_mem>>)
        %dma_wait3A = tpu.memref_slice %arg5[%mul3A_21] : memref<1310720xf32, #tpu.memory_space<hbm>> -> memref<512xf32, #tpu.memory_space<hbm>>
        %dma_wait3A_23 = tpu.memref_slice %arg5[%mul3A_21] : memref<1310720xf32, #tpu.memory_space<hbm>> -> memref<512xf32, #tpu.memory_space<hbm>>
        tpu.wait_dma2 semaphore(%run_scoped3A : memref<!tpu.dma_semaphore, #tpu.memory_space<semaphore_mem>>) src(%arg9 : memref<512xf32, #tpu.memory_space<vmem>>) dst(%dma_wait3A_23 : memref<512xf32, #tpu.memory_space<hbm>>)
        tpu.yield
      }) : () -> ()
    }
    %scan3A_7 = arith.constant 80 : i32
    return
  }
}

#map = affine_map<(d0, d1) -> (0)>
#map1 = affine_map<(d0, d1) -> (0, 0)>
#map2 = affine_map<(d0, d1) -> (0, 0, 0)>
module attributes {stable_mosaic.version = 14 : i64} {
  func.func @k(%arg0: i32, %arg1: i32, %arg2: memref<327680xi32, #tpu.memory_space<hbm>>, %arg3: memref<327680xi32, #tpu.memory_space<hbm>>, %arg4: memref<1310720xf32, #tpu.memory_space<hbm>>, %arg5: memref<20000x64xf32, #tpu.memory_space<hbm>>, %arg6: memref<2x10240x64xf32, #tpu.memory_space<hbm>>, %arg7: memref<128xi32, #tpu.memory_space<vmem>>, %arg8: memref<128xi32, #tpu.memory_space<vmem>>, %arg9: memref<512xf32, #tpu.memory_space<vmem>>, %arg10: memref<128x64xf32, #tpu.memory_space<vmem>>, %arg11: memref<10240x64xf32, #tpu.memory_space<vmem_shared>>, %arg12: memref<!tpu.dma_semaphore, #tpu.memory_space<semaphore_mem>>) attributes {dimension_semantics = [#tpu.dimension_semantics<core_parallel>, #tpu.dimension_semantics<subcore_parallel>], iteration_bounds = array<i64: 2, 16>, scalar_prefetch = 0 : i64, scratch_operands = 6 : i64, tpu.core_type = #tpu.core_type<sc_vector_subcore>, window_params = [{transform_indices = #map}, {transform_indices = #map}, {transform_indices = #map}, {transform_indices = #map1}, {transform_indices = #map2}]} {
    %mul3A = arith.constant 20480 : i32
    %mul3A_0 = arith.muli %arg1, %mul3A : i32
    %broadcast_in_dim3A = arith.constant 0.000000e+00 : f32
    %broadcast_in_dim3A_1 = vector.broadcast %broadcast_in_dim3A : f32 to vector<16xf32>
    %mul3A_2 = arith.constant 10000 : i32
    %mul3A_3 = arith.muli %arg0, %mul3A_2 : i32
    %scan3A = arith.constant 0 : i32
    %scan3A_4 = arith.constant 0 : i32
    %scan3A_5 = arith.constant 128 : i32
    %scan3A_6 = arith.addi %scan3A_4, %scan3A_5 : i32
    %scan3A_7 = arith.constant 1 : i32
    scf.for %scan3A_39 = %scan3A_4 to %scan3A_6 step %scan3A_7  : i32 {
      %swap3A = arith.index_cast %scan3A_39 : i32 to index
      %swap3A_40 = arith.constant 0 : index
      %swap3A_41 = tpu.vector_load %arg10[%swap3A, %swap3A_40] {strides = array<i32>} : memref<128x64xf32, #tpu.memory_space<vmem>>, vector<16xf32>,
      tpu.vector_store %arg10[%swap3A, %swap3A_40], %broadcast_in_dim3A_1 {strides = array<i32>} : memref<128x64xf32, #tpu.memory_space<vmem>>, vector<16xf32>,
      %swap3A_42 = arith.index_cast %scan3A_39 : i32 to index
      %swap3A_43 = arith.constant 16 : index
      %swap3A_44 = tpu.vector_load %arg10[%swap3A_42, %swap3A_43] {strides = array<i32>} : memref<128x64xf32, #tpu.memory_space<vmem>>, vector<16xf32>,
      tpu.vector_store %arg10[%swap3A_42, %swap3A_43], %broadcast_in_dim3A_1 {strides = array<i32>} : memref<128x64xf32, #tpu.memory_space<vmem>>, vector<16xf32>,
      %swap3A_45 = arith.index_cast %scan3A_39 : i32 to index
      %swap3A_46 = arith.constant 32 : index
      %swap3A_47 = tpu.vector_load %arg10[%swap3A_45, %swap3A_46] {strides = array<i32>} : memref<128x64xf32, #tpu.memory_space<vmem>>, vector<16xf32>,
      tpu.vector_store %arg10[%swap3A_45, %swap3A_46], %broadcast_in_dim3A_1 {strides = array<i32>} : memref<128x64xf32, #tpu.memory_space<vmem>>, vector<16xf32>,
      %swap3A_48 = arith.index_cast %scan3A_39 : i32 to index
      %swap3A_49 = arith.constant 48 : index
      %swap3A_50 = tpu.vector_load %arg10[%swap3A_48, %swap3A_49] {strides = array<i32>} : memref<128x64xf32, #tpu.memory_space<vmem>>, vector<16xf32>,
      tpu.vector_store %arg10[%swap3A_48, %swap3A_49], %broadcast_in_dim3A_1 {strides = array<i32>} : memref<128x64xf32, #tpu.memory_space<vmem>>, vector<16xf32>,
    }
    %scan3A_8 = arith.constant 128 : i32
    %mul3A_9 = arith.constant 640 : i32
    %mul3A_10 = arith.muli %arg1, %mul3A_9 : i32
    %add3A = arith.constant 0 : i32
    %add3A_11 = arith.addi %mul3A_10, %add3A : i32
    "tpu.region"() ({
      %run_scoped3A = tpu.sem_alloc : memref<!tpu.dma_semaphore, #tpu.memory_space<semaphore_mem>>
      %dma_start3A = arith.constant 0 : i32
      %dma_start3A_39 = tpu.memref_slice %arg11[%add3A_11, %dma_start3A] : memref<10240x64xf32, #tpu.memory_space<vmem_shared>> -> memref<128x64xf32, #tpu.memory_space<vmem_shared>>
      %dma_start3A_40 = arith.constant 0 : i32
      %dma_start3A_41 = tpu.memref_slice %arg11[%add3A_11, %dma_start3A_40] : memref<10240x64xf32, #tpu.memory_space<vmem_shared>> -> memref<128x64xf32, #tpu.memory_space<vmem_shared>>
      tpu.enqueue_dma source(%arg10 : memref<128x64xf32, #tpu.memory_space<vmem>>) target(%dma_start3A_41 : memref<128x64xf32, #tpu.memory_space<vmem_shared>>) target_semaphore(%run_scoped3A : memref<!tpu.dma_semaphore, #tpu.memory_space<semaphore_mem>>)
      %dma_wait3A = arith.constant 0 : i32
      %dma_wait3A_42 = tpu.memref_slice %arg11[%add3A_11, %dma_wait3A] : memref<10240x64xf32, #tpu.memory_space<vmem_shared>> -> memref<128x64xf32, #tpu.memory_space<vmem_shared>>
      %dma_wait3A_43 = arith.constant 0 : i32
      %dma_wait3A_44 = tpu.memref_slice %arg11[%add3A_11, %dma_wait3A_43] : memref<10240x64xf32, #tpu.memory_space<vmem_shared>> -> memref<128x64xf32, #tpu.memory_space<vmem_shared>>
      tpu.wait_dma2 semaphore(%run_scoped3A : memref<!tpu.dma_semaphore, #tpu.memory_space<semaphore_mem>>) src(%arg10 : memref<128x64xf32, #tpu.memory_space<vmem>>) dst(%dma_wait3A_44 : memref<128x64xf32, #tpu.memory_space<vmem_shared>>)
      tpu.yield
    }) : () -> ()
    %mul3A_12 = arith.constant 640 : i32
    %mul3A_13 = arith.muli %arg1, %mul3A_12 : i32
    %add3A_14 = arith.constant 128 : i32
    %add3A_15 = arith.addi %mul3A_13, %add3A_14 : i32
    "tpu.region"() ({
      %run_scoped3A = tpu.sem_alloc : memref<!tpu.dma_semaphore, #tpu.memory_space<semaphore_mem>>
      %dma_start3A = arith.constant 0 : i32
      %dma_start3A_39 = tpu.memref_slice %arg11[%add3A_15, %dma_start3A] : memref<10240x64xf32, #tpu.memory_space<vmem_shared>> -> memref<128x64xf32, #tpu.memory_space<vmem_shared>>
      %dma_start3A_40 = arith.constant 0 : i32
      %dma_start3A_41 = tpu.memref_slice %arg11[%add3A_15, %dma_start3A_40] : memref<10240x64xf32, #tpu.memory_space<vmem_shared>> -> memref<128x64xf32, #tpu.memory_space<vmem_shared>>
      tpu.enqueue_dma source(%arg10 : memref<128x64xf32, #tpu.memory_space<vmem>>) target(%dma_start3A_41 : memref<128x64xf32, #tpu.memory_space<vmem_shared>>) target_semaphore(%run_scoped3A : memref<!tpu.dma_semaphore, #tpu.memory_space<semaphore_mem>>)
      %dma_wait3A = arith.constant 0 : i32
      %dma_wait3A_42 = tpu.memref_slice %arg11[%add3A_15, %dma_wait3A] : memref<10240x64xf32, #tpu.memory_space<vmem_shared>> -> memref<128x64xf32, #tpu.memory_space<vmem_shared>>
      %dma_wait3A_43 = arith.constant 0 : i32
      %dma_wait3A_44 = tpu.memref_slice %arg11[%add3A_15, %dma_wait3A_43] : memref<10240x64xf32, #tpu.memory_space<vmem_shared>> -> memref<128x64xf32, #tpu.memory_space<vmem_shared>>
      tpu.wait_dma2 semaphore(%run_scoped3A : memref<!tpu.dma_semaphore, #tpu.memory_space<semaphore_mem>>) src(%arg10 : memref<128x64xf32, #tpu.memory_space<vmem>>) dst(%dma_wait3A_44 : memref<128x64xf32, #tpu.memory_space<vmem_shared>>)
      tpu.yield
    }) : () -> ()
    %mul3A_16 = arith.constant 640 : i32
    %mul3A_17 = arith.muli %arg1, %mul3A_16 : i32
    %add3A_18 = arith.constant 256 : i32
    %add3A_19 = arith.addi %mul3A_17, %add3A_18 : i32
    "tpu.region"() ({
      %run_scoped3A = tpu.sem_alloc : memref<!tpu.dma_semaphore, #tpu.memory_space<semaphore_mem>>
      %dma_start3A = arith.constant 0 : i32
      %dma_start3A_39 = tpu.memref_slice %arg11[%add3A_19, %dma_start3A] : memref<10240x64xf32, #tpu.memory_space<vmem_shared>> -> memref<128x64xf32, #tpu.memory_space<vmem_shared>>
      %dma_start3A_40 = arith.constant 0 : i32
      %dma_start3A_41 = tpu.memref_slice %arg11[%add3A_19, %dma_start3A_40] : memref<10240x64xf32, #tpu.memory_space<vmem_shared>> -> memref<128x64xf32, #tpu.memory_space<vmem_shared>>
      tpu.enqueue_dma source(%arg10 : memref<128x64xf32, #tpu.memory_space<vmem>>) target(%dma_start3A_41 : memref<128x64xf32, #tpu.memory_space<vmem_shared>>) target_semaphore(%run_scoped3A : memref<!tpu.dma_semaphore, #tpu.memory_space<semaphore_mem>>)
      %dma_wait3A = arith.constant 0 : i32
      %dma_wait3A_42 = tpu.memref_slice %arg11[%add3A_19, %dma_wait3A] : memref<10240x64xf32, #tpu.memory_space<vmem_shared>> -> memref<128x64xf32, #tpu.memory_space<vmem_shared>>
      %dma_wait3A_43 = arith.constant 0 : i32
      %dma_wait3A_44 = tpu.memref_slice %arg11[%add3A_19, %dma_wait3A_43] : memref<10240x64xf32, #tpu.memory_space<vmem_shared>> -> memref<128x64xf32, #tpu.memory_space<vmem_shared>>
      tpu.wait_dma2 semaphore(%run_scoped3A : memref<!tpu.dma_semaphore, #tpu.memory_space<semaphore_mem>>) src(%arg10 : memref<128x64xf32, #tpu.memory_space<vmem>>) dst(%dma_wait3A_44 : memref<128x64xf32, #tpu.memory_space<vmem_shared>>)
      tpu.yield
    }) : () -> ()
    %mul3A_20 = arith.constant 640 : i32
    %mul3A_21 = arith.muli %arg1, %mul3A_20 : i32
    %add3A_22 = arith.constant 384 : i32
    %add3A_23 = arith.addi %mul3A_21, %add3A_22 : i32
    "tpu.region"() ({
      %run_scoped3A = tpu.sem_alloc : memref<!tpu.dma_semaphore, #tpu.memory_space<semaphore_mem>>
      %dma_start3A = arith.constant 0 : i32
      %dma_start3A_39 = tpu.memref_slice %arg11[%add3A_23, %dma_start3A] : memref<10240x64xf32, #tpu.memory_space<vmem_shared>> -> memref<128x64xf32, #tpu.memory_space<vmem_shared>>
      %dma_start3A_40 = arith.constant 0 : i32
      %dma_start3A_41 = tpu.memref_slice %arg11[%add3A_23, %dma_start3A_40] : memref<10240x64xf32, #tpu.memory_space<vmem_shared>> -> memref<128x64xf32, #tpu.memory_space<vmem_shared>>
      tpu.enqueue_dma source(%arg10 : memref<128x64xf32, #tpu.memory_space<vmem>>) target(%dma_start3A_41 : memref<128x64xf32, #tpu.memory_space<vmem_shared>>) target_semaphore(%run_scoped3A : memref<!tpu.dma_semaphore, #tpu.memory_space<semaphore_mem>>)
      %dma_wait3A = arith.constant 0 : i32
      %dma_wait3A_42 = tpu.memref_slice %arg11[%add3A_23, %dma_wait3A] : memref<10240x64xf32, #tpu.memory_space<vmem_shared>> -> memref<128x64xf32, #tpu.memory_space<vmem_shared>>
      %dma_wait3A_43 = arith.constant 0 : i32
      %dma_wait3A_44 = tpu.memref_slice %arg11[%add3A_23, %dma_wait3A_43] : memref<10240x64xf32, #tpu.memory_space<vmem_shared>> -> memref<128x64xf32, #tpu.memory_space<vmem_shared>>
      tpu.wait_dma2 semaphore(%run_scoped3A : memref<!tpu.dma_semaphore, #tpu.memory_space<semaphore_mem>>) src(%arg10 : memref<128x64xf32, #tpu.memory_space<vmem>>) dst(%dma_wait3A_44 : memref<128x64xf32, #tpu.memory_space<vmem_shared>>)
      tpu.yield
    }) : () -> ()
    %mul3A_24 = arith.constant 640 : i32
    %mul3A_25 = arith.muli %arg1, %mul3A_24 : i32
    %add3A_26 = arith.constant 512 : i32
    %add3A_27 = arith.addi %mul3A_25, %add3A_26 : i32
    "tpu.region"() ({
      %run_scoped3A = tpu.sem_alloc : memref<!tpu.dma_semaphore, #tpu.memory_space<semaphore_mem>>
      %dma_start3A = arith.constant 0 : i32
      %dma_start3A_39 = tpu.memref_slice %arg11[%add3A_27, %dma_start3A] : memref<10240x64xf32, #tpu.memory_space<vmem_shared>> -> memref<128x64xf32, #tpu.memory_space<vmem_shared>>
      %dma_start3A_40 = arith.constant 0 : i32
      %dma_start3A_41 = tpu.memref_slice %arg11[%add3A_27, %dma_start3A_40] : memref<10240x64xf32, #tpu.memory_space<vmem_shared>> -> memref<128x64xf32, #tpu.memory_space<vmem_shared>>
      tpu.enqueue_dma source(%arg10 : memref<128x64xf32, #tpu.memory_space<vmem>>) target(%dma_start3A_41 : memref<128x64xf32, #tpu.memory_space<vmem_shared>>) target_semaphore(%run_scoped3A : memref<!tpu.dma_semaphore, #tpu.memory_space<semaphore_mem>>)
      %dma_wait3A = arith.constant 0 : i32
      %dma_wait3A_42 = tpu.memref_slice %arg11[%add3A_27, %dma_wait3A] : memref<10240x64xf32, #tpu.memory_space<vmem_shared>> -> memref<128x64xf32, #tpu.memory_space<vmem_shared>>
      %dma_wait3A_43 = arith.constant 0 : i32
      %dma_wait3A_44 = tpu.memref_slice %arg11[%add3A_27, %dma_wait3A_43] : memref<10240x64xf32, #tpu.memory_space<vmem_shared>> -> memref<128x64xf32, #tpu.memory_space<vmem_shared>>
      tpu.wait_dma2 semaphore(%run_scoped3A : memref<!tpu.dma_semaphore, #tpu.memory_space<semaphore_mem>>) src(%arg10 : memref<128x64xf32, #tpu.memory_space<vmem>>) dst(%dma_wait3A_44 : memref<128x64xf32, #tpu.memory_space<vmem_shared>>)
      tpu.yield
    }) : () -> ()
    %barrier3A = arith.constant 0 : index
    tpu.barrier barrier_id(%barrier3A)
    %scan3A_28 = arith.constant 0 : i32
    %scan3A_29 = arith.constant 0 : i32
    %scan3A_30 = arith.constant 160 : i32
    %scan3A_31 = arith.addi %scan3A_29, %scan3A_30 : i32
    %scan3A_32 = arith.constant 1 : i32
    scf.for %scan3A_39 = %scan3A_29 to %scan3A_31 step %scan3A_32  : i32 {
      %mul3A_40 = arith.constant 128 : i32
      %mul3A_41 = arith.muli %scan3A_39, %mul3A_40 : i32
      %add3A_42 = arith.addi %mul3A_0, %mul3A_41 : i32
      "tpu.region"() ({
        %run_scoped3A = tpu.sem_alloc : memref<!tpu.dma_semaphore, #tpu.memory_space<semaphore_mem>>
        %dma_start3A_61 = tpu.memref_slice %arg2[%add3A_42] : memref<327680xi32, #tpu.memory_space<hbm>> -> memref<128xi32, #tpu.memory_space<hbm>>
        %dma_start3A_62 = tpu.memref_slice %arg2[%add3A_42] : memref<327680xi32, #tpu.memory_space<hbm>> -> memref<128xi32, #tpu.memory_space<hbm>>
        tpu.enqueue_dma source(%dma_start3A_62 : memref<128xi32, #tpu.memory_space<hbm>>) target(%arg7 : memref<128xi32, #tpu.memory_space<vmem>>) target_semaphore(%run_scoped3A : memref<!tpu.dma_semaphore, #tpu.memory_space<semaphore_mem>>)
        %dma_wait3A_63 = tpu.memref_slice %arg2[%add3A_42] : memref<327680xi32, #tpu.memory_space<hbm>> -> memref<128xi32, #tpu.memory_space<hbm>>
        %dma_wait3A_64 = tpu.memref_slice %arg2[%add3A_42] : memref<327680xi32, #tpu.memory_space<hbm>> -> memref<128xi32, #tpu.memory_space<hbm>>
        tpu.wait_dma2 semaphore(%run_scoped3A : memref<!tpu.dma_semaphore, #tpu.memory_space<semaphore_mem>>) src(%dma_wait3A_64 : memref<128xi32, #tpu.memory_space<hbm>>) dst(%arg7 : memref<128xi32, #tpu.memory_space<vmem>>)
        tpu.yield
      }) : () -> ()
      "tpu.region"() ({
        %run_scoped3A = tpu.sem_alloc : memref<!tpu.dma_semaphore, #tpu.memory_space<semaphore_mem>>
        %dma_start3A_61 = tpu.memref_slice %arg3[%add3A_42] : memref<327680xi32, #tpu.memory_space<hbm>> -> memref<128xi32, #tpu.memory_space<hbm>>
        %dma_start3A_62 = tpu.memref_slice %arg3[%add3A_42] : memref<327680xi32, #tpu.memory_space<hbm>> -> memref<128xi32, #tpu.memory_space<hbm>>
        tpu.enqueue_dma source(%dma_start3A_62 : memref<128xi32, #tpu.memory_space<hbm>>) target(%arg8 : memref<128xi32, #tpu.memory_space<vmem>>) target_semaphore(%run_scoped3A : memref<!tpu.dma_semaphore, #tpu.memory_space<semaphore_mem>>)
        %dma_wait3A_63 = tpu.memref_slice %arg3[%add3A_42] : memref<327680xi32, #tpu.memory_space<hbm>> -> memref<128xi32, #tpu.memory_space<hbm>>
        %dma_wait3A_64 = tpu.memref_slice %arg3[%add3A_42] : memref<327680xi32, #tpu.memory_space<hbm>> -> memref<128xi32, #tpu.memory_space<hbm>>
        tpu.wait_dma2 semaphore(%run_scoped3A : memref<!tpu.dma_semaphore, #tpu.memory_space<semaphore_mem>>) src(%dma_wait3A_64 : memref<128xi32, #tpu.memory_space<hbm>>) dst(%arg8 : memref<128xi32, #tpu.memory_space<vmem>>)
        tpu.yield
      }) : () -> ()
      %mul3A_43 = arith.constant 4 : i32
      %mul3A_44 = arith.muli %add3A_42, %mul3A_43 : i32
      "tpu.region"() ({
        %run_scoped3A = tpu.sem_alloc : memref<!tpu.dma_semaphore, #tpu.memory_space<semaphore_mem>>
        %dma_start3A_61 = tpu.memref_slice %arg4[%mul3A_44] : memref<1310720xf32, #tpu.memory_space<hbm>> -> memref<512xf32, #tpu.memory_space<hbm>>
        %dma_start3A_62 = tpu.memref_slice %arg4[%mul3A_44] : memref<1310720xf32, #tpu.memory_space<hbm>> -> memref<512xf32, #tpu.memory_space<hbm>>
        tpu.enqueue_dma source(%dma_start3A_62 : memref<512xf32, #tpu.memory_space<hbm>>) target(%arg9 : memref<512xf32, #tpu.memory_space<vmem>>) target_semaphore(%run_scoped3A : memref<!tpu.dma_semaphore, #tpu.memory_space<semaphore_mem>>)
        %dma_wait3A_63 = tpu.memref_slice %arg4[%mul3A_44] : memref<1310720xf32, #tpu.memory_space<hbm>> -> memref<512xf32, #tpu.memory_space<hbm>>
        %dma_wait3A_64 = tpu.memref_slice %arg4[%mul3A_44] : memref<1310720xf32, #tpu.memory_space<hbm>> -> memref<512xf32, #tpu.memory_space<hbm>>
        tpu.wait_dma2 semaphore(%run_scoped3A : memref<!tpu.dma_semaphore, #tpu.memory_space<semaphore_mem>>) src(%dma_wait3A_64 : memref<512xf32, #tpu.memory_space<hbm>>) dst(%arg9 : memref<512xf32, #tpu.memory_space<vmem>>)
        tpu.yield
      }) : () -> ()
      %scan3A_45 = arith.constant 0 : i32
      %scan3A_46 = arith.constant 0 : i32
      %scan3A_47 = arith.constant 8 : i32
      %scan3A_48 = arith.addi %scan3A_46, %scan3A_47 : i32
      %scan3A_49 = arith.constant 1 : i32
      scf.for %scan3A_61 = %scan3A_46 to %scan3A_48 step %scan3A_49  : i32 {
        %mul3A_62 = arith.constant 16 : i32
        %mul3A_63 = arith.muli %scan3A_61, %mul3A_62 : i32
        %get3A = arith.index_cast %mul3A_63 : i32 to index
        %get3A_64 = tpu.vector_load %arg7[%get3A] {strides = array<i32>} : memref<128xi32, #tpu.memory_space<vmem>>, vector<16xi32>,
        %add3A_65 = vector.broadcast %mul3A_3 : i32 to vector<16xi32>
        %add3A_66 = arith.addi %get3A_64, %add3A_65 : vector<16xi32>
        %swap3A = arith.index_cast %mul3A_63 : i32 to index
        %swap3A_67 = tpu.vector_load %arg7[%swap3A] {strides = array<i32>} : memref<128xi32, #tpu.memory_space<vmem>>, vector<16xi32>,
        tpu.vector_store %arg7[%swap3A], %add3A_66 {strides = array<i32>} : memref<128xi32, #tpu.memory_space<vmem>>, vector<16xi32>,
      }
      %scan3A_50 = arith.constant 8 : i32
      %dma_start3A = arith.constant 0 : i32
      %dma_start3A_51 = arith.constant 0 : i32
      %dma_start3A_52 = tpu.memref_slice %arg5[%dma_start3A, %dma_start3A_51] : memref<20000x64xf32, #tpu.memory_space<hbm>> -> memref<20000x64xf32, #tpu.memory_space<hbm>>
      tpu.enqueue_indirect_dma source(%dma_start3A_52 : memref<20000x64xf32, #tpu.memory_space<hbm>>) target(%arg10 : memref<128x64xf32, #tpu.memory_space<vmem>>) offsets(%arg7 : memref<128xi32, #tpu.memory_space<vmem>>) semaphore(%arg12 : memref<!tpu.dma_semaphore, #tpu.memory_space<semaphore_mem>>)
      %dma_wait3A = arith.constant 0 : i32
      %dma_wait3A_53 = arith.constant 0 : i32
      %dma_wait3A_54 = tpu.memref_slice %arg5[%dma_wait3A, %dma_wait3A_53] : memref<20000x64xf32, #tpu.memory_space<hbm>> -> memref<20000x64xf32, #tpu.memory_space<hbm>>
      tpu.wait_indirect_dma semaphore(%arg12 : memref<!tpu.dma_semaphore, #tpu.memory_space<semaphore_mem>>) src(%dma_wait3A_54 : memref<20000x64xf32, #tpu.memory_space<hbm>>) dst(%arg10 : memref<128x64xf32, #tpu.memory_space<vmem>>)
      %scan3A_55 = arith.constant 0 : i32
      %scan3A_56 = arith.constant 0 : i32
      %scan3A_57 = arith.constant 128 : i32
      %scan3A_58 = arith.addi %scan3A_56, %scan3A_57 : i32
      %scan3A_59 = arith.constant 1 : i32
      scf.for %scan3A_61 = %scan3A_56 to %scan3A_58 step %scan3A_59  : i32 {
        %mul3A_62 = arith.constant 4 : i32
        %mul3A_63 = arith.muli %scan3A_61, %mul3A_62 : i32
        %add3A_64 = arith.constant 0 : i32
        %add3A_65 = arith.addi %mul3A_63, %add3A_64 : i32
        %broadcast_in_dim3A_66 = vector.broadcast %add3A_65 : i32 to vector<16xi32>
        %mul3A_67 = arith.constant 2 : i32
        %mul3A_68 = arith.muli %mul3A_67, %arg0 : i32
        %add3A_69 = vector.broadcast %mul3A_68 : i32 to vector<16xi32>
        %add3A_70 = arith.addi %broadcast_in_dim3A_66, %add3A_69 : vector<16xi32>
        %gather3A = tpu.vector_load_idx %arg9[%add3A_70] : memref<512xf32, #tpu.memory_space<vmem>>[vector<16xi32>], vector<16xf32>,
        %get3A = arith.index_cast %scan3A_61 : i32 to index
        %get3A_71 = arith.constant 0 : index
        %get3A_72 = tpu.vector_load %arg10[%get3A, %get3A_71] {strides = array<i32>} : memref<128x64xf32, #tpu.memory_space<vmem>>, vector<16xf32>,
        %mul3A_73 = arith.mulf %get3A_72, %gather3A : vector<16xf32>
        %swap3A = arith.index_cast %scan3A_61 : i32 to index
        %swap3A_74 = arith.constant 0 : index
        %swap3A_75 = tpu.vector_load %arg10[%swap3A, %swap3A_74] {strides = array<i32>} : memref<128x64xf32, #tpu.memory_space<vmem>>, vector<16xf32>,
        tpu.vector_store %arg10[%swap3A, %swap3A_74], %mul3A_73 {strides = array<i32>} : memref<128x64xf32, #tpu.memory_space<vmem>>, vector<16xf32>,
        %get3A_76 = arith.index_cast %scan3A_61 : i32 to index
        %get3A_77 = arith.constant 16 : index
        %get3A_78 = tpu.vector_load %arg10[%get3A_76, %get3A_77] {strides = array<i32>} : memref<128x64xf32, #tpu.memory_space<vmem>>, vector<16xf32>,
        %mul3A_79 = arith.mulf %get3A_78, %gather3A : vector<16xf32>
        %swap3A_80 = arith.index_cast %scan3A_61 : i32 to index
        %swap3A_81 = arith.constant 16 : index
        %swap3A_82 = tpu.vector_load %arg10[%swap3A_80, %swap3A_81] {strides = array<i32>} : memref<128x64xf32, #tpu.memory_space<vmem>>, vector<16xf32>,
        tpu.vector_store %arg10[%swap3A_80, %swap3A_81], %mul3A_79 {strides = array<i32>} : memref<128x64xf32, #tpu.memory_space<vmem>>, vector<16xf32>,
        %mul3A_83 = arith.constant 4 : i32
        %mul3A_84 = arith.muli %scan3A_61, %mul3A_83 : i32
        %add3A_85 = arith.constant 1 : i32
        %add3A_86 = arith.addi %mul3A_84, %add3A_85 : i32
        %broadcast_in_dim3A_87 = vector.broadcast %add3A_86 : i32 to vector<16xi32>
        %mul3A_88 = arith.constant 2 : i32
        %mul3A_89 = arith.muli %mul3A_88, %arg0 : i32
        %add3A_90 = vector.broadcast %mul3A_89 : i32 to vector<16xi32>
        %add3A_91 = arith.addi %broadcast_in_dim3A_87, %add3A_90 : vector<16xi32>
        %gather3A_92 = tpu.vector_load_idx %arg9[%add3A_91] : memref<512xf32, #tpu.memory_space<vmem>>[vector<16xi32>], vector<16xf32>,
        %get3A_93 = arith.index_cast %scan3A_61 : i32 to index
        %get3A_94 = arith.constant 32 : index
        %get3A_95 = tpu.vector_load %arg10[%get3A_93, %get3A_94] {strides = array<i32>} : memref<128x64xf32, #tpu.memory_space<vmem>>, vector<16xf32>,
        %mul3A_96 = arith.mulf %get3A_95, %gather3A_92 : vector<16xf32>
        %swap3A_97 = arith.index_cast %scan3A_61 : i32 to index
        %swap3A_98 = arith.constant 32 : index
        %swap3A_99 = tpu.vector_load %arg10[%swap3A_97, %swap3A_98] {strides = array<i32>} : memref<128x64xf32, #tpu.memory_space<vmem>>, vector<16xf32>,
        tpu.vector_store %arg10[%swap3A_97, %swap3A_98], %mul3A_96 {strides = array<i32>} : memref<128x64xf32, #tpu.memory_space<vmem>>, vector<16xf32>,
        %get3A_100 = arith.index_cast %scan3A_61 : i32 to index
        %get3A_101 = arith.constant 48 : index
        %get3A_102 = tpu.vector_load %arg10[%get3A_100, %get3A_101] {strides = array<i32>} : memref<128x64xf32, #tpu.memory_space<vmem>>, vector<16xf32>,
        %mul3A_103 = arith.mulf %get3A_102, %gather3A_92 : vector<16xf32>
        %swap3A_104 = arith.index_cast %scan3A_61 : i32 to index
        %swap3A_105 = arith.constant 48 : index
        %swap3A_106 = tpu.vector_load %arg10[%swap3A_104, %swap3A_105] {strides = array<i32>} : memref<128x64xf32, #tpu.memory_space<vmem>>, vector<16xf32>,
        tpu.vector_store %arg10[%swap3A_104, %swap3A_105], %mul3A_103 {strides = array<i32>} : memref<128x64xf32, #tpu.memory_space<vmem>>, vector<16xf32>,
      }
      %scan3A_60 = arith.constant 128 : i32
      "tpu.region"() ({
        %run_scoped3A = tpu.sem_alloc : memref<!tpu.dma_semaphore, #tpu.memory_space<semaphore_mem>>
        %dma_start3A_61 = arith.constant 0 : i32
        %dma_start3A_62 = arith.constant 0 : i32
        %dma_start3A_63 = tpu.memref_slice %arg11[%dma_start3A_61, %dma_start3A_62] : memref<10240x64xf32, #tpu.memory_space<vmem_shared>> -> memref<10240x64xf32, #tpu.memory_space<vmem_shared>>
        tpu.enqueue_indirect_dma source(%arg10 : memref<128x64xf32, #tpu.memory_space<vmem>>) target(%dma_start3A_63 : memref<10240x64xf32, #tpu.memory_space<vmem_shared>>) offsets(%arg8 : memref<128xi32, #tpu.memory_space<vmem>>) semaphore(%run_scoped3A : memref<!tpu.dma_semaphore, #tpu.memory_space<semaphore_mem>>) {add = true}
        %dma_wait3A_64 = arith.constant 0 : i32
        %dma_wait3A_65 = arith.constant 0 : i32
        %dma_wait3A_66 = tpu.memref_slice %arg11[%dma_wait3A_64, %dma_wait3A_65] : memref<10240x64xf32, #tpu.memory_space<vmem_shared>> -> memref<10240x64xf32, #tpu.memory_space<vmem_shared>>
        tpu.wait_indirect_dma semaphore(%run_scoped3A : memref<!tpu.dma_semaphore, #tpu.memory_space<semaphore_mem>>) src(%arg10 : memref<128x64xf32, #tpu.memory_space<vmem>>) dst(%dma_wait3A_66 : memref<10240x64xf32, #tpu.memory_space<vmem_shared>>)
        tpu.yield
      }) : () -> ()
    }
    %scan3A_33 = arith.constant 160 : i32
    %barrier3A_34 = arith.constant 0 : index
    tpu.barrier barrier_id(%barrier3A_34)
    %mul3A_35 = arith.constant 640 : i32
    %mul3A_36 = arith.muli %arg1, %mul3A_35 : i32
    %mul3A_37 = arith.constant 640 : i32
    %mul3A_38 = arith.muli %arg1, %mul3A_37 : i32
    "tpu.region"() ({
      %run_scoped3A = tpu.sem_alloc : memref<!tpu.dma_semaphore, #tpu.memory_space<semaphore_mem>>
      %dma_start3A = arith.constant 0 : i32
      %dma_start3A_39 = tpu.memref_slice %arg6[%arg0, %mul3A_38, %dma_start3A] : memref<2x10240x64xf32, #tpu.memory_space<hbm>> -> memref<1x640x64xf32, #tpu.memory_space<hbm>>
      %dma_start3A_40 = tpu.memref_squeeze %dma_start3A_39 : memref<1x640x64xf32, #tpu.memory_space<hbm>> -> memref<640x64xf32, #tpu.memory_space<hbm>>
      %dma_start3A_41 = arith.constant 0 : i32
      %dma_start3A_42 = tpu.memref_slice %arg11[%mul3A_36, %dma_start3A_41] : memref<10240x64xf32, #tpu.memory_space<vmem_shared>> -> memref<640x64xf32, #tpu.memory_space<vmem_shared>>
      tpu.enqueue_dma source(%dma_start3A_42 : memref<640x64xf32, #tpu.memory_space<vmem_shared>>) target(%dma_start3A_40 : memref<640x64xf32, #tpu.memory_space<hbm>>) target_semaphore(%run_scoped3A : memref<!tpu.dma_semaphore, #tpu.memory_space<semaphore_mem>>)
      %dma_wait3A = arith.constant 0 : i32
      %dma_wait3A_43 = tpu.memref_slice %arg6[%arg0, %mul3A_38, %dma_wait3A] : memref<2x10240x64xf32, #tpu.memory_space<hbm>> -> memref<1x640x64xf32, #tpu.memory_space<hbm>>
      %dma_wait3A_44 = tpu.memref_squeeze %dma_wait3A_43 : memref<1x640x64xf32, #tpu.memory_space<hbm>> -> memref<640x64xf32, #tpu.memory_space<hbm>>
      %dma_wait3A_45 = arith.constant 0 : i32
      %dma_wait3A_46 = tpu.memref_slice %arg11[%mul3A_36, %dma_wait3A_45] : memref<10240x64xf32, #tpu.memory_space<vmem_shared>> -> memref<640x64xf32, #tpu.memory_space<vmem_shared>>
      tpu.wait_dma2 semaphore(%run_scoped3A : memref<!tpu.dma_semaphore, #tpu.memory_space<semaphore_mem>>) src(%dma_wait3A_46 : memref<640x64xf32, #tpu.memory_space<vmem_shared>>) dst(%dma_wait3A_44 : memref<640x64xf32, #tpu.memory_space<hbm>>)
      tpu.yield
    }) : () -> ()
    return
  }
}

module attributes {stable_mosaic.version = 14 : i64} {
  func.func @body_first(%arg0: i32, %arg1: memref<1000x128xf32, #tpu.memory_space<vmem>>, %arg2: memref<128x128xf32, #tpu.memory_space<vmem>>, %arg3: memref<1x128xf32, #tpu.memory_space<vmem>>, %arg4: memref<128x8xf32, #tpu.memory_space<vmem>>, %arg5: memref<1x8xf32, #tpu.memory_space<vmem>>, %arg6: memref<128x128xf32, #tpu.memory_space<vmem>>, %arg7: memref<1x128xf32, #tpu.memory_space<vmem>>, %arg8: memref<2x128xf32, #tpu.memory_space<vmem>>, %arg9: memref<1000x128xf32, #tpu.memory_space<vmem>>, %arg10: memref<1000x8xf32, #tpu.memory_space<vmem>>, %arg11: memref<1000x128xf32, #tpu.memory_space<vmem>>, %arg12: memref<1000x128xf32, #tpu.memory_space<vmem>>) attributes {dimension_semantics = [#tpu.dimension_semantics<arbitrary>], iteration_bounds = array<i64: 10>, scalar_prefetch = 0 : i64, scratch_operands = 0 : i64, tpu.core_type = #tpu.core_type<tc>, window_params = [{transform_indices = @transform_0, window_bounds = array<i64: 1000, 128>}, {pipeline_mode = #tpu.pipeline_mode<synchronous>, transform_indices = @transform_1, window_bounds = array<i64: 128, 128>}, {pipeline_mode = #tpu.pipeline_mode<synchronous>, transform_indices = @transform_2, window_bounds = array<i64: 1, 128>}, {pipeline_mode = #tpu.pipeline_mode<synchronous>, transform_indices = @transform_3, window_bounds = array<i64: 128, 8>}, {pipeline_mode = #tpu.pipeline_mode<synchronous>, transform_indices = @transform_4, window_bounds = array<i64: 1, 8>}, {pipeline_mode = #tpu.pipeline_mode<synchronous>, transform_indices = @transform_5, window_bounds = array<i64: 128, 128>}, {pipeline_mode = #tpu.pipeline_mode<synchronous>, transform_indices = @transform_6, window_bounds = array<i64: 1, 128>}, {pipeline_mode = #tpu.pipeline_mode<synchronous>, transform_indices = @transform_7, window_bounds = array<i64: 2, 128>}, {transform_indices = @transform_8, window_bounds = array<i64: 1000, 128>}, {transform_indices = @transform_9, window_bounds = array<i64: 1000, 8>}, {transform_indices = @transform_10, window_bounds = array<i64: 1000, 128>}, {transform_indices = @transform_11, window_bounds = array<i64: 1000, 128>}]} {
    %get3A = arith.constant 0 : index
    %get3A_0 = arith.constant 0 : index
    %get3A_1 = vector.load %arg1[%get3A, %get3A_0] : memref<1000x128xf32, #tpu.memory_space<vmem>>, vector<1000x128xf32>
    %swap3A = arith.constant 0 : index
    %swap3A_2 = arith.constant 0 : index
    %swap3A_3 = vector.load %arg12[%swap3A, %swap3A_2] : memref<1000x128xf32, #tpu.memory_space<vmem>>, vector<1000x128xf32>
    tpu.vector_store %arg12[%swap3A, %swap3A_2], %get3A_1 {strides = array<i32>} : memref<1000x128xf32, #tpu.memory_space<vmem>>, vector<1000x128xf32>,
    %get3A_4 = arith.constant 0 : index
    %get3A_5 = arith.constant 0 : index
    %get3A_6 = vector.load %arg2[%get3A_4, %get3A_5] : memref<128x128xf32, #tpu.memory_space<vmem>>, vector<128x128xf32>
    %dot_general3A = arith.constant dense<0.000000e+00> : vector<1000x128xf32>
    %dot_general3A_7 = tpu.matmul %get3A_1, %get3A_6, %dot_general3A {dimension_numbers = #tpu.dot_dimension_numbers<[1], [0], [0], [1], [0, 0, 1, 1], [], []>, transpose_lhs_hint = false} : vector<1000x128xf32>, vector<128x128xf32>, vector<1000x128xf32> -> vector<1000x128xf32>
    %get3A_8 = arith.constant 0 : index
    %get3A_9 = arith.constant 0 : index
    %get3A_10 = vector.load %arg3[%get3A_8, %get3A_9] : memref<1x128xf32, #tpu.memory_space<vmem>>, vector<1x128xf32>
    %add3A = vector.broadcast %get3A_10 : vector<1x128xf32> to vector<1000x128xf32>
    %add3A_11 = arith.addf %dot_general3A_7, %add3A : vector<1000x128xf32>
    %swap3A_12 = arith.constant 0 : index
    %swap3A_13 = arith.constant 0 : index
    %swap3A_14 = vector.load %arg9[%swap3A_12, %swap3A_13] : memref<1000x128xf32, #tpu.memory_space<vmem>>, vector<1000x128xf32>
    tpu.vector_store %arg9[%swap3A_12, %swap3A_13], %add3A_11 {strides = array<i32>} : memref<1000x128xf32, #tpu.memory_space<vmem>>, vector<1000x128xf32>,
    %get3A_15 = arith.constant 0 : index
    %get3A_16 = arith.constant 0 : index
    %get3A_17 = vector.load %arg4[%get3A_15, %get3A_16] : memref<128x8xf32, #tpu.memory_space<vmem>>, vector<128x8xf32>
    %dot_general3A_18 = arith.constant dense<0.000000e+00> : vector<1000x8xf32>
    %dot_general3A_19 = tpu.matmul %add3A_11, %get3A_17, %dot_general3A_18 {dimension_numbers = #tpu.dot_dimension_numbers<[1], [0], [0], [1], [0, 0, 1, 1], [], []>, transpose_lhs_hint = false} : vector<1000x128xf32>, vector<128x8xf32>, vector<1000x8xf32> -> vector<1000x8xf32>
    %get3A_20 = arith.constant 0 : index
    %get3A_21 = arith.constant 0 : index
    %get3A_22 = vector.load %arg5[%get3A_20, %get3A_21] : memref<1x8xf32, #tpu.memory_space<vmem>>, vector<1x8xf32>
    %add3A_23 = vector.broadcast %get3A_22 : vector<1x8xf32> to vector<1000x8xf32>
    %add3A_24 = arith.addf %dot_general3A_19, %add3A_23 : vector<1000x8xf32>
    %swap3A_25 = arith.constant 0 : index
    %swap3A_26 = arith.constant 0 : index
    %swap3A_27 = vector.load %arg10[%swap3A_25, %swap3A_26] : memref<1000x8xf32, #tpu.memory_space<vmem>>, vector<1000x8xf32>
    tpu.vector_store %arg10[%swap3A_25, %swap3A_26], %add3A_24 {strides = array<i32>} : memref<1000x8xf32, #tpu.memory_space<vmem>>, vector<1000x8xf32>,
    %get3A_28 = arith.constant 0 : index
    %get3A_29 = arith.constant 0 : index
    %get3A_30 = vector.load %arg6[%get3A_28, %get3A_29] : memref<128x128xf32, #tpu.memory_space<vmem>>, vector<128x128xf32>
    %dot_general3A_31 = arith.constant dense<0.000000e+00> : vector<1000x128xf32>
    %dot_general3A_32 = tpu.matmul %get3A_1, %get3A_30, %dot_general3A_31 {dimension_numbers = #tpu.dot_dimension_numbers<[1], [0], [0], [1], [0, 0, 1, 1], [], []>, transpose_lhs_hint = false} : vector<1000x128xf32>, vector<128x128xf32>, vector<1000x128xf32> -> vector<1000x128xf32>
    %get3A_33 = arith.constant 0 : index
    %get3A_34 = arith.constant 0 : index
    %get3A_35 = vector.load %arg7[%get3A_33, %get3A_34] : memref<1x128xf32, #tpu.memory_space<vmem>>, vector<1x128xf32>
    %add3A_36 = vector.broadcast %get3A_35 : vector<1x128xf32> to vector<1000x128xf32>
    %add3A_37 = arith.addf %dot_general3A_32, %add3A_36 : vector<1000x128xf32>
    %max3A = arith.constant 0.000000e+00 : f32
    %max3A_38 = vector.broadcast %max3A : f32 to vector<1000x128xf32>
    %max3A_39 = arith.maximumf %add3A_37, %max3A_38 : vector<1000x128xf32>
    %get3A_40 = arith.constant 0 : index
    %get3A_41 = arith.constant 0 : index
    %get3A_42 = vector.load %arg8[%get3A_40, %get3A_41] : memref<2x128xf32, #tpu.memory_space<vmem>>, vector<1x128xf32>
    %mul3A = vector.broadcast %get3A_42 : vector<1x128xf32> to vector<1000x128xf32>
    %mul3A_43 = arith.mulf %max3A_39, %mul3A : vector<1000x128xf32>
    %get3A_44 = arith.constant 1 : index
    %get3A_45 = arith.constant 0 : index
    %get3A_46 = vector.load %arg8[%get3A_44, %get3A_45] : memref<2x128xf32, #tpu.memory_space<vmem>>, vector<1x128xf32>
    %add3A_47 = vector.broadcast %get3A_46 : vector<1x128xf32> to vector<1000x128xf32>
    %add3A_48 = arith.addf %mul3A_43, %add3A_47 : vector<1000x128xf32>
    %swap3A_49 = arith.constant 0 : index
    %swap3A_50 = arith.constant 0 : index
    %swap3A_51 = vector.load %arg11[%swap3A_49, %swap3A_50] : memref<1000x128xf32, #tpu.memory_space<vmem>>, vector<1000x128xf32>
    tpu.vector_store %arg11[%swap3A_49, %swap3A_50], %add3A_48 {strides = array<i32>} : memref<1000x128xf32, #tpu.memory_space<vmem>>, vector<1000x128xf32>,
    return
  }
  func.func @transform_0(%arg0: i32) -> (i32, i32) {
    %c0_i32 = arith.constant 0 : i32
    %c0_i32_0 = arith.constant 0 : i32
    return %arg0, %c0_i32 : i32, i32
  }
  func.func @transform_1(%arg0: i32) -> (i32, i32) {
    %c0_i32 = arith.constant 0 : i32
    %c0_i32_0 = arith.constant 0 : i32
    %c0_i32_1 = arith.constant 0 : i32
    return %c0_i32, %c0_i32_0 : i32, i32
  }
  func.func @transform_2(%arg0: i32) -> (i32, i32) {
    %c0_i32 = arith.constant 0 : i32
    %c0_i32_0 = arith.constant 0 : i32
    %c0_i32_1 = arith.constant 0 : i32
    return %c0_i32, %c0_i32_0 : i32, i32
  }
  func.func @transform_3(%arg0: i32) -> (i32, i32) {
    %c0_i32 = arith.constant 0 : i32
    %c0_i32_0 = arith.constant 0 : i32
    %c0_i32_1 = arith.constant 0 : i32
    return %c0_i32, %c0_i32_0 : i32, i32
  }
  func.func @transform_4(%arg0: i32) -> (i32, i32) {
    %c0_i32 = arith.constant 0 : i32
    %c0_i32_0 = arith.constant 0 : i32
    %c0_i32_1 = arith.constant 0 : i32
    return %c0_i32, %c0_i32_0 : i32, i32
  }
  func.func @transform_5(%arg0: i32) -> (i32, i32) {
    %c0_i32 = arith.constant 0 : i32
    %c0_i32_0 = arith.constant 0 : i32
    %c0_i32_1 = arith.constant 0 : i32
    return %c0_i32, %c0_i32_0 : i32, i32
  }
  func.func @transform_6(%arg0: i32) -> (i32, i32) {
    %c0_i32 = arith.constant 0 : i32
    %c0_i32_0 = arith.constant 0 : i32
    %c0_i32_1 = arith.constant 0 : i32
    return %c0_i32, %c0_i32_0 : i32, i32
  }
  func.func @transform_7(%arg0: i32) -> (i32, i32) {
    %c0_i32 = arith.constant 0 : i32
    %c0_i32_0 = arith.constant 0 : i32
    %c0_i32_1 = arith.constant 0 : i32
    return %c0_i32, %c0_i32_0 : i32, i32
  }
  func.func @transform_8(%arg0: i32) -> (i32, i32) {
    %c0_i32 = arith.constant 0 : i32
    %c0_i32_0 = arith.constant 0 : i32
    return %arg0, %c0_i32 : i32, i32
  }
  func.func @transform_9(%arg0: i32) -> (i32, i32) {
    %c0_i32 = arith.constant 0 : i32
    %c0_i32_0 = arith.constant 0 : i32
    return %arg0, %c0_i32 : i32, i32
  }
  func.func @transform_10(%arg0: i32) -> (i32, i32) {
    %c0_i32 = arith.constant 0 : i32
    %c0_i32_0 = arith.constant 0 : i32
    return %arg0, %c0_i32 : i32, i32
  }
  func.func @transform_11(%arg0: i32) -> (i32, i32) {
    %c0_i32 = arith.constant 0 : i32
    %c0_i32_0 = arith.constant 0 : i32
    return %arg0, %c0_i32 : i32, i32
  }
}

module attributes {stable_mosaic.version = 14 : i64} {
  func.func @_layer_tc_body(%arg0: i32, %arg1: memref<1000x128xf32, #tpu.memory_space<vmem>>, %arg2: memref<1000x64xf32, #tpu.memory_space<vmem>>, %arg3: memref<1000x64xf32, #tpu.memory_space<vmem>>, %arg4: memref<128x128xf32, #tpu.memory_space<vmem>>, %arg5: memref<1x128xf32, #tpu.memory_space<vmem>>, %arg6: memref<128x8xf32, #tpu.memory_space<vmem>>, %arg7: memref<1x8xf32, #tpu.memory_space<vmem>>, %arg8: memref<128x128xf32, #tpu.memory_space<vmem>>, %arg9: memref<1x128xf32, #tpu.memory_space<vmem>>, %arg10: memref<2x128xf32, #tpu.memory_space<vmem>>, %arg11: memref<1000x128xf32, #tpu.memory_space<vmem>>, %arg12: memref<1000x8xf32, #tpu.memory_space<vmem>>, %arg13: memref<1000x128xf32, #tpu.memory_space<vmem>>, %arg14: memref<1000x128xf32, #tpu.memory_space<vmem>>) attributes {dimension_semantics = [#tpu.dimension_semantics<arbitrary>], iteration_bounds = array<i64: 10>, scalar_prefetch = 0 : i64, scratch_operands = 0 : i64, tpu.core_type = #tpu.core_type<tc>, window_params = [{transform_indices = @transform_0, window_bounds = array<i64: 1000, 128>}, {transform_indices = @transform_1, window_bounds = array<i64: 1000, 64>}, {transform_indices = @transform_2, window_bounds = array<i64: 1000, 64>}, {pipeline_mode = #tpu.pipeline_mode<synchronous>, transform_indices = @transform_3, window_bounds = array<i64: 128, 128>}, {pipeline_mode = #tpu.pipeline_mode<synchronous>, transform_indices = @transform_4, window_bounds = array<i64: 1, 128>}, {pipeline_mode = #tpu.pipeline_mode<synchronous>, transform_indices = @transform_5, window_bounds = array<i64: 128, 8>}, {pipeline_mode = #tpu.pipeline_mode<synchronous>, transform_indices = @transform_6, window_bounds = array<i64: 1, 8>}, {pipeline_mode = #tpu.pipeline_mode<synchronous>, transform_indices = @transform_7, window_bounds = array<i64: 128, 128>}, {pipeline_mode = #tpu.pipeline_mode<synchronous>, transform_indices = @transform_8, window_bounds = array<i64: 1, 128>}, {pipeline_mode = #tpu.pipeline_mode<synchronous>, transform_indices = @transform_9, window_bounds = array<i64: 2, 128>}, {transform_indices = @transform_10, window_bounds = array<i64: 1000, 128>}, {transform_indices = @transform_11, window_bounds = array<i64: 1000, 8>}, {transform_indices = @transform_12, window_bounds = array<i64: 1000, 128>}, {transform_indices = @transform_13, window_bounds = array<i64: 1000, 128>}]} {
    %get3A = arith.constant 0 : index
    %get3A_0 = arith.constant 0 : index
    %get3A_1 = vector.load %arg1[%get3A, %get3A_0] : memref<1000x128xf32, #tpu.memory_space<vmem>>, vector<1000x128xf32>
    %get3A_2 = arith.constant 0 : index
    %get3A_3 = arith.constant 0 : index
    %get3A_4 = vector.load %arg2[%get3A_2, %get3A_3] : memref<1000x64xf32, #tpu.memory_space<vmem>>, vector<1000x64xf32>
    %get3A_5 = arith.constant 0 : index
    %get3A_6 = arith.constant 0 : index
    %get3A_7 = vector.load %arg3[%get3A_5, %get3A_6] : memref<1000x64xf32, #tpu.memory_space<vmem>>, vector<1000x64xf32>
    %concatenate3A = tpu.concatenate %get3A_4, %get3A_7 in 1 : vector<1000x64xf32>, vector<1000x64xf32> -> vector<1000x128xf32>
    %max3A = arith.constant 0.000000e+00 : f32
    %max3A_8 = vector.broadcast %max3A : f32 to vector<1000x128xf32>
    %max3A_9 = arith.maximumf %concatenate3A, %max3A_8 : vector<1000x128xf32>
    %add3A = arith.addf %get3A_1, %max3A_9 : vector<1000x128xf32>
    %swap3A = arith.constant 0 : index
    %swap3A_10 = arith.constant 0 : index
    %swap3A_11 = vector.load %arg14[%swap3A, %swap3A_10] : memref<1000x128xf32, #tpu.memory_space<vmem>>, vector<1000x128xf32>
    tpu.vector_store %arg14[%swap3A, %swap3A_10], %add3A {strides = array<i32>} : memref<1000x128xf32, #tpu.memory_space<vmem>>, vector<1000x128xf32>,
    %get3A_12 = arith.constant 0 : index
    %get3A_13 = arith.constant 0 : index
    %get3A_14 = vector.load %arg4[%get3A_12, %get3A_13] : memref<128x128xf32, #tpu.memory_space<vmem>>, vector<128x128xf32>
    %dot_general3A = arith.constant dense<0.000000e+00> : vector<1000x128xf32>
    %dot_general3A_15 = tpu.matmul %add3A, %get3A_14, %dot_general3A {dimension_numbers = #tpu.dot_dimension_numbers<[1], [0], [0], [1], [0, 0, 1, 1], [], []>, transpose_lhs_hint = false} : vector<1000x128xf32>, vector<128x128xf32>, vector<1000x128xf32> -> vector<1000x128xf32>
    %get3A_16 = arith.constant 0 : index
    %get3A_17 = arith.constant 0 : index
    %get3A_18 = vector.load %arg5[%get3A_16, %get3A_17] : memref<1x128xf32, #tpu.memory_space<vmem>>, vector<1x128xf32>
    %add3A_19 = vector.broadcast %get3A_18 : vector<1x128xf32> to vector<1000x128xf32>
    %add3A_20 = arith.addf %dot_general3A_15, %add3A_19 : vector<1000x128xf32>
    %swap3A_21 = arith.constant 0 : index
    %swap3A_22 = arith.constant 0 : index
    %swap3A_23 = vector.load %arg11[%swap3A_21, %swap3A_22] : memref<1000x128xf32, #tpu.memory_space<vmem>>, vector<1000x128xf32>
    tpu.vector_store %arg11[%swap3A_21, %swap3A_22], %add3A_20 {strides = array<i32>} : memref<1000x128xf32, #tpu.memory_space<vmem>>, vector<1000x128xf32>,
    %get3A_24 = arith.constant 0 : index
    %get3A_25 = arith.constant 0 : index
    %get3A_26 = vector.load %arg6[%get3A_24, %get3A_25] : memref<128x8xf32, #tpu.memory_space<vmem>>, vector<128x8xf32>
    %dot_general3A_27 = arith.constant dense<0.000000e+00> : vector<1000x8xf32>
    %dot_general3A_28 = tpu.matmul %add3A_20, %get3A_26, %dot_general3A_27 {dimension_numbers = #tpu.dot_dimension_numbers<[1], [0], [0], [1], [0, 0, 1, 1], [], []>, transpose_lhs_hint = false} : vector<1000x128xf32>, vector<128x8xf32>, vector<1000x8xf32> -> vector<1000x8xf32>
    %get3A_29 = arith.constant 0 : index
    %get3A_30 = arith.constant 0 : index
    %get3A_31 = vector.load %arg7[%get3A_29, %get3A_30] : memref<1x8xf32, #tpu.memory_space<vmem>>, vector<1x8xf32>
    %add3A_32 = vector.broadcast %get3A_31 : vector<1x8xf32> to vector<1000x8xf32>
    %add3A_33 = arith.addf %dot_general3A_28, %add3A_32 : vector<1000x8xf32>
    %swap3A_34 = arith.constant 0 : index
    %swap3A_35 = arith.constant 0 : index
    %swap3A_36 = vector.load %arg12[%swap3A_34, %swap3A_35] : memref<1000x8xf32, #tpu.memory_space<vmem>>, vector<1000x8xf32>
    tpu.vector_store %arg12[%swap3A_34, %swap3A_35], %add3A_33 {strides = array<i32>} : memref<1000x8xf32, #tpu.memory_space<vmem>>, vector<1000x8xf32>,
    %get3A_37 = arith.constant 0 : index
    %get3A_38 = arith.constant 0 : index
    %get3A_39 = vector.load %arg8[%get3A_37, %get3A_38] : memref<128x128xf32, #tpu.memory_space<vmem>>, vector<128x128xf32>
    %dot_general3A_40 = arith.constant dense<0.000000e+00> : vector<1000x128xf32>
    %dot_general3A_41 = tpu.matmul %add3A, %get3A_39, %dot_general3A_40 {dimension_numbers = #tpu.dot_dimension_numbers<[1], [0], [0], [1], [0, 0, 1, 1], [], []>, transpose_lhs_hint = false} : vector<1000x128xf32>, vector<128x128xf32>, vector<1000x128xf32> -> vector<1000x128xf32>
    %get3A_42 = arith.constant 0 : index
    %get3A_43 = arith.constant 0 : index
    %get3A_44 = vector.load %arg9[%get3A_42, %get3A_43] : memref<1x128xf32, #tpu.memory_space<vmem>>, vector<1x128xf32>
    %add3A_45 = vector.broadcast %get3A_44 : vector<1x128xf32> to vector<1000x128xf32>
    %add3A_46 = arith.addf %dot_general3A_41, %add3A_45 : vector<1000x128xf32>
    %max3A_47 = arith.constant 0.000000e+00 : f32
    %max3A_48 = vector.broadcast %max3A_47 : f32 to vector<1000x128xf32>
    %max3A_49 = arith.maximumf %add3A_46, %max3A_48 : vector<1000x128xf32>
    %get3A_50 = arith.constant 0 : index
    %get3A_51 = arith.constant 0 : index
    %get3A_52 = vector.load %arg10[%get3A_50, %get3A_51] : memref<2x128xf32, #tpu.memory_space<vmem>>, vector<1x128xf32>
    %mul3A = vector.broadcast %get3A_52 : vector<1x128xf32> to vector<1000x128xf32>
    %mul3A_53 = arith.mulf %max3A_49, %mul3A : vector<1000x128xf32>
    %get3A_54 = arith.constant 1 : index
    %get3A_55 = arith.constant 0 : index
    %get3A_56 = vector.load %arg10[%get3A_54, %get3A_55] : memref<2x128xf32, #tpu.memory_space<vmem>>, vector<1x128xf32>
    %add3A_57 = vector.broadcast %get3A_56 : vector<1x128xf32> to vector<1000x128xf32>
    %add3A_58 = arith.addf %mul3A_53, %add3A_57 : vector<1000x128xf32>
    %swap3A_59 = arith.constant 0 : index
    %swap3A_60 = arith.constant 0 : index
    %swap3A_61 = vector.load %arg13[%swap3A_59, %swap3A_60] : memref<1000x128xf32, #tpu.memory_space<vmem>>, vector<1000x128xf32>
    tpu.vector_store %arg13[%swap3A_59, %swap3A_60], %add3A_58 {strides = array<i32>} : memref<1000x128xf32, #tpu.memory_space<vmem>>, vector<1000x128xf32>,
    return
  }
  func.func @transform_0(%arg0: i32) -> (i32, i32) {
    %c0_i32 = arith.constant 0 : i32
    %c0_i32_0 = arith.constant 0 : i32
    return %arg0, %c0_i32 : i32, i32
  }
  func.func @transform_1(%arg0: i32) -> (i32, i32) {
    %c0_i32 = arith.constant 0 : i32
    %c0_i32_0 = arith.constant 0 : i32
    return %arg0, %c0_i32 : i32, i32
  }
  func.func @transform_2(%arg0: i32) -> (i32, i32) {
    %c0_i32 = arith.constant 0 : i32
    %c0_i32_0 = arith.constant 0 : i32
    return %arg0, %c0_i32 : i32, i32
  }
  func.func @transform_3(%arg0: i32) -> (i32, i32) {
    %c0_i32 = arith.constant 0 : i32
    %c0_i32_0 = arith.constant 0 : i32
    %c0_i32_1 = arith.constant 0 : i32
    return %c0_i32, %c0_i32_0 : i32, i32
  }
  func.func @transform_4(%arg0: i32) -> (i32, i32) {
    %c0_i32 = arith.constant 0 : i32
    %c0_i32_0 = arith.constant 0 : i32
    %c0_i32_1 = arith.constant 0 : i32
    return %c0_i32, %c0_i32_0 : i32, i32
  }
  func.func @transform_5(%arg0: i32) -> (i32, i32) {
    %c0_i32 = arith.constant 0 : i32
    %c0_i32_0 = arith.constant 0 : i32
    %c0_i32_1 = arith.constant 0 : i32
    return %c0_i32, %c0_i32_0 : i32, i32
  }
  func.func @transform_6(%arg0: i32) -> (i32, i32) {
    %c0_i32 = arith.constant 0 : i32
    %c0_i32_0 = arith.constant 0 : i32
    %c0_i32_1 = arith.constant 0 : i32
    return %c0_i32, %c0_i32_0 : i32, i32
  }
  func.func @transform_7(%arg0: i32) -> (i32, i32) {
    %c0_i32 = arith.constant 0 : i32
    %c0_i32_0 = arith.constant 0 : i32
    %c0_i32_1 = arith.constant 0 : i32
    return %c0_i32, %c0_i32_0 : i32, i32
  }
  func.func @transform_8(%arg0: i32) -> (i32, i32) {
    %c0_i32 = arith.constant 0 : i32
    %c0_i32_0 = arith.constant 0 : i32
    %c0_i32_1 = arith.constant 0 : i32
    return %c0_i32, %c0_i32_0 : i32, i32
  }
  func.func @transform_9(%arg0: i32) -> (i32, i32) {
    %c0_i32 = arith.constant 0 : i32
    %c0_i32_0 = arith.constant 0 : i32
    %c0_i32_1 = arith.constant 0 : i32
    return %c0_i32, %c0_i32_0 : i32, i32
  }
  func.func @transform_10(%arg0: i32) -> (i32, i32) {
    %c0_i32 = arith.constant 0 : i32
    %c0_i32_0 = arith.constant 0 : i32
    return %arg0, %c0_i32 : i32, i32
  }
  func.func @transform_11(%arg0: i32) -> (i32, i32) {
    %c0_i32 = arith.constant 0 : i32
    %c0_i32_0 = arith.constant 0 : i32
    return %arg0, %c0_i32 : i32, i32
  }
  func.func @transform_12(%arg0: i32) -> (i32, i32) {
    %c0_i32 = arith.constant 0 : i32
    %c0_i32_0 = arith.constant 0 : i32
    return %arg0, %c0_i32 : i32, i32
  }
  func.func @transform_13(%arg0: i32) -> (i32, i32) {
    %c0_i32 = arith.constant 0 : i32
    %c0_i32_0 = arith.constant 0 : i32
    return %arg0, %c0_i32 : i32, i32
  }
}

module attributes {stable_mosaic.version = 14 : i64} {
  func.func @_set2set_body(%arg0: i32, %arg1: memref<10000x128xf32, #tpu.memory_space<vmem>>, %arg2: memref<10000x64xf32, #tpu.memory_space<vmem>>, %arg3: memref<10000x64xf32, #tpu.memory_space<vmem>>, %arg4: memref<256x512xf32, #tpu.memory_space<vmem>>, %arg5: memref<128x512xf32, #tpu.memory_space<vmem>>, %arg6: memref<1x512xf32, #tpu.memory_space<vmem>>, %arg7: memref<256x128xf32, #tpu.memory_space<vmem>>, %arg8: memref<1x128xf32, #tpu.memory_space<vmem>>, %arg9: memref<128x64xf32, #tpu.memory_space<vmem>>, %arg10: memref<1x64xf32, #tpu.memory_space<vmem>>, %arg11: memref<1x64xf32, #tpu.memory_space<vmem>>) attributes {dimension_semantics = [#tpu.dimension_semantics<arbitrary>], iteration_bounds = array<i64: 1>, scalar_prefetch = 0 : i64, scratch_operands = 0 : i64, tpu.core_type = #tpu.core_type<tc>, window_params = [{pipeline_mode = #tpu.pipeline_mode<synchronous>, transform_indices = @transform_0, window_bounds = array<i64: 10000, 128>}, {transform_indices = @transform_1, window_bounds = array<i64: 10000, 64>}, {transform_indices = @transform_2, window_bounds = array<i64: 10000, 64>}, {pipeline_mode = #tpu.pipeline_mode<synchronous>, transform_indices = @transform_3, window_bounds = array<i64: 256, 512>}, {pipeline_mode = #tpu.pipeline_mode<synchronous>, transform_indices = @transform_4, window_bounds = array<i64: 128, 512>}, {pipeline_mode = #tpu.pipeline_mode<synchronous>, transform_indices = @transform_5, window_bounds = array<i64: 1, 512>}, {pipeline_mode = #tpu.pipeline_mode<synchronous>, transform_indices = @transform_6, window_bounds = array<i64: 256, 128>}, {pipeline_mode = #tpu.pipeline_mode<synchronous>, transform_indices = @transform_7, window_bounds = array<i64: 1, 128>}, {pipeline_mode = #tpu.pipeline_mode<synchronous>, transform_indices = @transform_8, window_bounds = array<i64: 128, 64>}, {pipeline_mode = #tpu.pipeline_mode<synchronous>, transform_indices = @transform_9, window_bounds = array<i64: 1, 64>}, {pipeline_mode = #tpu.pipeline_mode<synchronous>, transform_indices = @transform_10, window_bounds = array<i64: 1, 64>}]} {
    %get3A = arith.constant 0 : index
    %get3A_0 = arith.constant 0 : index
    %get3A_1 = vector.load %arg2[%get3A, %get3A_0] : memref<10000x64xf32, #tpu.memory_space<vmem>>, vector<10000x64xf32>
    %get3A_2 = arith.constant 0 : index
    %get3A_3 = arith.constant 0 : index
    %get3A_4 = vector.load %arg3[%get3A_2, %get3A_3] : memref<10000x64xf32, #tpu.memory_space<vmem>>, vector<10000x64xf32>
    %concatenate3A = tpu.concatenate %get3A_1, %get3A_4 in 1 : vector<10000x64xf32>, vector<10000x64xf32> -> vector<10000x128xf32>
    %get3A_5 = arith.constant 0 : index
    %get3A_6 = arith.constant 0 : index
    %get3A_7 = vector.load %arg1[%get3A_5, %get3A_6] : memref<10000x128xf32, #tpu.memory_space<vmem>>, vector<10000x128xf32>
    %max3A = arith.constant 0.000000e+00 : f32
    %max3A_8 = vector.broadcast %max3A : f32 to vector<10000x128xf32>
    %max3A_9 = arith.maximumf %concatenate3A, %max3A_8 : vector<10000x128xf32>
    %add3A = arith.addf %get3A_7, %max3A_9 : vector<10000x128xf32>
    %broadcast_in_dim3A = arith.constant 0.000000e+00 : f32
    %broadcast_in_dim3A_10 = vector.broadcast %broadcast_in_dim3A : f32 to vector<1x256xf32>
    %broadcast_in_dim3A_11 = arith.constant 0.000000e+00 : f32
    %broadcast_in_dim3A_12 = vector.broadcast %broadcast_in_dim3A_11 : f32 to vector<1x128xf32>
    %broadcast_in_dim3A_13 = arith.constant 0.000000e+00 : f32
    %broadcast_in_dim3A_14 = vector.broadcast %broadcast_in_dim3A_13 : f32 to vector<1x128xf32>
    %get3A_15 = arith.constant 0 : index
    %get3A_16 = arith.constant 0 : index
    %get3A_17 = vector.load %arg4[%get3A_15, %get3A_16] : memref<256x512xf32, #tpu.memory_space<vmem>>, vector<256x512xf32>
    %dot_general3A = arith.constant dense<0.000000e+00> : vector<1x512xf32>
    %dot_general3A_18 = tpu.matmul %broadcast_in_dim3A_10, %get3A_17, %dot_general3A {dimension_numbers = #tpu.dot_dimension_numbers<[1], [0], [0], [1], [0, 0, 1, 1], [], []>, transpose_lhs_hint = false} : vector<1x256xf32>, vector<256x512xf32>, vector<1x512xf32> -> vector<1x512xf32>
    %get3A_19 = arith.constant 0 : index
    %get3A_20 = arith.constant 0 : index
    %get3A_21 = vector.load %arg5[%get3A_19, %get3A_20] : memref<128x512xf32, #tpu.memory_space<vmem>>, vector<128x512xf32>
    %dot_general3A_22 = arith.constant dense<0.000000e+00> : vector<1x512xf32>
    %dot_general3A_23 = tpu.matmul %broadcast_in_dim3A_14, %get3A_21, %dot_general3A_22 {dimension_numbers = #tpu.dot_dimension_numbers<[1], [0], [0], [1], [0, 0, 1, 1], [], []>, transpose_lhs_hint = false} : vector<1x128xf32>, vector<128x512xf32>, vector<1x512xf32> -> vector<1x512xf32>
    %add3A_24 = arith.addf %dot_general3A_18, %dot_general3A_23 : vector<1x512xf32>
    %get3A_25 = arith.constant 0 : index
    %get3A_26 = arith.constant 0 : index
    %get3A_27 = vector.load %arg6[%get3A_25, %get3A_26] : memref<1x512xf32, #tpu.memory_space<vmem>>, vector<1x512xf32>
    %add3A_28 = arith.addf %add3A_24, %get3A_27 : vector<1x512xf32>
    %slice3A = vector.extract_strided_slice %add3A_28 {offsets = [0, 0], sizes = [1, 128], strides = [1, 1]} : vector<1x512xf32> to vector<1x128xf32>
    %slice3A_29 = vector.extract_strided_slice %add3A_28 {offsets = [0, 128], sizes = [1, 128], strides = [1, 1]} : vector<1x512xf32> to vector<1x128xf32>
    %slice3A_30 = vector.extract_strided_slice %add3A_28 {offsets = [0, 256], sizes = [1, 128], strides = [1, 1]} : vector<1x512xf32> to vector<1x128xf32>
    %slice3A_31 = vector.extract_strided_slice %add3A_28 {offsets = [0, 384], sizes = [1, 128], strides = [1, 1]} : vector<1x512xf32> to vector<1x128xf32>
    %logistic3A = arith.negf %slice3A_29 : vector<1x128xf32>
    %logistic3A_32 = math.exp %logistic3A : vector<1x128xf32>
    %logistic3A_33 = arith.constant 1.000000e+00 : f32
    %logistic3A_34 = vector.broadcast %logistic3A_33 : f32 to vector<1x128xf32>
    %logistic3A_35 = arith.addf %logistic3A_34, %logistic3A_32 : vector<1x128xf32>
    %logistic3A_36 = arith.divf %logistic3A_34, %logistic3A_35 : vector<1x128xf32>
    %mul3A = arith.mulf %logistic3A_36, %broadcast_in_dim3A_12 : vector<1x128xf32>
    %logistic3A_37 = arith.negf %slice3A : vector<1x128xf32>
    %logistic3A_38 = math.exp %logistic3A_37 : vector<1x128xf32>
    %logistic3A_39 = arith.constant 1.000000e+00 : f32
    %logistic3A_40 = vector.broadcast %logistic3A_39 : f32 to vector<1x128xf32>
    %logistic3A_41 = arith.addf %logistic3A_40, %logistic3A_38 : vector<1x128xf32>
    %logistic3A_42 = arith.divf %logistic3A_40, %logistic3A_41 : vector<1x128xf32>
    %tanh3A = math.tanh %slice3A_30 : vector<1x128xf32>
    %mul3A_43 = arith.mulf %logistic3A_42, %tanh3A : vector<1x128xf32>
    %add3A_44 = arith.addf %mul3A, %mul3A_43 : vector<1x128xf32>
    %logistic3A_45 = arith.negf %slice3A_31 : vector<1x128xf32>
    %logistic3A_46 = math.exp %logistic3A_45 : vector<1x128xf32>
    %logistic3A_47 = arith.constant 1.000000e+00 : f32
    %logistic3A_48 = vector.broadcast %logistic3A_47 : f32 to vector<1x128xf32>
    %logistic3A_49 = arith.addf %logistic3A_48, %logistic3A_46 : vector<1x128xf32>
    %logistic3A_50 = arith.divf %logistic3A_48, %logistic3A_49 : vector<1x128xf32>
    %tanh3A_51 = math.tanh %add3A_44 : vector<1x128xf32>
    %mul3A_52 = arith.mulf %logistic3A_50, %tanh3A_51 : vector<1x128xf32>
    %mul3A_53 = vector.broadcast %mul3A_52 : vector<1x128xf32> to vector<10000x128xf32>
    %mul3A_54 = arith.mulf %add3A, %mul3A_53 : vector<10000x128xf32>
    %reduce_sum3A = arith.constant dense<0.000000e+00> : vector<10000xf32>
    %reduce_sum3A_55 = vector.multi_reduction <add>, %mul3A_54, %reduce_sum3A [1] : vector<10000x128xf32> to vector<10000xf32>
    %broadcast_in_dim3A_56 = vector.shape_cast %reduce_sum3A_55 : vector<10000xf32> to vector<10000x1xf32>
    %reduce_max3A = vector.shape_cast %broadcast_in_dim3A_56 : vector<10000x1xf32> to vector<1x10000x1xf32>
    %reduce_max3A_57 = arith.constant dense<0xFF800000> : vector<1xf32>
    %reduce_max3A_58 = vector.multi_reduction <maximumf>, %reduce_max3A, %reduce_max3A_57 [1, 2] : vector<1x10000x1xf32> to vector<1xf32>
    %reduce_max3A_59 = vector.shape_cast %reduce_max3A_58 : vector<1xf32> to vector<1x1x1xf32>
    %reduce_max3A_60 = vector.extract %reduce_max3A_59[0, 0, 0] : f32 from vector<1x1x1xf32>
    %sub3A = vector.broadcast %reduce_max3A_60 : f32 to vector<10000x1xf32>
    %sub3A_61 = arith.subf %broadcast_in_dim3A_56, %sub3A : vector<10000x1xf32>
    %exp3A = math.exp %sub3A_61 : vector<10000x1xf32>
    %reduce_sum3A_62 = vector.shape_cast %exp3A : vector<10000x1xf32> to vector<1x10000x1xf32>
    %reduce_sum3A_63 = arith.constant dense<0.000000e+00> : vector<1xf32>
    %reduce_sum3A_64 = vector.multi_reduction <add>, %reduce_sum3A_62, %reduce_sum3A_63 [1, 2] : vector<1x10000x1xf32> to vector<1xf32>
    %reduce_sum3A_65 = vector.shape_cast %reduce_sum3A_64 : vector<1xf32> to vector<1x1x1xf32>
    %reduce_sum3A_66 = vector.extract %reduce_sum3A_65[0, 0, 0] : f32 from vector<1x1x1xf32>
    %div3A = vector.broadcast %reduce_sum3A_66 : f32 to vector<10000x1xf32>
    %div3A_67 = arith.divf %exp3A, %div3A : vector<10000x1xf32>
    %mul3A_68 = vector.broadcast %div3A_67 : vector<10000x1xf32> to vector<10000x128xf32>
    %mul3A_69 = arith.mulf %mul3A_68, %add3A : vector<10000x128xf32>
    %reduce_sum3A_70 = arith.constant dense<0.000000e+00> : vector<128xf32>
    %reduce_sum3A_71 = vector.multi_reduction <add>, %mul3A_69, %reduce_sum3A_70 [0] : vector<10000x128xf32> to vector<128xf32>
    %broadcast_in_dim3A_72 = vector.shape_cast %reduce_sum3A_71 : vector<128xf32> to vector<1x128xf32>
    %concatenate3A_73 = tpu.concatenate %mul3A_52, %broadcast_in_dim3A_72 in 1 : vector<1x128xf32>, vector<1x128xf32> -> vector<1x256xf32>
    %get3A_74 = arith.constant 0 : index
    %get3A_75 = arith.constant 0 : index
    %get3A_76 = vector.load %arg4[%get3A_74, %get3A_75] : memref<256x512xf32, #tpu.memory_space<vmem>>, vector<256x512xf32>
    %dot_general3A_77 = arith.constant dense<0.000000e+00> : vector<1x512xf32>
    %dot_general3A_78 = tpu.matmul %concatenate3A_73, %get3A_76, %dot_general3A_77 {dimension_numbers = #tpu.dot_dimension_numbers<[1], [0], [0], [1], [0, 0, 1, 1], [], []>, transpose_lhs_hint = false} : vector<1x256xf32>, vector<256x512xf32>, vector<1x512xf32> -> vector<1x512xf32>
    %get3A_79 = arith.constant 0 : index
    %get3A_80 = arith.constant 0 : index
    %get3A_81 = vector.load %arg5[%get3A_79, %get3A_80] : memref<128x512xf32, #tpu.memory_space<vmem>>, vector<128x512xf32>
    %dot_general3A_82 = arith.constant dense<0.000000e+00> : vector<1x512xf32>
    %dot_general3A_83 = tpu.matmul %mul3A_52, %get3A_81, %dot_general3A_82 {dimension_numbers = #tpu.dot_dimension_numbers<[1], [0], [0], [1], [0, 0, 1, 1], [], []>, transpose_lhs_hint = false} : vector<1x128xf32>, vector<128x512xf32>, vector<1x512xf32> -> vector<1x512xf32>
    %add3A_84 = arith.addf %dot_general3A_78, %dot_general3A_83 : vector<1x512xf32>
    %get3A_85 = arith.constant 0 : index
    %get3A_86 = arith.constant 0 : index
    %get3A_87 = vector.load %arg6[%get3A_85, %get3A_86] : memref<1x512xf32, #tpu.memory_space<vmem>>, vector<1x512xf32>
    %add3A_88 = arith.addf %add3A_84, %get3A_87 : vector<1x512xf32>
    %slice3A_89 = vector.extract_strided_slice %add3A_88 {offsets = [0, 0], sizes = [1, 128], strides = [1, 1]} : vector<1x512xf32> to vector<1x128xf32>
    %slice3A_90 = vector.extract_strided_slice %add3A_88 {offsets = [0, 128], sizes = [1, 128], strides = [1, 1]} : vector<1x512xf32> to vector<1x128xf32>
    %slice3A_91 = vector.extract_strided_slice %add3A_88 {offsets = [0, 256], sizes = [1, 128], strides = [1, 1]} : vector<1x512xf32> to vector<1x128xf32>
    %slice3A_92 = vector.extract_strided_slice %add3A_88 {offsets = [0, 384], sizes = [1, 128], strides = [1, 1]} : vector<1x512xf32> to vector<1x128xf32>
    %logistic3A_93 = arith.negf %slice3A_90 : vector<1x128xf32>
    %logistic3A_94 = math.exp %logistic3A_93 : vector<1x128xf32>
    %logistic3A_95 = arith.constant 1.000000e+00 : f32
    %logistic3A_96 = vector.broadcast %logistic3A_95 : f32 to vector<1x128xf32>
    %logistic3A_97 = arith.addf %logistic3A_96, %logistic3A_94 : vector<1x128xf32>
    %logistic3A_98 = arith.divf %logistic3A_96, %logistic3A_97 : vector<1x128xf32>
    %mul3A_99 = arith.mulf %logistic3A_98, %add3A_44 : vector<1x128xf32>
    %logistic3A_100 = arith.negf %slice3A_89 : vector<1x128xf32>
    %logistic3A_101 = math.exp %logistic3A_100 : vector<1x128xf32>
    %logistic3A_102 = arith.constant 1.000000e+00 : f32
    %logistic3A_103 = vector.broadcast %logistic3A_102 : f32 to vector<1x128xf32>
    %logistic3A_104 = arith.addf %logistic3A_103, %logistic3A_101 : vector<1x128xf32>
    %logistic3A_105 = arith.divf %logistic3A_103, %logistic3A_104 : vector<1x128xf32>
    %tanh3A_106 = math.tanh %slice3A_91 : vector<1x128xf32>
    %mul3A_107 = arith.mulf %logistic3A_105, %tanh3A_106 : vector<1x128xf32>
    %add3A_108 = arith.addf %mul3A_99, %mul3A_107 : vector<1x128xf32>
    %logistic3A_109 = arith.negf %slice3A_92 : vector<1x128xf32>
    %logistic3A_110 = math.exp %logistic3A_109 : vector<1x128xf32>
    %logistic3A_111 = arith.constant 1.000000e+00 : f32
    %logistic3A_112 = vector.broadcast %logistic3A_111 : f32 to vector<1x128xf32>
    %logistic3A_113 = arith.addf %logistic3A_112, %logistic3A_110 : vector<1x128xf32>
    %logistic3A_114 = arith.divf %logistic3A_112, %logistic3A_113 : vector<1x128xf32>
    %tanh3A_115 = math.tanh %add3A_108 : vector<1x128xf32>
    %mul3A_116 = arith.mulf %logistic3A_114, %tanh3A_115 : vector<1x128xf32>
    %mul3A_117 = vector.broadcast %mul3A_116 : vector<1x128xf32> to vector<10000x128xf32>
    %mul3A_118 = arith.mulf %add3A, %mul3A_117 : vector<10000x128xf32>
    %reduce_sum3A_119 = arith.constant dense<0.000000e+00> : vector<10000xf32>
    %reduce_sum3A_120 = vector.multi_reduction <add>, %mul3A_118, %reduce_sum3A_119 [1] : vector<10000x128xf32> to vector<10000xf32>
    %broadcast_in_dim3A_121 = vector.shape_cast %reduce_sum3A_120 : vector<10000xf32> to vector<10000x1xf32>
    %reduce_max3A_122 = vector.shape_cast %broadcast_in_dim3A_121 : vector<10000x1xf32> to vector<1x10000x1xf32>
    %reduce_max3A_123 = arith.constant dense<0xFF800000> : vector<1xf32>
    %reduce_max3A_124 = vector.multi_reduction <maximumf>, %reduce_max3A_122, %reduce_max3A_123 [1, 2] : vector<1x10000x1xf32> to vector<1xf32>
    %reduce_max3A_125 = vector.shape_cast %reduce_max3A_124 : vector<1xf32> to vector<1x1x1xf32>
    %reduce_max3A_126 = vector.extract %reduce_max3A_125[0, 0, 0] : f32 from vector<1x1x1xf32>
    %sub3A_127 = vector.broadcast %reduce_max3A_126 : f32 to vector<10000x1xf32>
    %sub3A_128 = arith.subf %broadcast_in_dim3A_121, %sub3A_127 : vector<10000x1xf32>
    %exp3A_129 = math.exp %sub3A_128 : vector<10000x1xf32>
    %reduce_sum3A_130 = vector.shape_cast %exp3A_129 : vector<10000x1xf32> to vector<1x10000x1xf32>
    %reduce_sum3A_131 = arith.constant dense<0.000000e+00> : vector<1xf32>
    %reduce_sum3A_132 = vector.multi_reduction <add>, %reduce_sum3A_130, %reduce_sum3A_131 [1, 2] : vector<1x10000x1xf32> to vector<1xf32>
    %reduce_sum3A_133 = vector.shape_cast %reduce_sum3A_132 : vector<1xf32> to vector<1x1x1xf32>
    %reduce_sum3A_134 = vector.extract %reduce_sum3A_133[0, 0, 0] : f32 from vector<1x1x1xf32>
    %div3A_135 = vector.broadcast %reduce_sum3A_134 : f32 to vector<10000x1xf32>
    %div3A_136 = arith.divf %exp3A_129, %div3A_135 : vector<10000x1xf32>
    %mul3A_137 = vector.broadcast %div3A_136 : vector<10000x1xf32> to vector<10000x128xf32>
    %mul3A_138 = arith.mulf %mul3A_137, %add3A : vector<10000x128xf32>
    %reduce_sum3A_139 = arith.constant dense<0.000000e+00> : vector<128xf32>
    %reduce_sum3A_140 = vector.multi_reduction <add>, %mul3A_138, %reduce_sum3A_139 [0] : vector<10000x128xf32> to vector<128xf32>
    %broadcast_in_dim3A_141 = vector.shape_cast %reduce_sum3A_140 : vector<128xf32> to vector<1x128xf32>
    %concatenate3A_142 = tpu.concatenate %mul3A_116, %broadcast_in_dim3A_141 in 1 : vector<1x128xf32>, vector<1x128xf32> -> vector<1x256xf32>
    %get3A_143 = arith.constant 0 : index
    %get3A_144 = arith.constant 0 : index
    %get3A_145 = vector.load %arg4[%get3A_143, %get3A_144] : memref<256x512xf32, #tpu.memory_space<vmem>>, vector<256x512xf32>
    %dot_general3A_146 = arith.constant dense<0.000000e+00> : vector<1x512xf32>
    %dot_general3A_147 = tpu.matmul %concatenate3A_142, %get3A_145, %dot_general3A_146 {dimension_numbers = #tpu.dot_dimension_numbers<[1], [0], [0], [1], [0, 0, 1, 1], [], []>, transpose_lhs_hint = false} : vector<1x256xf32>, vector<256x512xf32>, vector<1x512xf32> -> vector<1x512xf32>
    %get3A_148 = arith.constant 0 : index
    %get3A_149 = arith.constant 0 : index
    %get3A_150 = vector.load %arg5[%get3A_148, %get3A_149] : memref<128x512xf32, #tpu.memory_space<vmem>>, vector<128x512xf32>
    %dot_general3A_151 = arith.constant dense<0.000000e+00> : vector<1x512xf32>
    %dot_general3A_152 = tpu.matmul %mul3A_116, %get3A_150, %dot_general3A_151 {dimension_numbers = #tpu.dot_dimension_numbers<[1], [0], [0], [1], [0, 0, 1, 1], [], []>, transpose_lhs_hint = false} : vector<1x128xf32>, vector<128x512xf32>, vector<1x512xf32> -> vector<1x512xf32>
    %add3A_153 = arith.addf %dot_general3A_147, %dot_general3A_152 : vector<1x512xf32>
    %get3A_154 = arith.constant 0 : index
    %get3A_155 = arith.constant 0 : index
    %get3A_156 = vector.load %arg6[%get3A_154, %get3A_155] : memref<1x512xf32, #tpu.memory_space<vmem>>, vector<1x512xf32>
    %add3A_157 = arith.addf %add3A_153, %get3A_156 : vector<1x512xf32>
    %slice3A_158 = vector.extract_strided_slice %add3A_157 {offsets = [0, 0], sizes = [1, 128], strides = [1, 1]} : vector<1x512xf32> to vector<1x128xf32>
    %slice3A_159 = vector.extract_strided_slice %add3A_157 {offsets = [0, 128], sizes = [1, 128], strides = [1, 1]} : vector<1x512xf32> to vector<1x128xf32>
    %slice3A_160 = vector.extract_strided_slice %add3A_157 {offsets = [0, 256], sizes = [1, 128], strides = [1, 1]} : vector<1x512xf32> to vector<1x128xf32>
    %slice3A_161 = vector.extract_strided_slice %add3A_157 {offsets = [0, 384], sizes = [1, 128], strides = [1, 1]} : vector<1x512xf32> to vector<1x128xf32>
    %logistic3A_162 = arith.negf %slice3A_159 : vector<1x128xf32>
    %logistic3A_163 = math.exp %logistic3A_162 : vector<1x128xf32>
    %logistic3A_164 = arith.constant 1.000000e+00 : f32
    %logistic3A_165 = vector.broadcast %logistic3A_164 : f32 to vector<1x128xf32>
    %logistic3A_166 = arith.addf %logistic3A_165, %logistic3A_163 : vector<1x128xf32>
    %logistic3A_167 = arith.divf %logistic3A_165, %logistic3A_166 : vector<1x128xf32>
    %mul3A_168 = arith.mulf %logistic3A_167, %add3A_108 : vector<1x128xf32>
    %logistic3A_169 = arith.negf %slice3A_158 : vector<1x128xf32>
    %logistic3A_170 = math.exp %logistic3A_169 : vector<1x128xf32>
    %logistic3A_171 = arith.constant 1.000000e+00 : f32
    %logistic3A_172 = vector.broadcast %logistic3A_171 : f32 to vector<1x128xf32>
    %logistic3A_173 = arith.addf %logistic3A_172, %logistic3A_170 : vector<1x128xf32>
    %logistic3A_174 = arith.divf %logistic3A_172, %logistic3A_173 : vector<1x128xf32>
    %tanh3A_175 = math.tanh %slice3A_160 : vector<1x128xf32>
    %mul3A_176 = arith.mulf %logistic3A_174, %tanh3A_175 : vector<1x128xf32>
    %add3A_177 = arith.addf %mul3A_168, %mul3A_176 : vector<1x128xf32>
    %logistic3A_178 = arith.negf %slice3A_161 : vector<1x128xf32>
    %logistic3A_179 = math.exp %logistic3A_178 : vector<1x128xf32>
    %logistic3A_180 = arith.constant 1.000000e+00 : f32
    %logistic3A_181 = vector.broadcast %logistic3A_180 : f32 to vector<1x128xf32>
    %logistic3A_182 = arith.addf %logistic3A_181, %logistic3A_179 : vector<1x128xf32>
    %logistic3A_183 = arith.divf %logistic3A_181, %logistic3A_182 : vector<1x128xf32>
    %tanh3A_184 = math.tanh %add3A_177 : vector<1x128xf32>
    %mul3A_185 = arith.mulf %logistic3A_183, %tanh3A_184 : vector<1x128xf32>
    %mul3A_186 = vector.broadcast %mul3A_185 : vector<1x128xf32> to vector<10000x128xf32>
    %mul3A_187 = arith.mulf %add3A, %mul3A_186 : vector<10000x128xf32>
    %reduce_sum3A_188 = arith.constant dense<0.000000e+00> : vector<10000xf32>
    %reduce_sum3A_189 = vector.multi_reduction <add>, %mul3A_187, %reduce_sum3A_188 [1] : vector<10000x128xf32> to vector<10000xf32>
    %broadcast_in_dim3A_190 = vector.shape_cast %reduce_sum3A_189 : vector<10000xf32> to vector<10000x1xf32>
    %reduce_max3A_191 = vector.shape_cast %broadcast_in_dim3A_190 : vector<10000x1xf32> to vector<1x10000x1xf32>
    %reduce_max3A_192 = arith.constant dense<0xFF800000> : vector<1xf32>
    %reduce_max3A_193 = vector.multi_reduction <maximumf>, %reduce_max3A_191, %reduce_max3A_192 [1, 2] : vector<1x10000x1xf32> to vector<1xf32>
    %reduce_max3A_194 = vector.shape_cast %reduce_max3A_193 : vector<1xf32> to vector<1x1x1xf32>
    %reduce_max3A_195 = vector.extract %reduce_max3A_194[0, 0, 0] : f32 from vector<1x1x1xf32>
    %sub3A_196 = vector.broadcast %reduce_max3A_195 : f32 to vector<10000x1xf32>
    %sub3A_197 = arith.subf %broadcast_in_dim3A_190, %sub3A_196 : vector<10000x1xf32>
    %exp3A_198 = math.exp %sub3A_197 : vector<10000x1xf32>
    %reduce_sum3A_199 = vector.shape_cast %exp3A_198 : vector<10000x1xf32> to vector<1x10000x1xf32>
    %reduce_sum3A_200 = arith.constant dense<0.000000e+00> : vector<1xf32>
    %reduce_sum3A_201 = vector.multi_reduction <add>, %reduce_sum3A_199, %reduce_sum3A_200 [1, 2] : vector<1x10000x1xf32> to vector<1xf32>
    %reduce_sum3A_202 = vector.shape_cast %reduce_sum3A_201 : vector<1xf32> to vector<1x1x1xf32>
    %reduce_sum3A_203 = vector.extract %reduce_sum3A_202[0, 0, 0] : f32 from vector<1x1x1xf32>
    %div3A_204 = vector.broadcast %reduce_sum3A_203 : f32 to vector<10000x1xf32>
    %div3A_205 = arith.divf %exp3A_198, %div3A_204 : vector<10000x1xf32>
    %mul3A_206 = vector.broadcast %div3A_205 : vector<10000x1xf32> to vector<10000x128xf32>
    %mul3A_207 = arith.mulf %mul3A_206, %add3A : vector<10000x128xf32>
    %reduce_sum3A_208 = arith.constant dense<0.000000e+00> : vector<128xf32>
    %reduce_sum3A_209 = vector.multi_reduction <add>, %mul3A_207, %reduce_sum3A_208 [0] : vector<10000x128xf32> to vector<128xf32>
    %broadcast_in_dim3A_210 = vector.shape_cast %reduce_sum3A_209 : vector<128xf32> to vector<1x128xf32>
    %concatenate3A_211 = tpu.concatenate %mul3A_185, %broadcast_in_dim3A_210 in 1 : vector<1x128xf32>, vector<1x128xf32> -> vector<1x256xf32>
    %get3A_212 = arith.constant 0 : index
    %get3A_213 = arith.constant 0 : index
    %get3A_214 = vector.load %arg7[%get3A_212, %get3A_213] : memref<256x128xf32, #tpu.memory_space<vmem>>, vector<256x128xf32>
    %dot_general3A_215 = arith.constant dense<0.000000e+00> : vector<1x128xf32>
    %dot_general3A_216 = tpu.matmul %concatenate3A_211, %get3A_214, %dot_general3A_215 {dimension_numbers = #tpu.dot_dimension_numbers<[1], [0], [0], [1], [0, 0, 1, 1], [], []>, transpose_lhs_hint = false} : vector<1x256xf32>, vector<256x128xf32>, vector<1x128xf32> -> vector<1x128xf32>
    %get3A_217 = arith.constant 0 : index
    %get3A_218 = arith.constant 0 : index
    %get3A_219 = vector.load %arg8[%get3A_217, %get3A_218] : memref<1x128xf32, #tpu.memory_space<vmem>>, vector<1x128xf32>
    %add3A_220 = arith.addf %dot_general3A_216, %get3A_219 : vector<1x128xf32>
    %max3A_221 = arith.constant 0.000000e+00 : f32
    %max3A_222 = vector.broadcast %max3A_221 : f32 to vector<1x128xf32>
    %max3A_223 = arith.maximumf %add3A_220, %max3A_222 : vector<1x128xf32>
    %get3A_224 = arith.constant 0 : index
    %get3A_225 = arith.constant 0 : index
    %get3A_226 = vector.load %arg9[%get3A_224, %get3A_225] : memref<128x64xf32, #tpu.memory_space<vmem>>, vector<128x64xf32>
    %dot_general3A_227 = arith.constant dense<0.000000e+00> : vector<1x64xf32>
    %dot_general3A_228 = tpu.matmul %max3A_223, %get3A_226, %dot_general3A_227 {dimension_numbers = #tpu.dot_dimension_numbers<[1], [0], [0], [1], [0, 0, 1, 1], [], []>, transpose_lhs_hint = false} : vector<1x128xf32>, vector<128x64xf32>, vector<1x64xf32> -> vector<1x64xf32>
    %get3A_229 = arith.constant 0 : index
    %get3A_230 = arith.constant 0 : index
    %get3A_231 = vector.load %arg10[%get3A_229, %get3A_230] : memref<1x64xf32, #tpu.memory_space<vmem>>, vector<1x64xf32>
    %add3A_232 = arith.addf %dot_general3A_228, %get3A_231 : vector<1x64xf32>
    %max3A_233 = arith.constant 0.000000e+00 : f32
    %max3A_234 = vector.broadcast %max3A_233 : f32 to vector<1x64xf32>
    %max3A_235 = arith.maximumf %add3A_232, %max3A_234 : vector<1x64xf32>
    %swap3A = arith.constant 0 : index
    %swap3A_236 = arith.constant 0 : index
    %swap3A_237 = vector.load %arg11[%swap3A, %swap3A_236] : memref<1x64xf32, #tpu.memory_space<vmem>>, vector<1x64xf32>
    tpu.vector_store %arg11[%swap3A, %swap3A_236], %max3A_235 {strides = array<i32>} : memref<1x64xf32, #tpu.memory_space<vmem>>, vector<1x64xf32>,
    return
  }
  func.func @transform_0(%arg0: i32) -> (i32, i32) {
    %c0_i32 = arith.constant 0 : i32
    %c0_i32_0 = arith.constant 0 : i32
    %c0_i32_1 = arith.constant 0 : i32
    return %c0_i32, %c0_i32_0 : i32, i32
  }
  func.func @transform_1(%arg0: i32) -> (i32, i32) {
    %c0_i32 = arith.constant 0 : i32
    %c0_i32_0 = arith.constant 0 : i32
    %c0_i32_1 = arith.constant 0 : i32
    return %c0_i32, %c0_i32_0 : i32, i32
  }
  func.func @transform_2(%arg0: i32) -> (i32, i32) {
    %c0_i32 = arith.constant 0 : i32
    %c0_i32_0 = arith.constant 0 : i32
    %c0_i32_1 = arith.constant 0 : i32
    return %c0_i32, %c0_i32_0 : i32, i32
  }
  func.func @transform_3(%arg0: i32) -> (i32, i32) {
    %c0_i32 = arith.constant 0 : i32
    %c0_i32_0 = arith.constant 0 : i32
    %c0_i32_1 = arith.constant 0 : i32
    return %c0_i32, %c0_i32_0 : i32, i32
  }
  func.func @transform_4(%arg0: i32) -> (i32, i32) {
    %c0_i32 = arith.constant 0 : i32
    %c0_i32_0 = arith.constant 0 : i32
    %c0_i32_1 = arith.constant 0 : i32
    return %c0_i32, %c0_i32_0 : i32, i32
  }
  func.func @transform_5(%arg0: i32) -> (i32, i32) {
    %c0_i32 = arith.constant 0 : i32
    %c0_i32_0 = arith.constant 0 : i32
    %c0_i32_1 = arith.constant 0 : i32
    return %c0_i32, %c0_i32_0 : i32, i32
  }
  func.func @transform_6(%arg0: i32) -> (i32, i32) {
    %c0_i32 = arith.constant 0 : i32
    %c0_i32_0 = arith.constant 0 : i32
    %c0_i32_1 = arith.constant 0 : i32
    return %c0_i32, %c0_i32_0 : i32, i32
  }
  func.func @transform_7(%arg0: i32) -> (i32, i32) {
    %c0_i32 = arith.constant 0 : i32
    %c0_i32_0 = arith.constant 0 : i32
    %c0_i32_1 = arith.constant 0 : i32
    return %c0_i32, %c0_i32_0 : i32, i32
  }
  func.func @transform_8(%arg0: i32) -> (i32, i32) {
    %c0_i32 = arith.constant 0 : i32
    %c0_i32_0 = arith.constant 0 : i32
    %c0_i32_1 = arith.constant 0 : i32
    return %c0_i32, %c0_i32_0 : i32, i32
  }
  func.func @transform_9(%arg0: i32) -> (i32, i32) {
    %c0_i32 = arith.constant 0 : i32
    %c0_i32_0 = arith.constant 0 : i32
    %c0_i32_1 = arith.constant 0 : i32
    return %c0_i32, %c0_i32_0 : i32, i32
  }
  func.func @transform_10(%arg0: i32) -> (i32, i32) {
    %c0_i32 = arith.constant 0 : i32
    %c0_i32_0 = arith.constant 0 : i32
    %c0_i32_1 = arith.constant 0 : i32
    return %c0_i32, %c0_i32_0 : i32, i32
  }
}

</mosaic_0001>

<sc_bundles>
// kernel: kernel.15.cloned.1.call-start
scs
__scs_entry_jumppad:
0x0: {  	(pc) =	sbr.rel $0x88, $3  }
0x1: {  	(tag) =	ssettag $0x0;
	lr =	simm.s32 $0x1  }
0x2: {  	[smem:$0x3F91] =	sst lr;
	_ =	strace $0xD0000000  }
0x3: {  	_ = 	snop  }
0x4: {  	_ = 	snop  }
0x5: {  	_ = 	snop  }
0x6: {  	_ = 	snop  }
0x7: {  	_ = 	snop  }
__scs_overlays_trampoline_lowered:
0x8: {  	[smem:$0x3FA0] =	sst s0  }
0x9: {  	[smem:$0x3FA1] =	sst s1  }
0xa: {  	[smem:$0x3FA2] =	sst s2  }
0xb: {  	[smem:$0x3FA3] =	sst s3  }
0xc: {  	[smem:$0x3FA4] =	sst s4  }
0xd: {  	[smem:$0x3FA5] =	sst s5  }
0xe: {  	[smem:$0x3FA6] =	sst s6  }
0xf: {  	[smem:$0x3FA7] =	sst s7  }
0x10: {  	[smem:$0x3FA8] =	sst s8  }
0x11: {  	[smem:$0x3FA9] =	sst s9;
	s0 =	simm.s32 @!p0 $0x0  }
0x12: {  	s1 =	sld [smem:$0x3F8F];
	s0 =	simm.s32 @p0 $0x1  }
0x13: {  	[smem:$0x3FAA] =	sst s0;
	s0 =	simm.s32 @!p1 $0x0  }
0x14: {  	s2 =	sld [smem:$0x3F8E];
	s0 =	simm.s32 @p1 $0x1  }
0x15: {  	[smem:$0x3FAB] =	sst s0;
	s0 =	simm.s32 @!p2 $0x0  }
0x16: {  	s3 =	sld [smem:$0x3FDB];
	s0 =	simm.s32 @p2 $0x1  }
0x17: {  	s4 =	simm.s32 $0x1BF5;
	[smem:$0x3FAD] =	sst s0  }
0x18: {  	s0 =	sld [smem:$0x3F90];
	_ =	swait.ge [sflag:s4], $0x0  }
0x19: {  	s7 =	sld [smem:$0x3F91]  }
0x1a: {  	s8 =	sadd.s32 $0xFFFFE003, lr  }
0x1b: {  	s9 =	sadd.s32 $0xFFFFFEF7, lr;
	s5 =	simm.s32 $0xFFFFFFFF;
	p2 =	slt.u32 s8, $0xFFFFF086  }
0x1c: {  	p1 =	slt.u32 s9, $0xF7A;
	s5 =	simm.s32 @!p2 $0x0  }
0x1d: {  	s5 =	simm.s32 @p1 $0x1;
	p0 =	seq.s32 s7, s2  }
0x1e: {  	s7 =	smul.u32 @!p0 $0xF7A, s2;
	p2 =	seq.s32 @!p0 s5, $0x0  }
0x1f: {  	s9 =	smul.u32 $0xF7A, s1;
	s8 =	simm.s32 @!p0 $0x1BF5;
	p2 =	por !p2, p0  }
0x20: {  	[sflag:s8] =	ssyncset.s32 @!p0 $0xFFFFF086;
	s6 =	sadd.s32 @!p0 s3, s7;
	s7 =	simm.s32 @!p0 $0x108  }
0x21: {  	s3 =	sadd.s32 s3, s9;
	s6 =	sadd.s32 @!p0 $0x88, s6;
	s7 =	simm.s32 @p2 $0x1082  }
0x22: {  	[simem:s7], [sflag:s8] =	dma.local @!p0 [hbm:s6], $0xF7A  }
0x23: {  	s9 =	sor.u32 $0xD0000000, s2;
	s6 =	simm.s32 $0x108;
	_ =	swait.ge @!p0 [sflag:s8], $0x0  }
0x24: {  	s3 =	sadd.s32 $0x88, s3;
	s6 =	simm.s32 @!p1 $0x1082;
	[sflag:s4] =	ssyncset.s32 $0xFFFFF086  }
0x25: {  	[simem:s6], [sflag:s4] =	dma.local [hbm:s3], $0xF7A  }
0x26: {  	[smem:$0x3F91] =	sst s1;
	(tag) =	ssettag s2;
	_ =	strace s9  }
0x27: {  	s1 =	sld [smem:$0x3FA1]  }
0x28: {  	s2 =	sld [smem:$0x3FA2]  }
0x29: {  	s4 =	sld [smem:$0x3FA4]  }
0x2a: {  	p0 =	seq.s32 s5, $0x0;
	s5 =	sld [smem:$0x3FA5]  }
0x2b: {  	s6 =	sld [smem:$0x3FA6]  }
0x2c: {  	s7 =	sld [smem:$0x3FA7]  }
0x2d: {  	s3 =	simm.s32 $0x108;
	s8 =	sld [smem:$0x3FA8]  }
0x2e: {  	s3 =	simm.s32 @!p0 $0x1082;
	s9 =	sld [smem:$0x3FA9]  }
0x2f: {  	lr =	sadd.s32 s0, s3;
	s0 =	sld [smem:$0x3FA0]  }
0x30: {  	s3 =	sld [smem:$0x3FA3]  }
0x31: {  	[smem:$0x3FAC] =	sst s10  }
0x32: {  	s10 =	sld [smem:$0x3FAA];
	_ =	sdelay $0x3  }
0x33: {  	p0 =	seq.s32 s10, $0x1;
	s10 =	sld [smem:$0x3FAC];
	_ =	sdelay $0x3  }
0x34: {  	[smem:$0x3FAC] =	sst s10  }
0x35: {  	s10 =	sld [smem:$0x3FAB];
	_ =	sdelay $0x3  }
0x36: {  	p1 =	seq.s32 s10, $0x1;
	s10 =	sld [smem:$0x3FAC];
	_ =	sdelay $0x3  }
0x37: {  	[smem:$0x3FAC] =	sst s10  }
0x38: {  	s10 =	sld [smem:$0x3FAD]  }
0x39: {  	_ = 	snop;
	(pc) =	sbr.ind lr, $3  }
0x3a: {  	_ = 	snop  }
0x3b: {  	_ = 	snop  }
0x3c: {  	p2 =	seq.s32 s10, $0x1;
	s10 =	sld [smem:$0x3FAC]  }
0x3d: {  	_ =	shalt  }
0x3e: {  	_ =	shalt  }
0x3f: {  	_ =	shalt  }
0x40: {  	_ =	shalt  }
0x41: {  	_ =	shalt  }
0x42: {  	_ =	shalt  }
0x43: {  	_ =	shalt  }
0x44: {  	_ =	shalt  }
0x45: {  	_ =	shalt  }
0x46: {  	_ =	shalt  }
0x47: {  	_ =	shalt  }
0x48: {  	_ =	shalt  }
0x49: {  	_ =	shalt  }
0x4a: {  	_ =	shalt  }
0x4b: {  	_ =	shalt  }
0x4c: {  	_ =	shalt  }
0x4d: {  	_ =	shalt  }
0x4e: {  	_ =	shalt  }
0x4f: {  	_ =	shalt  }
0x50: {  	_ =	shalt  }
0x51: {  	_ =	shalt  }
0x52: {  	_ =	shalt  }
0x53: {  	_ =	shalt  }
0x54: {  	_ =	shalt  }
0x55: {  	_ =	shalt  }
0x56: {  	_ =	shalt  }
0x57: {  	_ =	shalt  }
0x58: {  	_ =	shalt  }
0x59: {  	_ =	shalt  }
0x5a: {  	_ =	shalt  }
0x5b: {  	_ =	shalt  }
0x5c: {  	_ =	shalt  }
0x5d: {  	_ =	shalt  }
0x5e: {  	_ =	shalt  }
0x5f: {  	_ =	shalt  }
0x60: {  	_ =	shalt  }
0x61: {  	_ =	shalt  }
0x62: {  	_ =	shalt  }
0x63: {  	_ =	shalt  }
0x64: {  	_ =	shalt  }
0x65: {  	_ =	shalt  }
0x66: {  	_ =	shalt  }
0x67: {  	_ =	shalt  }
0x68: {  	_ =	shalt  }
0x69: {  	_ =	shalt  }
0x6a: {  	_ =	shalt  }
0x6b: {  	_ =	shalt  }
0x6c: {  	_ =	shalt  }
0x6d: {  	_ =	shalt  }
0x6e: {  	_ =	shalt  }
0x6f: {  	_ =	shalt  }
0x70: {  	_ =	shalt  }
0x71: {  	_ =	shalt  }
0x72: {  	_ =	shalt  }
0x73: {  	_ =	shalt  }
0x74: {  	_ =	shalt  }
0x75: {  	_ =	shalt  }
0x76: {  	_ =	shalt  }
0x77: {  	_ =	shalt  }
0x78: {  	_ =	shalt  }
0x79: {  	_ =	shalt  }
0x7a: {  	_ =	shalt  }
0x7b: {  	_ =	shalt  }
0x7c: {  	_ =	shalt  }
0x7d: {  	_ =	shalt  }
0x7e: {  	_ =	shalt  }
0x7f: {  	_ =	shalt  }
0x80: {  	_ =	shalt  }
0x81: {  	_ =	shalt  }
0x82: {  	_ =	shalt  }
0x83: {  	_ =	shalt  }
0x84: {  	_ =	shalt  }
0x85: {  	_ =	shalt  }
0x86: {  	_ =	shalt  }
0x87: {  	_ =	shalt  }
.Lfunc_end0:
.L_simem_size_0:
called_computation_lowered:
.L_overlay_start_0:
0x88: {  	s2 =	sld [smem:$0x3FD9]  }
0x89: {  	s3 =	sld [smem:$0x3FFE];
	_ =	sdelay $0x1  }
0x8a: {  	s1 =	srdreg.scid  }
0x8b: {  	s0 =	sand.u32 $0x1, s1  }
0x8c: {  	s14 =	sshll.u32 s0, $0xA;
	s2 =	sadd.s32 s3, s2  }
0x8d: {  	s2 =	sadd.s32 s2, s14  }
0x8e: {  	[smem:$0x3FB8] =	sst s2  }
0x8f: {  	_ = 	snop  }
0x90: {  	s2 =	sld [smem:$0x3FD0];
	_ =	sdelay $0x2  }
0x91: {  	s15 =	simm.s32 $0xA;
	s4 =	simm.s32 $0x10  }
0x92: {  	[smem:s4], [sflag:s15] =	dma.local [hbm:s2], $0x1  }
0x93: {  	_ =	swait.eq [sflag:s15], $0x1  }
0x94: {  	[sflag:s15] =	ssyncset.done $0x0  }
0x95: {  	[sflag:s15] =	ssyncadd.s32 $0xFFFFFFFF  }
0x96: {  	s16 =	sld [smem:$0x11];
	(tm) =	ssettm $0x1  }
0x97: {  	s17 =	sld [smem:$0x3FFB];
	_ =	sdelay $0x3  }
0x98: {  	_ =	strace s17  }
0x99: {  	s3 =	sld [smem:$0x3FFC];
	_ =	sdelay $0x3  }
0x9a: {  	_ =	strace s3  }
0x9b: {  	s3 =	sld [smem:$0x3FFD];
	_ =	sdelay $0x3  }
0x9c: {  	_ =	strace s3  }
0x9d: {  	_ =	strace $0x8FFFFFFF  }
0x9e: {  	s18 =	sld [smem:$0x3FDB];
	_ =	sdelay $0x1  }
0x9f: {  	s19 =	simm.s32 $_scs_section_size  }
0xa0: {  	s5 =	simm.s32 $_size__tile_overlayer_lowered;
	s6 =	simm.s32 $_tile_overlayer_lowered  }
0xa1: {  	s22 =	simm.s32 $0x1BFF;
	s21 =	sshll.u32 s6, $0x1;
	s3 =	sadd.s32 s19, s18  }
0xa2: {  	s7 =	simm.s32 $0x0;
	s20 =	sshll.u32 s5, $0x1;
	s5 =	sadd.s32 s21, s3  }
0xa3: {  	[timem:s7], [sflag:s22] =	dma.local [hbm:s5], s20  }
0xa4: {  	_ =	swait.ge [sflag:s22], s20  }
0xa5: {  	s4 =	ssub.s32 $0x0, s20;
	[sflag:s22] =	ssyncset.done $0x0  }
0xa6: {  	[sflag:s22] =	ssyncadd.s32 s4;
	_ =	sdelay $0x1  }
0xa7: {  	s23 =	simm.s32 $0x1B8B  }
0xa8: {  	_ =	swait.ge [sflag:s23], $0x1  }
0xa9: {  	[sflag:s23] =	ssyncset.done $0x0  }
0xaa: {  	s25 =	simm.s32 $0x1B8E;
	s24 =	sld [smem:$0x3FFE];
	[sflag:s23] =	ssyncadd.s32 $0xFFFFFFFF  }
0xab: {  	s26 =	simm.s32 $execute0_lowered;
	[smem:$0x3FD2] =	sst s25  }
0xac: {  	s5 =	sshll.u32 s26, $0x1;
	_ =	strace $0x80000046;
	[dreg:$0x1] =	wrdreg $0xFFFFFFFF  }
0xad: {  	s28 =	simm.s32 $_size_execute0_lowered;
	s3 =	sadd.s32 s3, s5;
	[dreg:$0x0] =	wrdreg $0x0  }
0xae: {  	s5 =	sshll.u32 s28, $0x1;
	[dreg:$0x2] =	wrdreg s3  }
0xaf: {  	[dreg:$0x3] =	wrdreg s5  }
0xb0: {  	[dreg:$0x4] =	wrdreg $0xC0  }
0xb1: {  	_ =	task [dreg:s7], $0x5FFFF  }
0xb2: {  	[dreg:$0x1] =	wrdreg $0xFFFFFFFF  }
0xb3: {  	[dreg:$0x0] =	wrdreg $0x60  }
0xb4: {  	[dreg:$0x2] =	wrdreg s24  }
0xb5: {  	[dreg:$0x3] =	wrdreg s16  }
0xb6: {  	[dreg:$0x4] =	wrdreg $0x14B400  }
0xb7: {  	[dreg:$0x5] =	wrdreg $0x9  }
0xb8: {  	_ =	task.clear_ibuf [dreg:s7], $0x6FFFF;
	_ =	strace $0x90000046  }
0xb9: {  	s29 =	simm.s32 $0x9;
	_ =	strace $0x80000048  }
0xba: {  	_ =	swait.ge [sflag:s29], $0x1  }
0xbb: {  	[sflag:s29] =	ssyncadd.s32 $0xFFFFFFFF  }
0xbc: {  	_ =	strace $0x90000048  }
0xbd: {  	_ =	sfence  }
0xbe: {  	s30 =	sld [smem:$0x0];
	_ =	sdelay $0x2  }
0xbf: {  	s31 =	sshll.u32 s1, $0xD;
	s1 =	sshrl.u32 s1, $0x2  }
0xc0: {  	s3 =	sand.u32 $0x4000, s31;
	s1 =	sadd.s32 s1, s30  }
0xc1: {  	s0 =	sor.u32 s3, s0;
	s1 =	sshll.u32 s1, $0x11  }
0xc2: {  	s0 =	sor.u32 s1, s0  }
0xc3: {  	s0 =	sadd.s32 $0x8F2B, s0  }
0xc4: {  	[sflag:s0] =	ssyncadd.remote.s32 $0x1  }
0xc5: {  	_ =	sfence.sel $0xFFFF  }
0xc6: {  	[dreg:$0x0] =	wrdreg $0xFFFFFFFF;
	(pc) =	sbr.abs _section_cstart, $3  }
0xc7: {  	[dreg:$0x1] =	wrdreg $0xFFFFFFFF  }
0xc8: {  	_ =	task.clear_ibuf [dreg:s7], $0x2FFFF;
	_ =	strace $0x9FFFFFFF  }
0xc9: {  	(tm) =	ssettm $0x7FFFFFFF  }
tec
execute0_lowered:
.L_overlay_start_1:
0x0: {  	(tag) =	ssettag $0x1  }
0x1: {  	s9 =	rddreg [dreg:$0x0]  }
0x2: {  	s2 =	rddreg [dreg:$0x1]  }
0x3: {  	s3 =	rddreg [dreg:$0x2]  }
0x4: {  	s0 =	rddreg [dreg:$0x3];
	s1 =	stileid.u32  }
0x5: {  	s5 =	srdreg.scid;
	s4 =	simm.s32 $0x0;
	s16 =	simm.s32 $0x14B00  }
0x6: {  	s17 =	simm.s32 $0x14100;
	s18 =	simm.s32 $0x14900;
	s19 =	simm.s32 $0x80  }
0x7: {  	s20 =	simm.s32 $0x14080;
	s21 =	simm.s32 $0x0;
	s10 =	smul.u32 $0x2800, s1  }
0x8: {  	s11 =	sand.u32 $0x1, s5;
	[smem:$0x7FF] =	sst s4;
	s5 =	sadd.s32 $0x37C00, s9  }
0x9: {  	s6 =	sadd.s32 $0x2DC00, s9;
	s7 =	sadd.s32 $0x2B400, s9;
	s8 =	smul.u32 $0x28000, s11  }
0xa: {  	s31 =	sshll.u32 s1, $0x6;
	_ =	strace $0x80000047;
	s11 =	ssub.s32 $0x2, s11  }
0xb: {  	s12 =	sshrl.u32 s10, $0x3;
	s14 =	sshrl.u32 s11, $0x1;
	s8 =	sadd.s32 s10, s8  }
0xc: {  	s15 =	sadd.s32 s10, s3;
	s12 =	sadd.s32 s12, s9;
	s13 =	sshrl.u32 s8, $0x3  }
0xd: {  	s14 =	ssub.s32 s11, s14;
	s11 =	sor.u32 $0x1C01, s31;
	s13 =	sadd.s32 s13, s9  }
0xe: {  	s10 =	sadd.s32 $0x41C00, s12;
	s9 =	sadd.s32 $0x50C00, s9;
	s12 =	sadd.s32 $0x46C00, s13  }
0xf: {  	v0 =	vimm.f32 $0.0e+00;
	v1 =	vlaneseq.u32;
	s13 =	smax.u32 s14, $0x1;
	s14 =	sshrl.u32 s15, $0x3;
	s15 =	simm.s32 $0x1  }
.LBB2_1:
0x10: {  	[spmem:s14], [sflag:s11] =	dma.local [hbm:s10], $0x500  }
0x11: {  	_ =	swait.ge [sflag:s15], $0x500  }
0x12: {  	[sflag:s15] =	ssyncset.done $0x0  }
0x13: {  	[sflag:s15] =	ssyncadd.s32 $0xFFFFFB00  }
0x14: {  	[tilespmem:s4], [sflag:$0x1] =	stream.linear.gather [hbm4b:s7+s4], $0x14000, $0x38;
	[tilespmem:$0x17340] =	vst v63  }
0x15: {  	_ =	swait.ge [sflag:s15], $0x14000  }
0x16: {  	[sflag:s15] =	ssyncset.done $0x0  }
0x17: {  	[sflag:s15] =	ssyncadd.s32 $0xFFFEC000  }
0x18: {  	[tilespmem:s16], [sflag:$0x1] =	stream.linear.gather [hbm4b:s2+s4], $0x40, $0x38;
	[tilespmem:$0x17340] =	vst v63  }
0x19: {  	_ =	swait.ge [sflag:s15], $0x40  }
0x1a: {  	[sflag:s15] =	ssyncset.done $0x0  }
0x1b: {  	s22 =	simm.s32 $0x40;
	s23 =	simm.s32 $0x0;
	[sflag:s15] =	ssyncadd.s32 $0xFFFFFFC0  }
.LBB2_2:
0x1c: {  	p0 =	sne.s32 s22, $0x1FC0;
	[tilespmem:s23+$0x14100] =	vst v0;
	s23 =	smov.u32 s22;
	s22 =	sadd.s32 $0x40, s22  }
.Ltmp0:
0x1d: {  	(pc) =	sbr.rel @p0 .LBB2_2-.Ltmp0, $2  }
0x1e: {  	_ =	sdelay $0x2  }
0x1f: {  	s23 =	sshra.s32 s23, $0x2  }
0x20: {  	[tilespmem:s23+$0x14100] =	vst v0  }
0x21: {  	s22 =	simm.s32 $0x0;
	s23 =	simm.s32 $0x0;
	[bflag:$0x0] =	sbarrier.arrive $0xFFFF  }
.LBB2_4:
0x22: {  	s24 =	sshll.u32 s23, $0x7  }
0x23: {  	s24 =	sadd.s32 s8, s24  }
0x24: {  	s26 =	sshrl.u32 s24, $0x3  }
0x25: {  	s25 =	simm.s32 $0x14000;
	s28 =	sadd.s32 s5, s26  }
0x26: {  	[tilespmem:s25], [sflag:$0x1] =	stream.linear.gather [hbm4b:s28+s22], $0x80, $0x38;
	[tilespmem:$0x17340] =	vst v63  }
0x27: {  	_ =	swait.ge [sflag:s15], $0x80  }
0x28: {  	[sflag:s15] =	ssyncset.done $0x0  }
0x29: {  	s28 =	sadd.s32 s6, s26;
	s26 =	simm.s32 $0x14080;
	[sflag:s15] =	ssyncadd.s32 $0xFFFFFF80  }
0x2a: {  	[tilespmem:s26], [sflag:$0x1] =	stream.linear.gather [hbm4b:s28+s22], $0x80, $0x38;
	[tilespmem:$0x17340] =	vst v63  }
0x2b: {  	_ =	swait.ge [sflag:s15], $0x80  }
0x2c: {  	[sflag:s15] =	ssyncset.done $0x0  }
0x2d: {  	[sflag:s15] =	ssyncadd.s32 $0xFFFFFF80  }
0x2e: {  	v2 =	vld [tilespmem:s26+$0x0]  }
0x2f: {  	v3 =	vld [tilespmem:s25+$0x0];
	_ =	sdelay $0x4  }
0x30: {  	v2 =	vshll.u32 v2, $0x3;
	v3 =	vshll.u32 v3, $0x3  }
0x31: {  	v4 =	vor.u32 $0x4, v2;
	_ =	sdelay $0x3  }
0x32: {  	v5 =	vld.idx.msk [tilespmem:v3+s4+$0x0], $0xffff  }
0x33: {  	v4 =	vld.idx.msk [tilespmem:v4+s4+$0x0], $0xffff;
	_ =	sdelay $0x4  }
0x34: {  	v4 =	vadd.f32 v4, v5;
	v5 =	vld [tilespmem:$0x14B00];
	_ =	sdelay $0x1  }
0x35: {  	v6 =	vmul.f32 $2.000000030e-01, v4;
	_ =	sdelay $0x1  }
0x36: {  	v4 =	vmax.f32 v4, v6  }
0x37: {  	v4 =	vsub.f32 v4, v5;
	_ =	sdelay $0x1  }
0x38: {  	v4 =	vmul.f32 $1.442695020e+00, v4;
	_ =	sdelay $0x1  }
0x39: {  	(erf) = vpow2.f32 v4;
	_ =	sdelay $0x3  }
0x3a: {  	v4 =	vor.u32 s22, v1  }
0x3b: {  	v5 =	vshll.u32 v4, $0x4  }
0x3c: {  	v4 =	vshll.u32 v4, $0x2  }
0x3d: {  	v53 =	vor.u32 $0x1, v3  }
0x3e: {  	v7 =	vor.u32 $0x5, v2  }
0x3f: {  	v8 =	vpop (erf)  }
0x40: {  	[tilespmem:v5+s17+$0x0] =	vst.idx.msk $0xffff, v8  }
0x41: {  	[tilespmem:v4+s18+$0x0] =	vst.idx.msk $0xffff, v8  }
0x42: {  	v6 =	vld.idx.msk [tilespmem:v53+s4+$0x0], $0xffff  }
0x43: {  	v7 =	vld.idx.msk [tilespmem:v7+s4+$0x0], $0xffff;
	_ =	sdelay $0x4  }
0x44: {  	v54 =	vld [tilespmem:$0x14B10];
	v6 =	vadd.f32 v7, v6;
	_ =	sdelay $0x1  }
0x45: {  	v55 =	vmul.f32 $2.000000030e-01, v6;
	_ =	sdelay $0x1  }
0x46: {  	v6 =	vmax.f32 v6, v55  }
0x47: {  	v6 =	vsub.f32 v6, v54;
	_ =	sdelay $0x1  }
0x48: {  	v6 =	vmul.f32 $1.442695020e+00, v6;
	_ =	sdelay $0x1  }
0x49: {  	(erf) = vpow2.f32 v6;
	_ =	sdelay $0x4  }
0x4a: {  	v56 =	vor.u32 $0x1, v5  }
0x4b: {  	v57 =	vor.u32 $0x1, v4  }
0x4c: {  	v58 =	vor.u32 $0x2, v3  }
0x4d: {  	v9 =	vor.u32 $0x6, v2  }
0x4e: {  	v10 =	vpop (erf)  }
0x4f: {  	[tilespmem:v56+s17+$0x0] =	vst.idx.msk $0xffff, v10  }
0x50: {  	[tilespmem:v57+s18+$0x0] =	vst.idx.msk $0xffff, v10  }
0x51: {  	v6 =	vld.idx.msk [tilespmem:v58+s4+$0x0], $0xffff  }
0x52: {  	v7 =	vld.idx.msk [tilespmem:v9+s4+$0x0], $0xffff;
	_ =	sdelay $0x4  }
0x53: {  	v59 =	vld [tilespmem:$0x14B20];
	v6 =	vadd.f32 v7, v6;
	_ =	sdelay $0x1  }
0x54: {  	v60 =	vmul.f32 $2.000000030e-01, v6;
	_ =	sdelay $0x1  }
0x55: {  	v6 =	vmax.f32 v6, v60  }
0x56: {  	v6 =	vsub.f32 v6, v59;
	_ =	sdelay $0x1  }
0x57: {  	v6 =	vmul.f32 $1.442695020e+00, v6;
	_ =	sdelay $0x1  }
0x58: {  	(erf) = vpow2.f32 v6;
	_ =	sdelay $0x4  }
0x59: {  	v61 =	vor.u32 $0x2, v5  }
0x5a: {  	v62 =	vor.u32 $0x2, v4  }
0x5b: {  	v3 =	vor.u32 $0x3, v3  }
0x5c: {  	v2 =	vor.u32 $0x7, v2  }
0x5d: {  	v63 =	vpop (erf)  }
0x5e: {  	[tilespmem:v61+s17+$0x0] =	vst.idx.msk $0xffff, v63  }
0x5f: {  	[tilespmem:v62+s18+$0x0] =	vst.idx.msk $0xffff, v63  }
0x60: {  	v3 =	vld.idx.msk [tilespmem:v3+s4+$0x0], $0xffff  }
0x61: {  	v2 =	vld.idx.msk [tilespmem:v2+s4+$0x0], $0xffff;
	_ =	sdelay $0x4  }
0x62: {  	v6 =	vld [tilespmem:$0x14B30];
	v2 =	vadd.f32 v2, v3;
	_ =	sdelay $0x1  }
0x63: {  	v3 =	vmul.f32 $2.000000030e-01, v2;
	_ =	sdelay $0x1  }
0x64: {  	v2 =	vmax.f32 v2, v3  }
0x65: {  	v2 =	vsub.f32 v2, v6;
	_ =	sdelay $0x1  }
0x66: {  	v2 =	vmul.f32 $1.442695020e+00, v2;
	_ =	sdelay $0x1  }
0x67: {  	(erf) = vpow2.f32 v2;
	_ =	sdelay $0x4  }
0x68: {  	s28 =	simm.s32 $0x10;
	v3 =	vor.u32 $0x3, v5;
	v2 =	vor.u32 $0x3, v4  }
.LBB2_5:
0x69: {  	_ = 	snop  }
0x6a: {  	p0 =	sne.s32 s28, $0x70;
	s25 =	sadd.s32 $0x10, s25;
	s26 =	sadd.s32 $0x10, s26  }
0x6b: {  	s29 =	smov.u32 s28;
	s28 =	sadd.s32 $0x10, s28  }
0x6c: {  	v4 =	vpop (erf)  }
0x6d: {  	[tilespmem:v3+s17+$0x0] =	vst.idx.msk $0xffff, v4  }
0x6e: {  	[tilespmem:v2+s18+$0x0] =	vst.idx.msk $0xffff, v4  }
0x6f: {  	v2 =	vld [tilespmem:s26+$0x0]  }
0x70: {  	v3 =	vld [tilespmem:s25+$0x0];
	_ =	sdelay $0x3  }
0x71: {  	v2 =	vshll.u32 v2, $0x3  }
0x72: {  	v5 =	vshll.u32 v3, $0x3;
	v3 =	vor.u32 $0x4, v2;
	_ =	sdelay $0x4  }
0x73: {  	v3 =	vld.idx.msk [tilespmem:v3+s4+$0x0], $0xffff  }
0x74: {  	v4 =	vld.idx.msk [tilespmem:v5+s4+$0x0], $0xffff;
	_ =	sdelay $0x5  }
0x75: {  	v3 =	vadd.f32 v3, v4;
	v4 =	vld [tilespmem:$0x14B00];
	_ =	sdelay $0x1  }
0x76: {  	v6 =	vmul.f32 $2.000000030e-01, v3;
	_ =	sdelay $0x1  }
0x77: {  	v3 =	vmax.f32 v3, v6  }
0x78: {  	v3 =	vsub.f32 v3, v4;
	_ =	sdelay $0x1  }
0x79: {  	v3 =	vmul.f32 $1.442695020e+00, v3;
	_ =	sdelay $0x1  }
0x7a: {  	(erf) = vpow2.f32 v3;
	_ =	sdelay $0x3  }
0x7b: {  	v4 =	vor.u32 s29, v1  }
0x7c: {  	v3 =	vshll.u32 v4, $0x4  }
0x7d: {  	v4 =	vshll.u32 v4, $0x2  }
0x7e: {  	v6 =	vor.u32 $0x1, v5  }
0x7f: {  	v7 =	vor.u32 $0x5, v2  }
0x80: {  	v8 =	vpop (erf)  }
0x81: {  	[tilespmem:v3+s17+$0x0] =	vst.idx.msk $0xffff, v8  }
0x82: {  	[tilespmem:v4+s18+$0x0] =	vst.idx.msk $0xffff, v8  }
0x83: {  	v6 =	vld.idx.msk [tilespmem:v6+s4+$0x0], $0xffff  }
0x84: {  	v7 =	vld.idx.msk [tilespmem:v7+s4+$0x0], $0xffff;
	_ =	sdelay $0x5  }
0x85: {  	v6 =	vadd.f32 v7, v6;
	v7 =	vld [tilespmem:$0x14B10];
	_ =	sdelay $0x1  }
0x86: {  	v8 =	vmul.f32 $2.000000030e-01, v6;
	_ =	sdelay $0x1  }
0x87: {  	v6 =	vmax.f32 v6, v8  }
0x88: {  	v6 =	vsub.f32 v6, v7;
	_ =	sdelay $0x1  }
0x89: {  	v6 =	vmul.f32 $1.442695020e+00, v6;
	_ =	sdelay $0x1  }
0x8a: {  	(erf) = vpow2.f32 v6;
	_ =	sdelay $0x4  }
0x8b: {  	v6 =	vor.u32 $0x1, v3  }
0x8c: {  	v7 =	vor.u32 $0x1, v4  }
0x8d: {  	v8 =	vor.u32 $0x2, v5  }
0x8e: {  	v9 =	vor.u32 $0x6, v2  }
0x8f: {  	v10 =	vpop (erf)  }
0x90: {  	[tilespmem:v6+s17+$0x0] =	vst.idx.msk $0xffff, v10  }
0x91: {  	[tilespmem:v7+s18+$0x0] =	vst.idx.msk $0xffff, v10  }
0x92: {  	v6 =	vld.idx.msk [tilespmem:v8+s4+$0x0], $0xffff  }
0x93: {  	v7 =	vld.idx.msk [tilespmem:v9+s4+$0x0], $0xffff;
	_ =	sdelay $0x5  }
0x94: {  	v6 =	vadd.f32 v7, v6;
	v7 =	vld [tilespmem:$0x14B20];
	_ =	sdelay $0x1  }
0x95: {  	v8 =	vmul.f32 $2.000000030e-01, v6;
	_ =	sdelay $0x1  }
0x96: {  	v6 =	vmax.f32 v6, v8  }
0x97: {  	v6 =	vsub.f32 v6, v7;
	_ =	sdelay $0x1  }
0x98: {  	v6 =	vmul.f32 $1.442695020e+00, v6;
	_ =	sdelay $0x1  }
0x99: {  	(erf) = vpow2.f32 v6;
	_ =	sdelay $0x4  }
0x9a: {  	v6 =	vor.u32 $0x2, v3  }
0x9b: {  	v7 =	vor.u32 $0x2, v4  }
0x9c: {  	v2 =	vor.u32 $0x7, v2;
	v5 =	vor.u32 $0x3, v5;
	_ =	sdelay $0x1  }
0x9d: {  	v8 =	vpop (erf)  }
0x9e: {  	[tilespmem:v6+s17+$0x0] =	vst.idx.msk $0xffff, v8  }
0x9f: {  	[tilespmem:v7+s18+$0x0] =	vst.idx.msk $0xffff, v8  }
0xa0: {  	v5 =	vld.idx.msk [tilespmem:v5+s4+$0x0], $0xffff  }
0xa1: {  	v2 =	vld.idx.msk [tilespmem:v2+s4+$0x0], $0xffff  }
0xa2: {  	v6 =	vld [tilespmem:$0x14B30];
	_ =	sdelay $0x4  }
0xa3: {  	v2 =	vadd.f32 v2, v5;
	_ =	sdelay $0x1  }
0xa4: {  	v5 =	vmul.f32 $2.000000030e-01, v2;
	_ =	sdelay $0x1  }
0xa5: {  	v2 =	vmax.f32 v2, v5  }
0xa6: {  	v2 =	vsub.f32 v2, v6;
	_ =	sdelay $0x1  }
0xa7: {  	v2 =	vmul.f32 $1.442695020e+00, v2;
	_ =	sdelay $0x1  }
0xa8: {  	(erf) = vpow2.f32 v2  }
.Ltmp1:
0xa9: {  	(pc) =	sbr.rel @p0 .LBB2_5-.Ltmp1, $3  }
0xaa: {  	_ =	sdelay $0x1  }
0xab: {  	v3 =	vor.u32 $0x3, v3  }
0xac: {  	v2 =	vor.u32 $0x3, v4  }
0xad: {  	_ =	sdelay $0x2  }
0xae: {  	v4 =	vpop (erf)  }
0xaf: {  	s24 =	sshrl.u32 s24, $0x1;
	[tilespmem:v3+s17+$0x0] =	vst.idx.msk $0xffff, v4  }
0xb0: {  	s24 =	sadd.s32 s9, s24;
	[tilespmem:v2+s18+$0x0] =	vst.idx.msk $0xffff, v4  }
0xb1: {  	[hbm4b:s24+s4] =	stream.linear.scatter [tilespmem:s18], [sflag:$0x1], $0x200, $0x38;
	[tilespmem:$0x17340] =	vst v63  }
0xb2: {  	s23 =	sadd.s32 $0x1, s23;
	_ =	swait.ge [sflag:s15], $0x200  }
0xb3: {  	p0 =	sne.s32 s23, $0x50;
	[sflag:s15] =	ssyncset.done $0x0  }
.Ltmp2:
0xb4: {  	[sflag:s15] =	ssyncadd.s32 $0xFFFFFE00;
	(pc) =	sbr.rel @p0 .LBB2_4-.Ltmp2, $4  }
0xb5: {  	[spmem:s3] =	stream.indirect.scatter.add.f32 [tilespmem:s17], [sflag:$0x1], $0x10, s20, s19, $0xb8;
	[tilespmem:$0x17340] =	vst v63  }
0xb6: {  	_ =	swait.ge [sflag:s15], $0x800  }
0xb7: {  	[sflag:s15] =	ssyncset.done $0x0  }
0xb8: {  	[sflag:s15] =	ssyncadd.s32 $0xFFFFF800  }
0xb9: {  	s21 =	sadd.s32 $0x1, s21  }
0xba: {  	p0 =	sne.s32 s21, s13  }
.Ltmp3:
0xbb: {  	[bflag:$0x0] =	sbarrier.arrive $0xFFFF;
	(pc) =	sbr.rel @p0 .LBB2_1-.Ltmp3, $4  }
0xbc: {  	[hbm:s12], [sflag:s11] =	dma.local [spmem:s14], $0x500  }
0xbd: {  	_ =	swait.ge [sflag:s15], $0x500  }
0xbe: {  	[sflag:s15] =	ssyncset.done $0x0  }
0xbf: {  	[sflag:s15] =	ssyncadd.s32 $0xFFFFFB00  }
0xc0: {  	_ =	sfence.sel $0x180000  }
0xc1: {  	[bflag:$0x0] =	sbarrier.arrive $0xFFFF  }
0xc2: {  	p0 =	sne.s32 s1, $0x0;
	_ =	strace $0x90000047  }
0xc3: {  	s0 =	sadd.s32 @!p0 $0x100000, s0;
	[bflag:$0x2] =	sbarrier.arrive $0xFFFF  }
0xc4: {  	[sflag:s0] =	ssyncadd.tile.s32 @!p0 $0x1;
	_ =	shalt  }
.Lfunc_end2:
_tile_overlayer_lowered:
.L_overlay_start_2:
0xc5: {  	(tag) =	ssettag $0x2  }
0xc6: {  	s0 =	rddreg [dreg:$0x0];
	s2 =	stileid.u32  }
0xc7: {  	s1 =	rddreg [dreg:$0x1];
	p0 =	sne.s32 s2, $0x0  }
0xc8: {  	s3 =	rddreg [dreg:$0x2];
	[bflag:$0x3] =	sbarrier.arrive $0xFFFF;
	s2 =	simm.s32 @!p0 $0x1C01  }
0xc9: {  	[timem:s3], [sflag:s2] =	dma.local @!p0 [hbm:s0], s1  }
0xca: {  	s0 =	simm.s32 @!p0 $0x1  }
0xcb: {  	_ =	swait.ge @!p0 [sflag:s0], s1  }
0xcc: {  	s1 =	ssub.s32 @!p0 $0x0, s1;
	[sflag:s0] =	ssyncset.done @!p0 $0x0  }
0xcd: {  	[sflag:s0] =	ssyncadd.s32 @!p0 s1  }
0xce: {  	[bflag:$0x3] =	sbarrier.arrive $0xFFFF  }
0xcf: {  	_ =	shalt  }

// kernel: kernel.18.cloned.1.call-start
scs
__scs_entry_jumppad:
0x0: {  	(pc) =	sbr.rel $0x88, $3  }
0x1: {  	(tag) =	ssettag $0x0;
	lr =	simm.s32 $0x1  }
0x2: {  	[smem:$0x3F91] =	sst lr;
	_ =	strace $0xD0000000  }
0x3: {  	_ = 	snop  }
0x4: {  	_ = 	snop  }
0x5: {  	_ = 	snop  }
0x6: {  	_ = 	snop  }
0x7: {  	_ = 	snop  }
__scs_overlays_trampoline_lowered:
0x8: {  	[smem:$0x3FA0] =	sst s0  }
0x9: {  	[smem:$0x3FA1] =	sst s1  }
0xa: {  	[smem:$0x3FA2] =	sst s2  }
0xb: {  	[smem:$0x3FA3] =	sst s3  }
0xc: {  	[smem:$0x3FA4] =	sst s4  }
0xd: {  	[smem:$0x3FA5] =	sst s5  }
0xe: {  	[smem:$0x3FA6] =	sst s6  }
0xf: {  	[smem:$0x3FA7] =	sst s7  }
0x10: {  	[smem:$0x3FA8] =	sst s8  }
0x11: {  	[smem:$0x3FA9] =	sst s9;
	s0 =	simm.s32 @!p0 $0x0  }
0x12: {  	s1 =	sld [smem:$0x3F8F];
	s0 =	simm.s32 @p0 $0x1  }
0x13: {  	[smem:$0x3FAA] =	sst s0;
	s0 =	simm.s32 @!p1 $0x0  }
0x14: {  	s2 =	sld [smem:$0x3F8E];
	s0 =	simm.s32 @p1 $0x1  }
0x15: {  	[smem:$0x3FAB] =	sst s0;
	s0 =	simm.s32 @!p2 $0x0  }
0x16: {  	s3 =	sld [smem:$0x3FDB];
	s0 =	simm.s32 @p2 $0x1  }
0x17: {  	s4 =	simm.s32 $0x1BF5;
	[smem:$0x3FAD] =	sst s0  }
0x18: {  	s0 =	sld [smem:$0x3F90];
	_ =	swait.ge [sflag:s4], $0x0  }
0x19: {  	s7 =	sld [smem:$0x3F91]  }
0x1a: {  	s8 =	sadd.s32 $0xFFFFE003, lr  }
0x1b: {  	s9 =	sadd.s32 $0xFFFFFEF7, lr;
	s5 =	simm.s32 $0xFFFFFFFF;
	p2 =	slt.u32 s8, $0xFFFFF086  }
0x1c: {  	p1 =	slt.u32 s9, $0xF7A;
	s5 =	simm.s32 @!p2 $0x0  }
0x1d: {  	s5 =	simm.s32 @p1 $0x1;
	p0 =	seq.s32 s7, s2  }
0x1e: {  	s7 =	smul.u32 @!p0 $0xF7A, s2;
	p2 =	seq.s32 @!p0 s5, $0x0  }
0x1f: {  	s9 =	smul.u32 $0xF7A, s1;
	s8 =	simm.s32 @!p0 $0x1BF5;
	p2 =	por !p2, p0  }
0x20: {  	[sflag:s8] =	ssyncset.s32 @!p0 $0xFFFFF086;
	s6 =	sadd.s32 @!p0 s3, s7;
	s7 =	simm.s32 @!p0 $0x108  }
0x21: {  	s3 =	sadd.s32 s3, s9;
	s6 =	sadd.s32 @!p0 $0x88, s6;
	s7 =	simm.s32 @p2 $0x1082  }
0x22: {  	[simem:s7], [sflag:s8] =	dma.local @!p0 [hbm:s6], $0xF7A  }
0x23: {  	s9 =	sor.u32 $0xD0000000, s2;
	s6 =	simm.s32 $0x108;
	_ =	swait.ge @!p0 [sflag:s8], $0x0  }
0x24: {  	s3 =	sadd.s32 $0x88, s3;
	s6 =	simm.s32 @!p1 $0x1082;
	[sflag:s4] =	ssyncset.s32 $0xFFFFF086  }
0x25: {  	[simem:s6], [sflag:s4] =	dma.local [hbm:s3], $0xF7A  }
0x26: {  	[smem:$0x3F91] =	sst s1;
	(tag) =	ssettag s2;
	_ =	strace s9  }
0x27: {  	s1 =	sld [smem:$0x3FA1]  }
0x28: {  	s2 =	sld [smem:$0x3FA2]  }
0x29: {  	s4 =	sld [smem:$0x3FA4]  }
0x2a: {  	p0 =	seq.s32 s5, $0x0;
	s5 =	sld [smem:$0x3FA5]  }
0x2b: {  	s6 =	sld [smem:$0x3FA6]  }
0x2c: {  	s7 =	sld [smem:$0x3FA7]  }
0x2d: {  	s3 =	simm.s32 $0x108;
	s8 =	sld [smem:$0x3FA8]  }
0x2e: {  	s3 =	simm.s32 @!p0 $0x1082;
	s9 =	sld [smem:$0x3FA9]  }
0x2f: {  	lr =	sadd.s32 s0, s3;
	s0 =	sld [smem:$0x3FA0]  }
0x30: {  	s3 =	sld [smem:$0x3FA3]  }
0x31: {  	[smem:$0x3FAC] =	sst s10  }
0x32: {  	s10 =	sld [smem:$0x3FAA];
	_ =	sdelay $0x3  }
0x33: {  	p0 =	seq.s32 s10, $0x1;
	s10 =	sld [smem:$0x3FAC];
	_ =	sdelay $0x3  }
0x34: {  	[smem:$0x3FAC] =	sst s10  }
0x35: {  	s10 =	sld [smem:$0x3FAB];
	_ =	sdelay $0x3  }
0x36: {  	p1 =	seq.s32 s10, $0x1;
	s10 =	sld [smem:$0x3FAC];
	_ =	sdelay $0x3  }
0x37: {  	[smem:$0x3FAC] =	sst s10  }
0x38: {  	s10 =	sld [smem:$0x3FAD]  }
0x39: {  	_ = 	snop;
	(pc) =	sbr.ind lr, $3  }
0x3a: {  	_ = 	snop  }
0x3b: {  	_ = 	snop  }
0x3c: {  	p2 =	seq.s32 s10, $0x1;
	s10 =	sld [smem:$0x3FAC]  }
0x3d: {  	_ =	shalt  }
0x3e: {  	_ =	shalt  }
0x3f: {  	_ =	shalt  }
0x40: {  	_ =	shalt  }
0x41: {  	_ =	shalt  }
0x42: {  	_ =	shalt  }
0x43: {  	_ =	shalt  }
0x44: {  	_ =	shalt  }
0x45: {  	_ =	shalt  }
0x46: {  	_ =	shalt  }
0x47: {  	_ =	shalt  }
0x48: {  	_ =	shalt  }
0x49: {  	_ =	shalt  }
0x4a: {  	_ =	shalt  }
0x4b: {  	_ =	shalt  }
0x4c: {  	_ =	shalt  }
0x4d: {  	_ =	shalt  }
0x4e: {  	_ =	shalt  }
0x4f: {  	_ =	shalt  }
0x50: {  	_ =	shalt  }
0x51: {  	_ =	shalt  }
0x52: {  	_ =	shalt  }
0x53: {  	_ =	shalt  }
0x54: {  	_ =	shalt  }
0x55: {  	_ =	shalt  }
0x56: {  	_ =	shalt  }
0x57: {  	_ =	shalt  }
0x58: {  	_ =	shalt  }
0x59: {  	_ =	shalt  }
0x5a: {  	_ =	shalt  }
0x5b: {  	_ =	shalt  }
0x5c: {  	_ =	shalt  }
0x5d: {  	_ =	shalt  }
0x5e: {  	_ =	shalt  }
0x5f: {  	_ =	shalt  }
0x60: {  	_ =	shalt  }
0x61: {  	_ =	shalt  }
0x62: {  	_ =	shalt  }
0x63: {  	_ =	shalt  }
0x64: {  	_ =	shalt  }
0x65: {  	_ =	shalt  }
0x66: {  	_ =	shalt  }
0x67: {  	_ =	shalt  }
0x68: {  	_ =	shalt  }
0x69: {  	_ =	shalt  }
0x6a: {  	_ =	shalt  }
0x6b: {  	_ =	shalt  }
0x6c: {  	_ =	shalt  }
0x6d: {  	_ =	shalt  }
0x6e: {  	_ =	shalt  }
0x6f: {  	_ =	shalt  }
0x70: {  	_ =	shalt  }
0x71: {  	_ =	shalt  }
0x72: {  	_ =	shalt  }
0x73: {  	_ =	shalt  }
0x74: {  	_ =	shalt  }
0x75: {  	_ =	shalt  }
0x76: {  	_ =	shalt  }
0x77: {  	_ =	shalt  }
0x78: {  	_ =	shalt  }
0x79: {  	_ =	shalt  }
0x7a: {  	_ =	shalt  }
0x7b: {  	_ =	shalt  }
0x7c: {  	_ =	shalt  }
0x7d: {  	_ =	shalt  }
0x7e: {  	_ =	shalt  }
0x7f: {  	_ =	shalt  }
0x80: {  	_ =	shalt  }
0x81: {  	_ =	shalt  }
0x82: {  	_ =	shalt  }
0x83: {  	_ =	shalt  }
0x84: {  	_ =	shalt  }
0x85: {  	_ =	shalt  }
0x86: {  	_ =	shalt  }
0x87: {  	_ =	shalt  }
.Lfunc_end0:
.L_simem_size_0:
called_computation.1_lowered:
.L_overlay_start_0:
0x88: {  	s2 =	sld [smem:$0x3FD9]  }
0x89: {  	s3 =	sld [smem:$0x3FFE];
	_ =	sdelay $0x1  }
0x8a: {  	s1 =	srdreg.scid  }
0x8b: {  	s0 =	sand.u32 $0x1, s1  }
0x8c: {  	s16 =	sshll.u32 s0, $0xA;
	s2 =	sadd.s32 s3, s2  }
0x8d: {  	s2 =	sadd.s32 s2, s16  }
0x8e: {  	[smem:$0x3FB8] =	sst s2  }
0x8f: {  	_ = 	snop  }
0x90: {  	(tm) =	ssettm $0x1  }
0x91: {  	s17 =	sld [smem:$0x3FFB];
	_ =	sdelay $0x3  }
0x92: {  	_ =	strace s17  }
0x93: {  	s2 =	sld [smem:$0x3FFC];
	_ =	sdelay $0x3  }
0x94: {  	_ =	strace s2  }
0x95: {  	s2 =	sld [smem:$0x3FFD];
	_ =	sdelay $0x3  }
0x96: {  	_ =	strace s2  }
0x97: {  	_ =	strace $0x8FFFFFFF  }
0x98: {  	s18 =	sld [smem:$0x3FDB];
	_ =	sdelay $0x1  }
0x99: {  	s19 =	simm.s32 $_scs_section_size  }
0x9a: {  	s4 =	simm.s32 $_size__tile_overlayer_lowered;
	s5 =	simm.s32 $_tile_overlayer_lowered  }
0x9b: {  	s22 =	simm.s32 $0x1BFF;
	s21 =	sshll.u32 s5, $0x1;
	s2 =	sadd.s32 s19, s18  }
0x9c: {  	s6 =	simm.s32 $0x0;
	s20 =	sshll.u32 s4, $0x1;
	s4 =	sadd.s32 s21, s2  }
0x9d: {  	[timem:s6], [sflag:s22] =	dma.local [hbm:s4], s20  }
0x9e: {  	_ =	swait.ge [sflag:s22], s20  }
0x9f: {  	s3 =	ssub.s32 $0x0, s20;
	[sflag:s22] =	ssyncset.done $0x0  }
0xa0: {  	[sflag:s22] =	ssyncadd.s32 s3;
	_ =	sdelay $0x1  }
0xa1: {  	s23 =	simm.s32 $0x1B8B  }
0xa2: {  	_ =	swait.ge [sflag:s23], $0x1  }
0xa3: {  	[sflag:s23] =	ssyncset.done $0x0  }
0xa4: {  	s25 =	simm.s32 $0x1B8E;
	s24 =	sld [smem:$0x3FFE];
	[sflag:s23] =	ssyncadd.s32 $0xFFFFFFFF  }
0xa5: {  	s26 =	simm.s32 $execute0_lowered;
	[smem:$0x3FD2] =	sst s25  }
0xa6: {  	s4 =	sshll.u32 s26, $0x1;
	_ =	strace $0x80000049;
	[dreg:$0x1] =	wrdreg $0xFFFFFFFF  }
0xa7: {  	s28 =	simm.s32 $_size_execute0_lowered;
	s2 =	sadd.s32 s2, s4;
	[dreg:$0x0] =	wrdreg $0x0  }
0xa8: {  	s4 =	sshll.u32 s28, $0x1;
	[dreg:$0x2] =	wrdreg s2  }
0xa9: {  	[dreg:$0x3] =	wrdreg s4  }
0xaa: {  	[dreg:$0x4] =	wrdreg $0xC0  }
0xab: {  	_ =	task [dreg:s6], $0x5FFFF  }
0xac: {  	[dreg:$0x1] =	wrdreg $0xFFFFFFFF  }
0xad: {  	[dreg:$0x0] =	wrdreg $0x60  }
0xae: {  	[dreg:$0x2] =	wrdreg s24  }
0xaf: {  	[dreg:$0x3] =	wrdreg $0x9  }
0xb0: {  	_ =	task.clear_ibuf [dreg:s6], $0x4FFFF;
	_ =	strace $0x90000049  }
0xb1: {  	s29 =	simm.s32 $0x9;
	_ =	strace $0x8000004B  }
0xb2: {  	_ =	swait.ge [sflag:s29], $0x1  }
0xb3: {  	[sflag:s29] =	ssyncadd.s32 $0xFFFFFFFF  }
0xb4: {  	_ =	strace $0x9000004B  }
0xb5: {  	_ =	sfence  }
0xb6: {  	s30 =	sld [smem:$0x0];
	_ =	sdelay $0x2  }
0xb7: {  	s31 =	sshll.u32 s1, $0xD;
	s1 =	sshrl.u32 s1, $0x2  }
0xb8: {  	s3 =	sand.u32 $0x4000, s31;
	s1 =	sadd.s32 s1, s30  }
0xb9: {  	s0 =	sor.u32 s3, s0;
	s1 =	sshll.u32 s1, $0x11  }
0xba: {  	s0 =	sor.u32 s1, s0  }
0xbb: {  	s0 =	sadd.s32 $0x8F2B, s0  }
0xbc: {  	[sflag:s0] =	ssyncadd.remote.s32 $0x1  }
0xbd: {  	_ =	sfence.sel $0xFFFF  }
0xbe: {  	[dreg:$0x0] =	wrdreg $0xFFFFFFFF;
	(pc) =	sbr.abs _section_cstart, $3  }
0xbf: {  	[dreg:$0x1] =	wrdreg $0xFFFFFFFF  }
0xc0: {  	_ =	task.clear_ibuf [dreg:s6], $0x2FFFF;
	_ =	strace $0x9FFFFFFF  }
0xc1: {  	(tm) =	ssettm $0x7FFFFFFF  }
tec
execute0_lowered:
.L_overlay_start_1:
0x0: {  	(tag) =	ssettag $0x1  }
0x1: {  	s6 =	rddreg [dreg:$0x0]  }
0x2: {  	s0 =	rddreg [dreg:$0x1];
	s1 =	simm.s32 $0x0  }
0x3: {  	s2 =	srdreg.scid;
	s11 =	simm.s32 $0x80;
	s12 =	simm.s32 $0xA280  }
0x4: {  	s13 =	simm.s32 $0x0;
	[smem:$0x7FF] =	sst s1;
	s4 =	sand.u32 $0x1, s2  }
0x5: {  	s2 =	stileid.u32;
	s3 =	sadd.s32 $0x2DC00, s6;
	s7 =	smul.u32 $0x28000, s4  }
0x6: {  	s5 =	sadd.s32 $0x2B400, s6;
	s8 =	ssub.s32 $0x2, s4;
	s9 =	smul.u32 $0x2800, s2  }
0x7: {  	_ =	strace $0x8000004A;
	s4 =	sadd.s32 $0x50C00, s6;
	s10 =	sshrl.u32 s8, $0x1  }
0x8: {  	v0 =	vlaneseq.u32;
	s6 =	sadd.s32 $0x78C00, s6;
	s8 =	ssub.s32 s8, s10;
	s7 =	sadd.s32 s9, s7  }
0x9: {  	v0 =	vmul.u32 $0x4, v0;
	s9 =	simm.s32 $0x280;
	s10 =	simm.s32 $0x1;
	s8 =	smax.u32 s8, $0x1  }
.LBB2_1:
0xa: {  	[tilespmem:s9], [sflag:$0x1] =	stream.linear.gather [hbm4b:s5+s1], $0xA000, $0x38;
	[tilespmem:$0xA480] =	vst v63  }
0xb: {  	_ =	swait.ge [sflag:s10], $0xA000  }
0xc: {  	[sflag:s10] =	ssyncset.done $0x0  }
0xd: {  	s14 =	simm.s32 $0x0;
	[sflag:s10] =	ssyncadd.s32 $0xFFFF6000  }
.LBB2_2:
0xe: {  	s15 =	sshll.u32 s14, $0x7  }
0xf: {  	s15 =	sadd.s32 s15, s7  }
0x10: {  	s16 =	sshrl.u32 s15, $0x3  }
0x11: {  	s17 =	sadd.s32 s3, s16;
	s16 =	simm.s32 $0x0  }
0x12: {  	[tilespmem:s16], [sflag:$0x1] =	stream.linear.gather [hbm4b:s17+s16], $0x80, $0x38;
	[tilespmem:$0xA480] =	vst v63  }
0x13: {  	_ =	swait.ge [sflag:s10], $0x80  }
0x14: {  	s15 =	sshrl.u32 s15, $0x1;
	v1 =	vmov s16;
	[sflag:s10] =	ssyncset.done $0x0  }
0x15: {  	s31 =	sadd.s32 s4, s15;
	v1 =	vshll.u32 v1, $0x2;
	[sflag:s10] =	ssyncadd.s32 $0xFFFFFF80  }
0x16: {  	v1 =	vor.u32 v0, v1;
	[tilespmem:s11], [sflag:$0x1] =	stream.linear.gather [hbm4b:s31+s16], $0x200, $0x38;
	[tilespmem:$0xA480] =	vst v63  }
0x17: {  	_ =	swait.ge [sflag:s10], $0x200  }
0x18: {  	[sflag:s10] =	ssyncset.done $0x0  }
0x19: {  	[sflag:s10] =	ssyncadd.s32 $0xFFFFFE00  }
0x1a: {  	s17 =	simm.s32 $0x10;
	v2 =	vld [tilespmem:s16+$0x0]  }
.LBB2_3:
0x1b: {  	p0 =	sne.s32 s17, $0x70;
	v3 =	vld.idx.msk [tilespmem:v1+s11+$0x0], $0xffff;
	_ =	sdelay $0x3  }
0x1c: {  	v2 =	vshll.u32 v2, $0x2;
	_ =	sdelay $0x4  }
0x1d: {  	v4 =	vld.idx.msk [tilespmem:v2+s9+$0x0], $0xffff;
	_ =	sdelay $0x5  }
0x1e: {  	v4 =	vadd.f32 $9.999999710e-10, v4;
	_ =	sdelay $0x1  }
0x1f: {  	(erf) = vrcp.f32 v4;
	_ =	sdelay $0x7  }
0x20: {  	v4 =	vor.u32 $0x1, v2  }
0x21: {  	v5 =	vpop (erf)  }
0x22: {  	v3 =	vmul.f32 v5, v3;
	_ =	sdelay $0x1  }
0x23: {  	[tilespmem:v1+s12+$0x0] =	vst.idx.msk $0xffff, v3  }
0x24: {  	v3 =	vld.idx.msk [tilespmem:v4+s9+$0x0], $0xffff;
	_ =	sdelay $0x5  }
0x25: {  	v3 =	vadd.f32 $9.999999710e-10, v3  }
0x26: {  	v4 =	vor.u32 $0x1, v1  }
0x27: {  	(erf) = vrcp.f32 v3;
	_ =	sdelay $0x3  }
0x28: {  	v3 =	vld.idx.msk [tilespmem:v4+s11+$0x0], $0xffff;
	_ =	sdelay $0x3  }
0x29: {  	v5 =	vor.u32 $0x2, v2  }
0x2a: {  	v6 =	vpop (erf)  }
0x2b: {  	v3 =	vmul.f32 v6, v3;
	_ =	sdelay $0x1  }
0x2c: {  	[tilespmem:v4+s12+$0x0] =	vst.idx.msk $0xffff, v3  }
0x2d: {  	v3 =	vld.idx.msk [tilespmem:v5+s9+$0x0], $0xffff;
	_ =	sdelay $0x5  }
0x2e: {  	v3 =	vadd.f32 $9.999999710e-10, v3  }
0x2f: {  	v4 =	vor.u32 $0x2, v1  }
0x30: {  	(erf) = vrcp.f32 v3;
	_ =	sdelay $0x3  }
0x31: {  	v3 =	vld.idx.msk [tilespmem:v4+s11+$0x0], $0xffff;
	_ =	sdelay $0x3  }
0x32: {  	v2 =	vor.u32 $0x3, v2  }
0x33: {  	v5 =	vor.u32 $0x3, v1;
	v1 =	vpop (erf)  }
0x34: {  	v1 =	vmul.f32 v1, v3;
	_ =	sdelay $0x1  }
0x35: {  	[tilespmem:v4+s12+$0x0] =	vst.idx.msk $0xffff, v1  }
0x36: {  	v1 =	vld.idx.msk [tilespmem:v2+s9+$0x0], $0xffff  }
0x37: {  	v2 =	vld.idx.msk [tilespmem:v5+s11+$0x0], $0xffff;
	_ =	sdelay $0x4  }
0x38: {  	v1 =	vadd.f32 $9.999999710e-10, v1;
	_ =	sdelay $0x1  }
0x39: {  	(erf) = vrcp.f32 v1;
	_ =	sdelay $0x6  }
0x3a: {  	v1 =	vmov s17  }
0x3b: {  	v1 =	vshll.u32 v1, $0x2  }
.Ltmp0:
0x3c: {  	v1 =	vor.u32 v0, v1;
	v3 =	vpop (erf);
	(pc) =	sbr.rel @p0 .LBB2_3-.Ltmp0, $3  }
0x3d: {  	v2 =	vmul.f32 v3, v2;
	_ =	sdelay $0x1  }
0x3e: {  	s16 =	sadd.s32 $0x10, s16;
	[tilespmem:v5+s12+$0x0] =	vst.idx.msk $0xffff, v2  }
0x3f: {  	s17 =	sadd.s32 $0x10, s17;
	v2 =	vld [tilespmem:s16+$0x0]  }
0x40: {  	_ =	sdelay $0x3  }
0x41: {  	v2 =	vshll.u32 v2, $0x2;
	_ =	sdelay $0x4  }
0x42: {  	v3 =	vld.idx.msk [tilespmem:v2+s9+$0x0], $0xffff;
	_ =	sdelay $0x4  }
0x43: {  	v3 =	vadd.f32 $9.999999710e-10, v3;
	_ =	sdelay $0x1  }
0x44: {  	(erf) = vrcp.f32 v3;
	_ =	sdelay $0x4  }
0x45: {  	v3 =	vld.idx.msk [tilespmem:v1+s11+$0x0], $0xffff;
	_ =	sdelay $0x2  }
0x46: {  	v4 =	vor.u32 $0x1, v2  }
0x47: {  	v5 =	vpop (erf)  }
0x48: {  	v3 =	vmul.f32 v5, v3;
	_ =	sdelay $0x1  }
0x49: {  	[tilespmem:v1+s12+$0x0] =	vst.idx.msk $0xffff, v3  }
0x4a: {  	v3 =	vld.idx.msk [tilespmem:v4+s9+$0x0], $0xffff;
	_ =	sdelay $0x4  }
0x4b: {  	v3 =	vadd.f32 $9.999999710e-10, v3;
	_ =	sdelay $0x1  }
0x4c: {  	v60 =	vor.u32 $0x1, v1;
	(erf) = vrcp.f32 v3;
	_ =	sdelay $0x4  }
0x4d: {  	v3 =	vld.idx.msk [tilespmem:v60+s11+$0x0], $0xffff;
	_ =	sdelay $0x2  }
0x4e: {  	v61 =	vor.u32 $0x2, v2  }
0x4f: {  	v6 =	vpop (erf)  }
0x50: {  	v3 =	vmul.f32 v6, v3;
	_ =	sdelay $0x1  }
0x51: {  	[tilespmem:v60+s12+$0x0] =	vst.idx.msk $0xffff, v3  }
0x52: {  	v3 =	vld.idx.msk [tilespmem:v61+s9+$0x0], $0xffff;
	_ =	sdelay $0x4  }
0x53: {  	v3 =	vadd.f32 $9.999999710e-10, v3;
	_ =	sdelay $0x1  }
0x54: {  	v62 =	vor.u32 $0x2, v1;
	(erf) = vrcp.f32 v3;
	_ =	sdelay $0x4  }
0x55: {  	v3 =	vld.idx.msk [tilespmem:v62+s11+$0x0], $0xffff;
	_ =	sdelay $0x2  }
0x56: {  	v2 =	vor.u32 $0x3, v2  }
0x57: {  	v63 =	vpop (erf)  }
0x58: {  	v3 =	vmul.f32 v63, v3;
	_ =	sdelay $0x1  }
0x59: {  	[tilespmem:v62+s12+$0x0] =	vst.idx.msk $0xffff, v3  }
0x5a: {  	v2 =	vld.idx.msk [tilespmem:v2+s9+$0x0], $0xffff;
	_ =	sdelay $0x4  }
0x5b: {  	v2 =	vadd.f32 $9.999999710e-10, v2;
	_ =	sdelay $0x1  }
0x5c: {  	v1 =	vor.u32 $0x3, v1;
	(erf) = vrcp.f32 v2;
	_ =	sdelay $0x4  }
0x5d: {  	v2 =	vld.idx.msk [tilespmem:v1+s11+$0x0], $0xffff;
	_ =	sdelay $0x3  }
0x5e: {  	v3 =	vpop (erf)  }
0x5f: {  	s14 =	sadd.s32 $0x1, s14;
	v2 =	vmul.f32 v3, v2  }
0x60: {  	p0 =	sne.s32 s14, $0x50  }
.Ltmp1:
0x61: {  	s15 =	sadd.s32 s6, s15;
	[tilespmem:v1+s12+$0x0] =	vst.idx.msk $0xffff, v2;
	(pc) =	sbr.rel @p0 .LBB2_2-.Ltmp1, $4  }
0x62: {  	[hbm4b:s15+s1] =	stream.linear.scatter [tilespmem:s12], [sflag:$0x1], $0x200, $0x38;
	[tilespmem:$0xA480] =	vst v63  }
0x63: {  	_ =	swait.ge [sflag:s10], $0x200  }
0x64: {  	[sflag:s10] =	ssyncset.done $0x0  }
0x65: {  	[sflag:s10] =	ssyncadd.s32 $0xFFFFFE00  }
0x66: {  	s13 =	sadd.s32 $0x1, s13  }
0x67: {  	p0 =	sne.s32 s13, s8  }
.Ltmp2:
0x68: {  	_ = 	snop;
	(pc) =	sbr.rel @p0 .LBB2_1-.Ltmp2, $1  }
0x69: {  	_ =	sdelay $0x3  }
0x6a: {  	_ =	sfence.sel $0x180000  }
0x6b: {  	[bflag:$0x0] =	sbarrier.arrive $0xFFFF  }
0x6c: {  	p0 =	sne.s32 s2, $0x0;
	_ =	strace $0x9000004A  }
0x6d: {  	s0 =	sadd.s32 @!p0 $0x100000, s0;
	[bflag:$0x2] =	sbarrier.arrive $0xFFFF  }
0x6e: {  	[sflag:s0] =	ssyncadd.tile.s32 @!p0 $0x1;
	_ =	shalt  }
.Lfunc_end2:
_tile_overlayer_lowered:
.L_overlay_start_2:
0x6f: {  	(tag) =	ssettag $0x2  }
0x70: {  	s0 =	rddreg [dreg:$0x0];
	s2 =	stileid.u32  }
0x71: {  	s1 =	rddreg [dreg:$0x1];
	p0 =	sne.s32 s2, $0x0  }
0x72: {  	s3 =	rddreg [dreg:$0x2];
	[bflag:$0x3] =	sbarrier.arrive $0xFFFF;
	s2 =	simm.s32 @!p0 $0x1C01  }
0x73: {  	[timem:s3], [sflag:s2] =	dma.local @!p0 [hbm:s0], s1  }
0x74: {  	s0 =	simm.s32 @!p0 $0x1  }
0x75: {  	_ =	swait.ge @!p0 [sflag:s0], s1  }
0x76: {  	s1 =	ssub.s32 @!p0 $0x0, s1;
	[sflag:s0] =	ssyncset.done @!p0 $0x0  }
0x77: {  	[sflag:s0] =	ssyncadd.s32 @!p0 s1  }
0x78: {  	[bflag:$0x3] =	sbarrier.arrive $0xFFFF  }
0x79: {  	_ =	shalt  }

// kernel: kernel.21.cloned.1.call-start
scs
__scs_entry_jumppad:
0x0: {  	(pc) =	sbr.rel $0x88, $3  }
0x1: {  	(tag) =	ssettag $0x0;
	lr =	simm.s32 $0x1  }
0x2: {  	[smem:$0x3F91] =	sst lr;
	_ =	strace $0xD0000000  }
0x3: {  	_ = 	snop  }
0x4: {  	_ = 	snop  }
0x5: {  	_ = 	snop  }
0x6: {  	_ = 	snop  }
0x7: {  	_ = 	snop  }
__scs_overlays_trampoline_lowered:
0x8: {  	[smem:$0x3FA0] =	sst s0  }
0x9: {  	[smem:$0x3FA1] =	sst s1  }
0xa: {  	[smem:$0x3FA2] =	sst s2  }
0xb: {  	[smem:$0x3FA3] =	sst s3  }
0xc: {  	[smem:$0x3FA4] =	sst s4  }
0xd: {  	[smem:$0x3FA5] =	sst s5  }
0xe: {  	[smem:$0x3FA6] =	sst s6  }
0xf: {  	[smem:$0x3FA7] =	sst s7  }
0x10: {  	[smem:$0x3FA8] =	sst s8  }
0x11: {  	[smem:$0x3FA9] =	sst s9;
	s0 =	simm.s32 @!p0 $0x0  }
0x12: {  	s1 =	sld [smem:$0x3F8F];
	s0 =	simm.s32 @p0 $0x1  }
0x13: {  	[smem:$0x3FAA] =	sst s0;
	s0 =	simm.s32 @!p1 $0x0  }
0x14: {  	s2 =	sld [smem:$0x3F8E];
	s0 =	simm.s32 @p1 $0x1  }
0x15: {  	[smem:$0x3FAB] =	sst s0;
	s0 =	simm.s32 @!p2 $0x0  }
0x16: {  	s3 =	sld [smem:$0x3FDB];
	s0 =	simm.s32 @p2 $0x1  }
0x17: {  	s4 =	simm.s32 $0x1BF5;
	[smem:$0x3FAD] =	sst s0  }
0x18: {  	s0 =	sld [smem:$0x3F90];
	_ =	swait.ge [sflag:s4], $0x0  }
0x19: {  	s7 =	sld [smem:$0x3F91]  }
0x1a: {  	s8 =	sadd.s32 $0xFFFFE003, lr  }
0x1b: {  	s9 =	sadd.s32 $0xFFFFFEF7, lr;
	s5 =	simm.s32 $0xFFFFFFFF;
	p2 =	slt.u32 s8, $0xFFFFF086  }
0x1c: {  	p1 =	slt.u32 s9, $0xF7A;
	s5 =	simm.s32 @!p2 $0x0  }
0x1d: {  	s5 =	simm.s32 @p1 $0x1;
	p0 =	seq.s32 s7, s2  }
0x1e: {  	s7 =	smul.u32 @!p0 $0xF7A, s2;
	p2 =	seq.s32 @!p0 s5, $0x0  }
0x1f: {  	s9 =	smul.u32 $0xF7A, s1;
	s8 =	simm.s32 @!p0 $0x1BF5;
	p2 =	por !p2, p0  }
0x20: {  	[sflag:s8] =	ssyncset.s32 @!p0 $0xFFFFF086;
	s6 =	sadd.s32 @!p0 s3, s7;
	s7 =	simm.s32 @!p0 $0x108  }
0x21: {  	s3 =	sadd.s32 s3, s9;
	s6 =	sadd.s32 @!p0 $0x88, s6;
	s7 =	simm.s32 @p2 $0x1082  }
0x22: {  	[simem:s7], [sflag:s8] =	dma.local @!p0 [hbm:s6], $0xF7A  }
0x23: {  	s9 =	sor.u32 $0xD0000000, s2;
	s6 =	simm.s32 $0x108;
	_ =	swait.ge @!p0 [sflag:s8], $0x0  }
0x24: {  	s3 =	sadd.s32 $0x88, s3;
	s6 =	simm.s32 @!p1 $0x1082;
	[sflag:s4] =	ssyncset.s32 $0xFFFFF086  }
0x25: {  	[simem:s6], [sflag:s4] =	dma.local [hbm:s3], $0xF7A  }
0x26: {  	[smem:$0x3F91] =	sst s1;
	(tag) =	ssettag s2;
	_ =	strace s9  }
0x27: {  	s1 =	sld [smem:$0x3FA1]  }
0x28: {  	s2 =	sld [smem:$0x3FA2]  }
0x29: {  	s4 =	sld [smem:$0x3FA4]  }
0x2a: {  	p0 =	seq.s32 s5, $0x0;
	s5 =	sld [smem:$0x3FA5]  }
0x2b: {  	s6 =	sld [smem:$0x3FA6]  }
0x2c: {  	s7 =	sld [smem:$0x3FA7]  }
0x2d: {  	s3 =	simm.s32 $0x108;
	s8 =	sld [smem:$0x3FA8]  }
0x2e: {  	s3 =	simm.s32 @!p0 $0x1082;
	s9 =	sld [smem:$0x3FA9]  }
0x2f: {  	lr =	sadd.s32 s0, s3;
	s0 =	sld [smem:$0x3FA0]  }
0x30: {  	s3 =	sld [smem:$0x3FA3]  }
0x31: {  	[smem:$0x3FAC] =	sst s10  }
0x32: {  	s10 =	sld [smem:$0x3FAA];
	_ =	sdelay $0x3  }
0x33: {  	p0 =	seq.s32 s10, $0x1;
	s10 =	sld [smem:$0x3FAC];
	_ =	sdelay $0x3  }
0x34: {  	[smem:$0x3FAC] =	sst s10  }
0x35: {  	s10 =	sld [smem:$0x3FAB];
	_ =	sdelay $0x3  }
0x36: {  	p1 =	seq.s32 s10, $0x1;
	s10 =	sld [smem:$0x3FAC];
	_ =	sdelay $0x3  }
0x37: {  	[smem:$0x3FAC] =	sst s10  }
0x38: {  	s10 =	sld [smem:$0x3FAD]  }
0x39: {  	_ = 	snop;
	(pc) =	sbr.ind lr, $3  }
0x3a: {  	_ = 	snop  }
0x3b: {  	_ = 	snop  }
0x3c: {  	p2 =	seq.s32 s10, $0x1;
	s10 =	sld [smem:$0x3FAC]  }
0x3d: {  	_ =	shalt  }
0x3e: {  	_ =	shalt  }
0x3f: {  	_ =	shalt  }
0x40: {  	_ =	shalt  }
0x41: {  	_ =	shalt  }
0x42: {  	_ =	shalt  }
0x43: {  	_ =	shalt  }
0x44: {  	_ =	shalt  }
0x45: {  	_ =	shalt  }
0x46: {  	_ =	shalt  }
0x47: {  	_ =	shalt  }
0x48: {  	_ =	shalt  }
0x49: {  	_ =	shalt  }
0x4a: {  	_ =	shalt  }
0x4b: {  	_ =	shalt  }
0x4c: {  	_ =	shalt  }
0x4d: {  	_ =	shalt  }
0x4e: {  	_ =	shalt  }
0x4f: {  	_ =	shalt  }
0x50: {  	_ =	shalt  }
0x51: {  	_ =	shalt  }
0x52: {  	_ =	shalt  }
0x53: {  	_ =	shalt  }
0x54: {  	_ =	shalt  }
0x55: {  	_ =	shalt  }
0x56: {  	_ =	shalt  }
0x57: {  	_ =	shalt  }
0x58: {  	_ =	shalt  }
0x59: {  	_ =	shalt  }
0x5a: {  	_ =	shalt  }
0x5b: {  	_ =	shalt  }
0x5c: {  	_ =	shalt  }
0x5d: {  	_ =	shalt  }
0x5e: {  	_ =	shalt  }
0x5f: {  	_ =	shalt  }
0x60: {  	_ =	shalt  }
0x61: {  	_ =	shalt  }
0x62: {  	_ =	shalt  }
0x63: {  	_ =	shalt  }
0x64: {  	_ =	shalt  }
0x65: {  	_ =	shalt  }
0x66: {  	_ =	shalt  }
0x67: {  	_ =	shalt  }
0x68: {  	_ =	shalt  }
0x69: {  	_ =	shalt  }
0x6a: {  	_ =	shalt  }
0x6b: {  	_ =	shalt  }
0x6c: {  	_ =	shalt  }
0x6d: {  	_ =	shalt  }
0x6e: {  	_ =	shalt  }
0x6f: {  	_ =	shalt  }
0x70: {  	_ =	shalt  }
0x71: {  	_ =	shalt  }
0x72: {  	_ =	shalt  }
0x73: {  	_ =	shalt  }
0x74: {  	_ =	shalt  }
0x75: {  	_ =	shalt  }
0x76: {  	_ =	shalt  }
0x77: {  	_ =	shalt  }
0x78: {  	_ =	shalt  }
0x79: {  	_ =	shalt  }
0x7a: {  	_ =	shalt  }
0x7b: {  	_ =	shalt  }
0x7c: {  	_ =	shalt  }
0x7d: {  	_ =	shalt  }
0x7e: {  	_ =	shalt  }
0x7f: {  	_ =	shalt  }
0x80: {  	_ =	shalt  }
0x81: {  	_ =	shalt  }
0x82: {  	_ =	shalt  }
0x83: {  	_ =	shalt  }
0x84: {  	_ =	shalt  }
0x85: {  	_ =	shalt  }
0x86: {  	_ =	shalt  }
0x87: {  	_ =	shalt  }
.Lfunc_end0:
.L_simem_size_0:
called_computation.2_lowered:
.L_overlay_start_0:
0x88: {  	s2 =	sld [smem:$0x3FD9]  }
0x89: {  	s3 =	sld [smem:$0x3FFE];
	_ =	sdelay $0x1  }
0x8a: {  	s1 =	srdreg.scid  }
0x8b: {  	s0 =	sand.u32 $0x1, s1  }
0x8c: {  	s16 =	sshll.u32 s0, $0xA;
	s2 =	sadd.s32 s3, s2  }
0x8d: {  	s2 =	sadd.s32 s2, s16  }
0x8e: {  	[smem:$0x3FB8] =	sst s2  }
0x8f: {  	_ = 	snop  }
0x90: {  	(tm) =	ssettm $0x1  }
0x91: {  	s17 =	sld [smem:$0x3FFB];
	_ =	sdelay $0x3  }
0x92: {  	_ =	strace s17  }
0x93: {  	s2 =	sld [smem:$0x3FFC];
	_ =	sdelay $0x3  }
0x94: {  	_ =	strace s2  }
0x95: {  	s2 =	sld [smem:$0x3FFD];
	_ =	sdelay $0x3  }
0x96: {  	_ =	strace s2  }
0x97: {  	_ =	strace $0x8FFFFFFF  }
0x98: {  	s18 =	sld [smem:$0x3FDB];
	_ =	sdelay $0x1  }
0x99: {  	s19 =	simm.s32 $_scs_section_size  }
0x9a: {  	s4 =	simm.s32 $_size__tile_overlayer_lowered;
	s5 =	simm.s32 $_tile_overlayer_lowered  }
0x9b: {  	s22 =	simm.s32 $0x1BFF;
	s21 =	sshll.u32 s5, $0x1;
	s2 =	sadd.s32 s19, s18  }
0x9c: {  	s6 =	simm.s32 $0x0;
	s20 =	sshll.u32 s4, $0x1;
	s4 =	sadd.s32 s21, s2  }
0x9d: {  	[timem:s6], [sflag:s22] =	dma.local [hbm:s4], s20  }
0x9e: {  	_ =	swait.ge [sflag:s22], s20  }
0x9f: {  	s3 =	ssub.s32 $0x0, s20;
	[sflag:s22] =	ssyncset.done $0x0  }
0xa0: {  	[sflag:s22] =	ssyncadd.s32 s3;
	_ =	sdelay $0x1  }
0xa1: {  	s23 =	simm.s32 $0x1B8B  }
0xa2: {  	_ =	swait.ge [sflag:s23], $0x1  }
0xa3: {  	[sflag:s23] =	ssyncset.done $0x0  }
0xa4: {  	s25 =	simm.s32 $0x1B8E;
	s24 =	sld [smem:$0x3FFE];
	[sflag:s23] =	ssyncadd.s32 $0xFFFFFFFF  }
0xa5: {  	s26 =	simm.s32 $execute0_lowered;
	[smem:$0x3FD2] =	sst s25  }
0xa6: {  	s4 =	sshll.u32 s26, $0x1;
	_ =	strace $0x8000004C;
	[dreg:$0x1] =	wrdreg $0xFFFFFFFF  }
0xa7: {  	s28 =	simm.s32 $_size_execute0_lowered;
	s2 =	sadd.s32 s2, s4;
	[dreg:$0x0] =	wrdreg $0x0  }
0xa8: {  	s4 =	sshll.u32 s28, $0x1;
	[dreg:$0x2] =	wrdreg s2  }
0xa9: {  	[dreg:$0x3] =	wrdreg s4  }
0xaa: {  	[dreg:$0x4] =	wrdreg $0xC0  }
0xab: {  	_ =	task [dreg:s6], $0x5FFFF  }
0xac: {  	[dreg:$0x1] =	wrdreg $0xFFFFFFFF  }
0xad: {  	[dreg:$0x0] =	wrdreg $0x60  }
0xae: {  	[dreg:$0x2] =	wrdreg s24  }
0xaf: {  	[dreg:$0x3] =	wrdreg $0x23000  }
0xb0: {  	[dreg:$0x4] =	wrdreg $0x9  }
0xb1: {  	_ =	task.clear_ibuf [dreg:s6], $0x5FFFF;
	_ =	strace $0x9000004C  }
0xb2: {  	s29 =	simm.s32 $0x9;
	_ =	strace $0x8000004E  }
0xb3: {  	_ =	swait.ge [sflag:s29], $0x1  }
0xb4: {  	[sflag:s29] =	ssyncadd.s32 $0xFFFFFFFF  }
0xb5: {  	_ =	strace $0x9000004E  }
0xb6: {  	_ =	sfence  }
0xb7: {  	s30 =	sld [smem:$0x0];
	_ =	sdelay $0x2  }
0xb8: {  	s31 =	sshll.u32 s1, $0xD;
	s1 =	sshrl.u32 s1, $0x2  }
0xb9: {  	s3 =	sand.u32 $0x4000, s31;
	s1 =	sadd.s32 s1, s30  }
0xba: {  	s0 =	sor.u32 s3, s0;
	s1 =	sshll.u32 s1, $0x11  }
0xbb: {  	s0 =	sor.u32 s1, s0  }
0xbc: {  	s0 =	sadd.s32 $0x8F2B, s0  }
0xbd: {  	[sflag:s0] =	ssyncadd.remote.s32 $0x1  }
0xbe: {  	_ =	sfence.sel $0xFFFF  }
0xbf: {  	[dreg:$0x0] =	wrdreg $0xFFFFFFFF;
	(pc) =	sbr.abs _section_cstart, $3  }
0xc0: {  	[dreg:$0x1] =	wrdreg $0xFFFFFFFF  }
0xc1: {  	_ =	task.clear_ibuf [dreg:s6], $0x2FFFF;
	_ =	strace $0x9FFFFFFF  }
0xc2: {  	(tm) =	ssettm $0x7FFFFFFF  }
0xc3: {  	_ =	shalt  }
tec
execute0_lowered:
.L_overlay_start_1:
0x0: {  	(tag) =	ssettag $0x1  }
0x1: {  	s8 =	rddreg [dreg:$0x0]  }
0x2: {  	s2 =	rddreg [dreg:$0x1]  }
0x3: {  	s0 =	rddreg [dreg:$0x2]  }
0x4: {  	s4 =	srdreg.scid;
	s1 =	stileid.u32;
	s3 =	simm.s32 $0x0  }
0x5: {  	s17 =	simm.s32 $0x300;
	s18 =	simm.s32 $0x2;
	s20 =	simm.s32 $0x100  }
0x6: {  	s21 =	simm.s32 $0x1;
	s14 =	sand.u32 $0x1, s4;
	s9 =	smul.u32 $0xA000, s1  }
0x7: {  	[smem:$0x7FF] =	sst s3;
	s4 =	sadd.s32 $0x37C00, s8;
	s12 =	smul.u32 $0x28000, s1  }
0x8: {  	s5 =	sadd.s32 $0x2DC00, s8;
	s6 =	sadd.s32 $0x78C00, s8;
	s7 =	smul.u32 $0xA0000, s14  }
0x9: {  	_ =	strace $0x8000004D;
	s11 =	ssub.s32 $0x2, s14;
	s19 =	smul.u32 $0x2710, s14  }
0xa: {  	s14 =	sshll.u32 s14, $0x1;
	s30 =	sshrl.u32 s11, $0x1;
	s31 =	sshrl.u32 s12, $0x2  }
0xb: {  	s7 =	sadd.s32 s9, s7;
	s16 =	ssub.s32 s11, s30;
	s9 =	sadd.s32 s9, s2  }
0xc: {  	s13 =	sadd.s32 s31, s2;
	v0 =	vmov s19;
	s19 =	simm.s32 $0x80;
	s10 =	sshrl.u32 s7, $0x3  }
0xd: {  	s7 =	sadd.s32 $0xA0C00, s8;
	s11 =	sadd.s32 $0x4000, s13;
	s12 =	sadd.s32 $0x6000, s13  }
0xe: {  	s16 =	smax.u32 s16, $0x1;
	s15 =	sadd.s32 s10, s8;
	s8 =	smul.u32 $0x5000, s1  }
0xf: {  	v1 =	vimm.f32 $0.0e+00;
	s10 =	sadd.s32 $0x2000, s13;
	s13 =	sadd.s32 $0x8000, s13;
	s15 =	sadd.s32 $0x46C00, s15  }
.LBB2_1:
0x10: {  	s23 =	simm.s32 $0x100;
	s22 =	simm.s32 $0x0  }
.LBB2_2:
0x11: {  	p0 =	sne.s32 s23, $0x7F00;
	[tilespmem:s22+$0x330] =	vst v1;
	s24 =	smov.u32 s23;
	s23 =	sadd.s32 $0x100, s23  }
.Ltmp0:
0x12: {  	[tilespmem:s22+$0x320] =	vst v1;
	(pc) =	sbr.rel @p0 .LBB2_2-.Ltmp0, $3  }
0x13: {  	[tilespmem:s22+$0x300] =	vst v1  }
0x14: {  	[tilespmem:s22+$0x310] =	vst v1;
	_ =	sdelay $0x1  }
0x15: {  	s22 =	sshra.s32 s24, $0x2  }
0x16: {  	[tilespmem:s22+$0x330] =	vst v1  }
0x17: {  	[tilespmem:s22+$0x320] =	vst v1  }
0x18: {  	[tilespmem:s22+$0x300] =	vst v1  }
0x19: {  	[tilespmem:s22+$0x310] =	vst v1  }
0x1a: {  	[spmem:s9] =	stream.linear.scatter [tilespmem:s17], [sflag:$0x2], $0x2000, $0x38;
	[tilespmem:$0xC300] =	vst v63  }
0x1b: {  	_ =	swait.ge [sflag:s18], $0x2000  }
0x1c: {  	[sflag:s18] =	ssyncset.done $0x0  }
0x1d: {  	[sflag:s18] =	ssyncadd.s32 $0xFFFFE000  }
0x1e: {  	[spmem:s10] =	stream.linear.scatter [tilespmem:s17], [sflag:$0x2], $0x2000, $0x38;
	[tilespmem:$0xC300] =	vst v63  }
0x1f: {  	_ =	swait.ge [sflag:s18], $0x2000  }
0x20: {  	[sflag:s18] =	ssyncset.done $0x0  }
0x21: {  	[sflag:s18] =	ssyncadd.s32 $0xFFFFE000  }
0x22: {  	[spmem:s11] =	stream.linear.scatter [tilespmem:s17], [sflag:$0x2], $0x2000, $0x38;
	[tilespmem:$0xC300] =	vst v63  }
0x23: {  	_ =	swait.ge [sflag:s18], $0x2000  }
0x24: {  	[sflag:s18] =	ssyncset.done $0x0  }
0x25: {  	[sflag:s18] =	ssyncadd.s32 $0xFFFFE000  }
0x26: {  	[spmem:s12] =	stream.linear.scatter [tilespmem:s17], [sflag:$0x2], $0x2000, $0x38;
	[tilespmem:$0xC300] =	vst v63  }
0x27: {  	_ =	swait.ge [sflag:s18], $0x2000  }
0x28: {  	[sflag:s18] =	ssyncset.done $0x0  }
0x29: {  	[sflag:s18] =	ssyncadd.s32 $0xFFFFE000  }
0x2a: {  	[spmem:s13] =	stream.linear.scatter [tilespmem:s17], [sflag:$0x2], $0x2000, $0x38;
	[tilespmem:$0xC300] =	vst v63  }
0x2b: {  	_ =	swait.ge [sflag:s18], $0x2000  }
0x2c: {  	[sflag:s18] =	ssyncset.done $0x0  }
0x2d: {  	[sflag:s18] =	ssyncadd.s32 $0xFFFFE000  }
0x2e: {  	s22 =	simm.s32 $0x0;
	s23 =	simm.s32 $0x0;
	[bflag:$0x0] =	sbarrier.arrive $0xFFFF  }
.LBB2_4:
0x2f: {  	s24 =	sshll.u32 s23, $0x7  }
0x30: {  	s24 =	sadd.s32 s8, s24  }
0x31: {  	s25 =	sshrl.u32 s24, $0x3  }
0x32: {  	s26 =	sadd.s32 s4, s25  }
0x33: {  	[tilespmem:s22], [sflag:$0x2] =	stream.linear.gather [hbm4b:s26+s22], $0x80, $0x38;
	[tilespmem:$0xC300] =	vst v63  }
0x34: {  	_ =	swait.ge [sflag:s18], $0x80  }
0x35: {  	[sflag:s18] =	ssyncset.done $0x0  }
0x36: {  	s25 =	sadd.s32 s5, s25;
	[sflag:s18] =	ssyncadd.s32 $0xFFFFFF80  }
0x37: {  	[tilespmem:s19], [sflag:$0x2] =	stream.linear.gather [hbm4b:s25+s22], $0x80, $0x38;
	[tilespmem:$0xC300] =	vst v63  }
0x38: {  	_ =	swait.ge [sflag:s18], $0x80  }
0x39: {  	s24 =	sshrl.u32 s24, $0x1;
	[sflag:s18] =	ssyncset.done $0x0  }
0x3a: {  	s24 =	sadd.s32 s6, s24;
	[sflag:s18] =	ssyncadd.s32 $0xFFFFFF80  }
0x3b: {  	[tilespmem:s20], [sflag:$0x2] =	stream.linear.gather [hbm4b:s24+s22], $0x200, $0x38;
	[tilespmem:$0xC300] =	vst v63  }
0x3c: {  	_ =	swait.ge [sflag:s18], $0x200  }
0x3d: {  	[sflag:s18] =	ssyncset.done $0x0  }
0x3e: {  	[sflag:s18] =	ssyncadd.s32 $0xFFFFFE00  }
0x3f: {  	v2 =	vld [tilespmem:$0x0]  }
0x40: {  	v3 =	vld [tilespmem:$0x10]  }
0x41: {  	v4 =	vld [tilespmem:$0x20]  }
0x42: {  	v5 =	vld [tilespmem:$0x30]  }
0x43: {  	v6 =	vld [tilespmem:$0x40]  }
0x44: {  	v7 =	vld [tilespmem:$0x50];
	v2 =	vadd.s32 v0, v2  }
0x45: {  	[tilespmem:$0x0] =	vst v2;
	v2 =	vadd.s32 v0, v3;
	v3 =	vld [tilespmem:$0x60]  }
0x46: {  	[tilespmem:$0x10] =	vst v2;
	v2 =	vadd.s32 v0, v4;
	v4 =	vld [tilespmem:$0x70]  }
0x47: {  	[tilespmem:$0x20] =	vst v2;
	v2 =	vadd.s32 v0, v5  }
0x48: {  	s30 =	sadd.s32 $0x0, s14;
	[tilespmem:$0x30] =	vst v2;
	v2 =	vadd.s32 v0, v6  }
0x49: {  	v5 =	vmov s30;
	[tilespmem:$0x40] =	vst v2;
	v2 =	vadd.s32 v0, v7  }
0x4a: {  	[tilespmem:$0x50] =	vst v2;
	v2 =	vadd.s32 v0, v3;
	v3 =	vand.u32 $0xFFFFFFFE, v5  }
0x4b: {  	[tilespmem:$0x60] =	vst v2;
	v2 =	vadd.s32 v0, v4;
	v3 =	vbroadcast v3, $0x0  }
0x4c: {  	[tilespmem:$0x70] =	vst v2  }
0x4d: {  	[tilespmem:s17], [sflag:$0x1] =	stream.indirect.gather [hbm4b:s7+s19], $0x40, s22, s19, $0xb8;
	[tilespmem:$0xC300] =	vst v63  }
0x4e: {  	_ =	swait.ge [sflag:s21], $0x2000  }
0x4f: {  	[sflag:s21] =	ssyncset.done $0x0  }
0x50: {  	[sflag:s21] =	ssyncadd.s32 $0xFFFFE000  }
0x51: {  	s24 =	simm.s32 $0x320;
	v2 =	vld.idx.msk [tilespmem:v3+s20+$0x0], $0xffff  }
0x52: {  	v3 =	vld [tilespmem:s24+$0xFFFFFFE0]  }
0x53: {  	v4 =	vld [tilespmem:s24+$0xFFFFFFF0];
	_ =	sdelay $0x1  }
0x54: {  	s25 =	sadd.s32 $0x1, s30  }
0x55: {  	v5 =	vmov s25  }
0x56: {  	v3 =	vmul.f32 v3, v2  }
0x57: {  	v2 =	vmul.f32 v4, v2  }
0x58: {  	v6 =	vld [tilespmem:s24+$0x10];
	[tilespmem:s24+$0xFFFFFFE0] =	vst v3  }
0x59: {  	[tilespmem:s24+$0xFFFFFFF0] =	vst v2;
	v3 =	vld [tilespmem:s24+$0x0]  }
0x5a: {  	v5 =	vld.idx.msk [tilespmem:v5+s20+$0x0], $0xffff  }
0x5b: {  	s31 =	sadd.s32 $0x4, s14  }
0x5c: {  	v2 =	vmov s31  }
0x5d: {  	v2 =	vand.u32 $0xFFFFFFFE, v2  }
0x5e: {  	v2 =	vbroadcast v2, $0x0  }
0x5f: {  	s28 =	sadd.s32 $0x1, s31;
	s26 =	simm.s32 $0x320;
	s25 =	simm.s32 $0x8;
	v4 =	vmul.f32 v3, v5;
	v3 =	vmul.f32 v6, v5  }
.LBB2_5:
0x60: {  	p0 =	sne.s32 s25, $0x1FC  }
0x61: {  	s24 =	sadd.s32 $0x40, s24;
	s29 =	smov.u32 s25;
	s25 =	sadd.s32 $0x4, s25  }
0x62: {  	[tilespmem:s26+$0x0] =	vst v4  }
0x63: {  	v4 =	vld [tilespmem:s24+$0xFFFFFFF0];
	[tilespmem:s26+$0x10] =	vst v3;
	s26 =	smov.u32 s24  }
0x64: {  	v2 =	vld.idx.msk [tilespmem:v2+s20+$0x0], $0xffff  }
0x65: {  	v3 =	vld [tilespmem:s24+$0xFFFFFFE0];
	_ =	sdelay $0x2  }
0x66: {  	v5 =	vmov s28;
	_ =	sdelay $0x1  }
0x67: {  	v3 =	vmul.f32 v3, v2;
	v2 =	vmul.f32 v4, v2;
	_ =	sdelay $0x1  }
0x68: {  	[tilespmem:s24+$0xFFFFFFE0] =	vst v3  }
0x69: {  	[tilespmem:s24+$0xFFFFFFF0] =	vst v2;
	v3 =	vld [tilespmem:s24+$0x0]  }
0x6a: {  	v5 =	vld.idx.msk [tilespmem:v5+s20+$0x0], $0xffff  }
0x6b: {  	s28 =	sadd.s32 s14, s29;
	v6 =	vld [tilespmem:s24+$0x10]  }
.Ltmp1:
0x6c: {  	v2 =	vmov s28;
	s28 =	sadd.s32 $0x1, s28;
	(pc) =	sbr.rel @p0 .LBB2_5-.Ltmp1, $3  }
0x6d: {  	v2 =	vand.u32 $0xFFFFFFFE, v2  }
0x6e: {  	v2 =	vbroadcast v2, $0x0;
	_ =	sdelay $0x1  }
0x6f: {  	v4 =	vmul.f32 v3, v5;
	v3 =	vmul.f32 v6, v5  }
0x70: {  	_ =	sdelay $0x1  }
0x71: {  	s24 =	sadd.s32 $0x40, s24;
	[tilespmem:s26+$0x0] =	vst v4  }
0x72: {  	v4 =	vld [tilespmem:s24+$0xFFFFFFF0];
	[tilespmem:s26+$0x10] =	vst v3  }
0x73: {  	v2 =	vld.idx.msk [tilespmem:v2+s20+$0x0], $0xffff  }
0x74: {  	v3 =	vld [tilespmem:s24+$0xFFFFFFE0];
	_ =	sdelay $0x3  }
0x75: {  	v5 =	vmov s28  }
0x76: {  	v3 =	vmul.f32 v3, v2  }
0x77: {  	v2 =	vmul.f32 v4, v2  }
0x78: {  	[tilespmem:s24+$0xFFFFFFE0] =	vst v3  }
0x79: {  	[tilespmem:s24+$0xFFFFFFF0] =	vst v2;
	v2 =	vld [tilespmem:s24+$0x0]  }
0x7a: {  	v3 =	vld.idx.msk [tilespmem:v5+s20+$0x0], $0xffff  }
0x7b: {  	v63 =	vld [tilespmem:s24+$0x10];
	_ =	sdelay $0x3  }
0x7c: {  	v2 =	vmul.f32 v2, v3  }
0x7d: {  	s23 =	sadd.s32 $0x1, s23;
	v3 =	vmul.f32 v63, v3  }
0x7e: {  	p0 =	sne.s32 s23, $0xA0;
	[tilespmem:s24+$0x0] =	vst v2  }
.Ltmp2:
0x7f: {  	[tilespmem:s24+$0x10] =	vst v3;
	(pc) =	sbr.rel @p0 .LBB2_4-.Ltmp2, $4  }
0x80: {  	[spmem:s2] =	stream.indirect.scatter.add.f32 [tilespmem:s17], [sflag:$0x2], $0x40, s19, s19, $0xb8;
	[tilespmem:$0xC300] =	vst v63  }
0x81: {  	_ =	swait.ge [sflag:s18], $0x2000  }
0x82: {  	[sflag:s18] =	ssyncset.done $0x0  }
0x83: {  	[sflag:s18] =	ssyncadd.s32 $0xFFFFE000  }
0x84: {  	s3 =	sadd.s32 $0x1, s3  }
0x85: {  	s22 =	sshll.u32 s1, $0x6;
	[bflag:$0x0] =	sbarrier.arrive $0xFFFF;
	p0 =	sne.s32 s3, s16  }
.Ltmp3:
0x86: {  	s23 =	sshrl.u32 s9, $0x3;
	s22 =	sor.u32 $0x1C02, s22;
	(pc) =	sbr.rel @p0 .LBB2_1-.Ltmp3, $4  }
0x87: {  	[hbm:s15], [sflag:s22] =	dma.local [spmem:s23], $0x1400  }
0x88: {  	_ =	swait.ge [sflag:s18], $0x1400  }
0x89: {  	[sflag:s18] =	ssyncset.done $0x0  }
0x8a: {  	[sflag:s18] =	ssyncadd.s32 $0xFFFFEC00  }
0x8b: {  	_ =	sfence.sel $0x180000  }
0x8c: {  	[bflag:$0x0] =	sbarrier.arrive $0xFFFF  }
0x8d: {  	p0 =	sne.s32 s1, $0x0;
	_ =	strace $0x9000004D  }
0x8e: {  	s0 =	sadd.s32 @!p0 $0x100000, s0;
	[bflag:$0x2] =	sbarrier.arrive $0xFFFF  }
0x8f: {  	[sflag:s0] =	ssyncadd.tile.s32 @!p0 $0x1;
	_ =	shalt  }
.Lfunc_end2:
_tile_overlayer_lowered:
.L_overlay_start_2:
0x90: {  	(tag) =	ssettag $0x2  }
0x91: {  	s0 =	rddreg [dreg:$0x0];
	s2 =	stileid.u32  }
0x92: {  	s1 =	rddreg [dreg:$0x1];
	p0 =	sne.s32 s2, $0x0  }
0x93: {  	s3 =	rddreg [dreg:$0x2];
	[bflag:$0x3] =	sbarrier.arrive $0xFFFF;
	s2 =	simm.s32 @!p0 $0x1C02  }
0x94: {  	[timem:s3], [sflag:s2] =	dma.local @!p0 [hbm:s0], s1  }
0x95: {  	s0 =	simm.s32 @!p0 $0x2  }
0x96: {  	_ =	swait.ge @!p0 [sflag:s0], s1  }
0x97: {  	s1 =	ssub.s32 @!p0 $0x0, s1;
	[sflag:s0] =	ssyncset.done @!p0 $0x0  }
0x98: {  	[sflag:s0] =	ssyncadd.s32 @!p0 s1  }
0x99: {  	[bflag:$0x3] =	sbarrier.arrive $0xFFFF  }
0x9a: {  	_ =	shalt  }

// kernel: kernel.24.cloned.1.call-start
scs
__scs_entry_jumppad:
0x0: {  	(pc) =	sbr.rel $0x88, $3  }
0x1: {  	(tag) =	ssettag $0x0;
	lr =	simm.s32 $0x1  }
0x2: {  	[smem:$0x3F91] =	sst lr;
	_ =	strace $0xD0000000  }
0x3: {  	_ = 	snop  }
0x4: {  	_ = 	snop  }
0x5: {  	_ = 	snop  }
0x6: {  	_ = 	snop  }
0x7: {  	_ = 	snop  }
__scs_overlays_trampoline_lowered:
0x8: {  	[smem:$0x3FA0] =	sst s0  }
0x9: {  	[smem:$0x3FA1] =	sst s1  }
0xa: {  	[smem:$0x3FA2] =	sst s2  }
0xb: {  	[smem:$0x3FA3] =	sst s3  }
0xc: {  	[smem:$0x3FA4] =	sst s4  }
0xd: {  	[smem:$0x3FA5] =	sst s5  }
0xe: {  	[smem:$0x3FA6] =	sst s6  }
0xf: {  	[smem:$0x3FA7] =	sst s7  }
0x10: {  	[smem:$0x3FA8] =	sst s8  }
0x11: {  	[smem:$0x3FA9] =	sst s9;
	s0 =	simm.s32 @!p0 $0x0  }
0x12: {  	s1 =	sld [smem:$0x3F8F];
	s0 =	simm.s32 @p0 $0x1  }
0x13: {  	[smem:$0x3FAA] =	sst s0;
	s0 =	simm.s32 @!p1 $0x0  }
0x14: {  	s2 =	sld [smem:$0x3F8E];
	s0 =	simm.s32 @p1 $0x1  }
0x15: {  	[smem:$0x3FAB] =	sst s0;
	s0 =	simm.s32 @!p2 $0x0  }
0x16: {  	s3 =	sld [smem:$0x3FDB];
	s0 =	simm.s32 @p2 $0x1  }
0x17: {  	s4 =	simm.s32 $0x1BF5;
	[smem:$0x3FAD] =	sst s0  }
0x18: {  	s0 =	sld [smem:$0x3F90];
	_ =	swait.ge [sflag:s4], $0x0  }
0x19: {  	s7 =	sld [smem:$0x3F91]  }
0x1a: {  	s8 =	sadd.s32 $0xFFFFE003, lr  }
0x1b: {  	s9 =	sadd.s32 $0xFFFFFEF7, lr;
	s5 =	simm.s32 $0xFFFFFFFF;
	p2 =	slt.u32 s8, $0xFFFFF086  }
0x1c: {  	p1 =	slt.u32 s9, $0xF7A;
	s5 =	simm.s32 @!p2 $0x0  }
0x1d: {  	s5 =	simm.s32 @p1 $0x1;
	p0 =	seq.s32 s7, s2  }
0x1e: {  	s7 =	smul.u32 @!p0 $0xF7A, s2;
	p2 =	seq.s32 @!p0 s5, $0x0  }
0x1f: {  	s9 =	smul.u32 $0xF7A, s1;
	s8 =	simm.s32 @!p0 $0x1BF5;
	p2 =	por !p2, p0  }
0x20: {  	[sflag:s8] =	ssyncset.s32 @!p0 $0xFFFFF086;
	s6 =	sadd.s32 @!p0 s3, s7;
	s7 =	simm.s32 @!p0 $0x108  }
0x21: {  	s3 =	sadd.s32 s3, s9;
	s6 =	sadd.s32 @!p0 $0x88, s6;
	s7 =	simm.s32 @p2 $0x1082  }
0x22: {  	[simem:s7], [sflag:s8] =	dma.local @!p0 [hbm:s6], $0xF7A  }
0x23: {  	s9 =	sor.u32 $0xD0000000, s2;
	s6 =	simm.s32 $0x108;
	_ =	swait.ge @!p0 [sflag:s8], $0x0  }
0x24: {  	s3 =	sadd.s32 $0x88, s3;
	s6 =	simm.s32 @!p1 $0x1082;
	[sflag:s4] =	ssyncset.s32 $0xFFFFF086  }
0x25: {  	[simem:s6], [sflag:s4] =	dma.local [hbm:s3], $0xF7A  }
0x26: {  	[smem:$0x3F91] =	sst s1;
	(tag) =	ssettag s2;
	_ =	strace s9  }
0x27: {  	s1 =	sld [smem:$0x3FA1]  }
0x28: {  	s2 =	sld [smem:$0x3FA2]  }
0x29: {  	s4 =	sld [smem:$0x3FA4]  }
0x2a: {  	p0 =	seq.s32 s5, $0x0;
	s5 =	sld [smem:$0x3FA5]  }
0x2b: {  	s6 =	sld [smem:$0x3FA6]  }
0x2c: {  	s7 =	sld [smem:$0x3FA7]  }
0x2d: {  	s3 =	simm.s32 $0x108;
	s8 =	sld [smem:$0x3FA8]  }
0x2e: {  	s3 =	simm.s32 @!p0 $0x1082;
	s9 =	sld [smem:$0x3FA9]  }
0x2f: {  	lr =	sadd.s32 s0, s3;
	s0 =	sld [smem:$0x3FA0]  }
0x30: {  	s3 =	sld [smem:$0x3FA3]  }
0x31: {  	[smem:$0x3FAC] =	sst s10  }
0x32: {  	s10 =	sld [smem:$0x3FAA];
	_ =	sdelay $0x3  }
0x33: {  	p0 =	seq.s32 s10, $0x1;
	s10 =	sld [smem:$0x3FAC];
	_ =	sdelay $0x3  }
0x34: {  	[smem:$0x3FAC] =	sst s10  }
0x35: {  	s10 =	sld [smem:$0x3FAB];
	_ =	sdelay $0x3  }
0x36: {  	p1 =	seq.s32 s10, $0x1;
	s10 =	sld [smem:$0x3FAC];
	_ =	sdelay $0x3  }
0x37: {  	[smem:$0x3FAC] =	sst s10  }
0x38: {  	s10 =	sld [smem:$0x3FAD]  }
0x39: {  	_ = 	snop;
	(pc) =	sbr.ind lr, $3  }
0x3a: {  	_ = 	snop  }
0x3b: {  	_ = 	snop  }
0x3c: {  	p2 =	seq.s32 s10, $0x1;
	s10 =	sld [smem:$0x3FAC]  }
0x3d: {  	_ =	shalt  }
0x3e: {  	_ =	shalt  }
0x3f: {  	_ =	shalt  }
0x40: {  	_ =	shalt  }
0x41: {  	_ =	shalt  }
0x42: {  	_ =	shalt  }
0x43: {  	_ =	shalt  }
0x44: {  	_ =	shalt  }
0x45: {  	_ =	shalt  }
0x46: {  	_ =	shalt  }
0x47: {  	_ =	shalt  }
0x48: {  	_ =	shalt  }
0x49: {  	_ =	shalt  }
0x4a: {  	_ =	shalt  }
0x4b: {  	_ =	shalt  }
0x4c: {  	_ =	shalt  }
0x4d: {  	_ =	shalt  }
0x4e: {  	_ =	shalt  }
0x4f: {  	_ =	shalt  }
0x50: {  	_ =	shalt  }
0x51: {  	_ =	shalt  }
0x52: {  	_ =	shalt  }
0x53: {  	_ =	shalt  }
0x54: {  	_ =	shalt  }
0x55: {  	_ =	shalt  }
0x56: {  	_ =	shalt  }
0x57: {  	_ =	shalt  }
0x58: {  	_ =	shalt  }
0x59: {  	_ =	shalt  }
0x5a: {  	_ =	shalt  }
0x5b: {  	_ =	shalt  }
0x5c: {  	_ =	shalt  }
0x5d: {  	_ =	shalt  }
0x5e: {  	_ =	shalt  }
0x5f: {  	_ =	shalt  }
0x60: {  	_ =	shalt  }
0x61: {  	_ =	shalt  }
0x62: {  	_ =	shalt  }
0x63: {  	_ =	shalt  }
0x64: {  	_ =	shalt  }
0x65: {  	_ =	shalt  }
0x66: {  	_ =	shalt  }
0x67: {  	_ =	shalt  }
0x68: {  	_ =	shalt  }
0x69: {  	_ =	shalt  }
0x6a: {  	_ =	shalt  }
0x6b: {  	_ =	shalt  }
0x6c: {  	_ =	shalt  }
0x6d: {  	_ =	shalt  }
0x6e: {  	_ =	shalt  }
0x6f: {  	_ =	shalt  }
0x70: {  	_ =	shalt  }
0x71: {  	_ =	shalt  }
0x72: {  	_ =	shalt  }
0x73: {  	_ =	shalt  }
0x74: {  	_ =	shalt  }
0x75: {  	_ =	shalt  }
0x76: {  	_ =	shalt  }
0x77: {  	_ =	shalt  }
0x78: {  	_ =	shalt  }
0x79: {  	_ =	shalt  }
0x7a: {  	_ =	shalt  }
0x7b: {  	_ =	shalt  }
0x7c: {  	_ =	shalt  }
0x7d: {  	_ =	shalt  }
0x7e: {  	_ =	shalt  }
0x7f: {  	_ =	shalt  }
0x80: {  	_ =	shalt  }
0x81: {  	_ =	shalt  }
0x82: {  	_ =	shalt  }
0x83: {  	_ =	shalt  }
0x84: {  	_ =	shalt  }
0x85: {  	_ =	shalt  }
0x86: {  	_ =	shalt  }
0x87: {  	_ =	shalt  }
.Lfunc_end0:
.L_simem_size_0:
called_computation.3_lowered:
.L_overlay_start_0:
0x88: {  	s2 =	sld [smem:$0x3FD9]  }
0x89: {  	s3 =	sld [smem:$0x3FFE];
	_ =	sdelay $0x1  }
0x8a: {  	s1 =	srdreg.scid  }
0x8b: {  	s0 =	sand.u32 $0x1, s1  }
0x8c: {  	s14 =	sshll.u32 s0, $0xA;
	s2 =	sadd.s32 s3, s2  }
0x8d: {  	s2 =	sadd.s32 s2, s14  }
0x8e: {  	[smem:$0x3FB8] =	sst s2  }
0x8f: {  	_ = 	snop  }
0x90: {  	s2 =	sld [smem:$0x3FD0];
	_ =	sdelay $0x2  }
0x91: {  	s15 =	simm.s32 $0xA;
	s4 =	simm.s32 $0x10  }
0x92: {  	[smem:s4], [sflag:s15] =	dma.local [hbm:s2], $0x1  }
0x93: {  	_ =	swait.eq [sflag:s15], $0x1  }
0x94: {  	[sflag:s15] =	ssyncset.done $0x0  }
0x95: {  	[sflag:s15] =	ssyncadd.s32 $0xFFFFFFFF  }
0x96: {  	s16 =	sld [smem:$0x11];
	(tm) =	ssettm $0x1  }
0x97: {  	s17 =	sld [smem:$0x3FFB];
	_ =	sdelay $0x3  }
0x98: {  	_ =	strace s17  }
0x99: {  	s3 =	sld [smem:$0x3FFC];
	_ =	sdelay $0x3  }
0x9a: {  	_ =	strace s3  }
0x9b: {  	s3 =	sld [smem:$0x3FFD];
	_ =	sdelay $0x3  }
0x9c: {  	_ =	strace s3  }
0x9d: {  	_ =	strace $0x8FFFFFFF  }
0x9e: {  	s18 =	sld [smem:$0x3FDB];
	_ =	sdelay $0x1  }
0x9f: {  	s19 =	simm.s32 $_scs_section_size  }
0xa0: {  	s5 =	simm.s32 $_size__tile_overlayer_lowered;
	s6 =	simm.s32 $_tile_overlayer_lowered  }
0xa1: {  	s22 =	simm.s32 $0x1BFF;
	s21 =	sshll.u32 s6, $0x1;
	s3 =	sadd.s32 s19, s18  }
0xa2: {  	s7 =	simm.s32 $0x0;
	s20 =	sshll.u32 s5, $0x1;
	s5 =	sadd.s32 s21, s3  }
0xa3: {  	[timem:s7], [sflag:s22] =	dma.local [hbm:s5], s20  }
0xa4: {  	_ =	swait.ge [sflag:s22], s20  }
0xa5: {  	s4 =	ssub.s32 $0x0, s20;
	[sflag:s22] =	ssyncset.done $0x0  }
0xa6: {  	[sflag:s22] =	ssyncadd.s32 s4;
	_ =	sdelay $0x1  }
0xa7: {  	s23 =	simm.s32 $0x1B8B  }
0xa8: {  	_ =	swait.ge [sflag:s23], $0x1  }
0xa9: {  	[sflag:s23] =	ssyncset.done $0x0  }
0xaa: {  	s25 =	simm.s32 $0x1B8E;
	s24 =	sld [smem:$0x3FFE];
	[sflag:s23] =	ssyncadd.s32 $0xFFFFFFFF  }
0xab: {  	s26 =	simm.s32 $execute0_lowered;
	[smem:$0x3FD2] =	sst s25  }
0xac: {  	s5 =	sshll.u32 s26, $0x1;
	_ =	strace $0x8000004F;
	[dreg:$0x1] =	wrdreg $0xFFFFFFFF  }
0xad: {  	s28 =	simm.s32 $_size_execute0_lowered;
	s3 =	sadd.s32 s3, s5;
	[dreg:$0x0] =	wrdreg $0x0  }
0xae: {  	s5 =	sshll.u32 s28, $0x1;
	[dreg:$0x2] =	wrdreg s3  }
0xaf: {  	[dreg:$0x3] =	wrdreg s5  }
0xb0: {  	[dreg:$0x4] =	wrdreg $0xC0  }
0xb1: {  	_ =	task [dreg:s7], $0x5FFFF  }
0xb2: {  	[dreg:$0x1] =	wrdreg $0xFFFFFFFF  }
0xb3: {  	[dreg:$0x0] =	wrdreg $0x60  }
0xb4: {  	[dreg:$0x2] =	wrdreg s24  }
0xb5: {  	[dreg:$0x3] =	wrdreg s16  }
0xb6: {  	[dreg:$0x4] =	wrdreg $0x14B400  }
0xb7: {  	[dreg:$0x5] =	wrdreg $0x9  }
0xb8: {  	_ =	task.clear_ibuf [dreg:s7], $0x6FFFF;
	_ =	strace $0x9000004F  }
0xb9: {  	s29 =	simm.s32 $0x9;
	_ =	strace $0x80000051  }
0xba: {  	_ =	swait.ge [sflag:s29], $0x1  }
0xbb: {  	[sflag:s29] =	ssyncadd.s32 $0xFFFFFFFF  }
0xbc: {  	_ =	strace $0x90000051  }
0xbd: {  	_ =	sfence  }
0xbe: {  	s30 =	sld [smem:$0x0];
	_ =	sdelay $0x2  }
0xbf: {  	s31 =	sshll.u32 s1, $0xD;
	s1 =	sshrl.u32 s1, $0x2  }
0xc0: {  	s3 =	sand.u32 $0x4000, s31;
	s1 =	sadd.s32 s1, s30  }
0xc1: {  	s0 =	sor.u32 s3, s0;
	s1 =	sshll.u32 s1, $0x11  }
0xc2: {  	s0 =	sor.u32 s1, s0  }
0xc3: {  	s0 =	sadd.s32 $0x8F2B, s0  }
0xc4: {  	[sflag:s0] =	ssyncadd.remote.s32 $0x1  }
0xc5: {  	_ =	sfence.sel $0xFFFF  }
0xc6: {  	[dreg:$0x0] =	wrdreg $0xFFFFFFFF;
	(pc) =	sbr.abs _section_cstart, $3  }
0xc7: {  	[dreg:$0x1] =	wrdreg $0xFFFFFFFF  }
0xc8: {  	_ =	task.clear_ibuf [dreg:s7], $0x2FFFF;
	_ =	strace $0x9FFFFFFF  }
0xc9: {  	(tm) =	ssettm $0x7FFFFFFF  }
tec
execute0_lowered:
.L_overlay_start_1:
0x0: {  	(tag) =	ssettag $0x1  }
0x1: {  	s9 =	rddreg [dreg:$0x0]  }
0x2: {  	s2 =	rddreg [dreg:$0x1]  }
0x3: {  	s3 =	rddreg [dreg:$0x2]  }
0x4: {  	s0 =	rddreg [dreg:$0x3];
	s1 =	stileid.u32  }
0x5: {  	s5 =	srdreg.scid;
	s4 =	simm.s32 $0x0;
	s16 =	simm.s32 $0x14B00  }
0x6: {  	s17 =	simm.s32 $0x14100;
	s18 =	simm.s32 $0x14900;
	s19 =	simm.s32 $0x80  }
0x7: {  	s20 =	simm.s32 $0x14080;
	s21 =	simm.s32 $0x0;
	s10 =	smul.u32 $0x2800, s1  }
0x8: {  	s11 =	sand.u32 $0x1, s5;
	[smem:$0x7FF] =	sst s4;
	s5 =	sadd.s32 $0x37C00, s9  }
0x9: {  	s6 =	sadd.s32 $0x2DC00, s9;
	s7 =	sadd.s32 $0x2B400, s9;
	s8 =	smul.u32 $0x28000, s11  }
0xa: {  	s31 =	sshll.u32 s1, $0x6;
	_ =	strace $0x80000050;
	s11 =	ssub.s32 $0x2, s11  }
0xb: {  	s12 =	sshrl.u32 s10, $0x3;
	s14 =	sshrl.u32 s11, $0x1;
	s8 =	sadd.s32 s10, s8  }
0xc: {  	s15 =	sadd.s32 s10, s3;
	s12 =	sadd.s32 s12, s9;
	s13 =	sshrl.u32 s8, $0x3  }
0xd: {  	s14 =	ssub.s32 s11, s14;
	s11 =	sor.u32 $0x1C01, s31;
	s13 =	sadd.s32 s13, s9  }
0xe: {  	s10 =	sadd.s32 $0x41C00, s12;
	s9 =	sadd.s32 $0x50C00, s9;
	s12 =	sadd.s32 $0x46C00, s13  }
0xf: {  	v0 =	vimm.f32 $0.0e+00;
	v1 =	vlaneseq.u32;
	s13 =	smax.u32 s14, $0x1;
	s14 =	sshrl.u32 s15, $0x3;
	s15 =	simm.s32 $0x1  }
.LBB2_1:
0x10: {  	[spmem:s14], [sflag:s11] =	dma.local [hbm:s10], $0x500  }
0x11: {  	_ =	swait.ge [sflag:s15], $0x500  }
0x12: {  	[sflag:s15] =	ssyncset.done $0x0  }
0x13: {  	[sflag:s15] =	ssyncadd.s32 $0xFFFFFB00  }
0x14: {  	[tilespmem:s4], [sflag:$0x1] =	stream.linear.gather [hbm4b:s7+s4], $0x14000, $0x38;
	[tilespmem:$0x17340] =	vst v63  }
0x15: {  	_ =	swait.ge [sflag:s15], $0x14000  }
0x16: {  	[sflag:s15] =	ssyncset.done $0x0  }
0x17: {  	[sflag:s15] =	ssyncadd.s32 $0xFFFEC000  }
0x18: {  	[tilespmem:s16], [sflag:$0x1] =	stream.linear.gather [hbm4b:s2+s4], $0x40, $0x38;
	[tilespmem:$0x17340] =	vst v63  }
0x19: {  	_ =	swait.ge [sflag:s15], $0x40  }
0x1a: {  	[sflag:s15] =	ssyncset.done $0x0  }
0x1b: {  	s22 =	simm.s32 $0x40;
	s23 =	simm.s32 $0x0;
	[sflag:s15] =	ssyncadd.s32 $0xFFFFFFC0  }
.LBB2_2:
0x1c: {  	p0 =	sne.s32 s22, $0x1FC0;
	[tilespmem:s23+$0x14100] =	vst v0;
	s23 =	smov.u32 s22;
	s22 =	sadd.s32 $0x40, s22  }
.Ltmp0:
0x1d: {  	(pc) =	sbr.rel @p0 .LBB2_2-.Ltmp0, $2  }
0x1e: {  	_ =	sdelay $0x2  }
0x1f: {  	s23 =	sshra.s32 s23, $0x2  }
0x20: {  	[tilespmem:s23+$0x14100] =	vst v0  }
0x21: {  	s22 =	simm.s32 $0x0;
	s23 =	simm.s32 $0x0;
	[bflag:$0x0] =	sbarrier.arrive $0xFFFF  }
.LBB2_4:
0x22: {  	s24 =	sshll.u32 s23, $0x7  }
0x23: {  	s24 =	sadd.s32 s8, s24  }
0x24: {  	s26 =	sshrl.u32 s24, $0x3  }
0x25: {  	s25 =	simm.s32 $0x14000;
	s28 =	sadd.s32 s5, s26  }
0x26: {  	[tilespmem:s25], [sflag:$0x1] =	stream.linear.gather [hbm4b:s28+s22], $0x80, $0x38;
	[tilespmem:$0x17340] =	vst v63  }
0x27: {  	_ =	swait.ge [sflag:s15], $0x80  }
0x28: {  	[sflag:s15] =	ssyncset.done $0x0  }
0x29: {  	s28 =	sadd.s32 s6, s26;
	s26 =	simm.s32 $0x14080;
	[sflag:s15] =	ssyncadd.s32 $0xFFFFFF80  }
0x2a: {  	[tilespmem:s26], [sflag:$0x1] =	stream.linear.gather [hbm4b:s28+s22], $0x80, $0x38;
	[tilespmem:$0x17340] =	vst v63  }
0x2b: {  	_ =	swait.ge [sflag:s15], $0x80  }
0x2c: {  	[sflag:s15] =	ssyncset.done $0x0  }
0x2d: {  	[sflag:s15] =	ssyncadd.s32 $0xFFFFFF80  }
0x2e: {  	v2 =	vld [tilespmem:s26+$0x0]  }
0x2f: {  	v3 =	vld [tilespmem:s25+$0x0];
	_ =	sdelay $0x4  }
0x30: {  	v2 =	vshll.u32 v2, $0x3;
	v3 =	vshll.u32 v3, $0x3  }
0x31: {  	v4 =	vor.u32 $0x4, v2;
	_ =	sdelay $0x3  }
0x32: {  	v5 =	vld.idx.msk [tilespmem:v3+s4+$0x0], $0xffff  }
0x33: {  	v4 =	vld.idx.msk [tilespmem:v4+s4+$0x0], $0xffff;
	_ =	sdelay $0x4  }
0x34: {  	v4 =	vadd.f32 v4, v5;
	v5 =	vld [tilespmem:$0x14B00];
	_ =	sdelay $0x1  }
0x35: {  	v6 =	vmul.f32 $2.000000030e-01, v4;
	_ =	sdelay $0x1  }
0x36: {  	v4 =	vmax.f32 v4, v6  }
0x37: {  	v4 =	vsub.f32 v4, v5;
	_ =	sdelay $0x1  }
0x38: {  	v4 =	vmul.f32 $1.442695020e+00, v4;
	_ =	sdelay $0x1  }
0x39: {  	(erf) = vpow2.f32 v4;
	_ =	sdelay $0x3  }
0x3a: {  	v4 =	vor.u32 s22, v1  }
0x3b: {  	v5 =	vshll.u32 v4, $0x4  }
0x3c: {  	v4 =	vshll.u32 v4, $0x2  }
0x3d: {  	v53 =	vor.u32 $0x1, v3  }
0x3e: {  	v7 =	vor.u32 $0x5, v2  }
0x3f: {  	v8 =	vpop (erf)  }
0x40: {  	[tilespmem:v5+s17+$0x0] =	vst.idx.msk $0xffff, v8  }
0x41: {  	[tilespmem:v4+s18+$0x0] =	vst.idx.msk $0xffff, v8  }
0x42: {  	v6 =	vld.idx.msk [tilespmem:v53+s4+$0x0], $0xffff  }
0x43: {  	v7 =	vld.idx.msk [tilespmem:v7+s4+$0x0], $0xffff;
	_ =	sdelay $0x4  }
0x44: {  	v54 =	vld [tilespmem:$0x14B10];
	v6 =	vadd.f32 v7, v6;
	_ =	sdelay $0x1  }
0x45: {  	v55 =	vmul.f32 $2.000000030e-01, v6;
	_ =	sdelay $0x1  }
0x46: {  	v6 =	vmax.f32 v6, v55  }
0x47: {  	v6 =	vsub.f32 v6, v54;
	_ =	sdelay $0x1  }
0x48: {  	v6 =	vmul.f32 $1.442695020e+00, v6;
	_ =	sdelay $0x1  }
0x49: {  	(erf) = vpow2.f32 v6;
	_ =	sdelay $0x4  }
0x4a: {  	v56 =	vor.u32 $0x1, v5  }
0x4b: {  	v57 =	vor.u32 $0x1, v4  }
0x4c: {  	v58 =	vor.u32 $0x2, v3  }
0x4d: {  	v9 =	vor.u32 $0x6, v2  }
0x4e: {  	v10 =	vpop (erf)  }
0x4f: {  	[tilespmem:v56+s17+$0x0] =	vst.idx.msk $0xffff, v10  }
0x50: {  	[tilespmem:v57+s18+$0x0] =	vst.idx.msk $0xffff, v10  }
0x51: {  	v6 =	vld.idx.msk [tilespmem:v58+s4+$0x0], $0xffff  }
0x52: {  	v7 =	vld.idx.msk [tilespmem:v9+s4+$0x0], $0xffff;
	_ =	sdelay $0x4  }
0x53: {  	v59 =	vld [tilespmem:$0x14B20];
	v6 =	vadd.f32 v7, v6;
	_ =	sdelay $0x1  }
0x54: {  	v60 =	vmul.f32 $2.000000030e-01, v6;
	_ =	sdelay $0x1  }
0x55: {  	v6 =	vmax.f32 v6, v60  }
0x56: {  	v6 =	vsub.f32 v6, v59;
	_ =	sdelay $0x1  }
0x57: {  	v6 =	vmul.f32 $1.442695020e+00, v6;
	_ =	sdelay $0x1  }
0x58: {  	(erf) = vpow2.f32 v6;
	_ =	sdelay $0x4  }
0x59: {  	v61 =	vor.u32 $0x2, v5  }
0x5a: {  	v62 =	vor.u32 $0x2, v4  }
0x5b: {  	v3 =	vor.u32 $0x3, v3  }
0x5c: {  	v2 =	vor.u32 $0x7, v2  }
0x5d: {  	v63 =	vpop (erf)  }
0x5e: {  	[tilespmem:v61+s17+$0x0] =	vst.idx.msk $0xffff, v63  }
0x5f: {  	[tilespmem:v62+s18+$0x0] =	vst.idx.msk $0xffff, v63  }
0x60: {  	v3 =	vld.idx.msk [tilespmem:v3+s4+$0x0], $0xffff  }
0x61: {  	v2 =	vld.idx.msk [tilespmem:v2+s4+$0x0], $0xffff;
	_ =	sdelay $0x4  }
0x62: {  	v6 =	vld [tilespmem:$0x14B30];
	v2 =	vadd.f32 v2, v3;
	_ =	sdelay $0x1  }
0x63: {  	v3 =	vmul.f32 $2.000000030e-01, v2;
	_ =	sdelay $0x1  }
0x64: {  	v2 =	vmax.f32 v2, v3  }
0x65: {  	v2 =	vsub.f32 v2, v6;
	_ =	sdelay $0x1  }
0x66: {  	v2 =	vmul.f32 $1.442695020e+00, v2;
	_ =	sdelay $0x1  }
0x67: {  	(erf) = vpow2.f32 v2;
	_ =	sdelay $0x4  }
0x68: {  	s28 =	simm.s32 $0x10;
	v3 =	vor.u32 $0x3, v5;
	v2 =	vor.u32 $0x3, v4  }
.LBB2_5:
0x69: {  	_ = 	snop  }
0x6a: {  	p0 =	sne.s32 s28, $0x70;
	s25 =	sadd.s32 $0x10, s25;
	s26 =	sadd.s32 $0x10, s26  }
0x6b: {  	s29 =	smov.u32 s28;
	s28 =	sadd.s32 $0x10, s28  }
0x6c: {  	v4 =	vpop (erf)  }
0x6d: {  	[tilespmem:v3+s17+$0x0] =	vst.idx.msk $0xffff, v4  }
0x6e: {  	[tilespmem:v2+s18+$0x0] =	vst.idx.msk $0xffff, v4  }
0x6f: {  	v2 =	vld [tilespmem:s26+$0x0]  }
0x70: {  	v3 =	vld [tilespmem:s25+$0x0];
	_ =	sdelay $0x3  }
0x71: {  	v2 =	vshll.u32 v2, $0x3  }
0x72: {  	v5 =	vshll.u32 v3, $0x3;
	v3 =	vor.u32 $0x4, v2;
	_ =	sdelay $0x4  }
0x73: {  	v3 =	vld.idx.msk [tilespmem:v3+s4+$0x0], $0xffff  }
0x74: {  	v4 =	vld.idx.msk [tilespmem:v5+s4+$0x0], $0xffff;
	_ =	sdelay $0x5  }
0x75: {  	v3 =	vadd.f32 v3, v4;
	v4 =	vld [tilespmem:$0x14B00];
	_ =	sdelay $0x1  }
0x76: {  	v6 =	vmul.f32 $2.000000030e-01, v3;
	_ =	sdelay $0x1  }
0x77: {  	v3 =	vmax.f32 v3, v6  }
0x78: {  	v3 =	vsub.f32 v3, v4;
	_ =	sdelay $0x1  }
0x79: {  	v3 =	vmul.f32 $1.442695020e+00, v3;
	_ =	sdelay $0x1  }
0x7a: {  	(erf) = vpow2.f32 v3;
	_ =	sdelay $0x3  }
0x7b: {  	v4 =	vor.u32 s29, v1  }
0x7c: {  	v3 =	vshll.u32 v4, $0x4  }
0x7d: {  	v4 =	vshll.u32 v4, $0x2  }
0x7e: {  	v6 =	vor.u32 $0x1, v5  }
0x7f: {  	v7 =	vor.u32 $0x5, v2  }
0x80: {  	v8 =	vpop (erf)  }
0x81: {  	[tilespmem:v3+s17+$0x0] =	vst.idx.msk $0xffff, v8  }
0x82: {  	[tilespmem:v4+s18+$0x0] =	vst.idx.msk $0xffff, v8  }
0x83: {  	v6 =	vld.idx.msk [tilespmem:v6+s4+$0x0], $0xffff  }
0x84: {  	v7 =	vld.idx.msk [tilespmem:v7+s4+$0x0], $0xffff;
	_ =	sdelay $0x5  }
0x85: {  	v6 =	vadd.f32 v7, v6;
	v7 =	vld [tilespmem:$0x14B10];
	_ =	sdelay $0x1  }
0x86: {  	v8 =	vmul.f32 $2.000000030e-01, v6;
	_ =	sdelay $0x1  }
0x87: {  	v6 =	vmax.f32 v6, v8  }
0x88: {  	v6 =	vsub.f32 v6, v7;
	_ =	sdelay $0x1  }
0x89: {  	v6 =	vmul.f32 $1.442695020e+00, v6;
	_ =	sdelay $0x1  }
0x8a: {  	(erf) = vpow2.f32 v6;
	_ =	sdelay $0x4  }
0x8b: {  	v6 =	vor.u32 $0x1, v3  }
0x8c: {  	v7 =	vor.u32 $0x1, v4  }
0x8d: {  	v8 =	vor.u32 $0x2, v5  }
0x8e: {  	v9 =	vor.u32 $0x6, v2  }
0x8f: {  	v10 =	vpop (erf)  }
0x90: {  	[tilespmem:v6+s17+$0x0] =	vst.idx.msk $0xffff, v10  }
0x91: {  	[tilespmem:v7+s18+$0x0] =	vst.idx.msk $0xffff, v10  }
0x92: {  	v6 =	vld.idx.msk [tilespmem:v8+s4+$0x0], $0xffff  }
0x93: {  	v7 =	vld.idx.msk [tilespmem:v9+s4+$0x0], $0xffff;
	_ =	sdelay $0x5  }
0x94: {  	v6 =	vadd.f32 v7, v6;
	v7 =	vld [tilespmem:$0x14B20];
	_ =	sdelay $0x1  }
0x95: {  	v8 =	vmul.f32 $2.000000030e-01, v6;
	_ =	sdelay $0x1  }
0x96: {  	v6 =	vmax.f32 v6, v8  }
0x97: {  	v6 =	vsub.f32 v6, v7;
	_ =	sdelay $0x1  }
0x98: {  	v6 =	vmul.f32 $1.442695020e+00, v6;
	_ =	sdelay $0x1  }
0x99: {  	(erf) = vpow2.f32 v6;
	_ =	sdelay $0x4  }
0x9a: {  	v6 =	vor.u32 $0x2, v3  }
0x9b: {  	v7 =	vor.u32 $0x2, v4  }
0x9c: {  	v2 =	vor.u32 $0x7, v2;
	v5 =	vor.u32 $0x3, v5;
	_ =	sdelay $0x1  }
0x9d: {  	v8 =	vpop (erf)  }
0x9e: {  	[tilespmem:v6+s17+$0x0] =	vst.idx.msk $0xffff, v8  }
0x9f: {  	[tilespmem:v7+s18+$0x0] =	vst.idx.msk $0xffff, v8  }
0xa0: {  	v5 =	vld.idx.msk [tilespmem:v5+s4+$0x0], $0xffff  }
0xa1: {  	v2 =	vld.idx.msk [tilespmem:v2+s4+$0x0], $0xffff  }
0xa2: {  	v6 =	vld [tilespmem:$0x14B30];
	_ =	sdelay $0x4  }
0xa3: {  	v2 =	vadd.f32 v2, v5;
	_ =	sdelay $0x1  }
0xa4: {  	v5 =	vmul.f32 $2.000000030e-01, v2;
	_ =	sdelay $0x1  }
0xa5: {  	v2 =	vmax.f32 v2, v5  }
0xa6: {  	v2 =	vsub.f32 v2, v6;
	_ =	sdelay $0x1  }
0xa7: {  	v2 =	vmul.f32 $1.442695020e+00, v2;
	_ =	sdelay $0x1  }
0xa8: {  	(erf) = vpow2.f32 v2  }
.Ltmp1:
0xa9: {  	(pc) =	sbr.rel @p0 .LBB2_5-.Ltmp1, $3  }
0xaa: {  	_ =	sdelay $0x1  }
0xab: {  	v3 =	vor.u32 $0x3, v3  }
0xac: {  	v2 =	vor.u32 $0x3, v4  }
0xad: {  	_ =	sdelay $0x2  }
0xae: {  	v4 =	vpop (erf)  }
0xaf: {  	s24 =	sshrl.u32 s24, $0x1;
	[tilespmem:v3+s17+$0x0] =	vst.idx.msk $0xffff, v4  }
0xb0: {  	s24 =	sadd.s32 s9, s24;
	[tilespmem:v2+s18+$0x0] =	vst.idx.msk $0xffff, v4  }
0xb1: {  	[hbm4b:s24+s4] =	stream.linear.scatter [tilespmem:s18], [sflag:$0x1], $0x200, $0x38;
	[tilespmem:$0x17340] =	vst v63  }
0xb2: {  	s23 =	sadd.s32 $0x1, s23;
	_ =	swait.ge [sflag:s15], $0x200  }
0xb3: {  	p0 =	sne.s32 s23, $0x50;
	[sflag:s15] =	ssyncset.done $0x0  }
.Ltmp2:
0xb4: {  	[sflag:s15] =	ssyncadd.s32 $0xFFFFFE00;
	(pc) =	sbr.rel @p0 .LBB2_4-.Ltmp2, $4  }
0xb5: {  	[spmem:s3] =	stream.indirect.scatter.add.f32 [tilespmem:s17], [sflag:$0x1], $0x10, s20, s19, $0xb8;
	[tilespmem:$0x17340] =	vst v63  }
0xb6: {  	_ =	swait.ge [sflag:s15], $0x800  }
0xb7: {  	[sflag:s15] =	ssyncset.done $0x0  }
0xb8: {  	[sflag:s15] =	ssyncadd.s32 $0xFFFFF800  }
0xb9: {  	s21 =	sadd.s32 $0x1, s21  }
0xba: {  	p0 =	sne.s32 s21, s13  }
.Ltmp3:
0xbb: {  	[bflag:$0x0] =	sbarrier.arrive $0xFFFF;
	(pc) =	sbr.rel @p0 .LBB2_1-.Ltmp3, $4  }
0xbc: {  	[hbm:s12], [sflag:s11] =	dma.local [spmem:s14], $0x500  }
0xbd: {  	_ =	swait.ge [sflag:s15], $0x500  }
0xbe: {  	[sflag:s15] =	ssyncset.done $0x0  }
0xbf: {  	[sflag:s15] =	ssyncadd.s32 $0xFFFFFB00  }
0xc0: {  	_ =	sfence.sel $0x180000  }
0xc1: {  	[bflag:$0x0] =	sbarrier.arrive $0xFFFF  }
0xc2: {  	p0 =	sne.s32 s1, $0x0;
	_ =	strace $0x90000050  }
0xc3: {  	s0 =	sadd.s32 @!p0 $0x100000, s0;
	[bflag:$0x2] =	sbarrier.arrive $0xFFFF  }
0xc4: {  	[sflag:s0] =	ssyncadd.tile.s32 @!p0 $0x1;
	_ =	shalt  }
.Lfunc_end2:
_tile_overlayer_lowered:
.L_overlay_start_2:
0xc5: {  	(tag) =	ssettag $0x2  }
0xc6: {  	s0 =	rddreg [dreg:$0x0];
	s2 =	stileid.u32  }
0xc7: {  	s1 =	rddreg [dreg:$0x1];
	p0 =	sne.s32 s2, $0x0  }
0xc8: {  	s3 =	rddreg [dreg:$0x2];
	[bflag:$0x3] =	sbarrier.arrive $0xFFFF;
	s2 =	simm.s32 @!p0 $0x1C01  }
0xc9: {  	[timem:s3], [sflag:s2] =	dma.local @!p0 [hbm:s0], s1  }
0xca: {  	s0 =	simm.s32 @!p0 $0x1  }
0xcb: {  	_ =	swait.ge @!p0 [sflag:s0], s1  }
0xcc: {  	s1 =	ssub.s32 @!p0 $0x0, s1;
	[sflag:s0] =	ssyncset.done @!p0 $0x0  }
0xcd: {  	[sflag:s0] =	ssyncadd.s32 @!p0 s1  }
0xce: {  	[bflag:$0x3] =	sbarrier.arrive $0xFFFF  }
0xcf: {  	_ =	shalt  }

// kernel: kernel.27.cloned.1.call-start
scs
__scs_entry_jumppad:
0x0: {  	(pc) =	sbr.rel $0x88, $3  }
0x1: {  	(tag) =	ssettag $0x0;
	lr =	simm.s32 $0x1  }
0x2: {  	[smem:$0x3F91] =	sst lr;
	_ =	strace $0xD0000000  }
0x3: {  	_ = 	snop  }
0x4: {  	_ = 	snop  }
0x5: {  	_ = 	snop  }
0x6: {  	_ = 	snop  }
0x7: {  	_ = 	snop  }
__scs_overlays_trampoline_lowered:
0x8: {  	[smem:$0x3FA0] =	sst s0  }
0x9: {  	[smem:$0x3FA1] =	sst s1  }
0xa: {  	[smem:$0x3FA2] =	sst s2  }
0xb: {  	[smem:$0x3FA3] =	sst s3  }
0xc: {  	[smem:$0x3FA4] =	sst s4  }
0xd: {  	[smem:$0x3FA5] =	sst s5  }
0xe: {  	[smem:$0x3FA6] =	sst s6  }
0xf: {  	[smem:$0x3FA7] =	sst s7  }
0x10: {  	[smem:$0x3FA8] =	sst s8  }
0x11: {  	[smem:$0x3FA9] =	sst s9;
	s0 =	simm.s32 @!p0 $0x0  }
0x12: {  	s1 =	sld [smem:$0x3F8F];
	s0 =	simm.s32 @p0 $0x1  }
0x13: {  	[smem:$0x3FAA] =	sst s0;
	s0 =	simm.s32 @!p1 $0x0  }
0x14: {  	s2 =	sld [smem:$0x3F8E];
	s0 =	simm.s32 @p1 $0x1  }
0x15: {  	[smem:$0x3FAB] =	sst s0;
	s0 =	simm.s32 @!p2 $0x0  }
0x16: {  	s3 =	sld [smem:$0x3FDB];
	s0 =	simm.s32 @p2 $0x1  }
0x17: {  	s4 =	simm.s32 $0x1BF5;
	[smem:$0x3FAD] =	sst s0  }
0x18: {  	s0 =	sld [smem:$0x3F90];
	_ =	swait.ge [sflag:s4], $0x0  }
0x19: {  	s7 =	sld [smem:$0x3F91]  }
0x1a: {  	s8 =	sadd.s32 $0xFFFFE003, lr  }
0x1b: {  	s9 =	sadd.s32 $0xFFFFFEF7, lr;
	s5 =	simm.s32 $0xFFFFFFFF;
	p2 =	slt.u32 s8, $0xFFFFF086  }
0x1c: {  	p1 =	slt.u32 s9, $0xF7A;
	s5 =	simm.s32 @!p2 $0x0  }
0x1d: {  	s5 =	simm.s32 @p1 $0x1;
	p0 =	seq.s32 s7, s2  }
0x1e: {  	s7 =	smul.u32 @!p0 $0xF7A, s2;
	p2 =	seq.s32 @!p0 s5, $0x0  }
0x1f: {  	s9 =	smul.u32 $0xF7A, s1;
	s8 =	simm.s32 @!p0 $0x1BF5;
	p2 =	por !p2, p0  }
0x20: {  	[sflag:s8] =	ssyncset.s32 @!p0 $0xFFFFF086;
	s6 =	sadd.s32 @!p0 s3, s7;
	s7 =	simm.s32 @!p0 $0x108  }
0x21: {  	s3 =	sadd.s32 s3, s9;
	s6 =	sadd.s32 @!p0 $0x88, s6;
	s7 =	simm.s32 @p2 $0x1082  }
0x22: {  	[simem:s7], [sflag:s8] =	dma.local @!p0 [hbm:s6], $0xF7A  }
0x23: {  	s9 =	sor.u32 $0xD0000000, s2;
	s6 =	simm.s32 $0x108;
	_ =	swait.ge @!p0 [sflag:s8], $0x0  }
0x24: {  	s3 =	sadd.s32 $0x88, s3;
	s6 =	simm.s32 @!p1 $0x1082;
	[sflag:s4] =	ssyncset.s32 $0xFFFFF086  }
0x25: {  	[simem:s6], [sflag:s4] =	dma.local [hbm:s3], $0xF7A  }
0x26: {  	[smem:$0x3F91] =	sst s1;
	(tag) =	ssettag s2;
	_ =	strace s9  }
0x27: {  	s1 =	sld [smem:$0x3FA1]  }
0x28: {  	s2 =	sld [smem:$0x3FA2]  }
0x29: {  	s4 =	sld [smem:$0x3FA4]  }
0x2a: {  	p0 =	seq.s32 s5, $0x0;
	s5 =	sld [smem:$0x3FA5]  }
0x2b: {  	s6 =	sld [smem:$0x3FA6]  }
0x2c: {  	s7 =	sld [smem:$0x3FA7]  }
0x2d: {  	s3 =	simm.s32 $0x108;
	s8 =	sld [smem:$0x3FA8]  }
0x2e: {  	s3 =	simm.s32 @!p0 $0x1082;
	s9 =	sld [smem:$0x3FA9]  }
0x2f: {  	lr =	sadd.s32 s0, s3;
	s0 =	sld [smem:$0x3FA0]  }
0x30: {  	s3 =	sld [smem:$0x3FA3]  }
0x31: {  	[smem:$0x3FAC] =	sst s10  }
0x32: {  	s10 =	sld [smem:$0x3FAA];
	_ =	sdelay $0x3  }
0x33: {  	p0 =	seq.s32 s10, $0x1;
	s10 =	sld [smem:$0x3FAC];
	_ =	sdelay $0x3  }
0x34: {  	[smem:$0x3FAC] =	sst s10  }
0x35: {  	s10 =	sld [smem:$0x3FAB];
	_ =	sdelay $0x3  }
0x36: {  	p1 =	seq.s32 s10, $0x1;
	s10 =	sld [smem:$0x3FAC];
	_ =	sdelay $0x3  }
0x37: {  	[smem:$0x3FAC] =	sst s10  }
0x38: {  	s10 =	sld [smem:$0x3FAD]  }
0x39: {  	_ = 	snop;
	(pc) =	sbr.ind lr, $3  }
0x3a: {  	_ = 	snop  }
0x3b: {  	_ = 	snop  }
0x3c: {  	p2 =	seq.s32 s10, $0x1;
	s10 =	sld [smem:$0x3FAC]  }
0x3d: {  	_ =	shalt  }
0x3e: {  	_ =	shalt  }
0x3f: {  	_ =	shalt  }
0x40: {  	_ =	shalt  }
0x41: {  	_ =	shalt  }
0x42: {  	_ =	shalt  }
0x43: {  	_ =	shalt  }
0x44: {  	_ =	shalt  }
0x45: {  	_ =	shalt  }
0x46: {  	_ =	shalt  }
0x47: {  	_ =	shalt  }
0x48: {  	_ =	shalt  }
0x49: {  	_ =	shalt  }
0x4a: {  	_ =	shalt  }
0x4b: {  	_ =	shalt  }
0x4c: {  	_ =	shalt  }
0x4d: {  	_ =	shalt  }
0x4e: {  	_ =	shalt  }
0x4f: {  	_ =	shalt  }
0x50: {  	_ =	shalt  }
0x51: {  	_ =	shalt  }
0x52: {  	_ =	shalt  }
0x53: {  	_ =	shalt  }
0x54: {  	_ =	shalt  }
0x55: {  	_ =	shalt  }
0x56: {  	_ =	shalt  }
0x57: {  	_ =	shalt  }
0x58: {  	_ =	shalt  }
0x59: {  	_ =	shalt  }
0x5a: {  	_ =	shalt  }
0x5b: {  	_ =	shalt  }
0x5c: {  	_ =	shalt  }
0x5d: {  	_ =	shalt  }
0x5e: {  	_ =	shalt  }
0x5f: {  	_ =	shalt  }
0x60: {  	_ =	shalt  }
0x61: {  	_ =	shalt  }
0x62: {  	_ =	shalt  }
0x63: {  	_ =	shalt  }
0x64: {  	_ =	shalt  }
0x65: {  	_ =	shalt  }
0x66: {  	_ =	shalt  }
0x67: {  	_ =	shalt  }
0x68: {  	_ =	shalt  }
0x69: {  	_ =	shalt  }
0x6a: {  	_ =	shalt  }
0x6b: {  	_ =	shalt  }
0x6c: {  	_ =	shalt  }
0x6d: {  	_ =	shalt  }
0x6e: {  	_ =	shalt  }
0x6f: {  	_ =	shalt  }
0x70: {  	_ =	shalt  }
0x71: {  	_ =	shalt  }
0x72: {  	_ =	shalt  }
0x73: {  	_ =	shalt  }
0x74: {  	_ =	shalt  }
0x75: {  	_ =	shalt  }
0x76: {  	_ =	shalt  }
0x77: {  	_ =	shalt  }
0x78: {  	_ =	shalt  }
0x79: {  	_ =	shalt  }
0x7a: {  	_ =	shalt  }
0x7b: {  	_ =	shalt  }
0x7c: {  	_ =	shalt  }
0x7d: {  	_ =	shalt  }
0x7e: {  	_ =	shalt  }
0x7f: {  	_ =	shalt  }
0x80: {  	_ =	shalt  }
0x81: {  	_ =	shalt  }
0x82: {  	_ =	shalt  }
0x83: {  	_ =	shalt  }
0x84: {  	_ =	shalt  }
0x85: {  	_ =	shalt  }
0x86: {  	_ =	shalt  }
0x87: {  	_ =	shalt  }
.Lfunc_end0:
.L_simem_size_0:
called_computation.4_lowered:
.L_overlay_start_0:
0x88: {  	s2 =	sld [smem:$0x3FD9]  }
0x89: {  	s3 =	sld [smem:$0x3FFE];
	_ =	sdelay $0x1  }
0x8a: {  	s1 =	srdreg.scid  }
0x8b: {  	s0 =	sand.u32 $0x1, s1  }
0x8c: {  	s16 =	sshll.u32 s0, $0xA;
	s2 =	sadd.s32 s3, s2  }
0x8d: {  	s2 =	sadd.s32 s2, s16  }
0x8e: {  	[smem:$0x3FB8] =	sst s2  }
0x8f: {  	_ = 	snop  }
0x90: {  	(tm) =	ssettm $0x1  }
0x91: {  	s17 =	sld [smem:$0x3FFB];
	_ =	sdelay $0x3  }
0x92: {  	_ =	strace s17  }
0x93: {  	s2 =	sld [smem:$0x3FFC];
	_ =	sdelay $0x3  }
0x94: {  	_ =	strace s2  }
0x95: {  	s2 =	sld [smem:$0x3FFD];
	_ =	sdelay $0x3  }
0x96: {  	_ =	strace s2  }
0x97: {  	_ =	strace $0x8FFFFFFF  }
0x98: {  	s18 =	sld [smem:$0x3FDB];
	_ =	sdelay $0x1  }
0x99: {  	s19 =	simm.s32 $_scs_section_size  }
0x9a: {  	s4 =	simm.s32 $_size__tile_overlayer_lowered;
	s5 =	simm.s32 $_tile_overlayer_lowered  }
0x9b: {  	s22 =	simm.s32 $0x1BFF;
	s21 =	sshll.u32 s5, $0x1;
	s2 =	sadd.s32 s19, s18  }
0x9c: {  	s6 =	simm.s32 $0x0;
	s20 =	sshll.u32 s4, $0x1;
	s4 =	sadd.s32 s21, s2  }
0x9d: {  	[timem:s6], [sflag:s22] =	dma.local [hbm:s4], s20  }
0x9e: {  	_ =	swait.ge [sflag:s22], s20  }
0x9f: {  	s3 =	ssub.s32 $0x0, s20;
	[sflag:s22] =	ssyncset.done $0x0  }
0xa0: {  	[sflag:s22] =	ssyncadd.s32 s3;
	_ =	sdelay $0x1  }
0xa1: {  	s23 =	simm.s32 $0x1B8B  }
0xa2: {  	_ =	swait.ge [sflag:s23], $0x1  }
0xa3: {  	[sflag:s23] =	ssyncset.done $0x0  }
0xa4: {  	s25 =	simm.s32 $0x1B8E;
	s24 =	sld [smem:$0x3FFE];
	[sflag:s23] =	ssyncadd.s32 $0xFFFFFFFF  }
0xa5: {  	s26 =	simm.s32 $execute0_lowered;
	[smem:$0x3FD2] =	sst s25  }
0xa6: {  	s4 =	sshll.u32 s26, $0x1;
	_ =	strace $0x80000052;
	[dreg:$0x1] =	wrdreg $0xFFFFFFFF  }
0xa7: {  	s28 =	simm.s32 $_size_execute0_lowered;
	s2 =	sadd.s32 s2, s4;
	[dreg:$0x0] =	wrdreg $0x0  }
0xa8: {  	s4 =	sshll.u32 s28, $0x1;
	[dreg:$0x2] =	wrdreg s2  }
0xa9: {  	[dreg:$0x3] =	wrdreg s4  }
0xaa: {  	[dreg:$0x4] =	wrdreg $0xC0  }
0xab: {  	_ =	task [dreg:s6], $0x5FFFF  }
0xac: {  	[dreg:$0x1] =	wrdreg $0xFFFFFFFF  }
0xad: {  	[dreg:$0x0] =	wrdreg $0x60  }
0xae: {  	[dreg:$0x2] =	wrdreg s24  }
0xaf: {  	[dreg:$0x3] =	wrdreg $0x9  }
0xb0: {  	_ =	task.clear_ibuf [dreg:s6], $0x4FFFF;
	_ =	strace $0x90000052  }
0xb1: {  	s29 =	simm.s32 $0x9;
	_ =	strace $0x80000054  }
0xb2: {  	_ =	swait.ge [sflag:s29], $0x1  }
0xb3: {  	[sflag:s29] =	ssyncadd.s32 $0xFFFFFFFF  }
0xb4: {  	_ =	strace $0x90000054  }
0xb5: {  	_ =	sfence  }
0xb6: {  	s30 =	sld [smem:$0x0];
	_ =	sdelay $0x2  }
0xb7: {  	s31 =	sshll.u32 s1, $0xD;
	s1 =	sshrl.u32 s1, $0x2  }
0xb8: {  	s3 =	sand.u32 $0x4000, s31;
	s1 =	sadd.s32 s1, s30  }
0xb9: {  	s0 =	sor.u32 s3, s0;
	s1 =	sshll.u32 s1, $0x11  }
0xba: {  	s0 =	sor.u32 s1, s0  }
0xbb: {  	s0 =	sadd.s32 $0x8F2B, s0  }
0xbc: {  	[sflag:s0] =	ssyncadd.remote.s32 $0x1  }
0xbd: {  	_ =	sfence.sel $0xFFFF  }
0xbe: {  	[dreg:$0x0] =	wrdreg $0xFFFFFFFF;
	(pc) =	sbr.abs _section_cstart, $3  }
0xbf: {  	[dreg:$0x1] =	wrdreg $0xFFFFFFFF  }
0xc0: {  	_ =	task.clear_ibuf [dreg:s6], $0x2FFFF;
	_ =	strace $0x9FFFFFFF  }
0xc1: {  	(tm) =	ssettm $0x7FFFFFFF  }
tec
execute0_lowered:
.L_overlay_start_1:
0x0: {  	(tag) =	ssettag $0x1  }
0x1: {  	s6 =	rddreg [dreg:$0x0]  }
0x2: {  	s0 =	rddreg [dreg:$0x1];
	s1 =	simm.s32 $0x0  }
0x3: {  	s2 =	srdreg.scid;
	s11 =	simm.s32 $0x80;
	s12 =	simm.s32 $0xA280  }
0x4: {  	s13 =	simm.s32 $0x0;
	[smem:$0x7FF] =	sst s1;
	s4 =	sand.u32 $0x1, s2  }
0x5: {  	s2 =	stileid.u32;
	s3 =	sadd.s32 $0x2DC00, s6;
	s7 =	smul.u32 $0x28000, s4  }
0x6: {  	s5 =	sadd.s32 $0x2B400, s6;
	s8 =	ssub.s32 $0x2, s4;
	s9 =	smul.u32 $0x2800, s2  }
0x7: {  	_ =	strace $0x80000053;
	s4 =	sadd.s32 $0x50C00, s6;
	s10 =	sshrl.u32 s8, $0x1  }
0x8: {  	v0 =	vlaneseq.u32;
	s6 =	sadd.s32 $0x78C00, s6;
	s8 =	ssub.s32 s8, s10;
	s7 =	sadd.s32 s9, s7  }
0x9: {  	v0 =	vmul.u32 $0x4, v0;
	s9 =	simm.s32 $0x280;
	s10 =	simm.s32 $0x1;
	s8 =	smax.u32 s8, $0x1  }
.LBB2_1:
0xa: {  	[tilespmem:s9], [sflag:$0x1] =	stream.linear.gather [hbm4b:s5+s1], $0xA000, $0x38;
	[tilespmem:$0xA480] =	vst v63  }
0xb: {  	_ =	swait.ge [sflag:s10], $0xA000  }
0xc: {  	[sflag:s10] =	ssyncset.done $0x0  }
0xd: {  	s14 =	simm.s32 $0x0;
	[sflag:s10] =	ssyncadd.s32 $0xFFFF6000  }
.LBB2_2:
0xe: {  	s15 =	sshll.u32 s14, $0x7  }
0xf: {  	s15 =	sadd.s32 s15, s7  }
0x10: {  	s16 =	sshrl.u32 s15, $0x3  }
0x11: {  	s17 =	sadd.s32 s3, s16;
	s16 =	simm.s32 $0x0  }
0x12: {  	[tilespmem:s16], [sflag:$0x1] =	stream.linear.gather [hbm4b:s17+s16], $0x80, $0x38;
	[tilespmem:$0xA480] =	vst v63  }
0x13: {  	_ =	swait.ge [sflag:s10], $0x80  }
0x14: {  	s15 =	sshrl.u32 s15, $0x1;
	v1 =	vmov s16;
	[sflag:s10] =	ssyncset.done $0x0  }
0x15: {  	s31 =	sadd.s32 s4, s15;
	v1 =	vshll.u32 v1, $0x2;
	[sflag:s10] =	ssyncadd.s32 $0xFFFFFF80  }
0x16: {  	v1 =	vor.u32 v0, v1;
	[tilespmem:s11], [sflag:$0x1] =	stream.linear.gather [hbm4b:s31+s16], $0x200, $0x38;
	[tilespmem:$0xA480] =	vst v63  }
0x17: {  	_ =	swait.ge [sflag:s10], $0x200  }
0x18: {  	[sflag:s10] =	ssyncset.done $0x0  }
0x19: {  	[sflag:s10] =	ssyncadd.s32 $0xFFFFFE00  }
0x1a: {  	s17 =	simm.s32 $0x10;
	v2 =	vld [tilespmem:s16+$0x0]  }
.LBB2_3:
0x1b: {  	p0 =	sne.s32 s17, $0x70;
	v3 =	vld.idx.msk [tilespmem:v1+s11+$0x0], $0xffff;
	_ =	sdelay $0x3  }
0x1c: {  	v2 =	vshll.u32 v2, $0x2;
	_ =	sdelay $0x4  }
0x1d: {  	v4 =	vld.idx.msk [tilespmem:v2+s9+$0x0], $0xffff;
	_ =	sdelay $0x5  }
0x1e: {  	v4 =	vadd.f32 $9.999999710e-10, v4;
	_ =	sdelay $0x1  }
0x1f: {  	(erf) = vrcp.f32 v4;
	_ =	sdelay $0x7  }
0x20: {  	v4 =	vor.u32 $0x1, v2  }
0x21: {  	v5 =	vpop (erf)  }
0x22: {  	v3 =	vmul.f32 v5, v3;
	_ =	sdelay $0x1  }
0x23: {  	[tilespmem:v1+s12+$0x0] =	vst.idx.msk $0xffff, v3  }
0x24: {  	v3 =	vld.idx.msk [tilespmem:v4+s9+$0x0], $0xffff;
	_ =	sdelay $0x5  }
0x25: {  	v3 =	vadd.f32 $9.999999710e-10, v3  }
0x26: {  	v4 =	vor.u32 $0x1, v1  }
0x27: {  	(erf) = vrcp.f32 v3;
	_ =	sdelay $0x3  }
0x28: {  	v3 =	vld.idx.msk [tilespmem:v4+s11+$0x0], $0xffff;
	_ =	sdelay $0x3  }
0x29: {  	v5 =	vor.u32 $0x2, v2  }
0x2a: {  	v6 =	vpop (erf)  }
0x2b: {  	v3 =	vmul.f32 v6, v3;
	_ =	sdelay $0x1  }
0x2c: {  	[tilespmem:v4+s12+$0x0] =	vst.idx.msk $0xffff, v3  }
0x2d: {  	v3 =	vld.idx.msk [tilespmem:v5+s9+$0x0], $0xffff;
	_ =	sdelay $0x5  }
0x2e: {  	v3 =	vadd.f32 $9.999999710e-10, v3  }
0x2f: {  	v4 =	vor.u32 $0x2, v1  }
0x30: {  	(erf) = vrcp.f32 v3;
	_ =	sdelay $0x3  }
0x31: {  	v3 =	vld.idx.msk [tilespmem:v4+s11+$0x0], $0xffff;
	_ =	sdelay $0x3  }
0x32: {  	v2 =	vor.u32 $0x3, v2  }
0x33: {  	v5 =	vor.u32 $0x3, v1;
	v1 =	vpop (erf)  }
0x34: {  	v1 =	vmul.f32 v1, v3;
	_ =	sdelay $0x1  }
0x35: {  	[tilespmem:v4+s12+$0x0] =	vst.idx.msk $0xffff, v1  }
0x36: {  	v1 =	vld.idx.msk [tilespmem:v2+s9+$0x0], $0xffff  }
0x37: {  	v2 =	vld.idx.msk [tilespmem:v5+s11+$0x0], $0xffff;
	_ =	sdelay $0x4  }
0x38: {  	v1 =	vadd.f32 $9.999999710e-10, v1;
	_ =	sdelay $0x1  }
0x39: {  	(erf) = vrcp.f32 v1;
	_ =	sdelay $0x6  }
0x3a: {  	v1 =	vmov s17  }
0x3b: {  	v1 =	vshll.u32 v1, $0x2  }
.Ltmp0:
0x3c: {  	v1 =	vor.u32 v0, v1;
	v3 =	vpop (erf);
	(pc) =	sbr.rel @p0 .LBB2_3-.Ltmp0, $3  }
0x3d: {  	v2 =	vmul.f32 v3, v2;
	_ =	sdelay $0x1  }
0x3e: {  	s16 =	sadd.s32 $0x10, s16;
	[tilespmem:v5+s12+$0x0] =	vst.idx.msk $0xffff, v2  }
0x3f: {  	s17 =	sadd.s32 $0x10, s17;
	v2 =	vld [tilespmem:s16+$0x0]  }
0x40: {  	_ =	sdelay $0x3  }
0x41: {  	v2 =	vshll.u32 v2, $0x2;
	_ =	sdelay $0x4  }
0x42: {  	v3 =	vld.idx.msk [tilespmem:v2+s9+$0x0], $0xffff;
	_ =	sdelay $0x4  }
0x43: {  	v3 =	vadd.f32 $9.999999710e-10, v3;
	_ =	sdelay $0x1  }
0x44: {  	(erf) = vrcp.f32 v3;
	_ =	sdelay $0x4  }
0x45: {  	v3 =	vld.idx.msk [tilespmem:v1+s11+$0x0], $0xffff;
	_ =	sdelay $0x2  }
0x46: {  	v4 =	vor.u32 $0x1, v2  }
0x47: {  	v5 =	vpop (erf)  }
0x48: {  	v3 =	vmul.f32 v5, v3;
	_ =	sdelay $0x1  }
0x49: {  	[tilespmem:v1+s12+$0x0] =	vst.idx.msk $0xffff, v3  }
0x4a: {  	v3 =	vld.idx.msk [tilespmem:v4+s9+$0x0], $0xffff;
	_ =	sdelay $0x4  }
0x4b: {  	v3 =	vadd.f32 $9.999999710e-10, v3;
	_ =	sdelay $0x1  }
0x4c: {  	v60 =	vor.u32 $0x1, v1;
	(erf) = vrcp.f32 v3;
	_ =	sdelay $0x4  }
0x4d: {  	v3 =	vld.idx.msk [tilespmem:v60+s11+$0x0], $0xffff;
	_ =	sdelay $0x2  }
0x4e: {  	v61 =	vor.u32 $0x2, v2  }
0x4f: {  	v6 =	vpop (erf)  }
0x50: {  	v3 =	vmul.f32 v6, v3;
	_ =	sdelay $0x1  }
0x51: {  	[tilespmem:v60+s12+$0x0] =	vst.idx.msk $0xffff, v3  }
0x52: {  	v3 =	vld.idx.msk [tilespmem:v61+s9+$0x0], $0xffff;
	_ =	sdelay $0x4  }
0x53: {  	v3 =	vadd.f32 $9.999999710e-10, v3;
	_ =	sdelay $0x1  }
0x54: {  	v62 =	vor.u32 $0x2, v1;
	(erf) = vrcp.f32 v3;
	_ =	sdelay $0x4  }
0x55: {  	v3 =	vld.idx.msk [tilespmem:v62+s11+$0x0], $0xffff;
	_ =	sdelay $0x2  }
0x56: {  	v2 =	vor.u32 $0x3, v2  }
0x57: {  	v63 =	vpop (erf)  }
0x58: {  	v3 =	vmul.f32 v63, v3;
	_ =	sdelay $0x1  }
0x59: {  	[tilespmem:v62+s12+$0x0] =	vst.idx.msk $0xffff, v3  }
0x5a: {  	v2 =	vld.idx.msk [tilespmem:v2+s9+$0x0], $0xffff;
	_ =	sdelay $0x4  }
0x5b: {  	v2 =	vadd.f32 $9.999999710e-10, v2;
	_ =	sdelay $0x1  }
0x5c: {  	v1 =	vor.u32 $0x3, v1;
	(erf) = vrcp.f32 v2;
	_ =	sdelay $0x4  }
0x5d: {  	v2 =	vld.idx.msk [tilespmem:v1+s11+$0x0], $0xffff;
	_ =	sdelay $0x3  }
0x5e: {  	v3 =	vpop (erf)  }
0x5f: {  	s14 =	sadd.s32 $0x1, s14;
	v2 =	vmul.f32 v3, v2  }
0x60: {  	p0 =	sne.s32 s14, $0x50  }
.Ltmp1:
0x61: {  	s15 =	sadd.s32 s6, s15;
	[tilespmem:v1+s12+$0x0] =	vst.idx.msk $0xffff, v2;
	(pc) =	sbr.rel @p0 .LBB2_2-.Ltmp1, $4  }
0x62: {  	[hbm4b:s15+s1] =	stream.linear.scatter [tilespmem:s12], [sflag:$0x1], $0x200, $0x38;
	[tilespmem:$0xA480] =	vst v63  }
0x63: {  	_ =	swait.ge [sflag:s10], $0x200  }
0x64: {  	[sflag:s10] =	ssyncset.done $0x0  }
0x65: {  	[sflag:s10] =	ssyncadd.s32 $0xFFFFFE00  }
0x66: {  	s13 =	sadd.s32 $0x1, s13  }
0x67: {  	p0 =	sne.s32 s13, s8  }
.Ltmp2:
0x68: {  	_ = 	snop;
	(pc) =	sbr.rel @p0 .LBB2_1-.Ltmp2, $1  }
0x69: {  	_ =	sdelay $0x3  }
0x6a: {  	_ =	sfence.sel $0x180000  }
0x6b: {  	[bflag:$0x0] =	sbarrier.arrive $0xFFFF  }
0x6c: {  	p0 =	sne.s32 s2, $0x0;
	_ =	strace $0x90000053  }
0x6d: {  	s0 =	sadd.s32 @!p0 $0x100000, s0;
	[bflag:$0x2] =	sbarrier.arrive $0xFFFF  }
0x6e: {  	[sflag:s0] =	ssyncadd.tile.s32 @!p0 $0x1;
	_ =	shalt  }
.Lfunc_end2:
_tile_overlayer_lowered:
.L_overlay_start_2:
0x6f: {  	(tag) =	ssettag $0x2  }
0x70: {  	s0 =	rddreg [dreg:$0x0];
	s2 =	stileid.u32  }
0x71: {  	s1 =	rddreg [dreg:$0x1];
	p0 =	sne.s32 s2, $0x0  }
0x72: {  	s3 =	rddreg [dreg:$0x2];
	[bflag:$0x3] =	sbarrier.arrive $0xFFFF;
	s2 =	simm.s32 @!p0 $0x1C01  }
0x73: {  	[timem:s3], [sflag:s2] =	dma.local @!p0 [hbm:s0], s1  }
0x74: {  	s0 =	simm.s32 @!p0 $0x1  }
0x75: {  	_ =	swait.ge @!p0 [sflag:s0], s1  }
0x76: {  	s1 =	ssub.s32 @!p0 $0x0, s1;
	[sflag:s0] =	ssyncset.done @!p0 $0x0  }
0x77: {  	[sflag:s0] =	ssyncadd.s32 @!p0 s1  }
0x78: {  	[bflag:$0x3] =	sbarrier.arrive $0xFFFF  }
0x79: {  	_ =	shalt  }

// kernel: kernel.30.cloned.1.call-start
scs
__scs_entry_jumppad:
0x0: {  	(pc) =	sbr.rel $0x88, $3  }
0x1: {  	(tag) =	ssettag $0x0;
	lr =	simm.s32 $0x1  }
0x2: {  	[smem:$0x3F91] =	sst lr;
	_ =	strace $0xD0000000  }
0x3: {  	_ = 	snop  }
0x4: {  	_ = 	snop  }
0x5: {  	_ = 	snop  }
0x6: {  	_ = 	snop  }
0x7: {  	_ = 	snop  }
__scs_overlays_trampoline_lowered:
0x8: {  	[smem:$0x3FA0] =	sst s0  }
0x9: {  	[smem:$0x3FA1] =	sst s1  }
0xa: {  	[smem:$0x3FA2] =	sst s2  }
0xb: {  	[smem:$0x3FA3] =	sst s3  }
0xc: {  	[smem:$0x3FA4] =	sst s4  }
0xd: {  	[smem:$0x3FA5] =	sst s5  }
0xe: {  	[smem:$0x3FA6] =	sst s6  }
0xf: {  	[smem:$0x3FA7] =	sst s7  }
0x10: {  	[smem:$0x3FA8] =	sst s8  }
0x11: {  	[smem:$0x3FA9] =	sst s9;
	s0 =	simm.s32 @!p0 $0x0  }
0x12: {  	s1 =	sld [smem:$0x3F8F];
	s0 =	simm.s32 @p0 $0x1  }
0x13: {  	[smem:$0x3FAA] =	sst s0;
	s0 =	simm.s32 @!p1 $0x0  }
0x14: {  	s2 =	sld [smem:$0x3F8E];
	s0 =	simm.s32 @p1 $0x1  }
0x15: {  	[smem:$0x3FAB] =	sst s0;
	s0 =	simm.s32 @!p2 $0x0  }
0x16: {  	s3 =	sld [smem:$0x3FDB];
	s0 =	simm.s32 @p2 $0x1  }
0x17: {  	s4 =	simm.s32 $0x1BF5;
	[smem:$0x3FAD] =	sst s0  }
0x18: {  	s0 =	sld [smem:$0x3F90];
	_ =	swait.ge [sflag:s4], $0x0  }
0x19: {  	s7 =	sld [smem:$0x3F91]  }
0x1a: {  	s8 =	sadd.s32 $0xFFFFE003, lr  }
0x1b: {  	s9 =	sadd.s32 $0xFFFFFEF7, lr;
	s5 =	simm.s32 $0xFFFFFFFF;
	p2 =	slt.u32 s8, $0xFFFFF086  }
0x1c: {  	p1 =	slt.u32 s9, $0xF7A;
	s5 =	simm.s32 @!p2 $0x0  }
0x1d: {  	s5 =	simm.s32 @p1 $0x1;
	p0 =	seq.s32 s7, s2  }
0x1e: {  	s7 =	smul.u32 @!p0 $0xF7A, s2;
	p2 =	seq.s32 @!p0 s5, $0x0  }
0x1f: {  	s9 =	smul.u32 $0xF7A, s1;
	s8 =	simm.s32 @!p0 $0x1BF5;
	p2 =	por !p2, p0  }
0x20: {  	[sflag:s8] =	ssyncset.s32 @!p0 $0xFFFFF086;
	s6 =	sadd.s32 @!p0 s3, s7;
	s7 =	simm.s32 @!p0 $0x108  }
0x21: {  	s3 =	sadd.s32 s3, s9;
	s6 =	sadd.s32 @!p0 $0x88, s6;
	s7 =	simm.s32 @p2 $0x1082  }
0x22: {  	[simem:s7], [sflag:s8] =	dma.local @!p0 [hbm:s6], $0xF7A  }
0x23: {  	s9 =	sor.u32 $0xD0000000, s2;
	s6 =	simm.s32 $0x108;
	_ =	swait.ge @!p0 [sflag:s8], $0x0  }
0x24: {  	s3 =	sadd.s32 $0x88, s3;
	s6 =	simm.s32 @!p1 $0x1082;
	[sflag:s4] =	ssyncset.s32 $0xFFFFF086  }
0x25: {  	[simem:s6], [sflag:s4] =	dma.local [hbm:s3], $0xF7A  }
0x26: {  	[smem:$0x3F91] =	sst s1;
	(tag) =	ssettag s2;
	_ =	strace s9  }
0x27: {  	s1 =	sld [smem:$0x3FA1]  }
0x28: {  	s2 =	sld [smem:$0x3FA2]  }
0x29: {  	s4 =	sld [smem:$0x3FA4]  }
0x2a: {  	p0 =	seq.s32 s5, $0x0;
	s5 =	sld [smem:$0x3FA5]  }
0x2b: {  	s6 =	sld [smem:$0x3FA6]  }
0x2c: {  	s7 =	sld [smem:$0x3FA7]  }
0x2d: {  	s3 =	simm.s32 $0x108;
	s8 =	sld [smem:$0x3FA8]  }
0x2e: {  	s3 =	simm.s32 @!p0 $0x1082;
	s9 =	sld [smem:$0x3FA9]  }
0x2f: {  	lr =	sadd.s32 s0, s3;
	s0 =	sld [smem:$0x3FA0]  }
0x30: {  	s3 =	sld [smem:$0x3FA3]  }
0x31: {  	[smem:$0x3FAC] =	sst s10  }
0x32: {  	s10 =	sld [smem:$0x3FAA];
	_ =	sdelay $0x3  }
0x33: {  	p0 =	seq.s32 s10, $0x1;
	s10 =	sld [smem:$0x3FAC];
	_ =	sdelay $0x3  }
0x34: {  	[smem:$0x3FAC] =	sst s10  }
0x35: {  	s10 =	sld [smem:$0x3FAB];
	_ =	sdelay $0x3  }
0x36: {  	p1 =	seq.s32 s10, $0x1;
	s10 =	sld [smem:$0x3FAC];
	_ =	sdelay $0x3  }
0x37: {  	[smem:$0x3FAC] =	sst s10  }
0x38: {  	s10 =	sld [smem:$0x3FAD]  }
0x39: {  	_ = 	snop;
	(pc) =	sbr.ind lr, $3  }
0x3a: {  	_ = 	snop  }
0x3b: {  	_ = 	snop  }
0x3c: {  	p2 =	seq.s32 s10, $0x1;
	s10 =	sld [smem:$0x3FAC]  }
0x3d: {  	_ =	shalt  }
0x3e: {  	_ =	shalt  }
0x3f: {  	_ =	shalt  }
0x40: {  	_ =	shalt  }
0x41: {  	_ =	shalt  }
0x42: {  	_ =	shalt  }
0x43: {  	_ =	shalt  }
0x44: {  	_ =	shalt  }
0x45: {  	_ =	shalt  }
0x46: {  	_ =	shalt  }
0x47: {  	_ =	shalt  }
0x48: {  	_ =	shalt  }
0x49: {  	_ =	shalt  }
0x4a: {  	_ =	shalt  }
0x4b: {  	_ =	shalt  }
0x4c: {  	_ =	shalt  }
0x4d: {  	_ =	shalt  }
0x4e: {  	_ =	shalt  }
0x4f: {  	_ =	shalt  }
0x50: {  	_ =	shalt  }
0x51: {  	_ =	shalt  }
0x52: {  	_ =	shalt  }
0x53: {  	_ =	shalt  }
0x54: {  	_ =	shalt  }
0x55: {  	_ =	shalt  }
0x56: {  	_ =	shalt  }
0x57: {  	_ =	shalt  }
0x58: {  	_ =	shalt  }
0x59: {  	_ =	shalt  }
0x5a: {  	_ =	shalt  }
0x5b: {  	_ =	shalt  }
0x5c: {  	_ =	shalt  }
0x5d: {  	_ =	shalt  }
0x5e: {  	_ =	shalt  }
0x5f: {  	_ =	shalt  }
0x60: {  	_ =	shalt  }
0x61: {  	_ =	shalt  }
0x62: {  	_ =	shalt  }
0x63: {  	_ =	shalt  }
0x64: {  	_ =	shalt  }
0x65: {  	_ =	shalt  }
0x66: {  	_ =	shalt  }
0x67: {  	_ =	shalt  }
0x68: {  	_ =	shalt  }
0x69: {  	_ =	shalt  }
0x6a: {  	_ =	shalt  }
0x6b: {  	_ =	shalt  }
0x6c: {  	_ =	shalt  }
0x6d: {  	_ =	shalt  }
0x6e: {  	_ =	shalt  }
0x6f: {  	_ =	shalt  }
0x70: {  	_ =	shalt  }
0x71: {  	_ =	shalt  }
0x72: {  	_ =	shalt  }
0x73: {  	_ =	shalt  }
0x74: {  	_ =	shalt  }
0x75: {  	_ =	shalt  }
0x76: {  	_ =	shalt  }
0x77: {  	_ =	shalt  }
0x78: {  	_ =	shalt  }
0x79: {  	_ =	shalt  }
0x7a: {  	_ =	shalt  }
0x7b: {  	_ =	shalt  }
0x7c: {  	_ =	shalt  }
0x7d: {  	_ =	shalt  }
0x7e: {  	_ =	shalt  }
0x7f: {  	_ =	shalt  }
0x80: {  	_ =	shalt  }
0x81: {  	_ =	shalt  }
0x82: {  	_ =	shalt  }
0x83: {  	_ =	shalt  }
0x84: {  	_ =	shalt  }
0x85: {  	_ =	shalt  }
0x86: {  	_ =	shalt  }
0x87: {  	_ =	shalt  }
.Lfunc_end0:
.L_simem_size_0:
called_computation.5_lowered:
.L_overlay_start_0:
0x88: {  	s2 =	sld [smem:$0x3FD9]  }
0x89: {  	s3 =	sld [smem:$0x3FFE];
	_ =	sdelay $0x1  }
0x8a: {  	s1 =	srdreg.scid  }
0x8b: {  	s0 =	sand.u32 $0x1, s1  }
0x8c: {  	s16 =	sshll.u32 s0, $0xA;
	s2 =	sadd.s32 s3, s2  }
0x8d: {  	s2 =	sadd.s32 s2, s16  }
0x8e: {  	[smem:$0x3FB8] =	sst s2  }
0x8f: {  	_ = 	snop  }
0x90: {  	(tm) =	ssettm $0x1  }
0x91: {  	s17 =	sld [smem:$0x3FFB];
	_ =	sdelay $0x3  }
0x92: {  	_ =	strace s17  }
0x93: {  	s2 =	sld [smem:$0x3FFC];
	_ =	sdelay $0x3  }
0x94: {  	_ =	strace s2  }
0x95: {  	s2 =	sld [smem:$0x3FFD];
	_ =	sdelay $0x3  }
0x96: {  	_ =	strace s2  }
0x97: {  	_ =	strace $0x8FFFFFFF  }
0x98: {  	s18 =	sld [smem:$0x3FDB];
	_ =	sdelay $0x1  }
0x99: {  	s19 =	simm.s32 $_scs_section_size  }
0x9a: {  	s4 =	simm.s32 $_size__tile_overlayer_lowered;
	s5 =	simm.s32 $_tile_overlayer_lowered  }
0x9b: {  	s22 =	simm.s32 $0x1BFF;
	s21 =	sshll.u32 s5, $0x1;
	s2 =	sadd.s32 s19, s18  }
0x9c: {  	s6 =	simm.s32 $0x0;
	s20 =	sshll.u32 s4, $0x1;
	s4 =	sadd.s32 s21, s2  }
0x9d: {  	[timem:s6], [sflag:s22] =	dma.local [hbm:s4], s20  }
0x9e: {  	_ =	swait.ge [sflag:s22], s20  }
0x9f: {  	s3 =	ssub.s32 $0x0, s20;
	[sflag:s22] =	ssyncset.done $0x0  }
0xa0: {  	[sflag:s22] =	ssyncadd.s32 s3;
	_ =	sdelay $0x1  }
0xa1: {  	s23 =	simm.s32 $0x1B8B  }
0xa2: {  	_ =	swait.ge [sflag:s23], $0x1  }
0xa3: {  	[sflag:s23] =	ssyncset.done $0x0  }
0xa4: {  	s25 =	simm.s32 $0x1B8E;
	s24 =	sld [smem:$0x3FFE];
	[sflag:s23] =	ssyncadd.s32 $0xFFFFFFFF  }
0xa5: {  	s26 =	simm.s32 $execute0_lowered;
	[smem:$0x3FD2] =	sst s25  }
0xa6: {  	s4 =	sshll.u32 s26, $0x1;
	_ =	strace $0x80000055;
	[dreg:$0x1] =	wrdreg $0xFFFFFFFF  }
0xa7: {  	s28 =	simm.s32 $_size_execute0_lowered;
	s2 =	sadd.s32 s2, s4;
	[dreg:$0x0] =	wrdreg $0x0  }
0xa8: {  	s4 =	sshll.u32 s28, $0x1;
	[dreg:$0x2] =	wrdreg s2  }
0xa9: {  	[dreg:$0x3] =	wrdreg s4  }
0xaa: {  	[dreg:$0x4] =	wrdreg $0xC0  }
0xab: {  	_ =	task [dreg:s6], $0x5FFFF  }
0xac: {  	[dreg:$0x1] =	wrdreg $0xFFFFFFFF  }
0xad: {  	[dreg:$0x0] =	wrdreg $0x60  }
0xae: {  	[dreg:$0x2] =	wrdreg s24  }
0xaf: {  	[dreg:$0x3] =	wrdreg $0x23000  }
0xb0: {  	[dreg:$0x4] =	wrdreg $0x9  }
0xb1: {  	_ =	task.clear_ibuf [dreg:s6], $0x5FFFF;
	_ =	strace $0x90000055  }
0xb2: {  	s29 =	simm.s32 $0x9;
	_ =	strace $0x80000057  }
0xb3: {  	_ =	swait.ge [sflag:s29], $0x1  }
0xb4: {  	[sflag:s29] =	ssyncadd.s32 $0xFFFFFFFF  }
0xb5: {  	_ =	strace $0x90000057  }
0xb6: {  	_ =	sfence  }
0xb7: {  	s30 =	sld [smem:$0x0];
	_ =	sdelay $0x2  }
0xb8: {  	s31 =	sshll.u32 s1, $0xD;
	s1 =	sshrl.u32 s1, $0x2  }
0xb9: {  	s3 =	sand.u32 $0x4000, s31;
	s1 =	sadd.s32 s1, s30  }
0xba: {  	s0 =	sor.u32 s3, s0;
	s1 =	sshll.u32 s1, $0x11  }
0xbb: {  	s0 =	sor.u32 s1, s0  }
0xbc: {  	s0 =	sadd.s32 $0x8F2B, s0  }
0xbd: {  	[sflag:s0] =	ssyncadd.remote.s32 $0x1  }
0xbe: {  	_ =	sfence.sel $0xFFFF  }
0xbf: {  	[dreg:$0x0] =	wrdreg $0xFFFFFFFF;
	(pc) =	sbr.abs _section_cstart, $3  }
0xc0: {  	[dreg:$0x1] =	wrdreg $0xFFFFFFFF  }
0xc1: {  	_ =	task.clear_ibuf [dreg:s6], $0x2FFFF;
	_ =	strace $0x9FFFFFFF  }
0xc2: {  	(tm) =	ssettm $0x7FFFFFFF  }
0xc3: {  	_ =	shalt  }
tec
execute0_lowered:
.L_overlay_start_1:
0x0: {  	(tag) =	ssettag $0x1  }
0x1: {  	s8 =	rddreg [dreg:$0x0]  }
0x2: {  	s2 =	rddreg [dreg:$0x1]  }
0x3: {  	s0 =	rddreg [dreg:$0x2]  }
0x4: {  	s4 =	srdreg.scid;
	s1 =	stileid.u32;
	s3 =	simm.s32 $0x0  }
0x5: {  	s17 =	simm.s32 $0x300;
	s18 =	simm.s32 $0x2;
	s20 =	simm.s32 $0x100  }
0x6: {  	s21 =	simm.s32 $0x1;
	s14 =	sand.u32 $0x1, s4;
	s9 =	smul.u32 $0xA000, s1  }
0x7: {  	[smem:$0x7FF] =	sst s3;
	s4 =	sadd.s32 $0x37C00, s8;
	s12 =	smul.u32 $0x28000, s1  }
0x8: {  	s5 =	sadd.s32 $0x2DC00, s8;
	s6 =	sadd.s32 $0x78C00, s8;
	s7 =	smul.u32 $0xA0000, s14  }
0x9: {  	_ =	strace $0x80000056;
	s11 =	ssub.s32 $0x2, s14;
	s19 =	smul.u32 $0x2710, s14  }
0xa: {  	s14 =	sshll.u32 s14, $0x1;
	s30 =	sshrl.u32 s11, $0x1;
	s31 =	sshrl.u32 s12, $0x2  }
0xb: {  	s7 =	sadd.s32 s9, s7;
	s16 =	ssub.s32 s11, s30;
	s9 =	sadd.s32 s9, s2  }
0xc: {  	s13 =	sadd.s32 s31, s2;
	v0 =	vmov s19;
	s19 =	simm.s32 $0x80;
	s10 =	sshrl.u32 s7, $0x3  }
0xd: {  	s7 =	sadd.s32 $0xA0C00, s8;
	s11 =	sadd.s32 $0x4000, s13;
	s12 =	sadd.s32 $0x6000, s13  }
0xe: {  	s16 =	smax.u32 s16, $0x1;
	s15 =	sadd.s32 s10, s8;
	s8 =	smul.u32 $0x5000, s1  }
0xf: {  	v1 =	vimm.f32 $0.0e+00;
	s10 =	sadd.s32 $0x2000, s13;
	s13 =	sadd.s32 $0x8000, s13;
	s15 =	sadd.s32 $0x46C00, s15  }
.LBB2_1:
0x10: {  	s23 =	simm.s32 $0x100;
	s22 =	simm.s32 $0x0  }
.LBB2_2:
0x11: {  	p0 =	sne.s32 s23, $0x7F00;
	[tilespmem:s22+$0x330] =	vst v1;
	s24 =	smov.u32 s23;
	s23 =	sadd.s32 $0x100, s23  }
.Ltmp0:
0x12: {  	[tilespmem:s22+$0x320] =	vst v1;
	(pc) =	sbr.rel @p0 .LBB2_2-.Ltmp0, $3  }
0x13: {  	[tilespmem:s22+$0x300] =	vst v1  }
0x14: {  	[tilespmem:s22+$0x310] =	vst v1;
	_ =	sdelay $0x1  }
0x15: {  	s22 =	sshra.s32 s24, $0x2  }
0x16: {  	[tilespmem:s22+$0x330] =	vst v1  }
0x17: {  	[tilespmem:s22+$0x320] =	vst v1  }
0x18: {  	[tilespmem:s22+$0x300] =	vst v1  }
0x19: {  	[tilespmem:s22+$0x310] =	vst v1  }
0x1a: {  	[spmem:s9] =	stream.linear.scatter [tilespmem:s17], [sflag:$0x2], $0x2000, $0x38;
	[tilespmem:$0xC300] =	vst v63  }
0x1b: {  	_ =	swait.ge [sflag:s18], $0x2000  }
0x1c: {  	[sflag:s18] =	ssyncset.done $0x0  }
0x1d: {  	[sflag:s18] =	ssyncadd.s32 $0xFFFFE000  }
0x1e: {  	[spmem:s10] =	stream.linear.scatter [tilespmem:s17], [sflag:$0x2], $0x2000, $0x38;
	[tilespmem:$0xC300] =	vst v63  }
0x1f: {  	_ =	swait.ge [sflag:s18], $0x2000  }
0x20: {  	[sflag:s18] =	ssyncset.done $0x0  }
0x21: {  	[sflag:s18] =	ssyncadd.s32 $0xFFFFE000  }
0x22: {  	[spmem:s11] =	stream.linear.scatter [tilespmem:s17], [sflag:$0x2], $0x2000, $0x38;
	[tilespmem:$0xC300] =	vst v63  }
0x23: {  	_ =	swait.ge [sflag:s18], $0x2000  }
0x24: {  	[sflag:s18] =	ssyncset.done $0x0  }
0x25: {  	[sflag:s18] =	ssyncadd.s32 $0xFFFFE000  }
0x26: {  	[spmem:s12] =	stream.linear.scatter [tilespmem:s17], [sflag:$0x2], $0x2000, $0x38;
	[tilespmem:$0xC300] =	vst v63  }
0x27: {  	_ =	swait.ge [sflag:s18], $0x2000  }
0x28: {  	[sflag:s18] =	ssyncset.done $0x0  }
0x29: {  	[sflag:s18] =	ssyncadd.s32 $0xFFFFE000  }
0x2a: {  	[spmem:s13] =	stream.linear.scatter [tilespmem:s17], [sflag:$0x2], $0x2000, $0x38;
	[tilespmem:$0xC300] =	vst v63  }
0x2b: {  	_ =	swait.ge [sflag:s18], $0x2000  }
0x2c: {  	[sflag:s18] =	ssyncset.done $0x0  }
0x2d: {  	[sflag:s18] =	ssyncadd.s32 $0xFFFFE000  }
0x2e: {  	s22 =	simm.s32 $0x0;
	s23 =	simm.s32 $0x0;
	[bflag:$0x0] =	sbarrier.arrive $0xFFFF  }
.LBB2_4:
0x2f: {  	s24 =	sshll.u32 s23, $0x7  }
0x30: {  	s24 =	sadd.s32 s8, s24  }
0x31: {  	s25 =	sshrl.u32 s24, $0x3  }
0x32: {  	s26 =	sadd.s32 s4, s25  }
0x33: {  	[tilespmem:s22], [sflag:$0x2] =	stream.linear.gather [hbm4b:s26+s22], $0x80, $0x38;
	[tilespmem:$0xC300] =	vst v63  }
0x34: {  	_ =	swait.ge [sflag:s18], $0x80  }
0x35: {  	[sflag:s18] =	ssyncset.done $0x0  }
0x36: {  	s25 =	sadd.s32 s5, s25;
	[sflag:s18] =	ssyncadd.s32 $0xFFFFFF80  }
0x37: {  	[tilespmem:s19], [sflag:$0x2] =	stream.linear.gather [hbm4b:s25+s22], $0x80, $0x38;
	[tilespmem:$0xC300] =	vst v63  }
0x38: {  	_ =	swait.ge [sflag:s18], $0x80  }
0x39: {  	s24 =	sshrl.u32 s24, $0x1;
	[sflag:s18] =	ssyncset.done $0x0  }
0x3a: {  	s24 =	sadd.s32 s6, s24;
	[sflag:s18] =	ssyncadd.s32 $0xFFFFFF80  }
0x3b: {  	[tilespmem:s20], [sflag:$0x2] =	stream.linear.gather [hbm4b:s24+s22], $0x200, $0x38;
	[tilespmem:$0xC300] =	vst v63  }
0x3c: {  	_ =	swait.ge [sflag:s18], $0x200  }
0x3d: {  	[sflag:s18] =	ssyncset.done $0x0  }
0x3e: {  	[sflag:s18] =	ssyncadd.s32 $0xFFFFFE00  }
0x3f: {  	v2 =	vld [tilespmem:$0x0]  }
0x40: {  	v3 =	vld [tilespmem:$0x10]  }
0x41: {  	v4 =	vld [tilespmem:$0x20]  }
0x42: {  	v5 =	vld [tilespmem:$0x30]  }
0x43: {  	v6 =	vld [tilespmem:$0x40]  }
0x44: {  	v7 =	vld [tilespmem:$0x50];
	v2 =	vadd.s32 v0, v2  }
0x45: {  	[tilespmem:$0x0] =	vst v2;
	v2 =	vadd.s32 v0, v3;
	v3 =	vld [tilespmem:$0x60]  }
0x46: {  	[tilespmem:$0x10] =	vst v2;
	v2 =	vadd.s32 v0, v4;
	v4 =	vld [tilespmem:$0x70]  }
0x47: {  	[tilespmem:$0x20] =	vst v2;
	v2 =	vadd.s32 v0, v5  }
0x48: {  	s30 =	sadd.s32 $0x0, s14;
	[tilespmem:$0x30] =	vst v2;
	v2 =	vadd.s32 v0, v6  }
0x49: {  	v5 =	vmov s30;
	[tilespmem:$0x40] =	vst v2;
	v2 =	vadd.s32 v0, v7  }
0x4a: {  	[tilespmem:$0x50] =	vst v2;
	v2 =	vadd.s32 v0, v3;
	v3 =	vand.u32 $0xFFFFFFFE, v5  }
0x4b: {  	[tilespmem:$0x60] =	vst v2;
	v2 =	vadd.s32 v0, v4;
	v3 =	vbroadcast v3, $0x0  }
0x4c: {  	[tilespmem:$0x70] =	vst v2  }
0x4d: {  	[tilespmem:s17], [sflag:$0x1] =	stream.indirect.gather [hbm4b:s7+s19], $0x40, s22, s19, $0xb8;
	[tilespmem:$0xC300] =	vst v63  }
0x4e: {  	_ =	swait.ge [sflag:s21], $0x2000  }
0x4f: {  	[sflag:s21] =	ssyncset.done $0x0  }
0x50: {  	[sflag:s21] =	ssyncadd.s32 $0xFFFFE000  }
0x51: {  	s24 =	simm.s32 $0x320;
	v2 =	vld.idx.msk [tilespmem:v3+s20+$0x0], $0xffff  }
0x52: {  	v3 =	vld [tilespmem:s24+$0xFFFFFFE0]  }
0x53: {  	v4 =	vld [tilespmem:s24+$0xFFFFFFF0];
	_ =	sdelay $0x1  }
0x54: {  	s25 =	sadd.s32 $0x1, s30  }
0x55: {  	v5 =	vmov s25  }
0x56: {  	v3 =	vmul.f32 v3, v2  }
0x57: {  	v2 =	vmul.f32 v4, v2  }
0x58: {  	v6 =	vld [tilespmem:s24+$0x10];
	[tilespmem:s24+$0xFFFFFFE0] =	vst v3  }
0x59: {  	[tilespmem:s24+$0xFFFFFFF0] =	vst v2;
	v3 =	vld [tilespmem:s24+$0x0]  }
0x5a: {  	v5 =	vld.idx.msk [tilespmem:v5+s20+$0x0], $0xffff  }
0x5b: {  	s31 =	sadd.s32 $0x4, s14  }
0x5c: {  	v2 =	vmov s31  }
0x5d: {  	v2 =	vand.u32 $0xFFFFFFFE, v2  }
0x5e: {  	v2 =	vbroadcast v2, $0x0  }
0x5f: {  	s28 =	sadd.s32 $0x1, s31;
	s26 =	simm.s32 $0x320;
	s25 =	simm.s32 $0x8;
	v4 =	vmul.f32 v3, v5;
	v3 =	vmul.f32 v6, v5  }
.LBB2_5:
0x60: {  	p0 =	sne.s32 s25, $0x1FC  }
0x61: {  	s24 =	sadd.s32 $0x40, s24;
	s29 =	smov.u32 s25;
	s25 =	sadd.s32 $0x4, s25  }
0x62: {  	[tilespmem:s26+$0x0] =	vst v4  }
0x63: {  	v4 =	vld [tilespmem:s24+$0xFFFFFFF0];
	[tilespmem:s26+$0x10] =	vst v3;
	s26 =	smov.u32 s24  }
0x64: {  	v2 =	vld.idx.msk [tilespmem:v2+s20+$0x0], $0xffff  }
0x65: {  	v3 =	vld [tilespmem:s24+$0xFFFFFFE0];
	_ =	sdelay $0x2  }
0x66: {  	v5 =	vmov s28;
	_ =	sdelay $0x1  }
0x67: {  	v3 =	vmul.f32 v3, v2;
	v2 =	vmul.f32 v4, v2;
	_ =	sdelay $0x1  }
0x68: {  	[tilespmem:s24+$0xFFFFFFE0] =	vst v3  }
0x69: {  	[tilespmem:s24+$0xFFFFFFF0] =	vst v2;
	v3 =	vld [tilespmem:s24+$0x0]  }
0x6a: {  	v5 =	vld.idx.msk [tilespmem:v5+s20+$0x0], $0xffff  }
0x6b: {  	s28 =	sadd.s32 s14, s29;
	v6 =	vld [tilespmem:s24+$0x10]  }
.Ltmp1:
0x6c: {  	v2 =	vmov s28;
	s28 =	sadd.s32 $0x1, s28;
	(pc) =	sbr.rel @p0 .LBB2_5-.Ltmp1, $3  }
0x6d: {  	v2 =	vand.u32 $0xFFFFFFFE, v2  }
0x6e: {  	v2 =	vbroadcast v2, $0x0;
	_ =	sdelay $0x1  }
0x6f: {  	v4 =	vmul.f32 v3, v5;
	v3 =	vmul.f32 v6, v5  }
0x70: {  	_ =	sdelay $0x1  }
0x71: {  	s24 =	sadd.s32 $0x40, s24;
	[tilespmem:s26+$0x0] =	vst v4  }
0x72: {  	v4 =	vld [tilespmem:s24+$0xFFFFFFF0];
	[tilespmem:s26+$0x10] =	vst v3  }
0x73: {  	v2 =	vld.idx.msk [tilespmem:v2+s20+$0x0], $0xffff  }
0x74: {  	v3 =	vld [tilespmem:s24+$0xFFFFFFE0];
	_ =	sdelay $0x3  }
0x75: {  	v5 =	vmov s28  }
0x76: {  	v3 =	vmul.f32 v3, v2  }
0x77: {  	v2 =	vmul.f32 v4, v2  }
0x78: {  	[tilespmem:s24+$0xFFFFFFE0] =	vst v3  }
0x79: {  	[tilespmem:s24+$0xFFFFFFF0] =	vst v2;
	v2 =	vld [tilespmem:s24+$0x0]  }
0x7a: {  	v3 =	vld.idx.msk [tilespmem:v5+s20+$0x0], $0xffff  }
0x7b: {  	v63 =	vld [tilespmem:s24+$0x10];
	_ =	sdelay $0x3  }
0x7c: {  	v2 =	vmul.f32 v2, v3  }
0x7d: {  	s23 =	sadd.s32 $0x1, s23;
	v3 =	vmul.f32 v63, v3  }
0x7e: {  	p0 =	sne.s32 s23, $0xA0;
	[tilespmem:s24+$0x0] =	vst v2  }
.Ltmp2:
0x7f: {  	[tilespmem:s24+$0x10] =	vst v3;
	(pc) =	sbr.rel @p0 .LBB2_4-.Ltmp2, $4  }
0x80: {  	[spmem:s2] =	stream.indirect.scatter.add.f32 [tilespmem:s17], [sflag:$0x2], $0x40, s19, s19, $0xb8;
	[tilespmem:$0xC300] =	vst v63  }
0x81: {  	_ =	swait.ge [sflag:s18], $0x2000  }
0x82: {  	[sflag:s18] =	ssyncset.done $0x0  }
0x83: {  	[sflag:s18] =	ssyncadd.s32 $0xFFFFE000  }
0x84: {  	s3 =	sadd.s32 $0x1, s3  }
0x85: {  	s22 =	sshll.u32 s1, $0x6;
	[bflag:$0x0] =	sbarrier.arrive $0xFFFF;
	p0 =	sne.s32 s3, s16  }
.Ltmp3:
0x86: {  	s23 =	sshrl.u32 s9, $0x3;
	s22 =	sor.u32 $0x1C02, s22;
	(pc) =	sbr.rel @p0 .LBB2_1-.Ltmp3, $4  }
0x87: {  	[hbm:s15], [sflag:s22] =	dma.local [spmem:s23], $0x1400  }
0x88: {  	_ =	swait.ge [sflag:s18], $0x1400  }
0x89: {  	[sflag:s18] =	ssyncset.done $0x0  }
0x8a: {  	[sflag:s18] =	ssyncadd.s32 $0xFFFFEC00  }
0x8b: {  	_ =	sfence.sel $0x180000  }
0x8c: {  	[bflag:$0x0] =	sbarrier.arrive $0xFFFF  }
0x8d: {  	p0 =	sne.s32 s1, $0x0;
	_ =	strace $0x90000056  }
0x8e: {  	s0 =	sadd.s32 @!p0 $0x100000, s0;
	[bflag:$0x2] =	sbarrier.arrive $0xFFFF  }
0x8f: {  	[sflag:s0] =	ssyncadd.tile.s32 @!p0 $0x1;
	_ =	shalt  }
.Lfunc_end2:
_tile_overlayer_lowered:
.L_overlay_start_2:
0x90: {  	(tag) =	ssettag $0x2  }
0x91: {  	s0 =	rddreg [dreg:$0x0];
	s2 =	stileid.u32  }
0x92: {  	s1 =	rddreg [dreg:$0x1];
	p0 =	sne.s32 s2, $0x0  }
0x93: {  	s3 =	rddreg [dreg:$0x2];
	[bflag:$0x3] =	sbarrier.arrive $0xFFFF;
	s2 =	simm.s32 @!p0 $0x1C02  }
0x94: {  	[timem:s3], [sflag:s2] =	dma.local @!p0 [hbm:s0], s1  }
0x95: {  	s0 =	simm.s32 @!p0 $0x2  }
0x96: {  	_ =	swait.ge @!p0 [sflag:s0], s1  }
0x97: {  	s1 =	ssub.s32 @!p0 $0x0, s1;
	[sflag:s0] =	ssyncset.done @!p0 $0x0  }
0x98: {  	[sflag:s0] =	ssyncadd.s32 @!p0 s1  }
0x99: {  	[bflag:$0x3] =	sbarrier.arrive $0xFFFF  }
0x9a: {  	_ =	shalt  }

// kernel: kernel.33.cloned.1.call-start
scs
__scs_entry_jumppad:
0x0: {  	(pc) =	sbr.rel $0x88, $3  }
0x1: {  	(tag) =	ssettag $0x0;
	lr =	simm.s32 $0x1  }
0x2: {  	[smem:$0x3F91] =	sst lr;
	_ =	strace $0xD0000000  }
0x3: {  	_ = 	snop  }
0x4: {  	_ = 	snop  }
0x5: {  	_ = 	snop  }
0x6: {  	_ = 	snop  }
0x7: {  	_ = 	snop  }
__scs_overlays_trampoline_lowered:
0x8: {  	[smem:$0x3FA0] =	sst s0  }
0x9: {  	[smem:$0x3FA1] =	sst s1  }
0xa: {  	[smem:$0x3FA2] =	sst s2  }
0xb: {  	[smem:$0x3FA3] =	sst s3  }
0xc: {  	[smem:$0x3FA4] =	sst s4  }
0xd: {  	[smem:$0x3FA5] =	sst s5  }
0xe: {  	[smem:$0x3FA6] =	sst s6  }
0xf: {  	[smem:$0x3FA7] =	sst s7  }
0x10: {  	[smem:$0x3FA8] =	sst s8  }
0x11: {  	[smem:$0x3FA9] =	sst s9;
	s0 =	simm.s32 @!p0 $0x0  }
0x12: {  	s1 =	sld [smem:$0x3F8F];
	s0 =	simm.s32 @p0 $0x1  }
0x13: {  	[smem:$0x3FAA] =	sst s0;
	s0 =	simm.s32 @!p1 $0x0  }
0x14: {  	s2 =	sld [smem:$0x3F8E];
	s0 =	simm.s32 @p1 $0x1  }
0x15: {  	[smem:$0x3FAB] =	sst s0;
	s0 =	simm.s32 @!p2 $0x0  }
0x16: {  	s3 =	sld [smem:$0x3FDB];
	s0 =	simm.s32 @p2 $0x1  }
0x17: {  	s4 =	simm.s32 $0x1BF5;
	[smem:$0x3FAD] =	sst s0  }
0x18: {  	s0 =	sld [smem:$0x3F90];
	_ =	swait.ge [sflag:s4], $0x0  }
0x19: {  	s7 =	sld [smem:$0x3F91]  }
0x1a: {  	s8 =	sadd.s32 $0xFFFFE003, lr  }
0x1b: {  	s9 =	sadd.s32 $0xFFFFFEF7, lr;
	s5 =	simm.s32 $0xFFFFFFFF;
	p2 =	slt.u32 s8, $0xFFFFF086  }
0x1c: {  	p1 =	slt.u32 s9, $0xF7A;
	s5 =	simm.s32 @!p2 $0x0  }
0x1d: {  	s5 =	simm.s32 @p1 $0x1;
	p0 =	seq.s32 s7, s2  }
0x1e: {  	s7 =	smul.u32 @!p0 $0xF7A, s2;
	p2 =	seq.s32 @!p0 s5, $0x0  }
0x1f: {  	s9 =	smul.u32 $0xF7A, s1;
	s8 =	simm.s32 @!p0 $0x1BF5;
	p2 =	por !p2, p0  }
0x20: {  	[sflag:s8] =	ssyncset.s32 @!p0 $0xFFFFF086;
	s6 =	sadd.s32 @!p0 s3, s7;
	s7 =	simm.s32 @!p0 $0x108  }
0x21: {  	s3 =	sadd.s32 s3, s9;
	s6 =	sadd.s32 @!p0 $0x88, s6;
	s7 =	simm.s32 @p2 $0x1082  }
0x22: {  	[simem:s7], [sflag:s8] =	dma.local @!p0 [hbm:s6], $0xF7A  }
0x23: {  	s9 =	sor.u32 $0xD0000000, s2;
	s6 =	simm.s32 $0x108;
	_ =	swait.ge @!p0 [sflag:s8], $0x0  }
0x24: {  	s3 =	sadd.s32 $0x88, s3;
	s6 =	simm.s32 @!p1 $0x1082;
	[sflag:s4] =	ssyncset.s32 $0xFFFFF086  }
0x25: {  	[simem:s6], [sflag:s4] =	dma.local [hbm:s3], $0xF7A  }
0x26: {  	[smem:$0x3F91] =	sst s1;
	(tag) =	ssettag s2;
	_ =	strace s9  }
0x27: {  	s1 =	sld [smem:$0x3FA1]  }
0x28: {  	s2 =	sld [smem:$0x3FA2]  }
0x29: {  	s4 =	sld [smem:$0x3FA4]  }
0x2a: {  	p0 =	seq.s32 s5, $0x0;
	s5 =	sld [smem:$0x3FA5]  }
0x2b: {  	s6 =	sld [smem:$0x3FA6]  }
0x2c: {  	s7 =	sld [smem:$0x3FA7]  }
0x2d: {  	s3 =	simm.s32 $0x108;
	s8 =	sld [smem:$0x3FA8]  }
0x2e: {  	s3 =	simm.s32 @!p0 $0x1082;
	s9 =	sld [smem:$0x3FA9]  }
0x2f: {  	lr =	sadd.s32 s0, s3;
	s0 =	sld [smem:$0x3FA0]  }
0x30: {  	s3 =	sld [smem:$0x3FA3]  }
0x31: {  	[smem:$0x3FAC] =	sst s10  }
0x32: {  	s10 =	sld [smem:$0x3FAA];
	_ =	sdelay $0x3  }
0x33: {  	p0 =	seq.s32 s10, $0x1;
	s10 =	sld [smem:$0x3FAC];
	_ =	sdelay $0x3  }
0x34: {  	[smem:$0x3FAC] =	sst s10  }
0x35: {  	s10 =	sld [smem:$0x3FAB];
	_ =	sdelay $0x3  }
0x36: {  	p1 =	seq.s32 s10, $0x1;
	s10 =	sld [smem:$0x3FAC];
	_ =	sdelay $0x3  }
0x37: {  	[smem:$0x3FAC] =	sst s10  }
0x38: {  	s10 =	sld [smem:$0x3FAD]  }
0x39: {  	_ = 	snop;
	(pc) =	sbr.ind lr, $3  }
0x3a: {  	_ = 	snop  }
0x3b: {  	_ = 	snop  }
0x3c: {  	p2 =	seq.s32 s10, $0x1;
	s10 =	sld [smem:$0x3FAC]  }
0x3d: {  	_ =	shalt  }
0x3e: {  	_ =	shalt  }
0x3f: {  	_ =	shalt  }
0x40: {  	_ =	shalt  }
0x41: {  	_ =	shalt  }
0x42: {  	_ =	shalt  }
0x43: {  	_ =	shalt  }
0x44: {  	_ =	shalt  }
0x45: {  	_ =	shalt  }
0x46: {  	_ =	shalt  }
0x47: {  	_ =	shalt  }
0x48: {  	_ =	shalt  }
0x49: {  	_ =	shalt  }
0x4a: {  	_ =	shalt  }
0x4b: {  	_ =	shalt  }
0x4c: {  	_ =	shalt  }
0x4d: {  	_ =	shalt  }
0x4e: {  	_ =	shalt  }
0x4f: {  	_ =	shalt  }
0x50: {  	_ =	shalt  }
0x51: {  	_ =	shalt  }
0x52: {  	_ =	shalt  }
0x53: {  	_ =	shalt  }
0x54: {  	_ =	shalt  }
0x55: {  	_ =	shalt  }
0x56: {  	_ =	shalt  }
0x57: {  	_ =	shalt  }
0x58: {  	_ =	shalt  }
0x59: {  	_ =	shalt  }
0x5a: {  	_ =	shalt  }
0x5b: {  	_ =	shalt  }
0x5c: {  	_ =	shalt  }
0x5d: {  	_ =	shalt  }
0x5e: {  	_ =	shalt  }
0x5f: {  	_ =	shalt  }
0x60: {  	_ =	shalt  }
0x61: {  	_ =	shalt  }
0x62: {  	_ =	shalt  }
0x63: {  	_ =	shalt  }
0x64: {  	_ =	shalt  }
0x65: {  	_ =	shalt  }
0x66: {  	_ =	shalt  }
0x67: {  	_ =	shalt  }
0x68: {  	_ =	shalt  }
0x69: {  	_ =	shalt  }
0x6a: {  	_ =	shalt  }
0x6b: {  	_ =	shalt  }
0x6c: {  	_ =	shalt  }
0x6d: {  	_ =	shalt  }
0x6e: {  	_ =	shalt  }
0x6f: {  	_ =	shalt  }
0x70: {  	_ =	shalt  }
0x71: {  	_ =	shalt  }
0x72: {  	_ =	shalt  }
0x73: {  	_ =	shalt  }
0x74: {  	_ =	shalt  }
0x75: {  	_ =	shalt  }
0x76: {  	_ =	shalt  }
0x77: {  	_ =	shalt  }
0x78: {  	_ =	shalt  }
0x79: {  	_ =	shalt  }
0x7a: {  	_ =	shalt  }
0x7b: {  	_ =	shalt  }
0x7c: {  	_ =	shalt  }
0x7d: {  	_ =	shalt  }
0x7e: {  	_ =	shalt  }
0x7f: {  	_ =	shalt  }
0x80: {  	_ =	shalt  }
0x81: {  	_ =	shalt  }
0x82: {  	_ =	shalt  }
0x83: {  	_ =	shalt  }
0x84: {  	_ =	shalt  }
0x85: {  	_ =	shalt  }
0x86: {  	_ =	shalt  }
0x87: {  	_ =	shalt  }
.Lfunc_end0:
.L_simem_size_0:
called_computation.6_lowered:
.L_overlay_start_0:
0x88: {  	s2 =	sld [smem:$0x3FD9]  }
0x89: {  	s3 =	sld [smem:$0x3FFE];
	_ =	sdelay $0x1  }
0x8a: {  	s1 =	srdreg.scid  }
0x8b: {  	s0 =	sand.u32 $0x1, s1  }
0x8c: {  	s14 =	sshll.u32 s0, $0xA;
	s2 =	sadd.s32 s3, s2  }
0x8d: {  	s2 =	sadd.s32 s2, s14  }
0x8e: {  	[smem:$0x3FB8] =	sst s2  }
0x8f: {  	_ = 	snop  }
0x90: {  	s2 =	sld [smem:$0x3FD0];
	_ =	sdelay $0x2  }
0x91: {  	s15 =	simm.s32 $0xA;
	s4 =	simm.s32 $0x10  }
0x92: {  	[smem:s4], [sflag:s15] =	dma.local [hbm:s2], $0x1  }
0x93: {  	_ =	swait.eq [sflag:s15], $0x1  }
0x94: {  	[sflag:s15] =	ssyncset.done $0x0  }
0x95: {  	[sflag:s15] =	ssyncadd.s32 $0xFFFFFFFF  }
0x96: {  	s16 =	sld [smem:$0x10];
	(tm) =	ssettm $0x1  }
0x97: {  	s17 =	sld [smem:$0x3FFB];
	_ =	sdelay $0x3  }
0x98: {  	_ =	strace s17  }
0x99: {  	s3 =	sld [smem:$0x3FFC];
	_ =	sdelay $0x3  }
0x9a: {  	_ =	strace s3  }
0x9b: {  	s3 =	sld [smem:$0x3FFD];
	_ =	sdelay $0x3  }
0x9c: {  	_ =	strace s3  }
0x9d: {  	_ =	strace $0x8FFFFFFF  }
0x9e: {  	s18 =	sld [smem:$0x3FDB];
	_ =	sdelay $0x1  }
0x9f: {  	s19 =	simm.s32 $_scs_section_size  }
0xa0: {  	s5 =	simm.s32 $_size__tile_overlayer_lowered;
	s6 =	simm.s32 $_tile_overlayer_lowered  }
0xa1: {  	s22 =	simm.s32 $0x1BFF;
	s21 =	sshll.u32 s6, $0x1;
	s3 =	sadd.s32 s19, s18  }
0xa2: {  	s7 =	simm.s32 $0x0;
	s20 =	sshll.u32 s5, $0x1;
	s5 =	sadd.s32 s21, s3  }
0xa3: {  	[timem:s7], [sflag:s22] =	dma.local [hbm:s5], s20  }
0xa4: {  	_ =	swait.ge [sflag:s22], s20  }
0xa5: {  	s4 =	ssub.s32 $0x0, s20;
	[sflag:s22] =	ssyncset.done $0x0  }
0xa6: {  	[sflag:s22] =	ssyncadd.s32 s4;
	_ =	sdelay $0x1  }
0xa7: {  	s23 =	simm.s32 $0x1B8B  }
0xa8: {  	_ =	swait.ge [sflag:s23], $0x1  }
0xa9: {  	[sflag:s23] =	ssyncset.done $0x0  }
0xaa: {  	s25 =	simm.s32 $0x1B8E;
	s24 =	sld [smem:$0x3FFE];
	[sflag:s23] =	ssyncadd.s32 $0xFFFFFFFF  }
0xab: {  	s26 =	simm.s32 $execute0_lowered;
	[smem:$0x3FD2] =	sst s25  }
0xac: {  	s5 =	sshll.u32 s26, $0x1;
	_ =	strace $0x80000058;
	[dreg:$0x1] =	wrdreg $0xFFFFFFFF  }
0xad: {  	s28 =	simm.s32 $_size_execute0_lowered;
	s3 =	sadd.s32 s3, s5;
	[dreg:$0x0] =	wrdreg $0x0  }
0xae: {  	s5 =	sshll.u32 s28, $0x1;
	[dreg:$0x2] =	wrdreg s3  }
0xaf: {  	[dreg:$0x3] =	wrdreg s5  }
0xb0: {  	[dreg:$0x4] =	wrdreg $0xC0  }
0xb1: {  	_ =	task [dreg:s7], $0x5FFFF  }
0xb2: {  	[dreg:$0x1] =	wrdreg $0xFFFFFFFF  }
0xb3: {  	[dreg:$0x0] =	wrdreg $0x60  }
0xb4: {  	[dreg:$0x2] =	wrdreg s24  }
0xb5: {  	[dreg:$0x3] =	wrdreg s16  }
0xb6: {  	[dreg:$0x4] =	wrdreg $0x14B400  }
0xb7: {  	[dreg:$0x5] =	wrdreg $0x9  }
0xb8: {  	_ =	task.clear_ibuf [dreg:s7], $0x6FFFF;
	_ =	strace $0x90000058  }
0xb9: {  	s29 =	simm.s32 $0x9;
	_ =	strace $0x8000005A  }
0xba: {  	_ =	swait.ge [sflag:s29], $0x1  }
0xbb: {  	[sflag:s29] =	ssyncadd.s32 $0xFFFFFFFF  }
0xbc: {  	_ =	strace $0x9000005A  }
0xbd: {  	_ =	sfence  }
0xbe: {  	s30 =	sld [smem:$0x0];
	_ =	sdelay $0x2  }
0xbf: {  	s31 =	sshll.u32 s1, $0xD;
	s1 =	sshrl.u32 s1, $0x2  }
0xc0: {  	s3 =	sand.u32 $0x4000, s31;
	s1 =	sadd.s32 s1, s30  }
0xc1: {  	s0 =	sor.u32 s3, s0;
	s1 =	sshll.u32 s1, $0x11  }
0xc2: {  	s0 =	sor.u32 s1, s0  }
0xc3: {  	s0 =	sadd.s32 $0x8F2B, s0  }
0xc4: {  	[sflag:s0] =	ssyncadd.remote.s32 $0x1  }
0xc5: {  	_ =	sfence.sel $0xFFFF  }
0xc6: {  	[dreg:$0x0] =	wrdreg $0xFFFFFFFF;
	(pc) =	sbr.abs _section_cstart, $3  }
0xc7: {  	[dreg:$0x1] =	wrdreg $0xFFFFFFFF  }
0xc8: {  	_ =	task.clear_ibuf [dreg:s7], $0x2FFFF;
	_ =	strace $0x9FFFFFFF  }
0xc9: {  	(tm) =	ssettm $0x7FFFFFFF  }
tec
execute0_lowered:
.L_overlay_start_1:
0x0: {  	(tag) =	ssettag $0x1  }
0x1: {  	s9 =	rddreg [dreg:$0x0]  }
0x2: {  	s2 =	rddreg [dreg:$0x1]  }
0x3: {  	s3 =	rddreg [dreg:$0x2]  }
0x4: {  	s0 =	rddreg [dreg:$0x3];
	s1 =	stileid.u32  }
0x5: {  	s5 =	srdreg.scid;
	s4 =	simm.s32 $0x0;
	s16 =	simm.s32 $0x14B00  }
0x6: {  	s17 =	simm.s32 $0x14100;
	s18 =	simm.s32 $0x14900;
	s19 =	simm.s32 $0x80  }
0x7: {  	s20 =	simm.s32 $0x14080;
	s21 =	simm.s32 $0x0;
	s10 =	smul.u32 $0x2800, s1  }
0x8: {  	s11 =	sand.u32 $0x1, s5;
	[smem:$0x7FF] =	sst s4;
	s5 =	sadd.s32 $0x37C00, s9  }
0x9: {  	s6 =	sadd.s32 $0x2DC00, s9;
	s7 =	sadd.s32 $0x3A00, s9;
	s8 =	smul.u32 $0x28000, s11  }
0xa: {  	s31 =	sshll.u32 s1, $0x6;
	_ =	strace $0x80000059;
	s11 =	ssub.s32 $0x2, s11  }
0xb: {  	s12 =	sshrl.u32 s10, $0x3;
	s14 =	sshrl.u32 s11, $0x1;
	s8 =	sadd.s32 s10, s8  }
0xc: {  	s15 =	sadd.s32 s10, s3;
	s12 =	sadd.s32 s12, s9;
	s13 =	sshrl.u32 s8, $0x3  }
0xd: {  	s14 =	ssub.s32 s11, s14;
	s11 =	sor.u32 $0x1C01, s31;
	s13 =	sadd.s32 s13, s9  }
0xe: {  	s10 =	sadd.s32 $0x41C00, s12;
	s9 =	sadd.s32 $0x46C00, s9;
	s12 =	sadd.s32 $0x6200, s13  }
0xf: {  	v0 =	vimm.f32 $0.0e+00;
	v1 =	vlaneseq.u32;
	s13 =	smax.u32 s14, $0x1;
	s14 =	sshrl.u32 s15, $0x3;
	s15 =	simm.s32 $0x1  }
.LBB2_1:
0x10: {  	[spmem:s14], [sflag:s11] =	dma.local [hbm:s10], $0x500  }
0x11: {  	_ =	swait.ge [sflag:s15], $0x500  }
0x12: {  	[sflag:s15] =	ssyncset.done $0x0  }
0x13: {  	[sflag:s15] =	ssyncadd.s32 $0xFFFFFB00  }
0x14: {  	[tilespmem:s4], [sflag:$0x1] =	stream.linear.gather [hbm4b:s7+s4], $0x14000, $0x38;
	[tilespmem:$0x17340] =	vst v63  }
0x15: {  	_ =	swait.ge [sflag:s15], $0x14000  }
0x16: {  	[sflag:s15] =	ssyncset.done $0x0  }
0x17: {  	[sflag:s15] =	ssyncadd.s32 $0xFFFEC000  }
0x18: {  	[tilespmem:s16], [sflag:$0x1] =	stream.linear.gather [hbm4b:s2+s4], $0x40, $0x38;
	[tilespmem:$0x17340] =	vst v63  }
0x19: {  	_ =	swait.ge [sflag:s15], $0x40  }
0x1a: {  	[sflag:s15] =	ssyncset.done $0x0  }
0x1b: {  	s22 =	simm.s32 $0x40;
	s23 =	simm.s32 $0x0;
	[sflag:s15] =	ssyncadd.s32 $0xFFFFFFC0  }
.LBB2_2:
0x1c: {  	p0 =	sne.s32 s22, $0x1FC0;
	[tilespmem:s23+$0x14100] =	vst v0;
	s23 =	smov.u32 s22;
	s22 =	sadd.s32 $0x40, s22  }
.Ltmp0:
0x1d: {  	(pc) =	sbr.rel @p0 .LBB2_2-.Ltmp0, $2  }
0x1e: {  	_ =	sdelay $0x2  }
0x1f: {  	s23 =	sshra.s32 s23, $0x2  }
0x20: {  	[tilespmem:s23+$0x14100] =	vst v0  }
0x21: {  	s22 =	simm.s32 $0x0;
	s23 =	simm.s32 $0x0;
	[bflag:$0x0] =	sbarrier.arrive $0xFFFF  }
.LBB2_4:
0x22: {  	s24 =	sshll.u32 s23, $0x7  }
0x23: {  	s24 =	sadd.s32 s8, s24  }
0x24: {  	s26 =	sshrl.u32 s24, $0x3  }
0x25: {  	s25 =	simm.s32 $0x14000;
	s28 =	sadd.s32 s5, s26  }
0x26: {  	[tilespmem:s25], [sflag:$0x1] =	stream.linear.gather [hbm4b:s28+s22], $0x80, $0x38;
	[tilespmem:$0x17340] =	vst v63  }
0x27: {  	_ =	swait.ge [sflag:s15], $0x80  }
0x28: {  	[sflag:s15] =	ssyncset.done $0x0  }
0x29: {  	s28 =	sadd.s32 s6, s26;
	s26 =	simm.s32 $0x14080;
	[sflag:s15] =	ssyncadd.s32 $0xFFFFFF80  }
0x2a: {  	[tilespmem:s26], [sflag:$0x1] =	stream.linear.gather [hbm4b:s28+s22], $0x80, $0x38;
	[tilespmem:$0x17340] =	vst v63  }
0x2b: {  	_ =	swait.ge [sflag:s15], $0x80  }
0x2c: {  	[sflag:s15] =	ssyncset.done $0x0  }
0x2d: {  	[sflag:s15] =	ssyncadd.s32 $0xFFFFFF80  }
0x2e: {  	v2 =	vld [tilespmem:s26+$0x0]  }
0x2f: {  	v3 =	vld [tilespmem:s25+$0x0];
	_ =	sdelay $0x4  }
0x30: {  	v2 =	vshll.u32 v2, $0x3;
	v3 =	vshll.u32 v3, $0x3  }
0x31: {  	v4 =	vor.u32 $0x4, v2;
	_ =	sdelay $0x3  }
0x32: {  	v5 =	vld.idx.msk [tilespmem:v3+s4+$0x0], $0xffff  }
0x33: {  	v4 =	vld.idx.msk [tilespmem:v4+s4+$0x0], $0xffff;
	_ =	sdelay $0x4  }
0x34: {  	v4 =	vadd.f32 v4, v5;
	v5 =	vld [tilespmem:$0x14B00];
	_ =	sdelay $0x1  }
0x35: {  	v6 =	vmul.f32 $2.000000030e-01, v4;
	_ =	sdelay $0x1  }
0x36: {  	v4 =	vmax.f32 v4, v6  }
0x37: {  	v4 =	vsub.f32 v4, v5;
	_ =	sdelay $0x1  }
0x38: {  	v4 =	vmul.f32 $1.442695020e+00, v4;
	_ =	sdelay $0x1  }
0x39: {  	(erf) = vpow2.f32 v4;
	_ =	sdelay $0x3  }
0x3a: {  	v4 =	vor.u32 s22, v1  }
0x3b: {  	v5 =	vshll.u32 v4, $0x4  }
0x3c: {  	v4 =	vshll.u32 v4, $0x2  }
0x3d: {  	v53 =	vor.u32 $0x1, v3  }
0x3e: {  	v7 =	vor.u32 $0x5, v2  }
0x3f: {  	v8 =	vpop (erf)  }
0x40: {  	[tilespmem:v5+s17+$0x0] =	vst.idx.msk $0xffff, v8  }
0x41: {  	[tilespmem:v4+s18+$0x0] =	vst.idx.msk $0xffff, v8  }
0x42: {  	v6 =	vld.idx.msk [tilespmem:v53+s4+$0x0], $0xffff  }
0x43: {  	v7 =	vld.idx.msk [tilespmem:v7+s4+$0x0], $0xffff;
	_ =	sdelay $0x4  }
0x44: {  	v54 =	vld [tilespmem:$0x14B10];
	v6 =	vadd.f32 v7, v6;
	_ =	sdelay $0x1  }
0x45: {  	v55 =	vmul.f32 $2.000000030e-01, v6;
	_ =	sdelay $0x1  }
0x46: {  	v6 =	vmax.f32 v6, v55  }
0x47: {  	v6 =	vsub.f32 v6, v54;
	_ =	sdelay $0x1  }
0x48: {  	v6 =	vmul.f32 $1.442695020e+00, v6;
	_ =	sdelay $0x1  }
0x49: {  	(erf) = vpow2.f32 v6;
	_ =	sdelay $0x4  }
0x4a: {  	v56 =	vor.u32 $0x1, v5  }
0x4b: {  	v57 =	vor.u32 $0x1, v4  }
0x4c: {  	v58 =	vor.u32 $0x2, v3  }
0x4d: {  	v9 =	vor.u32 $0x6, v2  }
0x4e: {  	v10 =	vpop (erf)  }
0x4f: {  	[tilespmem:v56+s17+$0x0] =	vst.idx.msk $0xffff, v10  }
0x50: {  	[tilespmem:v57+s18+$0x0] =	vst.idx.msk $0xffff, v10  }
0x51: {  	v6 =	vld.idx.msk [tilespmem:v58+s4+$0x0], $0xffff  }
0x52: {  	v7 =	vld.idx.msk [tilespmem:v9+s4+$0x0], $0xffff;
	_ =	sdelay $0x4  }
0x53: {  	v59 =	vld [tilespmem:$0x14B20];
	v6 =	vadd.f32 v7, v6;
	_ =	sdelay $0x1  }
0x54: {  	v60 =	vmul.f32 $2.000000030e-01, v6;
	_ =	sdelay $0x1  }
0x55: {  	v6 =	vmax.f32 v6, v60  }
0x56: {  	v6 =	vsub.f32 v6, v59;
	_ =	sdelay $0x1  }
0x57: {  	v6 =	vmul.f32 $1.442695020e+00, v6;
	_ =	sdelay $0x1  }
0x58: {  	(erf) = vpow2.f32 v6;
	_ =	sdelay $0x4  }
0x59: {  	v61 =	vor.u32 $0x2, v5  }
0x5a: {  	v62 =	vor.u32 $0x2, v4  }
0x5b: {  	v3 =	vor.u32 $0x3, v3  }
0x5c: {  	v2 =	vor.u32 $0x7, v2  }
0x5d: {  	v63 =	vpop (erf)  }
0x5e: {  	[tilespmem:v61+s17+$0x0] =	vst.idx.msk $0xffff, v63  }
0x5f: {  	[tilespmem:v62+s18+$0x0] =	vst.idx.msk $0xffff, v63  }
0x60: {  	v3 =	vld.idx.msk [tilespmem:v3+s4+$0x0], $0xffff  }
0x61: {  	v2 =	vld.idx.msk [tilespmem:v2+s4+$0x0], $0xffff;
	_ =	sdelay $0x4  }
0x62: {  	v6 =	vld [tilespmem:$0x14B30];
	v2 =	vadd.f32 v2, v3;
	_ =	sdelay $0x1  }
0x63: {  	v3 =	vmul.f32 $2.000000030e-01, v2;
	_ =	sdelay $0x1  }
0x64: {  	v2 =	vmax.f32 v2, v3  }
0x65: {  	v2 =	vsub.f32 v2, v6;
	_ =	sdelay $0x1  }
0x66: {  	v2 =	vmul.f32 $1.442695020e+00, v2;
	_ =	sdelay $0x1  }
0x67: {  	(erf) = vpow2.f32 v2;
	_ =	sdelay $0x4  }
0x68: {  	s28 =	simm.s32 $0x10;
	v3 =	vor.u32 $0x3, v5;
	v2 =	vor.u32 $0x3, v4  }
.LBB2_5:
0x69: {  	_ = 	snop  }
0x6a: {  	p0 =	sne.s32 s28, $0x70;
	s25 =	sadd.s32 $0x10, s25;
	s26 =	sadd.s32 $0x10, s26  }
0x6b: {  	s29 =	smov.u32 s28;
	s28 =	sadd.s32 $0x10, s28  }
0x6c: {  	v4 =	vpop (erf)  }
0x6d: {  	[tilespmem:v3+s17+$0x0] =	vst.idx.msk $0xffff, v4  }
0x6e: {  	[tilespmem:v2+s18+$0x0] =	vst.idx.msk $0xffff, v4  }
0x6f: {  	v2 =	vld [tilespmem:s26+$0x0]  }
0x70: {  	v3 =	vld [tilespmem:s25+$0x0];
	_ =	sdelay $0x3  }
0x71: {  	v2 =	vshll.u32 v2, $0x3  }
0x72: {  	v5 =	vshll.u32 v3, $0x3;
	v3 =	vor.u32 $0x4, v2;
	_ =	sdelay $0x4  }
0x73: {  	v3 =	vld.idx.msk [tilespmem:v3+s4+$0x0], $0xffff  }
0x74: {  	v4 =	vld.idx.msk [tilespmem:v5+s4+$0x0], $0xffff;
	_ =	sdelay $0x5  }
0x75: {  	v3 =	vadd.f32 v3, v4;
	v4 =	vld [tilespmem:$0x14B00];
	_ =	sdelay $0x1  }
0x76: {  	v6 =	vmul.f32 $2.000000030e-01, v3;
	_ =	sdelay $0x1  }
0x77: {  	v3 =	vmax.f32 v3, v6  }
0x78: {  	v3 =	vsub.f32 v3, v4;
	_ =	sdelay $0x1  }
0x79: {  	v3 =	vmul.f32 $1.442695020e+00, v3;
	_ =	sdelay $0x1  }
0x7a: {  	(erf) = vpow2.f32 v3;
	_ =	sdelay $0x3  }
0x7b: {  	v4 =	vor.u32 s29, v1  }
0x7c: {  	v3 =	vshll.u32 v4, $0x4  }
0x7d: {  	v4 =	vshll.u32 v4, $0x2  }
0x7e: {  	v6 =	vor.u32 $0x1, v5  }
0x7f: {  	v7 =	vor.u32 $0x5, v2  }
0x80: {  	v8 =	vpop (erf)  }
0x81: {  	[tilespmem:v3+s17+$0x0] =	vst.idx.msk $0xffff, v8  }
0x82: {  	[tilespmem:v4+s18+$0x0] =	vst.idx.msk $0xffff, v8  }
0x83: {  	v6 =	vld.idx.msk [tilespmem:v6+s4+$0x0], $0xffff  }
0x84: {  	v7 =	vld.idx.msk [tilespmem:v7+s4+$0x0], $0xffff;
	_ =	sdelay $0x5  }
0x85: {  	v6 =	vadd.f32 v7, v6;
	v7 =	vld [tilespmem:$0x14B10];
	_ =	sdelay $0x1  }
0x86: {  	v8 =	vmul.f32 $2.000000030e-01, v6;
	_ =	sdelay $0x1  }
0x87: {  	v6 =	vmax.f32 v6, v8  }
0x88: {  	v6 =	vsub.f32 v6, v7;
	_ =	sdelay $0x1  }
0x89: {  	v6 =	vmul.f32 $1.442695020e+00, v6;
	_ =	sdelay $0x1  }
0x8a: {  	(erf) = vpow2.f32 v6;
	_ =	sdelay $0x4  }
0x8b: {  	v6 =	vor.u32 $0x1, v3  }
0x8c: {  	v7 =	vor.u32 $0x1, v4  }
0x8d: {  	v8 =	vor.u32 $0x2, v5  }
0x8e: {  	v9 =	vor.u32 $0x6, v2  }
0x8f: {  	v10 =	vpop (erf)  }
0x90: {  	[tilespmem:v6+s17+$0x0] =	vst.idx.msk $0xffff, v10  }
0x91: {  	[tilespmem:v7+s18+$0x0] =	vst.idx.msk $0xffff, v10  }
0x92: {  	v6 =	vld.idx.msk [tilespmem:v8+s4+$0x0], $0xffff  }
0x93: {  	v7 =	vld.idx.msk [tilespmem:v9+s4+$0x0], $0xffff;
	_ =	sdelay $0x5  }
0x94: {  	v6 =	vadd.f32 v7, v6;
	v7 =	vld [tilespmem:$0x14B20];
	_ =	sdelay $0x1  }
0x95: {  	v8 =	vmul.f32 $2.000000030e-01, v6;
	_ =	sdelay $0x1  }
0x96: {  	v6 =	vmax.f32 v6, v8  }
0x97: {  	v6 =	vsub.f32 v6, v7;
	_ =	sdelay $0x1  }
0x98: {  	v6 =	vmul.f32 $1.442695020e+00, v6;
	_ =	sdelay $0x1  }
0x99: {  	(erf) = vpow2.f32 v6;
	_ =	sdelay $0x4  }
0x9a: {  	v6 =	vor.u32 $0x2, v3  }
0x9b: {  	v7 =	vor.u32 $0x2, v4  }
0x9c: {  	v2 =	vor.u32 $0x7, v2;
	v5 =	vor.u32 $0x3, v5;
	_ =	sdelay $0x1  }
0x9d: {  	v8 =	vpop (erf)  }
0x9e: {  	[tilespmem:v6+s17+$0x0] =	vst.idx.msk $0xffff, v8  }
0x9f: {  	[tilespmem:v7+s18+$0x0] =	vst.idx.msk $0xffff, v8  }
0xa0: {  	v5 =	vld.idx.msk [tilespmem:v5+s4+$0x0], $0xffff  }
0xa1: {  	v2 =	vld.idx.msk [tilespmem:v2+s4+$0x0], $0xffff  }
0xa2: {  	v6 =	vld [tilespmem:$0x14B30];
	_ =	sdelay $0x4  }
0xa3: {  	v2 =	vadd.f32 v2, v5;
	_ =	sdelay $0x1  }
0xa4: {  	v5 =	vmul.f32 $2.000000030e-01, v2;
	_ =	sdelay $0x1  }
0xa5: {  	v2 =	vmax.f32 v2, v5  }
0xa6: {  	v2 =	vsub.f32 v2, v6;
	_ =	sdelay $0x1  }
0xa7: {  	v2 =	vmul.f32 $1.442695020e+00, v2;
	_ =	sdelay $0x1  }
0xa8: {  	(erf) = vpow2.f32 v2  }
.Ltmp1:
0xa9: {  	(pc) =	sbr.rel @p0 .LBB2_5-.Ltmp1, $3  }
0xaa: {  	_ =	sdelay $0x1  }
0xab: {  	v3 =	vor.u32 $0x3, v3  }
0xac: {  	v2 =	vor.u32 $0x3, v4  }
0xad: {  	_ =	sdelay $0x2  }
0xae: {  	v4 =	vpop (erf)  }
0xaf: {  	s24 =	sshrl.u32 s24, $0x1;
	[tilespmem:v3+s17+$0x0] =	vst.idx.msk $0xffff, v4  }
0xb0: {  	s24 =	sadd.s32 s9, s24;
	[tilespmem:v2+s18+$0x0] =	vst.idx.msk $0xffff, v4  }
0xb1: {  	[hbm4b:s24+s4] =	stream.linear.scatter [tilespmem:s18], [sflag:$0x1], $0x200, $0x38;
	[tilespmem:$0x17340] =	vst v63  }
0xb2: {  	s23 =	sadd.s32 $0x1, s23;
	_ =	swait.ge [sflag:s15], $0x200  }
0xb3: {  	p0 =	sne.s32 s23, $0x50;
	[sflag:s15] =	ssyncset.done $0x0  }
.Ltmp2:
0xb4: {  	[sflag:s15] =	ssyncadd.s32 $0xFFFFFE00;
	(pc) =	sbr.rel @p0 .LBB2_4-.Ltmp2, $4  }
0xb5: {  	[spmem:s3] =	stream.indirect.scatter.add.f32 [tilespmem:s17], [sflag:$0x1], $0x10, s20, s19, $0xb8;
	[tilespmem:$0x17340] =	vst v63  }
0xb6: {  	_ =	swait.ge [sflag:s15], $0x800  }
0xb7: {  	[sflag:s15] =	ssyncset.done $0x0  }
0xb8: {  	[sflag:s15] =	ssyncadd.s32 $0xFFFFF800  }
0xb9: {  	s21 =	sadd.s32 $0x1, s21  }
0xba: {  	p0 =	sne.s32 s21, s13  }
.Ltmp3:
0xbb: {  	[bflag:$0x0] =	sbarrier.arrive $0xFFFF;
	(pc) =	sbr.rel @p0 .LBB2_1-.Ltmp3, $4  }
0xbc: {  	[hbm:s12], [sflag:s11] =	dma.local [spmem:s14], $0x500  }
0xbd: {  	_ =	swait.ge [sflag:s15], $0x500  }
0xbe: {  	[sflag:s15] =	ssyncset.done $0x0  }
0xbf: {  	[sflag:s15] =	ssyncadd.s32 $0xFFFFFB00  }
0xc0: {  	_ =	sfence.sel $0x180000  }
0xc1: {  	[bflag:$0x0] =	sbarrier.arrive $0xFFFF  }
0xc2: {  	p0 =	sne.s32 s1, $0x0;
	_ =	strace $0x90000059  }
0xc3: {  	s0 =	sadd.s32 @!p0 $0x100000, s0;
	[bflag:$0x2] =	sbarrier.arrive $0xFFFF  }
0xc4: {  	[sflag:s0] =	ssyncadd.tile.s32 @!p0 $0x1;
	_ =	shalt  }
.Lfunc_end2:
_tile_overlayer_lowered:
.L_overlay_start_2:
0xc5: {  	(tag) =	ssettag $0x2  }
0xc6: {  	s0 =	rddreg [dreg:$0x0];
	s2 =	stileid.u32  }
0xc7: {  	s1 =	rddreg [dreg:$0x1];
	p0 =	sne.s32 s2, $0x0  }
0xc8: {  	s3 =	rddreg [dreg:$0x2];
	[bflag:$0x3] =	sbarrier.arrive $0xFFFF;
	s2 =	simm.s32 @!p0 $0x1C01  }
0xc9: {  	[timem:s3], [sflag:s2] =	dma.local @!p0 [hbm:s0], s1  }
0xca: {  	s0 =	simm.s32 @!p0 $0x1  }
0xcb: {  	_ =	swait.ge @!p0 [sflag:s0], s1  }
0xcc: {  	s1 =	ssub.s32 @!p0 $0x0, s1;
	[sflag:s0] =	ssyncset.done @!p0 $0x0  }
0xcd: {  	[sflag:s0] =	ssyncadd.s32 @!p0 s1  }
0xce: {  	[bflag:$0x3] =	sbarrier.arrive $0xFFFF  }
0xcf: {  	_ =	shalt  }

// kernel: kernel.36.cloned.1.call-start
scs
__scs_entry_jumppad:
0x0: {  	(pc) =	sbr.rel $0x88, $3  }
0x1: {  	(tag) =	ssettag $0x0;
	lr =	simm.s32 $0x1  }
0x2: {  	[smem:$0x3F91] =	sst lr;
	_ =	strace $0xD0000000  }
0x3: {  	_ = 	snop  }
0x4: {  	_ = 	snop  }
0x5: {  	_ = 	snop  }
0x6: {  	_ = 	snop  }
0x7: {  	_ = 	snop  }
__scs_overlays_trampoline_lowered:
0x8: {  	[smem:$0x3FA0] =	sst s0  }
0x9: {  	[smem:$0x3FA1] =	sst s1  }
0xa: {  	[smem:$0x3FA2] =	sst s2  }
0xb: {  	[smem:$0x3FA3] =	sst s3  }
0xc: {  	[smem:$0x3FA4] =	sst s4  }
0xd: {  	[smem:$0x3FA5] =	sst s5  }
0xe: {  	[smem:$0x3FA6] =	sst s6  }
0xf: {  	[smem:$0x3FA7] =	sst s7  }
0x10: {  	[smem:$0x3FA8] =	sst s8  }
0x11: {  	[smem:$0x3FA9] =	sst s9;
	s0 =	simm.s32 @!p0 $0x0  }
0x12: {  	s1 =	sld [smem:$0x3F8F];
	s0 =	simm.s32 @p0 $0x1  }
0x13: {  	[smem:$0x3FAA] =	sst s0;
	s0 =	simm.s32 @!p1 $0x0  }
0x14: {  	s2 =	sld [smem:$0x3F8E];
	s0 =	simm.s32 @p1 $0x1  }
0x15: {  	[smem:$0x3FAB] =	sst s0;
	s0 =	simm.s32 @!p2 $0x0  }
0x16: {  	s3 =	sld [smem:$0x3FDB];
	s0 =	simm.s32 @p2 $0x1  }
0x17: {  	s4 =	simm.s32 $0x1BF5;
	[smem:$0x3FAD] =	sst s0  }
0x18: {  	s0 =	sld [smem:$0x3F90];
	_ =	swait.ge [sflag:s4], $0x0  }
0x19: {  	s7 =	sld [smem:$0x3F91]  }
0x1a: {  	s8 =	sadd.s32 $0xFFFFE003, lr  }
0x1b: {  	s9 =	sadd.s32 $0xFFFFFEF7, lr;
	s5 =	simm.s32 $0xFFFFFFFF;
	p2 =	slt.u32 s8, $0xFFFFF086  }
0x1c: {  	p1 =	slt.u32 s9, $0xF7A;
	s5 =	simm.s32 @!p2 $0x0  }
0x1d: {  	s5 =	simm.s32 @p1 $0x1;
	p0 =	seq.s32 s7, s2  }
0x1e: {  	s7 =	smul.u32 @!p0 $0xF7A, s2;
	p2 =	seq.s32 @!p0 s5, $0x0  }
0x1f: {  	s9 =	smul.u32 $0xF7A, s1;
	s8 =	simm.s32 @!p0 $0x1BF5;
	p2 =	por !p2, p0  }
0x20: {  	[sflag:s8] =	ssyncset.s32 @!p0 $0xFFFFF086;
	s6 =	sadd.s32 @!p0 s3, s7;
	s7 =	simm.s32 @!p0 $0x108  }
0x21: {  	s3 =	sadd.s32 s3, s9;
	s6 =	sadd.s32 @!p0 $0x88, s6;
	s7 =	simm.s32 @p2 $0x1082  }
0x22: {  	[simem:s7], [sflag:s8] =	dma.local @!p0 [hbm:s6], $0xF7A  }
0x23: {  	s9 =	sor.u32 $0xD0000000, s2;
	s6 =	simm.s32 $0x108;
	_ =	swait.ge @!p0 [sflag:s8], $0x0  }
0x24: {  	s3 =	sadd.s32 $0x88, s3;
	s6 =	simm.s32 @!p1 $0x1082;
	[sflag:s4] =	ssyncset.s32 $0xFFFFF086  }
0x25: {  	[simem:s6], [sflag:s4] =	dma.local [hbm:s3], $0xF7A  }
0x26: {  	[smem:$0x3F91] =	sst s1;
	(tag) =	ssettag s2;
	_ =	strace s9  }
0x27: {  	s1 =	sld [smem:$0x3FA1]  }
0x28: {  	s2 =	sld [smem:$0x3FA2]  }
0x29: {  	s4 =	sld [smem:$0x3FA4]  }
0x2a: {  	p0 =	seq.s32 s5, $0x0;
	s5 =	sld [smem:$0x3FA5]  }
0x2b: {  	s6 =	sld [smem:$0x3FA6]  }
0x2c: {  	s7 =	sld [smem:$0x3FA7]  }
0x2d: {  	s3 =	simm.s32 $0x108;
	s8 =	sld [smem:$0x3FA8]  }
0x2e: {  	s3 =	simm.s32 @!p0 $0x1082;
	s9 =	sld [smem:$0x3FA9]  }
0x2f: {  	lr =	sadd.s32 s0, s3;
	s0 =	sld [smem:$0x3FA0]  }
0x30: {  	s3 =	sld [smem:$0x3FA3]  }
0x31: {  	[smem:$0x3FAC] =	sst s10  }
0x32: {  	s10 =	sld [smem:$0x3FAA];
	_ =	sdelay $0x3  }
0x33: {  	p0 =	seq.s32 s10, $0x1;
	s10 =	sld [smem:$0x3FAC];
	_ =	sdelay $0x3  }
0x34: {  	[smem:$0x3FAC] =	sst s10  }
0x35: {  	s10 =	sld [smem:$0x3FAB];
	_ =	sdelay $0x3  }
0x36: {  	p1 =	seq.s32 s10, $0x1;
	s10 =	sld [smem:$0x3FAC];
	_ =	sdelay $0x3  }
0x37: {  	[smem:$0x3FAC] =	sst s10  }
0x38: {  	s10 =	sld [smem:$0x3FAD]  }
0x39: {  	_ = 	snop;
	(pc) =	sbr.ind lr, $3  }
0x3a: {  	_ = 	snop  }
0x3b: {  	_ = 	snop  }
0x3c: {  	p2 =	seq.s32 s10, $0x1;
	s10 =	sld [smem:$0x3FAC]  }
0x3d: {  	_ =	shalt  }
0x3e: {  	_ =	shalt  }
0x3f: {  	_ =	shalt  }
0x40: {  	_ =	shalt  }
0x41: {  	_ =	shalt  }
0x42: {  	_ =	shalt  }
0x43: {  	_ =	shalt  }
0x44: {  	_ =	shalt  }
0x45: {  	_ =	shalt  }
0x46: {  	_ =	shalt  }
0x47: {  	_ =	shalt  }
0x48: {  	_ =	shalt  }
0x49: {  	_ =	shalt  }
0x4a: {  	_ =	shalt  }
0x4b: {  	_ =	shalt  }
0x4c: {  	_ =	shalt  }
0x4d: {  	_ =	shalt  }
0x4e: {  	_ =	shalt  }
0x4f: {  	_ =	shalt  }
0x50: {  	_ =	shalt  }
0x51: {  	_ =	shalt  }
0x52: {  	_ =	shalt  }
0x53: {  	_ =	shalt  }
0x54: {  	_ =	shalt  }
0x55: {  	_ =	shalt  }
0x56: {  	_ =	shalt  }
0x57: {  	_ =	shalt  }
0x58: {  	_ =	shalt  }
0x59: {  	_ =	shalt  }
0x5a: {  	_ =	shalt  }
0x5b: {  	_ =	shalt  }
0x5c: {  	_ =	shalt  }
0x5d: {  	_ =	shalt  }
0x5e: {  	_ =	shalt  }
0x5f: {  	_ =	shalt  }
0x60: {  	_ =	shalt  }
0x61: {  	_ =	shalt  }
0x62: {  	_ =	shalt  }
0x63: {  	_ =	shalt  }
0x64: {  	_ =	shalt  }
0x65: {  	_ =	shalt  }
0x66: {  	_ =	shalt  }
0x67: {  	_ =	shalt  }
0x68: {  	_ =	shalt  }
0x69: {  	_ =	shalt  }
0x6a: {  	_ =	shalt  }
0x6b: {  	_ =	shalt  }
0x6c: {  	_ =	shalt  }
0x6d: {  	_ =	shalt  }
0x6e: {  	_ =	shalt  }
0x6f: {  	_ =	shalt  }
0x70: {  	_ =	shalt  }
0x71: {  	_ =	shalt  }
0x72: {  	_ =	shalt  }
0x73: {  	_ =	shalt  }
0x74: {  	_ =	shalt  }
0x75: {  	_ =	shalt  }
0x76: {  	_ =	shalt  }
0x77: {  	_ =	shalt  }
0x78: {  	_ =	shalt  }
0x79: {  	_ =	shalt  }
0x7a: {  	_ =	shalt  }
0x7b: {  	_ =	shalt  }
0x7c: {  	_ =	shalt  }
0x7d: {  	_ =	shalt  }
0x7e: {  	_ =	shalt  }
0x7f: {  	_ =	shalt  }
0x80: {  	_ =	shalt  }
0x81: {  	_ =	shalt  }
0x82: {  	_ =	shalt  }
0x83: {  	_ =	shalt  }
0x84: {  	_ =	shalt  }
0x85: {  	_ =	shalt  }
0x86: {  	_ =	shalt  }
0x87: {  	_ =	shalt  }
.Lfunc_end0:
.L_simem_size_0:
called_computation.7_lowered:
.L_overlay_start_0:
0x88: {  	s2 =	sld [smem:$0x3FD9]  }
0x89: {  	s3 =	sld [smem:$0x3FFE];
	_ =	sdelay $0x1  }
0x8a: {  	s1 =	srdreg.scid  }
0x8b: {  	s0 =	sand.u32 $0x1, s1  }
0x8c: {  	s16 =	sshll.u32 s0, $0xA;
	s2 =	sadd.s32 s3, s2  }
0x8d: {  	s2 =	sadd.s32 s2, s16  }
0x8e: {  	[smem:$0x3FB8] =	sst s2  }
0x8f: {  	_ = 	snop  }
0x90: {  	(tm) =	ssettm $0x1  }
0x91: {  	s17 =	sld [smem:$0x3FFB];
	_ =	sdelay $0x3  }
0x92: {  	_ =	strace s17  }
0x93: {  	s2 =	sld [smem:$0x3FFC];
	_ =	sdelay $0x3  }
0x94: {  	_ =	strace s2  }
0x95: {  	s2 =	sld [smem:$0x3FFD];
	_ =	sdelay $0x3  }
0x96: {  	_ =	strace s2  }
0x97: {  	_ =	strace $0x8FFFFFFF  }
0x98: {  	s18 =	sld [smem:$0x3FDB];
	_ =	sdelay $0x1  }
0x99: {  	s19 =	simm.s32 $_scs_section_size  }
0x9a: {  	s4 =	simm.s32 $_size__tile_overlayer_lowered;
	s5 =	simm.s32 $_tile_overlayer_lowered  }
0x9b: {  	s22 =	simm.s32 $0x1BFF;
	s21 =	sshll.u32 s5, $0x1;
	s2 =	sadd.s32 s19, s18  }
0x9c: {  	s6 =	simm.s32 $0x0;
	s20 =	sshll.u32 s4, $0x1;
	s4 =	sadd.s32 s21, s2  }
0x9d: {  	[timem:s6], [sflag:s22] =	dma.local [hbm:s4], s20  }
0x9e: {  	_ =	swait.ge [sflag:s22], s20  }
0x9f: {  	s3 =	ssub.s32 $0x0, s20;
	[sflag:s22] =	ssyncset.done $0x0  }
0xa0: {  	[sflag:s22] =	ssyncadd.s32 s3;
	_ =	sdelay $0x1  }
0xa1: {  	s23 =	simm.s32 $0x1B8B  }
0xa2: {  	_ =	swait.ge [sflag:s23], $0x1  }
0xa3: {  	[sflag:s23] =	ssyncset.done $0x0  }
0xa4: {  	s25 =	simm.s32 $0x1B8E;
	s24 =	sld [smem:$0x3FFE];
	[sflag:s23] =	ssyncadd.s32 $0xFFFFFFFF  }
0xa5: {  	s26 =	simm.s32 $execute0_lowered;
	[smem:$0x3FD2] =	sst s25  }
0xa6: {  	s4 =	sshll.u32 s26, $0x1;
	_ =	strace $0x8000005B;
	[dreg:$0x1] =	wrdreg $0xFFFFFFFF  }
0xa7: {  	s28 =	simm.s32 $_size_execute0_lowered;
	s2 =	sadd.s32 s2, s4;
	[dreg:$0x0] =	wrdreg $0x0  }
0xa8: {  	s4 =	sshll.u32 s28, $0x1;
	[dreg:$0x2] =	wrdreg s2  }
0xa9: {  	[dreg:$0x3] =	wrdreg s4  }
0xaa: {  	[dreg:$0x4] =	wrdreg $0xC0  }
0xab: {  	_ =	task [dreg:s6], $0x5FFFF  }
0xac: {  	[dreg:$0x1] =	wrdreg $0xFFFFFFFF  }
0xad: {  	[dreg:$0x0] =	wrdreg $0x60  }
0xae: {  	[dreg:$0x2] =	wrdreg s24  }
0xaf: {  	[dreg:$0x3] =	wrdreg $0x9  }
0xb0: {  	_ =	task.clear_ibuf [dreg:s6], $0x4FFFF;
	_ =	strace $0x9000005B  }
0xb1: {  	s29 =	simm.s32 $0x9;
	_ =	strace $0x8000005D  }
0xb2: {  	_ =	swait.ge [sflag:s29], $0x1  }
0xb3: {  	[sflag:s29] =	ssyncadd.s32 $0xFFFFFFFF  }
0xb4: {  	_ =	strace $0x9000005D  }
0xb5: {  	_ =	sfence  }
0xb6: {  	s30 =	sld [smem:$0x0];
	_ =	sdelay $0x2  }
0xb7: {  	s31 =	sshll.u32 s1, $0xD;
	s1 =	sshrl.u32 s1, $0x2  }
0xb8: {  	s3 =	sand.u32 $0x4000, s31;
	s1 =	sadd.s32 s1, s30  }
0xb9: {  	s0 =	sor.u32 s3, s0;
	s1 =	sshll.u32 s1, $0x11  }
0xba: {  	s0 =	sor.u32 s1, s0  }
0xbb: {  	s0 =	sadd.s32 $0x8F2B, s0  }
0xbc: {  	[sflag:s0] =	ssyncadd.remote.s32 $0x1  }
0xbd: {  	_ =	sfence.sel $0xFFFF  }
0xbe: {  	[dreg:$0x0] =	wrdreg $0xFFFFFFFF;
	(pc) =	sbr.abs _section_cstart, $3  }
0xbf: {  	[dreg:$0x1] =	wrdreg $0xFFFFFFFF  }
0xc0: {  	_ =	task.clear_ibuf [dreg:s6], $0x2FFFF;
	_ =	strace $0x9FFFFFFF  }
0xc1: {  	(tm) =	ssettm $0x7FFFFFFF  }
tec
execute0_lowered:
.L_overlay_start_1:
0x0: {  	(tag) =	ssettag $0x1  }
0x1: {  	s6 =	rddreg [dreg:$0x0]  }
0x2: {  	s0 =	rddreg [dreg:$0x1];
	s1 =	simm.s32 $0x0  }
0x3: {  	s2 =	srdreg.scid;
	s11 =	simm.s32 $0x80;
	s12 =	simm.s32 $0xA280  }
0x4: {  	s13 =	simm.s32 $0x0;
	[smem:$0x7FF] =	sst s1;
	s4 =	sand.u32 $0x1, s2  }
0x5: {  	s2 =	stileid.u32;
	s3 =	sadd.s32 $0x2DC00, s6;
	s7 =	smul.u32 $0x28000, s4  }
0x6: {  	s5 =	sadd.s32 $0x41C00, s6;
	s8 =	ssub.s32 $0x2, s4;
	s9 =	smul.u32 $0x2800, s2  }
0x7: {  	_ =	strace $0x8000005C;
	s4 =	sadd.s32 $0x46C00, s6;
	s10 =	sshrl.u32 s8, $0x1  }
0x8: {  	v0 =	vlaneseq.u32;
	s6 =	sadd.s32 $0x3A00, s6;
	s8 =	ssub.s32 s8, s10;
	s7 =	sadd.s32 s9, s7  }
0x9: {  	v0 =	vmul.u32 $0x4, v0;
	s9 =	simm.s32 $0x280;
	s10 =	simm.s32 $0x1;
	s8 =	smax.u32 s8, $0x1  }
.LBB2_1:
0xa: {  	[tilespmem:s9], [sflag:$0x1] =	stream.linear.gather [hbm4b:s5+s1], $0xA000, $0x38;
	[tilespmem:$0xA480] =	vst v63  }
0xb: {  	_ =	swait.ge [sflag:s10], $0xA000  }
0xc: {  	[sflag:s10] =	ssyncset.done $0x0  }
0xd: {  	s14 =	simm.s32 $0x0;
	[sflag:s10] =	ssyncadd.s32 $0xFFFF6000  }
.LBB2_2:
0xe: {  	s15 =	sshll.u32 s14, $0x7  }
0xf: {  	s15 =	sadd.s32 s15, s7  }
0x10: {  	s16 =	sshrl.u32 s15, $0x3  }
0x11: {  	s17 =	sadd.s32 s3, s16;
	s16 =	simm.s32 $0x0  }
0x12: {  	[tilespmem:s16], [sflag:$0x1] =	stream.linear.gather [hbm4b:s17+s16], $0x80, $0x38;
	[tilespmem:$0xA480] =	vst v63  }
0x13: {  	_ =	swait.ge [sflag:s10], $0x80  }
0x14: {  	s15 =	sshrl.u32 s15, $0x1;
	v1 =	vmov s16;
	[sflag:s10] =	ssyncset.done $0x0  }
0x15: {  	s31 =	sadd.s32 s4, s15;
	v1 =	vshll.u32 v1, $0x2;
	[sflag:s10] =	ssyncadd.s32 $0xFFFFFF80  }
0x16: {  	v1 =	vor.u32 v0, v1;
	[tilespmem:s11], [sflag:$0x1] =	stream.linear.gather [hbm4b:s31+s16], $0x200, $0x38;
	[tilespmem:$0xA480] =	vst v63  }
0x17: {  	_ =	swait.ge [sflag:s10], $0x200  }
0x18: {  	[sflag:s10] =	ssyncset.done $0x0  }
0x19: {  	[sflag:s10] =	ssyncadd.s32 $0xFFFFFE00  }
0x1a: {  	s17 =	simm.s32 $0x10;
	v2 =	vld [tilespmem:s16+$0x0]  }
.LBB2_3:
0x1b: {  	p0 =	sne.s32 s17, $0x70;
	v3 =	vld.idx.msk [tilespmem:v1+s11+$0x0], $0xffff;
	_ =	sdelay $0x3  }
0x1c: {  	v2 =	vshll.u32 v2, $0x2;
	_ =	sdelay $0x4  }
0x1d: {  	v4 =	vld.idx.msk [tilespmem:v2+s9+$0x0], $0xffff;
	_ =	sdelay $0x5  }
0x1e: {  	v4 =	vadd.f32 $9.999999710e-10, v4;
	_ =	sdelay $0x1  }
0x1f: {  	(erf) = vrcp.f32 v4;
	_ =	sdelay $0x7  }
0x20: {  	v4 =	vor.u32 $0x1, v2  }
0x21: {  	v5 =	vpop (erf)  }
0x22: {  	v3 =	vmul.f32 v5, v3;
	_ =	sdelay $0x1  }
0x23: {  	[tilespmem:v1+s12+$0x0] =	vst.idx.msk $0xffff, v3  }
0x24: {  	v3 =	vld.idx.msk [tilespmem:v4+s9+$0x0], $0xffff;
	_ =	sdelay $0x5  }
0x25: {  	v3 =	vadd.f32 $9.999999710e-10, v3  }
0x26: {  	v4 =	vor.u32 $0x1, v1  }
0x27: {  	(erf) = vrcp.f32 v3;
	_ =	sdelay $0x3  }
0x28: {  	v3 =	vld.idx.msk [tilespmem:v4+s11+$0x0], $0xffff;
	_ =	sdelay $0x3  }
0x29: {  	v5 =	vor.u32 $0x2, v2  }
0x2a: {  	v6 =	vpop (erf)  }
0x2b: {  	v3 =	vmul.f32 v6, v3;
	_ =	sdelay $0x1  }
0x2c: {  	[tilespmem:v4+s12+$0x0] =	vst.idx.msk $0xffff, v3  }
0x2d: {  	v3 =	vld.idx.msk [tilespmem:v5+s9+$0x0], $0xffff;
	_ =	sdelay $0x5  }
0x2e: {  	v3 =	vadd.f32 $9.999999710e-10, v3  }
0x2f: {  	v4 =	vor.u32 $0x2, v1  }
0x30: {  	(erf) = vrcp.f32 v3;
	_ =	sdelay $0x3  }
0x31: {  	v3 =	vld.idx.msk [tilespmem:v4+s11+$0x0], $0xffff;
	_ =	sdelay $0x3  }
0x32: {  	v2 =	vor.u32 $0x3, v2  }
0x33: {  	v5 =	vor.u32 $0x3, v1;
	v1 =	vpop (erf)  }
0x34: {  	v1 =	vmul.f32 v1, v3;
	_ =	sdelay $0x1  }
0x35: {  	[tilespmem:v4+s12+$0x0] =	vst.idx.msk $0xffff, v1  }
0x36: {  	v1 =	vld.idx.msk [tilespmem:v2+s9+$0x0], $0xffff  }
0x37: {  	v2 =	vld.idx.msk [tilespmem:v5+s11+$0x0], $0xffff;
	_ =	sdelay $0x4  }
0x38: {  	v1 =	vadd.f32 $9.999999710e-10, v1;
	_ =	sdelay $0x1  }
0x39: {  	(erf) = vrcp.f32 v1;
	_ =	sdelay $0x6  }
0x3a: {  	v1 =	vmov s17  }
0x3b: {  	v1 =	vshll.u32 v1, $0x2  }
.Ltmp0:
0x3c: {  	v1 =	vor.u32 v0, v1;
	v3 =	vpop (erf);
	(pc) =	sbr.rel @p0 .LBB2_3-.Ltmp0, $3  }
0x3d: {  	v2 =	vmul.f32 v3, v2;
	_ =	sdelay $0x1  }
0x3e: {  	s16 =	sadd.s32 $0x10, s16;
	[tilespmem:v5+s12+$0x0] =	vst.idx.msk $0xffff, v2  }
0x3f: {  	s17 =	sadd.s32 $0x10, s17;
	v2 =	vld [tilespmem:s16+$0x0]  }
0x40: {  	_ =	sdelay $0x3  }
0x41: {  	v2 =	vshll.u32 v2, $0x2;
	_ =	sdelay $0x4  }
0x42: {  	v3 =	vld.idx.msk [tilespmem:v2+s9+$0x0], $0xffff;
	_ =	sdelay $0x4  }
0x43: {  	v3 =	vadd.f32 $9.999999710e-10, v3;
	_ =	sdelay $0x1  }
0x44: {  	(erf) = vrcp.f32 v3;
	_ =	sdelay $0x4  }
0x45: {  	v3 =	vld.idx.msk [tilespmem:v1+s11+$0x0], $0xffff;
	_ =	sdelay $0x2  }
0x46: {  	v4 =	vor.u32 $0x1, v2  }
0x47: {  	v5 =	vpop (erf)  }
0x48: {  	v3 =	vmul.f32 v5, v3;
	_ =	sdelay $0x1  }
0x49: {  	[tilespmem:v1+s12+$0x0] =	vst.idx.msk $0xffff, v3  }
0x4a: {  	v3 =	vld.idx.msk [tilespmem:v4+s9+$0x0], $0xffff;
	_ =	sdelay $0x4  }
0x4b: {  	v3 =	vadd.f32 $9.999999710e-10, v3;
	_ =	sdelay $0x1  }
0x4c: {  	v60 =	vor.u32 $0x1, v1;
	(erf) = vrcp.f32 v3;
	_ =	sdelay $0x4  }
0x4d: {  	v3 =	vld.idx.msk [tilespmem:v60+s11+$0x0], $0xffff;
	_ =	sdelay $0x2  }
0x4e: {  	v61 =	vor.u32 $0x2, v2  }
0x4f: {  	v6 =	vpop (erf)  }
0x50: {  	v3 =	vmul.f32 v6, v3;
	_ =	sdelay $0x1  }
0x51: {  	[tilespmem:v60+s12+$0x0] =	vst.idx.msk $0xffff, v3  }
0x52: {  	v3 =	vld.idx.msk [tilespmem:v61+s9+$0x0], $0xffff;
	_ =	sdelay $0x4  }
0x53: {  	v3 =	vadd.f32 $9.999999710e-10, v3;
	_ =	sdelay $0x1  }
0x54: {  	v62 =	vor.u32 $0x2, v1;
	(erf) = vrcp.f32 v3;
	_ =	sdelay $0x4  }
0x55: {  	v3 =	vld.idx.msk [tilespmem:v62+s11+$0x0], $0xffff;
	_ =	sdelay $0x2  }
0x56: {  	v2 =	vor.u32 $0x3, v2  }
0x57: {  	v63 =	vpop (erf)  }
0x58: {  	v3 =	vmul.f32 v63, v3;
	_ =	sdelay $0x1  }
0x59: {  	[tilespmem:v62+s12+$0x0] =	vst.idx.msk $0xffff, v3  }
0x5a: {  	v2 =	vld.idx.msk [tilespmem:v2+s9+$0x0], $0xffff;
	_ =	sdelay $0x4  }
0x5b: {  	v2 =	vadd.f32 $9.999999710e-10, v2;
	_ =	sdelay $0x1  }
0x5c: {  	v1 =	vor.u32 $0x3, v1;
	(erf) = vrcp.f32 v2;
	_ =	sdelay $0x4  }
0x5d: {  	v2 =	vld.idx.msk [tilespmem:v1+s11+$0x0], $0xffff;
	_ =	sdelay $0x3  }
0x5e: {  	v3 =	vpop (erf)  }
0x5f: {  	s14 =	sadd.s32 $0x1, s14;
	v2 =	vmul.f32 v3, v2  }
0x60: {  	p0 =	sne.s32 s14, $0x50  }
.Ltmp1:
0x61: {  	s15 =	sadd.s32 s6, s15;
	[tilespmem:v1+s12+$0x0] =	vst.idx.msk $0xffff, v2;
	(pc) =	sbr.rel @p0 .LBB2_2-.Ltmp1, $4  }
0x62: {  	[hbm4b:s15+s1] =	stream.linear.scatter [tilespmem:s12], [sflag:$0x1], $0x200, $0x38;
	[tilespmem:$0xA480] =	vst v63  }
0x63: {  	_ =	swait.ge [sflag:s10], $0x200  }
0x64: {  	[sflag:s10] =	ssyncset.done $0x0  }
0x65: {  	[sflag:s10] =	ssyncadd.s32 $0xFFFFFE00  }
0x66: {  	s13 =	sadd.s32 $0x1, s13  }
0x67: {  	p0 =	sne.s32 s13, s8  }
.Ltmp2:
0x68: {  	_ = 	snop;
	(pc) =	sbr.rel @p0 .LBB2_1-.Ltmp2, $1  }
0x69: {  	_ =	sdelay $0x3  }
0x6a: {  	_ =	sfence.sel $0x180000  }
0x6b: {  	[bflag:$0x0] =	sbarrier.arrive $0xFFFF  }
0x6c: {  	p0 =	sne.s32 s2, $0x0;
	_ =	strace $0x9000005C  }
0x6d: {  	s0 =	sadd.s32 @!p0 $0x100000, s0;
	[bflag:$0x2] =	sbarrier.arrive $0xFFFF  }
0x6e: {  	[sflag:s0] =	ssyncadd.tile.s32 @!p0 $0x1;
	_ =	shalt  }
.Lfunc_end2:
_tile_overlayer_lowered:
.L_overlay_start_2:
0x6f: {  	(tag) =	ssettag $0x2  }
0x70: {  	s0 =	rddreg [dreg:$0x0];
	s2 =	stileid.u32  }
0x71: {  	s1 =	rddreg [dreg:$0x1];
	p0 =	sne.s32 s2, $0x0  }
0x72: {  	s3 =	rddreg [dreg:$0x2];
	[bflag:$0x3] =	sbarrier.arrive $0xFFFF;
	s2 =	simm.s32 @!p0 $0x1C01  }
0x73: {  	[timem:s3], [sflag:s2] =	dma.local @!p0 [hbm:s0], s1  }
0x74: {  	s0 =	simm.s32 @!p0 $0x1  }
0x75: {  	_ =	swait.ge @!p0 [sflag:s0], s1  }
0x76: {  	s1 =	ssub.s32 @!p0 $0x0, s1;
	[sflag:s0] =	ssyncset.done @!p0 $0x0  }
0x77: {  	[sflag:s0] =	ssyncadd.s32 @!p0 s1  }
0x78: {  	[bflag:$0x3] =	sbarrier.arrive $0xFFFF  }
0x79: {  	_ =	shalt  }

// kernel: kernel.39.cloned.1.call-start
scs
__scs_entry_jumppad:
0x0: {  	(pc) =	sbr.rel $0x88, $3  }
0x1: {  	(tag) =	ssettag $0x0;
	lr =	simm.s32 $0x1  }
0x2: {  	[smem:$0x3F91] =	sst lr;
	_ =	strace $0xD0000000  }
0x3: {  	_ = 	snop  }
0x4: {  	_ = 	snop  }
0x5: {  	_ = 	snop  }
0x6: {  	_ = 	snop  }
0x7: {  	_ = 	snop  }
__scs_overlays_trampoline_lowered:
0x8: {  	[smem:$0x3FA0] =	sst s0  }
0x9: {  	[smem:$0x3FA1] =	sst s1  }
0xa: {  	[smem:$0x3FA2] =	sst s2  }
0xb: {  	[smem:$0x3FA3] =	sst s3  }
0xc: {  	[smem:$0x3FA4] =	sst s4  }
0xd: {  	[smem:$0x3FA5] =	sst s5  }
0xe: {  	[smem:$0x3FA6] =	sst s6  }
0xf: {  	[smem:$0x3FA7] =	sst s7  }
0x10: {  	[smem:$0x3FA8] =	sst s8  }
0x11: {  	[smem:$0x3FA9] =	sst s9;
	s0 =	simm.s32 @!p0 $0x0  }
0x12: {  	s1 =	sld [smem:$0x3F8F];
	s0 =	simm.s32 @p0 $0x1  }
0x13: {  	[smem:$0x3FAA] =	sst s0;
	s0 =	simm.s32 @!p1 $0x0  }
0x14: {  	s2 =	sld [smem:$0x3F8E];
	s0 =	simm.s32 @p1 $0x1  }
0x15: {  	[smem:$0x3FAB] =	sst s0;
	s0 =	simm.s32 @!p2 $0x0  }
0x16: {  	s3 =	sld [smem:$0x3FDB];
	s0 =	simm.s32 @p2 $0x1  }
0x17: {  	s4 =	simm.s32 $0x1BF5;
	[smem:$0x3FAD] =	sst s0  }
0x18: {  	s0 =	sld [smem:$0x3F90];
	_ =	swait.ge [sflag:s4], $0x0  }
0x19: {  	s7 =	sld [smem:$0x3F91]  }
0x1a: {  	s8 =	sadd.s32 $0xFFFFE003, lr  }
0x1b: {  	s9 =	sadd.s32 $0xFFFFFEF7, lr;
	s5 =	simm.s32 $0xFFFFFFFF;
	p2 =	slt.u32 s8, $0xFFFFF086  }
0x1c: {  	p1 =	slt.u32 s9, $0xF7A;
	s5 =	simm.s32 @!p2 $0x0  }
0x1d: {  	s5 =	simm.s32 @p1 $0x1;
	p0 =	seq.s32 s7, s2  }
0x1e: {  	s7 =	smul.u32 @!p0 $0xF7A, s2;
	p2 =	seq.s32 @!p0 s5, $0x0  }
0x1f: {  	s9 =	smul.u32 $0xF7A, s1;
	s8 =	simm.s32 @!p0 $0x1BF5;
	p2 =	por !p2, p0  }
0x20: {  	[sflag:s8] =	ssyncset.s32 @!p0 $0xFFFFF086;
	s6 =	sadd.s32 @!p0 s3, s7;
	s7 =	simm.s32 @!p0 $0x108  }
0x21: {  	s3 =	sadd.s32 s3, s9;
	s6 =	sadd.s32 @!p0 $0x88, s6;
	s7 =	simm.s32 @p2 $0x1082  }
0x22: {  	[simem:s7], [sflag:s8] =	dma.local @!p0 [hbm:s6], $0xF7A  }
0x23: {  	s9 =	sor.u32 $0xD0000000, s2;
	s6 =	simm.s32 $0x108;
	_ =	swait.ge @!p0 [sflag:s8], $0x0  }
0x24: {  	s3 =	sadd.s32 $0x88, s3;
	s6 =	simm.s32 @!p1 $0x1082;
	[sflag:s4] =	ssyncset.s32 $0xFFFFF086  }
0x25: {  	[simem:s6], [sflag:s4] =	dma.local [hbm:s3], $0xF7A  }
0x26: {  	[smem:$0x3F91] =	sst s1;
	(tag) =	ssettag s2;
	_ =	strace s9  }
0x27: {  	s1 =	sld [smem:$0x3FA1]  }
0x28: {  	s2 =	sld [smem:$0x3FA2]  }
0x29: {  	s4 =	sld [smem:$0x3FA4]  }
0x2a: {  	p0 =	seq.s32 s5, $0x0;
	s5 =	sld [smem:$0x3FA5]  }
0x2b: {  	s6 =	sld [smem:$0x3FA6]  }
0x2c: {  	s7 =	sld [smem:$0x3FA7]  }
0x2d: {  	s3 =	simm.s32 $0x108;
	s8 =	sld [smem:$0x3FA8]  }
0x2e: {  	s3 =	simm.s32 @!p0 $0x1082;
	s9 =	sld [smem:$0x3FA9]  }
0x2f: {  	lr =	sadd.s32 s0, s3;
	s0 =	sld [smem:$0x3FA0]  }
0x30: {  	s3 =	sld [smem:$0x3FA3]  }
0x31: {  	[smem:$0x3FAC] =	sst s10  }
0x32: {  	s10 =	sld [smem:$0x3FAA];
	_ =	sdelay $0x3  }
0x33: {  	p0 =	seq.s32 s10, $0x1;
	s10 =	sld [smem:$0x3FAC];
	_ =	sdelay $0x3  }
0x34: {  	[smem:$0x3FAC] =	sst s10  }
0x35: {  	s10 =	sld [smem:$0x3FAB];
	_ =	sdelay $0x3  }
0x36: {  	p1 =	seq.s32 s10, $0x1;
	s10 =	sld [smem:$0x3FAC];
	_ =	sdelay $0x3  }
0x37: {  	[smem:$0x3FAC] =	sst s10  }
0x38: {  	s10 =	sld [smem:$0x3FAD]  }
0x39: {  	_ = 	snop;
	(pc) =	sbr.ind lr, $3  }
0x3a: {  	_ = 	snop  }
0x3b: {  	_ = 	snop  }
0x3c: {  	p2 =	seq.s32 s10, $0x1;
	s10 =	sld [smem:$0x3FAC]  }
0x3d: {  	_ =	shalt  }
0x3e: {  	_ =	shalt  }
0x3f: {  	_ =	shalt  }
0x40: {  	_ =	shalt  }
0x41: {  	_ =	shalt  }
0x42: {  	_ =	shalt  }
0x43: {  	_ =	shalt  }
0x44: {  	_ =	shalt  }
0x45: {  	_ =	shalt  }
0x46: {  	_ =	shalt  }
0x47: {  	_ =	shalt  }
0x48: {  	_ =	shalt  }
0x49: {  	_ =	shalt  }
0x4a: {  	_ =	shalt  }
0x4b: {  	_ =	shalt  }
0x4c: {  	_ =	shalt  }
0x4d: {  	_ =	shalt  }
0x4e: {  	_ =	shalt  }
0x4f: {  	_ =	shalt  }
0x50: {  	_ =	shalt  }
0x51: {  	_ =	shalt  }
0x52: {  	_ =	shalt  }
0x53: {  	_ =	shalt  }
0x54: {  	_ =	shalt  }
0x55: {  	_ =	shalt  }
0x56: {  	_ =	shalt  }
0x57: {  	_ =	shalt  }
0x58: {  	_ =	shalt  }
0x59: {  	_ =	shalt  }
0x5a: {  	_ =	shalt  }
0x5b: {  	_ =	shalt  }
0x5c: {  	_ =	shalt  }
0x5d: {  	_ =	shalt  }
0x5e: {  	_ =	shalt  }
0x5f: {  	_ =	shalt  }
0x60: {  	_ =	shalt  }
0x61: {  	_ =	shalt  }
0x62: {  	_ =	shalt  }
0x63: {  	_ =	shalt  }
0x64: {  	_ =	shalt  }
0x65: {  	_ =	shalt  }
0x66: {  	_ =	shalt  }
0x67: {  	_ =	shalt  }
0x68: {  	_ =	shalt  }
0x69: {  	_ =	shalt  }
0x6a: {  	_ =	shalt  }
0x6b: {  	_ =	shalt  }
0x6c: {  	_ =	shalt  }
0x6d: {  	_ =	shalt  }
0x6e: {  	_ =	shalt  }
0x6f: {  	_ =	shalt  }
0x70: {  	_ =	shalt  }
0x71: {  	_ =	shalt  }
0x72: {  	_ =	shalt  }
0x73: {  	_ =	shalt  }
0x74: {  	_ =	shalt  }
0x75: {  	_ =	shalt  }
0x76: {  	_ =	shalt  }
0x77: {  	_ =	shalt  }
0x78: {  	_ =	shalt  }
0x79: {  	_ =	shalt  }
0x7a: {  	_ =	shalt  }
0x7b: {  	_ =	shalt  }
0x7c: {  	_ =	shalt  }
0x7d: {  	_ =	shalt  }
0x7e: {  	_ =	shalt  }
0x7f: {  	_ =	shalt  }
0x80: {  	_ =	shalt  }
0x81: {  	_ =	shalt  }
0x82: {  	_ =	shalt  }
0x83: {  	_ =	shalt  }
0x84: {  	_ =	shalt  }
0x85: {  	_ =	shalt  }
0x86: {  	_ =	shalt  }
0x87: {  	_ =	shalt  }
.Lfunc_end0:
.L_simem_size_0:
called_computation.8_lowered:
.L_overlay_start_0:
0x88: {  	s2 =	sld [smem:$0x3FD9]  }
0x89: {  	s3 =	sld [smem:$0x3FFE];
	_ =	sdelay $0x1  }
0x8a: {  	s1 =	srdreg.scid  }
0x8b: {  	s0 =	sand.u32 $0x1, s1  }
0x8c: {  	s16 =	sshll.u32 s0, $0xA;
	s2 =	sadd.s32 s3, s2  }
0x8d: {  	s2 =	sadd.s32 s2, s16  }
0x8e: {  	[smem:$0x3FB8] =	sst s2  }
0x8f: {  	_ = 	snop  }
0x90: {  	(tm) =	ssettm $0x1  }
0x91: {  	s17 =	sld [smem:$0x3FFB];
	_ =	sdelay $0x3  }
0x92: {  	_ =	strace s17  }
0x93: {  	s2 =	sld [smem:$0x3FFC];
	_ =	sdelay $0x3  }
0x94: {  	_ =	strace s2  }
0x95: {  	s2 =	sld [smem:$0x3FFD];
	_ =	sdelay $0x3  }
0x96: {  	_ =	strace s2  }
0x97: {  	_ =	strace $0x8FFFFFFF  }
0x98: {  	s18 =	sld [smem:$0x3FDB];
	_ =	sdelay $0x1  }
0x99: {  	s19 =	simm.s32 $_scs_section_size  }
0x9a: {  	s4 =	simm.s32 $_size__tile_overlayer_lowered;
	s5 =	simm.s32 $_tile_overlayer_lowered  }
0x9b: {  	s22 =	simm.s32 $0x1BFF;
	s21 =	sshll.u32 s5, $0x1;
	s2 =	sadd.s32 s19, s18  }
0x9c: {  	s6 =	simm.s32 $0x0;
	s20 =	sshll.u32 s4, $0x1;
	s4 =	sadd.s32 s21, s2  }
0x9d: {  	[timem:s6], [sflag:s22] =	dma.local [hbm:s4], s20  }
0x9e: {  	_ =	swait.ge [sflag:s22], s20  }
0x9f: {  	s3 =	ssub.s32 $0x0, s20;
	[sflag:s22] =	ssyncset.done $0x0  }
0xa0: {  	[sflag:s22] =	ssyncadd.s32 s3;
	_ =	sdelay $0x1  }
0xa1: {  	s23 =	simm.s32 $0x1B8B  }
0xa2: {  	_ =	swait.ge [sflag:s23], $0x1  }
0xa3: {  	[sflag:s23] =	ssyncset.done $0x0  }
0xa4: {  	s25 =	simm.s32 $0x1B8E;
	s24 =	sld [smem:$0x3FFE];
	[sflag:s23] =	ssyncadd.s32 $0xFFFFFFFF  }
0xa5: {  	s26 =	simm.s32 $execute0_lowered;
	[smem:$0x3FD2] =	sst s25  }
0xa6: {  	s4 =	sshll.u32 s26, $0x1;
	_ =	strace $0x8000005E;
	[dreg:$0x1] =	wrdreg $0xFFFFFFFF  }
0xa7: {  	s28 =	simm.s32 $_size_execute0_lowered;
	s2 =	sadd.s32 s2, s4;
	[dreg:$0x0] =	wrdreg $0x0  }
0xa8: {  	s4 =	sshll.u32 s28, $0x1;
	[dreg:$0x2] =	wrdreg s2  }
0xa9: {  	[dreg:$0x3] =	wrdreg s4  }
0xaa: {  	[dreg:$0x4] =	wrdreg $0xC0  }
0xab: {  	_ =	task [dreg:s6], $0x5FFFF  }
0xac: {  	[dreg:$0x1] =	wrdreg $0xFFFFFFFF  }
0xad: {  	[dreg:$0x0] =	wrdreg $0x60  }
0xae: {  	[dreg:$0x2] =	wrdreg s24  }
0xaf: {  	[dreg:$0x3] =	wrdreg $0x23000  }
0xb0: {  	[dreg:$0x4] =	wrdreg $0x9  }
0xb1: {  	_ =	task.clear_ibuf [dreg:s6], $0x5FFFF;
	_ =	strace $0x9000005E  }
0xb2: {  	s29 =	simm.s32 $0x9;
	_ =	strace $0x80000060  }
0xb3: {  	_ =	swait.ge [sflag:s29], $0x1  }
0xb4: {  	[sflag:s29] =	ssyncadd.s32 $0xFFFFFFFF  }
0xb5: {  	_ =	strace $0x90000060  }
0xb6: {  	_ =	sfence  }
0xb7: {  	s30 =	sld [smem:$0x0];
	_ =	sdelay $0x2  }
0xb8: {  	s31 =	sshll.u32 s1, $0xD;
	s1 =	sshrl.u32 s1, $0x2  }
0xb9: {  	s3 =	sand.u32 $0x4000, s31;
	s1 =	sadd.s32 s1, s30  }
0xba: {  	s0 =	sor.u32 s3, s0;
	s1 =	sshll.u32 s1, $0x11  }
0xbb: {  	s0 =	sor.u32 s1, s0  }
0xbc: {  	s0 =	sadd.s32 $0x8F2B, s0  }
0xbd: {  	[sflag:s0] =	ssyncadd.remote.s32 $0x1  }
0xbe: {  	_ =	sfence.sel $0xFFFF  }
0xbf: {  	[dreg:$0x0] =	wrdreg $0xFFFFFFFF;
	(pc) =	sbr.abs _section_cstart, $3  }
0xc0: {  	[dreg:$0x1] =	wrdreg $0xFFFFFFFF  }
0xc1: {  	_ =	task.clear_ibuf [dreg:s6], $0x2FFFF;
	_ =	strace $0x9FFFFFFF  }
0xc2: {  	(tm) =	ssettm $0x7FFFFFFF  }
0xc3: {  	_ =	shalt  }
tec
execute0_lowered:
.L_overlay_start_1:
0x0: {  	(tag) =	ssettag $0x1  }
0x1: {  	s8 =	rddreg [dreg:$0x0]  }
0x2: {  	s2 =	rddreg [dreg:$0x1]  }
0x3: {  	s0 =	rddreg [dreg:$0x2]  }
0x4: {  	s4 =	srdreg.scid;
	s1 =	stileid.u32;
	s3 =	simm.s32 $0x0  }
0x5: {  	s17 =	simm.s32 $0x300;
	s18 =	simm.s32 $0x2;
	s20 =	simm.s32 $0x100  }
0x6: {  	s21 =	simm.s32 $0x1;
	s14 =	sand.u32 $0x1, s4;
	s9 =	smul.u32 $0xA000, s1  }
0x7: {  	[smem:$0x7FF] =	sst s3;
	s4 =	sadd.s32 $0x37C00, s8;
	s12 =	smul.u32 $0x28000, s1  }
0x8: {  	s5 =	sadd.s32 $0x2DC00, s8;
	s6 =	sadd.s32 $0x3A00, s8;
	s7 =	smul.u32 $0xA0000, s14  }
0x9: {  	_ =	strace $0x8000005F;
	s11 =	ssub.s32 $0x2, s14;
	s19 =	smul.u32 $0x2710, s14  }
0xa: {  	s14 =	sshll.u32 s14, $0x1;
	s30 =	sshrl.u32 s11, $0x1;
	s31 =	sshrl.u32 s12, $0x2  }
0xb: {  	s7 =	sadd.s32 s9, s7;
	s16 =	ssub.s32 s11, s30;
	s9 =	sadd.s32 s9, s2  }
0xc: {  	s13 =	sadd.s32 s31, s2;
	v0 =	vmov s19;
	s19 =	simm.s32 $0x80;
	s10 =	sshrl.u32 s7, $0x3  }
0xd: {  	s7 =	sadd.s32 $0x6EC00, s8;
	s11 =	sadd.s32 $0x4000, s13;
	s12 =	sadd.s32 $0x6000, s13  }
0xe: {  	s16 =	smax.u32 s16, $0x1;
	s15 =	sadd.s32 s10, s8;
	s8 =	smul.u32 $0x5000, s1  }
0xf: {  	v1 =	vimm.f32 $0.0e+00;
	s10 =	sadd.s32 $0x2000, s13;
	s13 =	sadd.s32 $0x8000, s13;
	s15 =	sadd.s32 $0x41C00, s15  }
.LBB2_1:
0x10: {  	s23 =	simm.s32 $0x100;
	s22 =	simm.s32 $0x0  }
.LBB2_2:
0x11: {  	p0 =	sne.s32 s23, $0x7F00;
	[tilespmem:s22+$0x330] =	vst v1;
	s24 =	smov.u32 s23;
	s23 =	sadd.s32 $0x100, s23  }
.Ltmp0:
0x12: {  	[tilespmem:s22+$0x320] =	vst v1;
	(pc) =	sbr.rel @p0 .LBB2_2-.Ltmp0, $3  }
0x13: {  	[tilespmem:s22+$0x300] =	vst v1  }
0x14: {  	[tilespmem:s22+$0x310] =	vst v1;
	_ =	sdelay $0x1  }
0x15: {  	s22 =	sshra.s32 s24, $0x2  }
0x16: {  	[tilespmem:s22+$0x330] =	vst v1  }
0x17: {  	[tilespmem:s22+$0x320] =	vst v1  }
0x18: {  	[tilespmem:s22+$0x300] =	vst v1  }
0x19: {  	[tilespmem:s22+$0x310] =	vst v1  }
0x1a: {  	[spmem:s9] =	stream.linear.scatter [tilespmem:s17], [sflag:$0x2], $0x2000, $0x38;
	[tilespmem:$0xC300] =	vst v63  }
0x1b: {  	_ =	swait.ge [sflag:s18], $0x2000  }
0x1c: {  	[sflag:s18] =	ssyncset.done $0x0  }
0x1d: {  	[sflag:s18] =	ssyncadd.s32 $0xFFFFE000  }
0x1e: {  	[spmem:s10] =	stream.linear.scatter [tilespmem:s17], [sflag:$0x2], $0x2000, $0x38;
	[tilespmem:$0xC300] =	vst v63  }
0x1f: {  	_ =	swait.ge [sflag:s18], $0x2000  }
0x20: {  	[sflag:s18] =	ssyncset.done $0x0  }
0x21: {  	[sflag:s18] =	ssyncadd.s32 $0xFFFFE000  }
0x22: {  	[spmem:s11] =	stream.linear.scatter [tilespmem:s17], [sflag:$0x2], $0x2000, $0x38;
	[tilespmem:$0xC300] =	vst v63  }
0x23: {  	_ =	swait.ge [sflag:s18], $0x2000  }
0x24: {  	[sflag:s18] =	ssyncset.done $0x0  }
0x25: {  	[sflag:s18] =	ssyncadd.s32 $0xFFFFE000  }
0x26: {  	[spmem:s12] =	stream.linear.scatter [tilespmem:s17], [sflag:$0x2], $0x2000, $0x38;
	[tilespmem:$0xC300] =	vst v63  }
0x27: {  	_ =	swait.ge [sflag:s18], $0x2000  }
0x28: {  	[sflag:s18] =	ssyncset.done $0x0  }
0x29: {  	[sflag:s18] =	ssyncadd.s32 $0xFFFFE000  }
0x2a: {  	[spmem:s13] =	stream.linear.scatter [tilespmem:s17], [sflag:$0x2], $0x2000, $0x38;
	[tilespmem:$0xC300] =	vst v63  }
0x2b: {  	_ =	swait.ge [sflag:s18], $0x2000  }
0x2c: {  	[sflag:s18] =	ssyncset.done $0x0  }
0x2d: {  	[sflag:s18] =	ssyncadd.s32 $0xFFFFE000  }
0x2e: {  	s22 =	simm.s32 $0x0;
	s23 =	simm.s32 $0x0;
	[bflag:$0x0] =	sbarrier.arrive $0xFFFF  }
.LBB2_4:
0x2f: {  	s24 =	sshll.u32 s23, $0x7  }
0x30: {  	s24 =	sadd.s32 s8, s24  }
0x31: {  	s25 =	sshrl.u32 s24, $0x3  }
0x32: {  	s26 =	sadd.s32 s4, s25  }
0x33: {  	[tilespmem:s22], [sflag:$0x2] =	stream.linear.gather [hbm4b:s26+s22], $0x80, $0x38;
	[tilespmem:$0xC300] =	vst v63  }
0x34: {  	_ =	swait.ge [sflag:s18], $0x80  }
0x35: {  	[sflag:s18] =	ssyncset.done $0x0  }
0x36: {  	s25 =	sadd.s32 s5, s25;
	[sflag:s18] =	ssyncadd.s32 $0xFFFFFF80  }
0x37: {  	[tilespmem:s19], [sflag:$0x2] =	stream.linear.gather [hbm4b:s25+s22], $0x80, $0x38;
	[tilespmem:$0xC300] =	vst v63  }
0x38: {  	_ =	swait.ge [sflag:s18], $0x80  }
0x39: {  	s24 =	sshrl.u32 s24, $0x1;
	[sflag:s18] =	ssyncset.done $0x0  }
0x3a: {  	s24 =	sadd.s32 s6, s24;
	[sflag:s18] =	ssyncadd.s32 $0xFFFFFF80  }
0x3b: {  	[tilespmem:s20], [sflag:$0x2] =	stream.linear.gather [hbm4b:s24+s22], $0x200, $0x38;
	[tilespmem:$0xC300] =	vst v63  }
0x3c: {  	_ =	swait.ge [sflag:s18], $0x200  }
0x3d: {  	[sflag:s18] =	ssyncset.done $0x0  }
0x3e: {  	[sflag:s18] =	ssyncadd.s32 $0xFFFFFE00  }
0x3f: {  	v2 =	vld [tilespmem:$0x0]  }
0x40: {  	v3 =	vld [tilespmem:$0x10]  }
0x41: {  	v4 =	vld [tilespmem:$0x20]  }
0x42: {  	v5 =	vld [tilespmem:$0x30]  }
0x43: {  	v6 =	vld [tilespmem:$0x40]  }
0x44: {  	v7 =	vld [tilespmem:$0x50];
	v2 =	vadd.s32 v0, v2  }
0x45: {  	[tilespmem:$0x0] =	vst v2;
	v2 =	vadd.s32 v0, v3;
	v3 =	vld [tilespmem:$0x60]  }
0x46: {  	[tilespmem:$0x10] =	vst v2;
	v2 =	vadd.s32 v0, v4;
	v4 =	vld [tilespmem:$0x70]  }
0x47: {  	[tilespmem:$0x20] =	vst v2;
	v2 =	vadd.s32 v0, v5  }
0x48: {  	s30 =	sadd.s32 $0x0, s14;
	[tilespmem:$0x30] =	vst v2;
	v2 =	vadd.s32 v0, v6  }
0x49: {  	v5 =	vmov s30;
	[tilespmem:$0x40] =	vst v2;
	v2 =	vadd.s32 v0, v7  }
0x4a: {  	[tilespmem:$0x50] =	vst v2;
	v2 =	vadd.s32 v0, v3;
	v3 =	vand.u32 $0xFFFFFFFE, v5  }
0x4b: {  	[tilespmem:$0x60] =	vst v2;
	v2 =	vadd.s32 v0, v4;
	v3 =	vbroadcast v3, $0x0  }
0x4c: {  	[tilespmem:$0x70] =	vst v2  }
0x4d: {  	[tilespmem:s17], [sflag:$0x1] =	stream.indirect.gather [hbm4b:s7+s19], $0x40, s22, s19, $0xb8;
	[tilespmem:$0xC300] =	vst v63  }
0x4e: {  	_ =	swait.ge [sflag:s21], $0x2000  }
0x4f: {  	[sflag:s21] =	ssyncset.done $0x0  }
0x50: {  	[sflag:s21] =	ssyncadd.s32 $0xFFFFE000  }
0x51: {  	s24 =	simm.s32 $0x320;
	v2 =	vld.idx.msk [tilespmem:v3+s20+$0x0], $0xffff  }
0x52: {  	v3 =	vld [tilespmem:s24+$0xFFFFFFE0]  }
0x53: {  	v4 =	vld [tilespmem:s24+$0xFFFFFFF0];
	_ =	sdelay $0x1  }
0x54: {  	s25 =	sadd.s32 $0x1, s30  }
0x55: {  	v5 =	vmov s25  }
0x56: {  	v3 =	vmul.f32 v3, v2  }
0x57: {  	v2 =	vmul.f32 v4, v2  }
0x58: {  	v6 =	vld [tilespmem:s24+$0x10];
	[tilespmem:s24+$0xFFFFFFE0] =	vst v3  }
0x59: {  	[tilespmem:s24+$0xFFFFFFF0] =	vst v2;
	v3 =	vld [tilespmem:s24+$0x0]  }
0x5a: {  	v5 =	vld.idx.msk [tilespmem:v5+s20+$0x0], $0xffff  }
0x5b: {  	s31 =	sadd.s32 $0x4, s14  }
0x5c: {  	v2 =	vmov s31  }
0x5d: {  	v2 =	vand.u32 $0xFFFFFFFE, v2  }
0x5e: {  	v2 =	vbroadcast v2, $0x0  }
0x5f: {  	s28 =	sadd.s32 $0x1, s31;
	s26 =	simm.s32 $0x320;
	s25 =	simm.s32 $0x8;
	v4 =	vmul.f32 v3, v5;
	v3 =	vmul.f32 v6, v5  }
.LBB2_5:
0x60: {  	p0 =	sne.s32 s25, $0x1FC  }
0x61: {  	s24 =	sadd.s32 $0x40, s24;
	s29 =	smov.u32 s25;
	s25 =	sadd.s32 $0x4, s25  }
0x62: {  	[tilespmem:s26+$0x0] =	vst v4  }
0x63: {  	v4 =	vld [tilespmem:s24+$0xFFFFFFF0];
	[tilespmem:s26+$0x10] =	vst v3;
	s26 =	smov.u32 s24  }
0x64: {  	v2 =	vld.idx.msk [tilespmem:v2+s20+$0x0], $0xffff  }
0x65: {  	v3 =	vld [tilespmem:s24+$0xFFFFFFE0];
	_ =	sdelay $0x2  }
0x66: {  	v5 =	vmov s28;
	_ =	sdelay $0x1  }
0x67: {  	v3 =	vmul.f32 v3, v2;
	v2 =	vmul.f32 v4, v2;
	_ =	sdelay $0x1  }
0x68: {  	[tilespmem:s24+$0xFFFFFFE0] =	vst v3  }
0x69: {  	[tilespmem:s24+$0xFFFFFFF0] =	vst v2;
	v3 =	vld [tilespmem:s24+$0x0]  }
0x6a: {  	v5 =	vld.idx.msk [tilespmem:v5+s20+$0x0], $0xffff  }
0x6b: {  	s28 =	sadd.s32 s14, s29;
	v6 =	vld [tilespmem:s24+$0x10]  }
.Ltmp1:
0x6c: {  	v2 =	vmov s28;
	s28 =	sadd.s32 $0x1, s28;
	(pc) =	sbr.rel @p0 .LBB2_5-.Ltmp1, $3  }
0x6d: {  	v2 =	vand.u32 $0xFFFFFFFE, v2  }
0x6e: {  	v2 =	vbroadcast v2, $0x0;
	_ =	sdelay $0x1  }
0x6f: {  	v4 =	vmul.f32 v3, v5;
	v3 =	vmul.f32 v6, v5  }
0x70: {  	_ =	sdelay $0x1  }
0x71: {  	s24 =	sadd.s32 $0x40, s24;
	[tilespmem:s26+$0x0] =	vst v4  }
0x72: {  	v4 =	vld [tilespmem:s24+$0xFFFFFFF0];
	[tilespmem:s26+$0x10] =	vst v3  }
0x73: {  	v2 =	vld.idx.msk [tilespmem:v2+s20+$0x0], $0xffff  }
0x74: {  	v3 =	vld [tilespmem:s24+$0xFFFFFFE0];
	_ =	sdelay $0x3  }
0x75: {  	v5 =	vmov s28  }
0x76: {  	v3 =	vmul.f32 v3, v2  }
0x77: {  	v2 =	vmul.f32 v4, v2  }
0x78: {  	[tilespmem:s24+$0xFFFFFFE0] =	vst v3  }
0x79: {  	[tilespmem:s24+$0xFFFFFFF0] =	vst v2;
	v2 =	vld [tilespmem:s24+$0x0]  }
0x7a: {  	v3 =	vld.idx.msk [tilespmem:v5+s20+$0x0], $0xffff  }
0x7b: {  	v63 =	vld [tilespmem:s24+$0x10];
	_ =	sdelay $0x3  }
0x7c: {  	v2 =	vmul.f32 v2, v3  }
0x7d: {  	s23 =	sadd.s32 $0x1, s23;
	v3 =	vmul.f32 v63, v3  }
0x7e: {  	p0 =	sne.s32 s23, $0xA0;
	[tilespmem:s24+$0x0] =	vst v2  }
.Ltmp2:
0x7f: {  	[tilespmem:s24+$0x10] =	vst v3;
	(pc) =	sbr.rel @p0 .LBB2_4-.Ltmp2, $4  }
0x80: {  	[spmem:s2] =	stream.indirect.scatter.add.f32 [tilespmem:s17], [sflag:$0x2], $0x40, s19, s19, $0xb8;
	[tilespmem:$0xC300] =	vst v63  }
0x81: {  	_ =	swait.ge [sflag:s18], $0x2000  }
0x82: {  	[sflag:s18] =	ssyncset.done $0x0  }
0x83: {  	[sflag:s18] =	ssyncadd.s32 $0xFFFFE000  }
0x84: {  	s3 =	sadd.s32 $0x1, s3  }
0x85: {  	s22 =	sshll.u32 s1, $0x6;
	[bflag:$0x0] =	sbarrier.arrive $0xFFFF;
	p0 =	sne.s32 s3, s16  }
.Ltmp3:
0x86: {  	s23 =	sshrl.u32 s9, $0x3;
	s22 =	sor.u32 $0x1C02, s22;
	(pc) =	sbr.rel @p0 .LBB2_1-.Ltmp3, $4  }
0x87: {  	[hbm:s15], [sflag:s22] =	dma.local [spmem:s23], $0x1400  }
0x88: {  	_ =	swait.ge [sflag:s18], $0x1400  }
0x89: {  	[sflag:s18] =	ssyncset.done $0x0  }
0x8a: {  	[sflag:s18] =	ssyncadd.s32 $0xFFFFEC00  }
0x8b: {  	_ =	sfence.sel $0x180000  }
0x8c: {  	[bflag:$0x0] =	sbarrier.arrive $0xFFFF  }
0x8d: {  	p0 =	sne.s32 s1, $0x0;
	_ =	strace $0x9000005F  }
0x8e: {  	s0 =	sadd.s32 @!p0 $0x100000, s0;
	[bflag:$0x2] =	sbarrier.arrive $0xFFFF  }
0x8f: {  	[sflag:s0] =	ssyncadd.tile.s32 @!p0 $0x1;
	_ =	shalt  }
.Lfunc_end2:
_tile_overlayer_lowered:
.L_overlay_start_2:
0x90: {  	(tag) =	ssettag $0x2  }
0x91: {  	s0 =	rddreg [dreg:$0x0];
	s2 =	stileid.u32  }
0x92: {  	s1 =	rddreg [dreg:$0x1];
	p0 =	sne.s32 s2, $0x0  }
0x93: {  	s3 =	rddreg [dreg:$0x2];
	[bflag:$0x3] =	sbarrier.arrive $0xFFFF;
	s2 =	simm.s32 @!p0 $0x1C02  }
0x94: {  	[timem:s3], [sflag:s2] =	dma.local @!p0 [hbm:s0], s1  }
0x95: {  	s0 =	simm.s32 @!p0 $0x2  }
0x96: {  	_ =	swait.ge @!p0 [sflag:s0], s1  }
0x97: {  	s1 =	ssub.s32 @!p0 $0x0, s1;
	[sflag:s0] =	ssyncset.done @!p0 $0x0  }
0x98: {  	[sflag:s0] =	ssyncadd.s32 @!p0 s1  }
0x99: {  	[bflag:$0x3] =	sbarrier.arrive $0xFFFF  }
0x9a: {  	_ =	shalt  }

</sc_bundles>
